<compile_context>
chip_gen: v7x
topology: tpu7x:2x2x1
jax: 0.10.2.dev20260603
libtpu: 0.0.44.dev20260713+nightly
codegen_flags: <defaults>
</compile_context>

<pallas_src>
import functools

import numpy as np
import jax
import jax.numpy as jnp
from jax import lax
from jax.experimental import pallas as pl
from jax.experimental.pallas import tpu as pltpu
from jax.experimental.pallas import tpu_sc as plsc

N_NODES = 10000
N_EDGES = 160000
NS, NV = 16, 4
R_EMB_DIM, R_EMB_MAX = 32, 10.0
OUT_CH = 32

EPAD = 163840
NW = 32
PER_W = EPAD // NW
CH = 128
EB = 2560
NBLK = EPAD // EB
NB = 2000

F32 = jnp.float32
_SQ3 = float(np.sqrt(3.0))
_A0 = 1.0 / float(np.sqrt(NS + NV))
_A1 = 1.0 / float(np.sqrt(NS + 2 * NV))

_S416 = np.ones((416,), np.float32)
_S416[0:256] = _A0
_S416[256:320] = _A0 / _SQ3
_S416[320:384] = _A1
_S416[384:400] = _A1
_S416[400:416] = _A1 / float(np.sqrt(2.0))

_IDXS = np.concatenate([np.arange(OUT_CH), np.repeat(np.arange(OUT_CH), 3)])
_ORDR = np.concatenate([np.zeros(OUT_CH, np.int64), np.tile(np.arange(1, 4), OUT_CH)])
_OUT_PERM = np.argsort(_IDXS * 4 + _ORDR, kind="stable")

_RBF_OFFS = np.linspace(0.0, R_EMB_MAX, R_EMB_DIM).astype(np.float32)
_RBF_COEFF = float(-0.5 / (_RBF_OFFS[1] - _RBF_OFFS[0]) ** 2)


def _tt(x):
    eye = jnp.eye(x.shape[1], dtype=F32)
    return lax.dot_general(eye, x, (((1,), (1,)), ((), ())),
                           preferred_element_type=F32)


def _mm(a, b):
    return jnp.dot(a, b, preferred_element_type=F32)



def _sc_mesh():
    return plsc.VectorSubcoreMesh(core_axis_name="c", subcore_axis_name="s")


def _sc_gather_multi(tabs, sels, idx0, idx1):
    ns = len(tabs)
    ws = [t.shape[1] for t in tabs]
    nch0, nch1 = 56, 24
    c0_total = 16 * nch0 * CH
    scratch = [pltpu.VMEM((nch0 * CH,), jnp.int32),
               pltpu.VMEM((nch0 * CH,), jnp.int32)]
    for w in ws:
        scratch += [pltpu.VMEM((CH, w), F32), pltpu.VMEM((CH, w), F32)]
    scratch += [pltpu.SemaphoreType.DMA] * (2 * ns)

    @functools.partial(
        pl.kernel,
        mesh=_sc_mesh(),
        compiler_params=pltpu.CompilerParams(use_tc_tiling_on_sc=False),
        out_type=tuple(jax.ShapeDtypeStruct((EPAD, w), F32) for w in ws),
        scratch_types=scratch,
    )
    def k(*args):
        tabs_r = args[:ns]
        i0_h, i1_h = args[ns], args[ns + 1]
        outs = args[ns + 2:2 * ns + 2]
        i0_v, i1_v = args[2 * ns + 2], args[2 * ns + 3]
        bufs = args[2 * ns + 4:4 * ns + 4]
        sems = args[4 * ns + 4:]
        iv = (i0_v, i1_v)
        ci = lax.axis_index("c")
        si = lax.axis_index("s")

        def gath(s, buf_i, off, sem_i):
            pltpu.async_copy(
                tabs_r[s].at[iv[sels[s]].at[pl.ds(off, CH)]],
                bufs[2 * s + buf_i], sems[2 * s + sem_i])

        def drain(s, buf_i, sem_i):
            pltpu.make_async_copy(tabs_r[s].at[pl.ds(0, CH)],
                                  bufs[2 * s + buf_i],
                                  sems[2 * s + sem_i]).wait()

        def run(nch, base):
            pltpu.sync_copy(i0_h.at[pl.ds(base, nch * CH)],
                            i0_v.at[pl.ds(0, nch * CH)])
            pltpu.sync_copy(i1_h.at[pl.ds(base, nch * CH)],
                            i1_v.at[pl.ds(0, nch * CH)])
            for s in range(ns):
                gath(s, 0, 0, 0)

            @pl.loop(0, nch, step=2)
            def _(g):
                off = g * CH
                for s in range(ns):
                    gath(s, 1, off + CH, 1)
                for s in range(ns):
                    drain(s, 0, 0)
                    pltpu.sync_copy(bufs[2 * s],
                                    outs[s].at[pl.ds(base + off, CH)])

                @pl.when(g + 2 < nch)
                def _():
                    for s in range(ns):
                        gath(s, 0, off + 2 * CH, 0)

                for s in range(ns):
                    drain(s, 1, 1)
                    pltpu.sync_copy(bufs[2 * s + 1],
                                    outs[s].at[pl.ds(base + off + CH, CH)])

        @pl.when(ci == 0)
        def _():
            run(nch0, si * nch0 * CH)

        @pl.when(ci == 1)
        def _():
            run(nch1, c0_total + si * nch1 * CH)

    return k(*tabs, idx0, idx1)


def _sc_scatter_add(tp, idx, zeros_tab):
    rps = N_NODES // 16

    @functools.partial(
        pl.kernel,
        mesh=_sc_mesh(),
        compiler_params=pltpu.CompilerParams(use_tc_tiling_on_sc=False),
        out_type=jax.ShapeDtypeStruct((2, N_NODES, 32), F32),
        scratch_types=[pltpu.VMEM((CH,), jnp.int32),
                       pltpu.VMEM((CH,), jnp.int32),
                       pltpu.VMEM((CH, 32), F32),
                       pltpu.VMEM((CH, 32), F32),
                       pltpu.VMEM_SHARED((N_NODES, 32), F32),
                       pltpu.SemaphoreType.DMA,
                       pltpu.SemaphoreType.DMA],
    )
    def k(tp_h, idx_h, z_h, out_h, ia0, ia1, r0, r1, shared, s0, s1):
        ci = lax.axis_index("c")
        si = lax.axis_index("s")
        wid = si * 2 + ci
        pltpu.sync_copy(z_h.at[pl.ds(si * rps, rps)],
                        shared.at[pl.ds(si * rps, rps)])
        plsc.subcore_barrier()
        base = wid * PER_W
        nch = PER_W // CH
        pltpu.sync_copy(idx_h.at[pl.ds(base, CH)], ia0)
        pltpu.async_copy(tp_h.at[pl.ds(base, CH)], r0, s0)

        @pl.loop(0, nch, step=2)
        def _(g):
            off = base + g * CH
            pltpu.sync_copy(idx_h.at[pl.ds(off + CH, CH)], ia1)
            c1 = pltpu.async_copy(tp_h.at[pl.ds(off + CH, CH)], r1, s1)
            pltpu.make_async_copy(tp_h.at[pl.ds(0, CH)], r0, s0).wait()
            pltpu.sync_copy(r0, shared.at[ia0], add=True)

            @pl.when(g + 2 < nch)
            def _():
                pltpu.sync_copy(idx_h.at[pl.ds(off + 2 * CH, CH)], ia0)
                pltpu.async_copy(tp_h.at[pl.ds(off + 2 * CH, CH)], r0, s0)

            c1.wait()
            pltpu.sync_copy(r1, shared.at[ia1], add=True)

        plsc.subcore_barrier()
        pltpu.sync_copy(shared.at[pl.ds(si * rps, rps)],
                        out_h.at[ci].at[pl.ds(si * rps, rps)])

    return k(tp, idx, zeros_tab)



def _node_encode(node_attr, p):
    def body(na, ew, eb, w1, b1, w2, b2, xf, xs):
        h = _mm(na[...], ew[...]) + eb[...]
        h = jnp.maximum(_mm(h, w1[...]) + b1[...], 0.0)
        h = _mm(h, w2[...]) + b2[...]
        xs[...] = h
        xf[...] = jnp.concatenate([h, jnp.zeros((NB, 16), F32)], axis=1)

    full = lambda a: pl.BlockSpec(a.shape, lambda i: (0,) * a.ndim)
    args = (node_attr, p['enc_w'], p['enc_b'].reshape(1, NS),
            p['ne_w1'], p['ne_b1'].reshape(1, NS),
            p['ne_w2'], p['ne_b2'].reshape(1, NS))
    return pl.pallas_call(
        body,
        grid=(N_NODES // NB,),
        in_specs=[pl.BlockSpec((NB, 128), lambda i: (i, 0))] + [full(a) for a in args[1:]],
        out_specs=[pl.BlockSpec((NB, 32), lambda i: (i, 0)),
                   pl.BlockSpec((NB, 16), lambda i: (i, 0))],
        out_shape=[jax.ShapeDtypeStruct((N_NODES, 32), F32),
                   jax.ShapeDtypeStruct((N_NODES, 16), F32)],
    )(*args)


def _edge_pre(edge_attr, psrc, pdst, p):
    step = float(R_EMB_MAX / (R_EMB_DIM - 1))

    def body(ea, ps, pd, ew1, eb1, ew2, eb2, rw1, rb1, rw2, rb2, outT):
        i = pl.program_id(0)
        offs = step * lax.broadcasted_iota(
            jnp.int32, (R_EMB_DIM, 1), 0).astype(F32)
        lane = lax.broadcasted_iota(jnp.int32, (1, EB), 1) + i * EB
        eT = _tt(ea[...])
        psT = _tt(ps[...])
        pdT = _tt(pd[...])
        ev = psT[0:3] - pdT[0:3]
        d = jnp.sqrt(ev[0:1] * ev[0:1] + ev[1:2] * ev[1:2]
                     + ev[2:3] * ev[2:3] + 1e-12)
        emb = jnp.exp(_RBF_COEFF * (d - offs) ** 2)
        h1 = jnp.maximum(_mm(ew1[...], eT) + eb1[...], 0.0)
        e1 = _mm(ew2[...], h1) + eb2[...]
        h2 = jnp.maximum(_mm(rw1[...], emb) + rb1[...], 0.0)
        e2 = _mm(rw2[...], h2) + rb2[...]
        inv = 1.0 / d
        shv = _SQ3 * jnp.concatenate(
            [ev[1:2] * inv, ev[2:3] * inv, ev[0:1] * inv], axis=0)
        res = jnp.concatenate(
            [e1 + e2, shv, jnp.zeros((5, EB), F32)], axis=0)
        outT[...] = jnp.where(lane < N_EDGES, res, 0.0)

    full = lambda a: pl.BlockSpec(a.shape, lambda i: (0,) * a.ndim)
    wargs = (p['ee_w1'].T, p['ee_b1'].reshape(NS, 1),
             p['ee_w2'].T, p['ee_b2'].reshape(NS, 1),
             p['re_w1'].T, p['re_b1'].reshape(NS, 1),
             p['re_w2'].T, p['re_b2'].reshape(NS, 1))
    return pl.pallas_call(
        body,
        grid=(NBLK,),
        in_specs=[pl.BlockSpec((EB, 16), lambda i: (i, 0)),
                  pl.BlockSpec((EB, 16), lambda i: (i, 0)),
                  pl.BlockSpec((EB, 16), lambda i: (i, 0))] + [full(a) for a in wargs],
        out_specs=pl.BlockSpec((24, EB), lambda i: (0, i)),
        out_shape=jax.ShapeDtypeStruct((24, EPAD), F32),
    )(edge_attr, psrc, pdst, *wargs)


def _conv(edgeT, gs, gd, w1t, b1c, w2t, b2c, first):
    gw = gd.shape[1]
    t0 = 256 if first else 320

    def body(et, gs_r, gd_r, w1, b1, w2, b2, tp):
        i = pl.program_id(0)
        lane = lax.broadcasted_iota(jnp.int32, (1, EB), 1) + i * EB
        eT = et[0:16]
        shv = et[16:19]
        gsT = _tt(gs_r[...])
        gdT = _tt(gd_r[...])
        s_in = gdT[0:16]
        eaT = jnp.concatenate([eT, gsT, s_in], axis=0)
        z = jnp.maximum(
            jnp.dot(w1[...], eaT.astype(jnp.bfloat16),
                    preferred_element_type=F32) + b1[...], 0.0)
        w = jnp.dot(w2[...], z.astype(jnp.bfloat16),
                    preferred_element_type=F32) + b2[...]

        s0, s1, s2 = shv[0:1], shv[1:2], shv[2:3]
        os_ = w[0:16] * s_in[0:1]
        for u in range(1, 16):
            os_ = os_ + w[16 * u:16 * u + 16] * s_in[u:u + 1]
        t011 = w[t0:t0 + 4] * s_in[0:1]
        for u in range(1, 16):
            t011 = t011 + w[t0 + 4 * u:t0 + 4 * u + 4] * s_in[u:u + 1]
        if not first:
            v_in = gdT[16:28]
            for u in range(4):
                dv = (v_in[3 * u:3 * u + 1] * s0
                      + v_in[3 * u + 1:3 * u + 2] * s1
                      + v_in[3 * u + 2:3 * u + 3] * s2)
                os_ = os_ + w[256 + 16 * u:256 + 16 * u + 16] * dv
            crs = []
            for u in range(4):
                vx = v_in[3 * u:3 * u + 1]
                vy = v_in[3 * u + 1:3 * u + 2]
                vz = v_in[3 * u + 2:3 * u + 3]
                crs += [vy * s2 - vz * s1, vz * s0 - vx * s2,
                        vx * s1 - vy * s0]
            cr = jnp.concatenate(crs, axis=0)
        ovp = []
        for wo in range(4):
            acc = t011[wo:wo + 1] * shv
            if not first:
                for u in range(4):
                    acc = acc + w[384 + 4 * u + wo:385 + 4 * u + wo] * v_in[3 * u:3 * u + 3]
                    acc = acc + w[400 + 4 * u + wo:401 + 4 * u + wo] * cr[3 * u:3 * u + 3]
            ovp.append(acc)
        tpT = jnp.concatenate(
            [os_] + ovp + [jnp.ones((1, EB), F32), jnp.zeros((3, EB), F32)],
            axis=0)
        tpT = jnp.where(lane < N_EDGES, tpT, 0.0)
        tp[...] = lax.dot_general(tpT, jnp.eye(32, dtype=F32),
                                  (((0,), (0,)), ((), ())),
                                  preferred_element_type=F32)

    full = lambda a: pl.BlockSpec(a.shape, lambda i: (0,) * a.ndim)
    return pl.pallas_call(
        body,
        grid=(NBLK,),
        in_specs=[pl.BlockSpec((24, EB), lambda i: (0, i)),
                  pl.BlockSpec((EB, 16), lambda i: (i, 0)),
                  pl.BlockSpec((EB, gw), lambda i: (i, 0)),
                  full(w1t), full(b1c), full(w2t), full(b2c)],
        out_specs=pl.BlockSpec((EB, 32), lambda i: (i, 0)),
        out_shape=jax.ShapeDtypeStruct((EPAD, 32), F32),
    )(edgeT, gs, gd, w1t, b1c, w2t, b2c)


def _update(xf, p0, p1):
    def body(x, a, b, nf, ns_):
        s = a[...] + b[...]
        cnt = jnp.maximum(s[:, 28:29], 1.0)
        xn = x[...] + jnp.concatenate(
            [s[:, :28] / cnt, jnp.zeros((NB, 4), F32)], axis=1)
        nf[...] = xn
        ns_[...] = xn[:, :16]

    bs = pl.BlockSpec((NB, 32), lambda i: (i, 0))
    return pl.pallas_call(
        body,
        grid=(N_NODES // NB,),
        in_specs=[bs, bs, bs],
        out_specs=[bs, pl.BlockSpec((NB, 16), lambda i: (i, 0))],
        out_shape=[jax.ShapeDtypeStruct((N_NODES, 32), F32),
                   jax.ShapeDtypeStruct((N_NODES, 16), F32)],
    )(xf, p0, p1)


def _final(xf, p0, p1, wfin):
    def body(x, a, b, wf, out):
        s = a[...] + b[...]
        cnt = jnp.maximum(s[:, 28:29], 1.0)
        xn = x[...] + jnp.concatenate(
            [s[:, :28] / cnt, jnp.zeros((NB, 4), F32)], axis=1)
        out[...] = _mm(xn, wf[...])

    bs = pl.BlockSpec((NB, 32), lambda i: (i, 0))
    return pl.pallas_call(
        body,
        grid=(N_NODES // NB,),
        in_specs=[bs, bs, bs, pl.BlockSpec((32, 128), lambda i: (0, 0))],
        out_specs=pl.BlockSpec((NB, 128), lambda i: (i, 0)),
        out_shape=jax.ShapeDtypeStruct((N_NODES, 128), F32),
    )(xf, p0, p1, wfin)



def kernel(pos, node_attr, edge_attr, edge_index, params):
    p = params
    src = edge_index[0].astype(jnp.int32)
    dst = edge_index[1].astype(jnp.int32)
    padi = jnp.zeros((EPAD - N_EDGES,), jnp.int32)
    src_p = jnp.concatenate([src, padi])
    dst_p = jnp.concatenate([dst, padi])
    posp = jnp.pad(pos.astype(F32), ((0, 0), (0, 13)))
    edge_attr_p = jnp.pad(edge_attr.astype(F32), ((0, EPAD - N_EDGES), (0, 0)))
    zeros_tab = jnp.zeros((N_NODES, 32), F32)

    xf, xs = _node_encode(node_attr, p)
    psrc, pdst = _sc_gather_multi([posp, posp], [0, 1], src_p, dst_p)
    gs0, gd0 = _sc_gather_multi([xs, xs], [0, 1], src_p, dst_p)
    edgeT = _edge_pre(edge_attr_p, psrc, pdst, p)

    scal = jnp.asarray(_S416)
    out = None
    for i in range(2):
        first = i == 0
        w1t = p['fc_w1'][i].T.astype(jnp.bfloat16)
        b1c = p['fc_b1'][i].reshape(128, 1)
        w2t = (p['fc_w2'][i] * scal[None, :]).T
        b2c = (p['fc_b2'][i] * scal).reshape(416, 1)
        if first:
            w2t = jnp.concatenate([w2t[0:256], w2t[320:384]])
            b2c = jnp.concatenate([b2c[0:256], b2c[320:384]])
        w2t = w2t.astype(jnp.bfloat16)
        if first:
            gs, gd = gs0, gd0
        else:
            gs, gd = _sc_gather_multi([xs, xf], [0, 1], src_p, dst_p)
        tp = _conv(edgeT, gs, gd, w1t, b1c, w2t, b2c, first)
        parts = _sc_scatter_add(tp, src_p, zeros_tab)
        if i == 0:
            xf, xs = _update(xf, parts[0], parts[1])
        else:
            wv = jnp.kron(p['lf_w1'], jnp.eye(3, dtype=F32))
            wcat = jnp.zeros((32, 128), F32)
            wcat = wcat.at[0:16, 0:32].set(p['lf_w0'])
            wcat = wcat.at[16:28, 32:128].set(wv)
            wfin = wcat[:, jnp.asarray(_OUT_PERM)]
            out = _final(xf, parts[0], parts[1], wfin)
    return out.reshape(N_NODES, 4, 8, 4)

# --- scband reference (transcript-rebuilt; emitter-appended) ---
"""Pipeline reference for scband-tensor-product-conv-model-73426760893079 (READ-ONLY COPY).

The authoritative reference and input builder live on the scoring server;
editing this copy changes nothing except your own understanding.
"""

import jax, jax.numpy as jnp
import numpy as np

NS, NV = 16, 4
ORDER = 1
NUM_RBF, NUM_CH = 8, 4
R_EMB_DIM, R_EMB_MAX = 32, 10.0
N_LAYERS, FC_DIM = 2, 128
N_NODES, N_EDGES = 10000, 160000
NODE_F, EDGE_F = 128, 16
FEAT_DIM = NS + 3 * NV
OUT_CH = NUM_RBF * NUM_CH
WNUMEL = NS * NS + NV * NS + NS * NV + NV * NV + NV * NV


def _lin(key, fin, fout):
    return jax.random.normal(key, (fin, fout), dtype=jnp.float32) / np.sqrt(fin)


def _mlp(x, w1, b1, w2, b2):
    return jax.nn.relu(x @ w1 + b1) @ w2 + b2


def _sorter():
    idx, ordr = [], []
    for l in range(ORDER + 1):
        for n in range(OUT_CH):
            idx.extend([n] * (2 * l + 1))
            ordr.extend(range(l * l, (l + 1) * (l + 1)))
    idx = np.array(idx)
    ordr = np.array(ordr)
    return np.argsort(idx * (ordr.max() + 1) + ordr)


SORTER = _sorter()


def setup_inputs(seed: int = 0):
    key = jax.random.key(seed)
    ks = jax.random.split(key, 24)
    pos = jax.random.normal(ks[0], (N_NODES, 3), dtype=jnp.float32)
    node_attr = jax.random.normal(ks[1], (N_NODES, NODE_F), dtype=jnp.float32)
    edge_attr = jax.random.normal(ks[2], (N_EDGES, EDGE_F), dtype=jnp.float32)
    edge_index = jax.random.randint(ks[3], (2, N_EDGES), 0, N_NODES)
    params = {
        'enc_w': _lin(ks[4], NODE_F, NS), 'enc_b': jnp.zeros((NS,), jnp.float32),
        'ne_w1': _lin(ks[5], NS, NS), 'ne_b1': jnp.zeros((NS,), jnp.float32),
        'ne_w2': _lin(ks[6], NS, NS), 'ne_b2': jnp.zeros((NS,), jnp.float32),
        'ee_w1': _lin(ks[7], EDGE_F, NS), 'ee_b1': jnp.zeros((NS,), jnp.float32),
        'ee_w2': _lin(ks[8], NS, NS), 'ee_b2': jnp.zeros((NS,), jnp.float32),
        're_w1': _lin(ks[9], R_EMB_DIM, NS), 're_b1': jnp.zeros((NS,), jnp.float32),
        're_w2': _lin(ks[10], NS, NS), 're_b2': jnp.zeros((NS,), jnp.float32),
        'fc_w1': jnp.stack([_lin(jax.random.fold_in(ks[11], i), 3 * NS, FC_DIM) for i in range(N_LAYERS)]),
        'fc_b1': jnp.zeros((N_LAYERS, FC_DIM), jnp.float32),
        'fc_w2': jnp.stack([_lin(jax.random.fold_in(ks[12], i), FC_DIM, WNUMEL) for i in range(N_LAYERS)]),
        'fc_b2': jnp.zeros((N_LAYERS, WNUMEL), jnp.float32),
        'lf_w0': _lin(ks[13], NS, OUT_CH),
        'lf_w1': _lin(ks[14], NV, OUT_CH),
    }
    return {'pos': pos, 'node_attr': node_attr, 'edge_attr': edge_attr, 'edge_index': edge_index, 'params': params}


def _forward(pos, node_attr, edge_attr, edge_index, params):
    src, dst = edge_index[0], edge_index[1]
    h = node_attr @ params['enc_w'] + params['enc_b']
    h = _mlp(h, params['ne_w1'], params['ne_b1'], params['ne_w2'], params['ne_b2'])
    e = _mlp(edge_attr, params['ee_w1'], params['ee_b1'], params['ee_w2'], params['ee_b2'])
    edge_vec = pos[src] - pos[dst]
    d = jnp.sqrt(jnp.sum(edge_vec * edge_vec, axis=-1) + 1e-12)
    offsets = jnp.linspace(0.0, R_EMB_MAX, R_EMB_DIM)
    coeff = -0.5 / (offsets[1] - offsets[0]) ** 2
    emb = jnp.exp(coeff * (d[:, None] - offsets[None, :]) ** 2)
    e = e + _mlp(emb, params['re_w1'], params['re_b1'], params['re_w2'], params['re_b2'])
    unit = edge_vec / d[:, None]
    sh = jnp.concatenate([jnp.ones((unit.shape[0], 1), unit.dtype), np.sqrt(3.0) * unit[:, jnp.array([1, 2, 0])]], axis=-1)
    x = jnp.concatenate([h, jnp.zeros((h.shape[0], FEAT_DIM - NS), h.dtype)], axis=-1)
    sh_s, sh_v = sh[:, :1], sh[:, 1:]
    a0 = 1.0 / np.sqrt(NS + NV)
    a1 = 1.0 / np.sqrt(NS + 2 * NV)
    for i in range(N_LAYERS):
        ea = jnp.concatenate([e, x[src, :NS], x[dst, :NS]], axis=-1)
        w = _mlp(ea, params['fc_w1'][i], params['fc_b1'][i], params['fc_w2'][i], params['fc_b2'][i])
        xin = x[dst]
        s_in = xin[:, :NS]
        v_in = xin[:, NS:].reshape(-1, NV, 3)
        p = 0
        w000 = w[:, p:p + NS * NS].reshape(-1, NS, NS); p += NS * NS
        w110 = w[:, p:p + NV * NS].reshape(-1, NV, NS); p += NV * NS
        w011 = w[:, p:p + NS * NV].reshape(-1, NS, NV); p += NS * NV
        w101 = w[:, p:p + NV * NV].reshape(-1, NV, NV); p += NV * NV
        w111 = w[:, p:p + NV * NV].reshape(-1, NV, NV)
        dotv = jnp.einsum('euc,ec->eu', v_in, sh_v) / np.sqrt(3.0)
        o_s = a0 * (jnp.einsum('euw,eu->ew', w000, s_in * sh_s) + jnp.einsum('euw,eu->ew', w110, dotv))
        crossv = jnp.cross(v_in, sh_v[:, None, :]) / np.sqrt(2.0)
        o_v = a1 * (jnp.einsum('euw,eu,ec->ewc', w011, s_in, sh_v)
                    + jnp.einsum('euw,euc->ewc', w101, v_in * sh_s[:, :, None])
                    + jnp.einsum('euw,euc->ewc', w111, crossv))
        tp = jnp.concatenate([o_s, o_v.reshape(-1, NV * 3)], axis=-1)
        sums = jax.ops.segment_sum(tp, src, num_segments=x.shape[0])
        cnt = jax.ops.segment_sum(jnp.ones((tp.shape[0],), tp.dtype), src, num_segments=x.shape[0])
        x = x + sums / jnp.maximum(cnt, 1.0)[:, None]
    s_out = x[:, :NS] @ params['lf_w0']
    v_out = jnp.einsum('euc,uw->ewc', x[:, NS:].reshape(-1, NV, 3), params['lf_w1'])
    out = jnp.concatenate([s_out, v_out.reshape(-1, OUT_CH * 3)], axis=-1)
    out = out[:, SORTER]
    return out.reshape(-1, NUM_CH, NUM_RBF, (ORDER + 1) ** 2)


def reference(pos, node_attr, edge_attr, edge_index, params):
    return _forward(pos, node_attr, edge_attr, edge_index, params)

if __name__ == "__main__":
    import jax
    _d = setup_inputs()
    print(jax.jit(kernel)(*tuple(_d.values())))

</pallas_src>

<mosaic_0001>
#map = affine_map<(d0, d1) -> (0, 0)>
#map1 = affine_map<(d0, d1) -> (0)>
module attributes {stable_mosaic.version = 14 : i64} {
  func.func @k(%arg0: i32, %arg1: i32, %arg2: memref<10000x16xf32, #tpu.memory_space<hbm>>, %arg3: memref<10000x32xf32, #tpu.memory_space<hbm>>, %arg4: memref<163840xi32, #tpu.memory_space<hbm>>, %arg5: memref<163840xi32, #tpu.memory_space<hbm>>, %arg6: memref<163840x16xf32, #tpu.memory_space<hbm>>, %arg7: memref<163840x32xf32, #tpu.memory_space<hbm>>, %arg8: memref<7168xi32, #tpu.memory_space<vmem>>, %arg9: memref<7168xi32, #tpu.memory_space<vmem>>, %arg10: memref<128x16xf32, #tpu.memory_space<vmem>>, %arg11: memref<128x16xf32, #tpu.memory_space<vmem>>, %arg12: memref<128x32xf32, #tpu.memory_space<vmem>>, %arg13: memref<128x32xf32, #tpu.memory_space<vmem>>, %arg14: memref<!tpu.dma_semaphore, #tpu.memory_space<semaphore_mem>>, %arg15: memref<!tpu.dma_semaphore, #tpu.memory_space<semaphore_mem>>, %arg16: memref<!tpu.dma_semaphore, #tpu.memory_space<semaphore_mem>>, %arg17: memref<!tpu.dma_semaphore, #tpu.memory_space<semaphore_mem>>) attributes {dimension_semantics = [#tpu.dimension_semantics<core_parallel>, #tpu.dimension_semantics<subcore_parallel>], iteration_bounds = array<i64: 2, 16>, scalar_prefetch = 0 : i64, scratch_operands = 10 : i64, tpu.core_type = #tpu.core_type<sc_vector_subcore>, window_params = [{transform_indices = #map}, {transform_indices = #map}, {transform_indices = #map1}, {transform_indices = #map1}, {transform_indices = #map}, {transform_indices = #map}]} {
    %eq3A = arith.constant 0 : i32
    %eq3A_0 = arith.cmpi eq, %arg0, %eq3A : i32
    %convert_element_type3A = arith.extui %eq3A_0 : i1 to i32
    %cond3A = arith.constant 0 : i32
    %cond3A_1 = arith.cmpi ne, %convert_element_type3A, %cond3A : i32
    scf.if %cond3A_1 {
      %mul3A = arith.constant 56 : i32
      %mul3A_7 = arith.muli %arg1, %mul3A : i32
      %mul3A_8 = arith.constant 128 : i32
      %mul3A_9 = arith.muli %mul3A_7, %mul3A_8 : i32
      "tpu.region"() ({
        %run_scoped3A = tpu.sem_alloc : memref<!tpu.dma_semaphore, #tpu.memory_space<semaphore_mem>>
        %dma_start3A_23 = arith.constant 0 : i32
        %dma_start3A_24 = tpu.memref_slice %arg8[%dma_start3A_23] : memref<7168xi32, #tpu.memory_space<vmem>> -> memref<7168xi32, #tpu.memory_space<vmem>>
        %dma_start3A_25 = tpu.memref_slice %arg4[%mul3A_9] : memref<163840xi32, #tpu.memory_space<hbm>> -> memref<7168xi32, #tpu.memory_space<hbm>>
        %dma_start3A_26 = arith.constant 0 : i32
        %dma_start3A_27 = tpu.memref_slice %arg8[%dma_start3A_26] : memref<7168xi32, #tpu.memory_space<vmem>> -> memref<7168xi32, #tpu.memory_space<vmem>>
        %dma_start3A_28 = tpu.memref_slice %arg4[%mul3A_9] : memref<163840xi32, #tpu.memory_space<hbm>> -> memref<7168xi32, #tpu.memory_space<hbm>>
        tpu.enqueue_dma source(%dma_start3A_28 : memref<7168xi32, #tpu.memory_space<hbm>>) target(%dma_start3A_27 : memref<7168xi32, #tpu.memory_space<vmem>>) target_semaphore(%run_scoped3A : memref<!tpu.dma_semaphore, #tpu.memory_space<semaphore_mem>>)
        %dma_wait3A = arith.constant 0 : i32
        %dma_wait3A_29 = tpu.memref_slice %arg8[%dma_wait3A] : memref<7168xi32, #tpu.memory_space<vmem>> -> memref<7168xi32, #tpu.memory_space<vmem>>
        %dma_wait3A_30 = tpu.memref_slice %arg4[%mul3A_9] : memref<163840xi32, #tpu.memory_space<hbm>> -> memref<7168xi32, #tpu.memory_space<hbm>>
        %dma_wait3A_31 = arith.constant 0 : i32
        %dma_wait3A_32 = tpu.memref_slice %arg8[%dma_wait3A_31] : memref<7168xi32, #tpu.memory_space<vmem>> -> memref<7168xi32, #tpu.memory_space<vmem>>
        %dma_wait3A_33 = tpu.memref_slice %arg4[%mul3A_9] : memref<163840xi32, #tpu.memory_space<hbm>> -> memref<7168xi32, #tpu.memory_space<hbm>>
        tpu.wait_dma2 semaphore(%run_scoped3A : memref<!tpu.dma_semaphore, #tpu.memory_space<semaphore_mem>>) src(%dma_wait3A_33 : memref<7168xi32, #tpu.memory_space<hbm>>) dst(%dma_wait3A_32 : memref<7168xi32, #tpu.memory_space<vmem>>)
        tpu.yield
      }) : () -> ()
      "tpu.region"() ({
        %run_scoped3A = tpu.sem_alloc : memref<!tpu.dma_semaphore, #tpu.memory_space<semaphore_mem>>
        %dma_start3A_23 = arith.constant 0 : i32
        %dma_start3A_24 = tpu.memref_slice %arg9[%dma_start3A_23] : memref<7168xi32, #tpu.memory_space<vmem>> -> memref<7168xi32, #tpu.memory_space<vmem>>
        %dma_start3A_25 = tpu.memref_slice %arg5[%mul3A_9] : memref<163840xi32, #tpu.memory_space<hbm>> -> memref<7168xi32, #tpu.memory_space<hbm>>
        %dma_start3A_26 = arith.constant 0 : i32
        %dma_start3A_27 = tpu.memref_slice %arg9[%dma_start3A_26] : memref<7168xi32, #tpu.memory_space<vmem>> -> memref<7168xi32, #tpu.memory_space<vmem>>
        %dma_start3A_28 = tpu.memref_slice %arg5[%mul3A_9] : memref<163840xi32, #tpu.memory_space<hbm>> -> memref<7168xi32, #tpu.memory_space<hbm>>
        tpu.enqueue_dma source(%dma_start3A_28 : memref<7168xi32, #tpu.memory_space<hbm>>) target(%dma_start3A_27 : memref<7168xi32, #tpu.memory_space<vmem>>) target_semaphore(%run_scoped3A : memref<!tpu.dma_semaphore, #tpu.memory_space<semaphore_mem>>)
        %dma_wait3A = arith.constant 0 : i32
        %dma_wait3A_29 = tpu.memref_slice %arg9[%dma_wait3A] : memref<7168xi32, #tpu.memory_space<vmem>> -> memref<7168xi32, #tpu.memory_space<vmem>>
        %dma_wait3A_30 = tpu.memref_slice %arg5[%mul3A_9] : memref<163840xi32, #tpu.memory_space<hbm>> -> memref<7168xi32, #tpu.memory_space<hbm>>
        %dma_wait3A_31 = arith.constant 0 : i32
        %dma_wait3A_32 = tpu.memref_slice %arg9[%dma_wait3A_31] : memref<7168xi32, #tpu.memory_space<vmem>> -> memref<7168xi32, #tpu.memory_space<vmem>>
        %dma_wait3A_33 = tpu.memref_slice %arg5[%mul3A_9] : memref<163840xi32, #tpu.memory_space<hbm>> -> memref<7168xi32, #tpu.memory_space<hbm>>
        tpu.wait_dma2 semaphore(%run_scoped3A : memref<!tpu.dma_semaphore, #tpu.memory_space<semaphore_mem>>) src(%dma_wait3A_33 : memref<7168xi32, #tpu.memory_space<hbm>>) dst(%dma_wait3A_32 : memref<7168xi32, #tpu.memory_space<vmem>>)
        tpu.yield
      }) : () -> ()
      %dma_start3A = arith.constant 0 : i32
      %dma_start3A_10 = tpu.memref_slice %arg8[%dma_start3A] : memref<7168xi32, #tpu.memory_space<vmem>> -> memref<128xi32, #tpu.memory_space<vmem>>
      %dma_start3A_11 = arith.constant 0 : i32
      %dma_start3A_12 = arith.constant 0 : i32
      %dma_start3A_13 = tpu.memref_slice %arg2[%dma_start3A_11, %dma_start3A_12] : memref<10000x16xf32, #tpu.memory_space<hbm>> -> memref<10000x16xf32, #tpu.memory_space<hbm>>
      tpu.enqueue_indirect_dma source(%dma_start3A_13 : memref<10000x16xf32, #tpu.memory_space<hbm>>) target(%arg10 : memref<128x16xf32, #tpu.memory_space<vmem>>) offsets(%dma_start3A_10 : memref<128xi32, #tpu.memory_space<vmem>>) semaphore(%arg14 : memref<!tpu.dma_semaphore, #tpu.memory_space<semaphore_mem>>)
      %dma_start3A_14 = arith.constant 0 : i32
      %dma_start3A_15 = tpu.memref_slice %arg9[%dma_start3A_14] : memref<7168xi32, #tpu.memory_space<vmem>> -> memref<128xi32, #tpu.memory_space<vmem>>
      %dma_start3A_16 = arith.constant 0 : i32
      %dma_start3A_17 = arith.constant 0 : i32
      %dma_start3A_18 = tpu.memref_slice %arg3[%dma_start3A_16, %dma_start3A_17] : memref<10000x32xf32, #tpu.memory_space<hbm>> -> memref<10000x32xf32, #tpu.memory_space<hbm>>
      tpu.enqueue_indirect_dma source(%dma_start3A_18 : memref<10000x32xf32, #tpu.memory_space<hbm>>) target(%arg12 : memref<128x32xf32, #tpu.memory_space<vmem>>) offsets(%dma_start3A_15 : memref<128xi32, #tpu.memory_space<vmem>>) semaphore(%arg16 : memref<!tpu.dma_semaphore, #tpu.memory_space<semaphore_mem>>)
      %scan3A = arith.constant 0 : i32
      %scan3A_19 = arith.constant 28 : i32
      %scan3A_20 = arith.addi %scan3A, %scan3A_19 : i32
      %scan3A_21 = arith.constant 1 : i32
      scf.for %scan3A_23 = %scan3A to %scan3A_20 step %scan3A_21  : i32 {
        %mul3A_24 = arith.constant 2 : i32
        %mul3A_25 = arith.muli %scan3A_23, %mul3A_24 : i32
        %add3A = arith.constant 0 : i32
        %add3A_26 = arith.addi %add3A, %mul3A_25 : i32
        %mul3A_27 = arith.constant 128 : i32
        %mul3A_28 = arith.muli %add3A_26, %mul3A_27 : i32
        %add3A_29 = arith.constant 128 : i32
        %add3A_30 = arith.addi %mul3A_28, %add3A_29 : i32
        %dma_start3A_31 = tpu.memref_slice %arg8[%add3A_30] : memref<7168xi32, #tpu.memory_space<vmem>> -> memref<128xi32, #tpu.memory_space<vmem>>
        %dma_start3A_32 = arith.constant 0 : i32
        %dma_start3A_33 = arith.constant 0 : i32
        %dma_start3A_34 = tpu.memref_slice %arg2[%dma_start3A_32, %dma_start3A_33] : memref<10000x16xf32, #tpu.memory_space<hbm>> -> memref<10000x16xf32, #tpu.memory_space<hbm>>
        tpu.enqueue_indirect_dma source(%dma_start3A_34 : memref<10000x16xf32, #tpu.memory_space<hbm>>) target(%arg11 : memref<128x16xf32, #tpu.memory_space<vmem>>) offsets(%dma_start3A_31 : memref<128xi32, #tpu.memory_space<vmem>>) semaphore(%arg15 : memref<!tpu.dma_semaphore, #tpu.memory_space<semaphore_mem>>)
        %add3A_35 = arith.constant 128 : i32
        %add3A_36 = arith.addi %mul3A_28, %add3A_35 : i32
        %dma_start3A_37 = tpu.memref_slice %arg9[%add3A_36] : memref<7168xi32, #tpu.memory_space<vmem>> -> memref<128xi32, #tpu.memory_space<vmem>>
        %dma_start3A_38 = arith.constant 0 : i32
        %dma_start3A_39 = arith.constant 0 : i32
        %dma_start3A_40 = tpu.memref_slice %arg3[%dma_start3A_38, %dma_start3A_39] : memref<10000x32xf32, #tpu.memory_space<hbm>> -> memref<10000x32xf32, #tpu.memory_space<hbm>>
        tpu.enqueue_indirect_dma source(%dma_start3A_40 : memref<10000x32xf32, #tpu.memory_space<hbm>>) target(%arg13 : memref<128x32xf32, #tpu.memory_space<vmem>>) offsets(%dma_start3A_37 : memref<128xi32, #tpu.memory_space<vmem>>) semaphore(%arg17 : memref<!tpu.dma_semaphore, #tpu.memory_space<semaphore_mem>>)
        %dma_wait3A = arith.constant 0 : i32
        %dma_wait3A_41 = arith.constant 0 : i32
        %dma_wait3A_42 = tpu.memref_slice %arg2[%dma_wait3A, %dma_wait3A_41] : memref<10000x16xf32, #tpu.memory_space<hbm>> -> memref<128x16xf32, #tpu.memory_space<hbm>>
        %dma_wait3A_43 = arith.constant 0 : i32
        %dma_wait3A_44 = arith.constant 0 : i32
        %dma_wait3A_45 = tpu.memref_slice %arg2[%dma_wait3A_43, %dma_wait3A_44] : memref<10000x16xf32, #tpu.memory_space<hbm>> -> memref<128x16xf32, #tpu.memory_space<hbm>>
        tpu.wait_dma2 semaphore(%arg14 : memref<!tpu.dma_semaphore, #tpu.memory_space<semaphore_mem>>) src(%dma_wait3A_45 : memref<128x16xf32, #tpu.memory_space<hbm>>) dst(%arg10 : memref<128x16xf32, #tpu.memory_space<vmem>>)
        %add3A_46 = arith.addi %mul3A_9, %mul3A_28 : i32
        "tpu.region"() ({
          %run_scoped3A = tpu.sem_alloc : memref<!tpu.dma_semaphore, #tpu.memory_space<semaphore_mem>>
          %dma_start3A_78 = arith.constant 0 : i32
          %dma_start3A_79 = tpu.memref_slice %arg6[%add3A_46, %dma_start3A_78] : memref<163840x16xf32, #tpu.memory_space<hbm>> -> memref<128x16xf32, #tpu.memory_space<hbm>>
          %dma_start3A_80 = arith.constant 0 : i32
          %dma_start3A_81 = tpu.memref_slice %arg6[%add3A_46, %dma_start3A_80] : memref<163840x16xf32, #tpu.memory_space<hbm>> -> memref<128x16xf32, #tpu.memory_space<hbm>>
          tpu.enqueue_dma source(%arg10 : memref<128x16xf32, #tpu.memory_space<vmem>>) target(%dma_start3A_81 : memref<128x16xf32, #tpu.memory_space<hbm>>) target_semaphore(%run_scoped3A : memref<!tpu.dma_semaphore, #tpu.memory_space<semaphore_mem>>)
          %dma_wait3A_82 = arith.constant 0 : i32
          %dma_wait3A_83 = tpu.memref_slice %arg6[%add3A_46, %dma_wait3A_82] : memref<163840x16xf32, #tpu.memory_space<hbm>> -> memref<128x16xf32, #tpu.memory_space<hbm>>
          %dma_wait3A_84 = arith.constant 0 : i32
          %dma_wait3A_85 = tpu.memref_slice %arg6[%add3A_46, %dma_wait3A_84] : memref<163840x16xf32, #tpu.memory_space<hbm>> -> memref<128x16xf32, #tpu.memory_space<hbm>>
          tpu.wait_dma2 semaphore(%run_scoped3A : memref<!tpu.dma_semaphore, #tpu.memory_space<semaphore_mem>>) src(%arg10 : memref<128x16xf32, #tpu.memory_space<vmem>>) dst(%dma_wait3A_85 : memref<128x16xf32, #tpu.memory_space<hbm>>)
          tpu.yield
        }) : () -> ()
        %dma_wait3A_47 = arith.constant 0 : i32
        %dma_wait3A_48 = arith.constant 0 : i32
        %dma_wait3A_49 = tpu.memref_slice %arg3[%dma_wait3A_47, %dma_wait3A_48] : memref<10000x32xf32, #tpu.memory_space<hbm>> -> memref<128x32xf32, #tpu.memory_space<hbm>>
        %dma_wait3A_50 = arith.constant 0 : i32
        %dma_wait3A_51 = arith.constant 0 : i32
        %dma_wait3A_52 = tpu.memref_slice %arg3[%dma_wait3A_50, %dma_wait3A_51] : memref<10000x32xf32, #tpu.memory_space<hbm>> -> memref<128x32xf32, #tpu.memory_space<hbm>>
        tpu.wait_dma2 semaphore(%arg16 : memref<!tpu.dma_semaphore, #tpu.memory_space<semaphore_mem>>) src(%dma_wait3A_52 : memref<128x32xf32, #tpu.memory_space<hbm>>) dst(%arg12 : memref<128x32xf32, #tpu.memory_space<vmem>>)
        %add3A_53 = arith.addi %mul3A_9, %mul3A_28 : i32
        "tpu.region"() ({
          %run_scoped3A = tpu.sem_alloc : memref<!tpu.dma_semaphore, #tpu.memory_space<semaphore_mem>>
          %dma_start3A_78 = arith.constant 0 : i32
          %dma_start3A_79 = tpu.memref_slice %arg7[%add3A_53, %dma_start3A_78] : memref<163840x32xf32, #tpu.memory_space<hbm>> -> memref<128x32xf32, #tpu.memory_space<hbm>>
          %dma_start3A_80 = arith.constant 0 : i32
          %dma_start3A_81 = tpu.memref_slice %arg7[%add3A_53, %dma_start3A_80] : memref<163840x32xf32, #tpu.memory_space<hbm>> -> memref<128x32xf32, #tpu.memory_space<hbm>>
          tpu.enqueue_dma source(%arg12 : memref<128x32xf32, #tpu.memory_space<vmem>>) target(%dma_start3A_81 : memref<128x32xf32, #tpu.memory_space<hbm>>) target_semaphore(%run_scoped3A : memref<!tpu.dma_semaphore, #tpu.memory_space<semaphore_mem>>)
          %dma_wait3A_82 = arith.constant 0 : i32
          %dma_wait3A_83 = tpu.memref_slice %arg7[%add3A_53, %dma_wait3A_82] : memref<163840x32xf32, #tpu.memory_space<hbm>> -> memref<128x32xf32, #tpu.memory_space<hbm>>
          %dma_wait3A_84 = arith.constant 0 : i32
          %dma_wait3A_85 = tpu.memref_slice %arg7[%add3A_53, %dma_wait3A_84] : memref<163840x32xf32, #tpu.memory_space<hbm>> -> memref<128x32xf32, #tpu.memory_space<hbm>>
          tpu.wait_dma2 semaphore(%run_scoped3A : memref<!tpu.dma_semaphore, #tpu.memory_space<semaphore_mem>>) src(%arg12 : memref<128x32xf32, #tpu.memory_space<vmem>>) dst(%dma_wait3A_85 : memref<128x32xf32, #tpu.memory_space<hbm>>)
          tpu.yield
        }) : () -> ()
        %add3A_54 = arith.constant 2 : i32
        %add3A_55 = arith.addi %add3A_26, %add3A_54 : i32
        %lt3A = arith.constant 56 : i32
        %lt3A_56 = arith.cmpi slt, %add3A_55, %lt3A : i32
        %convert_element_type3A_57 = arith.extui %lt3A_56 : i1 to i32
        %cond3A_58 = arith.constant 0 : i32
        %cond3A_59 = arith.cmpi ne, %convert_element_type3A_57, %cond3A_58 : i32
        scf.if %cond3A_59 {
          %add3A_78 = arith.constant 256 : i32
          %add3A_79 = arith.addi %mul3A_28, %add3A_78 : i32
          %dma_start3A_80 = tpu.memref_slice %arg8[%add3A_79] : memref<7168xi32, #tpu.memory_space<vmem>> -> memref<128xi32, #tpu.memory_space<vmem>>
          %dma_start3A_81 = arith.constant 0 : i32
          %dma_start3A_82 = arith.constant 0 : i32
          %dma_start3A_83 = tpu.memref_slice %arg2[%dma_start3A_81, %dma_start3A_82] : memref<10000x16xf32, #tpu.memory_space<hbm>> -> memref<10000x16xf32, #tpu.memory_space<hbm>>
          tpu.enqueue_indirect_dma source(%dma_start3A_83 : memref<10000x16xf32, #tpu.memory_space<hbm>>) target(%arg10 : memref<128x16xf32, #tpu.memory_space<vmem>>) offsets(%dma_start3A_80 : memref<128xi32, #tpu.memory_space<vmem>>) semaphore(%arg14 : memref<!tpu.dma_semaphore, #tpu.memory_space<semaphore_mem>>)
          %add3A_84 = arith.constant 256 : i32
          %add3A_85 = arith.addi %mul3A_28, %add3A_84 : i32
          %dma_start3A_86 = tpu.memref_slice %arg9[%add3A_85] : memref<7168xi32, #tpu.memory_space<vmem>> -> memref<128xi32, #tpu.memory_space<vmem>>
          %dma_start3A_87 = arith.constant 0 : i32
          %dma_start3A_88 = arith.constant 0 : i32
          %dma_start3A_89 = tpu.memref_slice %arg3[%dma_start3A_87, %dma_start3A_88] : memref<10000x32xf32, #tpu.memory_space<hbm>> -> memref<10000x32xf32, #tpu.memory_space<hbm>>
          tpu.enqueue_indirect_dma source(%dma_start3A_89 : memref<10000x32xf32, #tpu.memory_space<hbm>>) target(%arg12 : memref<128x32xf32, #tpu.memory_space<vmem>>) offsets(%dma_start3A_86 : memref<128xi32, #tpu.memory_space<vmem>>) semaphore(%arg16 : memref<!tpu.dma_semaphore, #tpu.memory_space<semaphore_mem>>)
        } else {
        }
        %dma_wait3A_60 = arith.constant 0 : i32
        %dma_wait3A_61 = arith.constant 0 : i32
        %dma_wait3A_62 = tpu.memref_slice %arg2[%dma_wait3A_60, %dma_wait3A_61] : memref<10000x16xf32, #tpu.memory_space<hbm>> -> memref<128x16xf32, #tpu.memory_space<hbm>>
        %dma_wait3A_63 = arith.constant 0 : i32
        %dma_wait3A_64 = arith.constant 0 : i32
        %dma_wait3A_65 = tpu.memref_slice %arg2[%dma_wait3A_63, %dma_wait3A_64] : memref<10000x16xf32, #tpu.memory_space<hbm>> -> memref<128x16xf32, #tpu.memory_space<hbm>>
        tpu.wait_dma2 semaphore(%arg15 : memref<!tpu.dma_semaphore, #tpu.memory_space<semaphore_mem>>) src(%dma_wait3A_65 : memref<128x16xf32, #tpu.memory_space<hbm>>) dst(%arg11 : memref<128x16xf32, #tpu.memory_space<vmem>>)
        %add3A_66 = arith.addi %mul3A_9, %mul3A_28 : i32
        %add3A_67 = arith.constant 128 : i32
        %add3A_68 = arith.addi %add3A_66, %add3A_67 : i32
        "tpu.region"() ({
          %run_scoped3A = tpu.sem_alloc : memref<!tpu.dma_semaphore, #tpu.memory_space<semaphore_mem>>
          %dma_start3A_78 = arith.constant 0 : i32
          %dma_start3A_79 = tpu.memref_slice %arg6[%add3A_68, %dma_start3A_78] : memref<163840x16xf32, #tpu.memory_space<hbm>> -> memref<128x16xf32, #tpu.memory_space<hbm>>
          %dma_start3A_80 = arith.constant 0 : i32
          %dma_start3A_81 = tpu.memref_slice %arg6[%add3A_68, %dma_start3A_80] : memref<163840x16xf32, #tpu.memory_space<hbm>> -> memref<128x16xf32, #tpu.memory_space<hbm>>
          tpu.enqueue_dma source(%arg11 : memref<128x16xf32, #tpu.memory_space<vmem>>) target(%dma_start3A_81 : memref<128x16xf32, #tpu.memory_space<hbm>>) target_semaphore(%run_scoped3A : memref<!tpu.dma_semaphore, #tpu.memory_space<semaphore_mem>>)
          %dma_wait3A_82 = arith.constant 0 : i32
          %dma_wait3A_83 = tpu.memref_slice %arg6[%add3A_68, %dma_wait3A_82] : memref<163840x16xf32, #tpu.memory_space<hbm>> -> memref<128x16xf32, #tpu.memory_space<hbm>>
          %dma_wait3A_84 = arith.constant 0 : i32
          %dma_wait3A_85 = tpu.memref_slice %arg6[%add3A_68, %dma_wait3A_84] : memref<163840x16xf32, #tpu.memory_space<hbm>> -> memref<128x16xf32, #tpu.memory_space<hbm>>
          tpu.wait_dma2 semaphore(%run_scoped3A : memref<!tpu.dma_semaphore, #tpu.memory_space<semaphore_mem>>) src(%arg11 : memref<128x16xf32, #tpu.memory_space<vmem>>) dst(%dma_wait3A_85 : memref<128x16xf32, #tpu.memory_space<hbm>>)
          tpu.yield
        }) : () -> ()
        %dma_wait3A_69 = arith.constant 0 : i32
        %dma_wait3A_70 = arith.constant 0 : i32
        %dma_wait3A_71 = tpu.memref_slice %arg3[%dma_wait3A_69, %dma_wait3A_70] : memref<10000x32xf32, #tpu.memory_space<hbm>> -> memref<128x32xf32, #tpu.memory_space<hbm>>
        %dma_wait3A_72 = arith.constant 0 : i32
        %dma_wait3A_73 = arith.constant 0 : i32
        %dma_wait3A_74 = tpu.memref_slice %arg3[%dma_wait3A_72, %dma_wait3A_73] : memref<10000x32xf32, #tpu.memory_space<hbm>> -> memref<128x32xf32, #tpu.memory_space<hbm>>
        tpu.wait_dma2 semaphore(%arg17 : memref<!tpu.dma_semaphore, #tpu.memory_space<semaphore_mem>>) src(%dma_wait3A_74 : memref<128x32xf32, #tpu.memory_space<hbm>>) dst(%arg13 : memref<128x32xf32, #tpu.memory_space<vmem>>)
        %add3A_75 = arith.addi %mul3A_9, %mul3A_28 : i32
        %add3A_76 = arith.constant 128 : i32
        %add3A_77 = arith.addi %add3A_75, %add3A_76 : i32
        "tpu.region"() ({
          %run_scoped3A = tpu.sem_alloc : memref<!tpu.dma_semaphore, #tpu.memory_space<semaphore_mem>>
          %dma_start3A_78 = arith.constant 0 : i32
          %dma_start3A_79 = tpu.memref_slice %arg7[%add3A_77, %dma_start3A_78] : memref<163840x32xf32, #tpu.memory_space<hbm>> -> memref<128x32xf32, #tpu.memory_space<hbm>>
          %dma_start3A_80 = arith.constant 0 : i32
          %dma_start3A_81 = tpu.memref_slice %arg7[%add3A_77, %dma_start3A_80] : memref<163840x32xf32, #tpu.memory_space<hbm>> -> memref<128x32xf32, #tpu.memory_space<hbm>>
          tpu.enqueue_dma source(%arg13 : memref<128x32xf32, #tpu.memory_space<vmem>>) target(%dma_start3A_81 : memref<128x32xf32, #tpu.memory_space<hbm>>) target_semaphore(%run_scoped3A : memref<!tpu.dma_semaphore, #tpu.memory_space<semaphore_mem>>)
          %dma_wait3A_82 = arith.constant 0 : i32
          %dma_wait3A_83 = tpu.memref_slice %arg7[%add3A_77, %dma_wait3A_82] : memref<163840x32xf32, #tpu.memory_space<hbm>> -> memref<128x32xf32, #tpu.memory_space<hbm>>
          %dma_wait3A_84 = arith.constant 0 : i32
          %dma_wait3A_85 = tpu.memref_slice %arg7[%add3A_77, %dma_wait3A_84] : memref<163840x32xf32, #tpu.memory_space<hbm>> -> memref<128x32xf32, #tpu.memory_space<hbm>>
          tpu.wait_dma2 semaphore(%run_scoped3A : memref<!tpu.dma_semaphore, #tpu.memory_space<semaphore_mem>>) src(%arg13 : memref<128x32xf32, #tpu.memory_space<vmem>>) dst(%dma_wait3A_85 : memref<128x32xf32, #tpu.memory_space<hbm>>)
          tpu.yield
        }) : () -> ()
      }
      %scan3A_22 = arith.constant 28 : i32
    } else {
    }
    %eq3A_2 = arith.constant 1 : i32
    %eq3A_3 = arith.cmpi eq, %arg0, %eq3A_2 : i32
    %convert_element_type3A_4 = arith.extui %eq3A_3 : i1 to i32
    %cond3A_5 = arith.constant 0 : i32
    %cond3A_6 = arith.cmpi ne, %convert_element_type3A_4, %cond3A_5 : i32
    scf.if %cond3A_6 {
      %mul3A = arith.constant 24 : i32
      %mul3A_7 = arith.muli %arg1, %mul3A : i32
      %mul3A_8 = arith.constant 128 : i32
      %mul3A_9 = arith.muli %mul3A_7, %mul3A_8 : i32
      %add3A = arith.constant 114688 : i32
      %add3A_10 = arith.addi %add3A, %mul3A_9 : i32
      "tpu.region"() ({
        %run_scoped3A = tpu.sem_alloc : memref<!tpu.dma_semaphore, #tpu.memory_space<semaphore_mem>>
        %dma_start3A_24 = arith.constant 0 : i32
        %dma_start3A_25 = tpu.memref_slice %arg8[%dma_start3A_24] : memref<7168xi32, #tpu.memory_space<vmem>> -> memref<3072xi32, #tpu.memory_space<vmem>>
        %dma_start3A_26 = tpu.memref_slice %arg4[%add3A_10] : memref<163840xi32, #tpu.memory_space<hbm>> -> memref<3072xi32, #tpu.memory_space<hbm>>
        %dma_start3A_27 = arith.constant 0 : i32
        %dma_start3A_28 = tpu.memref_slice %arg8[%dma_start3A_27] : memref<7168xi32, #tpu.memory_space<vmem>> -> memref<3072xi32, #tpu.memory_space<vmem>>
        %dma_start3A_29 = tpu.memref_slice %arg4[%add3A_10] : memref<163840xi32, #tpu.memory_space<hbm>> -> memref<3072xi32, #tpu.memory_space<hbm>>
        tpu.enqueue_dma source(%dma_start3A_29 : memref<3072xi32, #tpu.memory_space<hbm>>) target(%dma_start3A_28 : memref<3072xi32, #tpu.memory_space<vmem>>) target_semaphore(%run_scoped3A : memref<!tpu.dma_semaphore, #tpu.memory_space<semaphore_mem>>)
        %dma_wait3A = arith.constant 0 : i32
        %dma_wait3A_30 = tpu.memref_slice %arg8[%dma_wait3A] : memref<7168xi32, #tpu.memory_space<vmem>> -> memref<3072xi32, #tpu.memory_space<vmem>>
        %dma_wait3A_31 = tpu.memref_slice %arg4[%add3A_10] : memref<163840xi32, #tpu.memory_space<hbm>> -> memref<3072xi32, #tpu.memory_space<hbm>>
        %dma_wait3A_32 = arith.constant 0 : i32
        %dma_wait3A_33 = tpu.memref_slice %arg8[%dma_wait3A_32] : memref<7168xi32, #tpu.memory_space<vmem>> -> memref<3072xi32, #tpu.memory_space<vmem>>
        %dma_wait3A_34 = tpu.memref_slice %arg4[%add3A_10] : memref<163840xi32, #tpu.memory_space<hbm>> -> memref<3072xi32, #tpu.memory_space<hbm>>
        tpu.wait_dma2 semaphore(%run_scoped3A : memref<!tpu.dma_semaphore, #tpu.memory_space<semaphore_mem>>) src(%dma_wait3A_34 : memref<3072xi32, #tpu.memory_space<hbm>>) dst(%dma_wait3A_33 : memref<3072xi32, #tpu.memory_space<vmem>>)
        tpu.yield
      }) : () -> ()
      "tpu.region"() ({
        %run_scoped3A = tpu.sem_alloc : memref<!tpu.dma_semaphore, #tpu.memory_space<semaphore_mem>>
        %dma_start3A_24 = arith.constant 0 : i32
        %dma_start3A_25 = tpu.memref_slice %arg9[%dma_start3A_24] : memref<7168xi32, #tpu.memory_space<vmem>> -> memref<3072xi32, #tpu.memory_space<vmem>>
        %dma_start3A_26 = tpu.memref_slice %arg5[%add3A_10] : memref<163840xi32, #tpu.memory_space<hbm>> -> memref<3072xi32, #tpu.memory_space<hbm>>
        %dma_start3A_27 = arith.constant 0 : i32
        %dma_start3A_28 = tpu.memref_slice %arg9[%dma_start3A_27] : memref<7168xi32, #tpu.memory_space<vmem>> -> memref<3072xi32, #tpu.memory_space<vmem>>
        %dma_start3A_29 = tpu.memref_slice %arg5[%add3A_10] : memref<163840xi32, #tpu.memory_space<hbm>> -> memref<3072xi32, #tpu.memory_space<hbm>>
        tpu.enqueue_dma source(%dma_start3A_29 : memref<3072xi32, #tpu.memory_space<hbm>>) target(%dma_start3A_28 : memref<3072xi32, #tpu.memory_space<vmem>>) target_semaphore(%run_scoped3A : memref<!tpu.dma_semaphore, #tpu.memory_space<semaphore_mem>>)
        %dma_wait3A = arith.constant 0 : i32
        %dma_wait3A_30 = tpu.memref_slice %arg9[%dma_wait3A] : memref<7168xi32, #tpu.memory_space<vmem>> -> memref<3072xi32, #tpu.memory_space<vmem>>
        %dma_wait3A_31 = tpu.memref_slice %arg5[%add3A_10] : memref<163840xi32, #tpu.memory_space<hbm>> -> memref<3072xi32, #tpu.memory_space<hbm>>
        %dma_wait3A_32 = arith.constant 0 : i32
        %dma_wait3A_33 = tpu.memref_slice %arg9[%dma_wait3A_32] : memref<7168xi32, #tpu.memory_space<vmem>> -> memref<3072xi32, #tpu.memory_space<vmem>>
        %dma_wait3A_34 = tpu.memref_slice %arg5[%add3A_10] : memref<163840xi32, #tpu.memory_space<hbm>> -> memref<3072xi32, #tpu.memory_space<hbm>>
        tpu.wait_dma2 semaphore(%run_scoped3A : memref<!tpu.dma_semaphore, #tpu.memory_space<semaphore_mem>>) src(%dma_wait3A_34 : memref<3072xi32, #tpu.memory_space<hbm>>) dst(%dma_wait3A_33 : memref<3072xi32, #tpu.memory_space<vmem>>)
        tpu.yield
      }) : () -> ()
      %dma_start3A = arith.constant 0 : i32
      %dma_start3A_11 = tpu.memref_slice %arg8[%dma_start3A] : memref<7168xi32, #tpu.memory_space<vmem>> -> memref<128xi32, #tpu.memory_space<vmem>>
      %dma_start3A_12 = arith.constant 0 : i32
      %dma_start3A_13 = arith.constant 0 : i32
      %dma_start3A_14 = tpu.memref_slice %arg2[%dma_start3A_12, %dma_start3A_13] : memref<10000x16xf32, #tpu.memory_space<hbm>> -> memref<10000x16xf32, #tpu.memory_space<hbm>>
      tpu.enqueue_indirect_dma source(%dma_start3A_14 : memref<10000x16xf32, #tpu.memory_space<hbm>>) target(%arg10 : memref<128x16xf32, #tpu.memory_space<vmem>>) offsets(%dma_start3A_11 : memref<128xi32, #tpu.memory_space<vmem>>) semaphore(%arg14 : memref<!tpu.dma_semaphore, #tpu.memory_space<semaphore_mem>>)
      %dma_start3A_15 = arith.constant 0 : i32
      %dma_start3A_16 = tpu.memref_slice %arg9[%dma_start3A_15] : memref<7168xi32, #tpu.memory_space<vmem>> -> memref<128xi32, #tpu.memory_space<vmem>>
      %dma_start3A_17 = arith.constant 0 : i32
      %dma_start3A_18 = arith.constant 0 : i32
      %dma_start3A_19 = tpu.memref_slice %arg3[%dma_start3A_17, %dma_start3A_18] : memref<10000x32xf32, #tpu.memory_space<hbm>> -> memref<10000x32xf32, #tpu.memory_space<hbm>>
      tpu.enqueue_indirect_dma source(%dma_start3A_19 : memref<10000x32xf32, #tpu.memory_space<hbm>>) target(%arg12 : memref<128x32xf32, #tpu.memory_space<vmem>>) offsets(%dma_start3A_16 : memref<128xi32, #tpu.memory_space<vmem>>) semaphore(%arg16 : memref<!tpu.dma_semaphore, #tpu.memory_space<semaphore_mem>>)
      %scan3A = arith.constant 0 : i32
      %scan3A_20 = arith.constant 12 : i32
      %scan3A_21 = arith.addi %scan3A, %scan3A_20 : i32
      %scan3A_22 = arith.constant 1 : i32
      scf.for %scan3A_24 = %scan3A to %scan3A_21 step %scan3A_22  : i32 {
        %mul3A_25 = arith.constant 2 : i32
        %mul3A_26 = arith.muli %scan3A_24, %mul3A_25 : i32
        %add3A_27 = arith.constant 0 : i32
        %add3A_28 = arith.addi %add3A_27, %mul3A_26 : i32
        %mul3A_29 = arith.constant 128 : i32
        %mul3A_30 = arith.muli %add3A_28, %mul3A_29 : i32
        %add3A_31 = arith.constant 128 : i32
        %add3A_32 = arith.addi %mul3A_30, %add3A_31 : i32
        %dma_start3A_33 = tpu.memref_slice %arg8[%add3A_32] : memref<7168xi32, #tpu.memory_space<vmem>> -> memref<128xi32, #tpu.memory_space<vmem>>
        %dma_start3A_34 = arith.constant 0 : i32
        %dma_start3A_35 = arith.constant 0 : i32
        %dma_start3A_36 = tpu.memref_slice %arg2[%dma_start3A_34, %dma_start3A_35] : memref<10000x16xf32, #tpu.memory_space<hbm>> -> memref<10000x16xf32, #tpu.memory_space<hbm>>
        tpu.enqueue_indirect_dma source(%dma_start3A_36 : memref<10000x16xf32, #tpu.memory_space<hbm>>) target(%arg11 : memref<128x16xf32, #tpu.memory_space<vmem>>) offsets(%dma_start3A_33 : memref<128xi32, #tpu.memory_space<vmem>>) semaphore(%arg15 : memref<!tpu.dma_semaphore, #tpu.memory_space<semaphore_mem>>)
        %add3A_37 = arith.constant 128 : i32
        %add3A_38 = arith.addi %mul3A_30, %add3A_37 : i32
        %dma_start3A_39 = tpu.memref_slice %arg9[%add3A_38] : memref<7168xi32, #tpu.memory_space<vmem>> -> memref<128xi32, #tpu.memory_space<vmem>>
        %dma_start3A_40 = arith.constant 0 : i32
        %dma_start3A_41 = arith.constant 0 : i32
        %dma_start3A_42 = tpu.memref_slice %arg3[%dma_start3A_40, %dma_start3A_41] : memref<10000x32xf32, #tpu.memory_space<hbm>> -> memref<10000x32xf32, #tpu.memory_space<hbm>>
        tpu.enqueue_indirect_dma source(%dma_start3A_42 : memref<10000x32xf32, #tpu.memory_space<hbm>>) target(%arg13 : memref<128x32xf32, #tpu.memory_space<vmem>>) offsets(%dma_start3A_39 : memref<128xi32, #tpu.memory_space<vmem>>) semaphore(%arg17 : memref<!tpu.dma_semaphore, #tpu.memory_space<semaphore_mem>>)
        %dma_wait3A = arith.constant 0 : i32
        %dma_wait3A_43 = arith.constant 0 : i32
        %dma_wait3A_44 = tpu.memref_slice %arg2[%dma_wait3A, %dma_wait3A_43] : memref<10000x16xf32, #tpu.memory_space<hbm>> -> memref<128x16xf32, #tpu.memory_space<hbm>>
        %dma_wait3A_45 = arith.constant 0 : i32
        %dma_wait3A_46 = arith.constant 0 : i32
        %dma_wait3A_47 = tpu.memref_slice %arg2[%dma_wait3A_45, %dma_wait3A_46] : memref<10000x16xf32, #tpu.memory_space<hbm>> -> memref<128x16xf32, #tpu.memory_space<hbm>>
        tpu.wait_dma2 semaphore(%arg14 : memref<!tpu.dma_semaphore, #tpu.memory_space<semaphore_mem>>) src(%dma_wait3A_47 : memref<128x16xf32, #tpu.memory_space<hbm>>) dst(%arg10 : memref<128x16xf32, #tpu.memory_space<vmem>>)
        %add3A_48 = arith.addi %add3A_10, %mul3A_30 : i32
        "tpu.region"() ({
          %run_scoped3A = tpu.sem_alloc : memref<!tpu.dma_semaphore, #tpu.memory_space<semaphore_mem>>
          %dma_start3A_80 = arith.constant 0 : i32
          %dma_start3A_81 = tpu.memref_slice %arg6[%add3A_48, %dma_start3A_80] : memref<163840x16xf32, #tpu.memory_space<hbm>> -> memref<128x16xf32, #tpu.memory_space<hbm>>
          %dma_start3A_82 = arith.constant 0 : i32
          %dma_start3A_83 = tpu.memref_slice %arg6[%add3A_48, %dma_start3A_82] : memref<163840x16xf32, #tpu.memory_space<hbm>> -> memref<128x16xf32, #tpu.memory_space<hbm>>
          tpu.enqueue_dma source(%arg10 : memref<128x16xf32, #tpu.memory_space<vmem>>) target(%dma_start3A_83 : memref<128x16xf32, #tpu.memory_space<hbm>>) target_semaphore(%run_scoped3A : memref<!tpu.dma_semaphore, #tpu.memory_space<semaphore_mem>>)
          %dma_wait3A_84 = arith.constant 0 : i32
          %dma_wait3A_85 = tpu.memref_slice %arg6[%add3A_48, %dma_wait3A_84] : memref<163840x16xf32, #tpu.memory_space<hbm>> -> memref<128x16xf32, #tpu.memory_space<hbm>>
          %dma_wait3A_86 = arith.constant 0 : i32
          %dma_wait3A_87 = tpu.memref_slice %arg6[%add3A_48, %dma_wait3A_86] : memref<163840x16xf32, #tpu.memory_space<hbm>> -> memref<128x16xf32, #tpu.memory_space<hbm>>
          tpu.wait_dma2 semaphore(%run_scoped3A : memref<!tpu.dma_semaphore, #tpu.memory_space<semaphore_mem>>) src(%arg10 : memref<128x16xf32, #tpu.memory_space<vmem>>) dst(%dma_wait3A_87 : memref<128x16xf32, #tpu.memory_space<hbm>>)
          tpu.yield
        }) : () -> ()
        %dma_wait3A_49 = arith.constant 0 : i32
        %dma_wait3A_50 = arith.constant 0 : i32
        %dma_wait3A_51 = tpu.memref_slice %arg3[%dma_wait3A_49, %dma_wait3A_50] : memref<10000x32xf32, #tpu.memory_space<hbm>> -> memref<128x32xf32, #tpu.memory_space<hbm>>
        %dma_wait3A_52 = arith.constant 0 : i32
        %dma_wait3A_53 = arith.constant 0 : i32
        %dma_wait3A_54 = tpu.memref_slice %arg3[%dma_wait3A_52, %dma_wait3A_53] : memref<10000x32xf32, #tpu.memory_space<hbm>> -> memref<128x32xf32, #tpu.memory_space<hbm>>
        tpu.wait_dma2 semaphore(%arg16 : memref<!tpu.dma_semaphore, #tpu.memory_space<semaphore_mem>>) src(%dma_wait3A_54 : memref<128x32xf32, #tpu.memory_space<hbm>>) dst(%arg12 : memref<128x32xf32, #tpu.memory_space<vmem>>)
        %add3A_55 = arith.addi %add3A_10, %mul3A_30 : i32
        "tpu.region"() ({
          %run_scoped3A = tpu.sem_alloc : memref<!tpu.dma_semaphore, #tpu.memory_space<semaphore_mem>>
          %dma_start3A_80 = arith.constant 0 : i32
          %dma_start3A_81 = tpu.memref_slice %arg7[%add3A_55, %dma_start3A_80] : memref<163840x32xf32, #tpu.memory_space<hbm>> -> memref<128x32xf32, #tpu.memory_space<hbm>>
          %dma_start3A_82 = arith.constant 0 : i32
          %dma_start3A_83 = tpu.memref_slice %arg7[%add3A_55, %dma_start3A_82] : memref<163840x32xf32, #tpu.memory_space<hbm>> -> memref<128x32xf32, #tpu.memory_space<hbm>>
          tpu.enqueue_dma source(%arg12 : memref<128x32xf32, #tpu.memory_space<vmem>>) target(%dma_start3A_83 : memref<128x32xf32, #tpu.memory_space<hbm>>) target_semaphore(%run_scoped3A : memref<!tpu.dma_semaphore, #tpu.memory_space<semaphore_mem>>)
          %dma_wait3A_84 = arith.constant 0 : i32
          %dma_wait3A_85 = tpu.memref_slice %arg7[%add3A_55, %dma_wait3A_84] : memref<163840x32xf32, #tpu.memory_space<hbm>> -> memref<128x32xf32, #tpu.memory_space<hbm>>
          %dma_wait3A_86 = arith.constant 0 : i32
          %dma_wait3A_87 = tpu.memref_slice %arg7[%add3A_55, %dma_wait3A_86] : memref<163840x32xf32, #tpu.memory_space<hbm>> -> memref<128x32xf32, #tpu.memory_space<hbm>>
          tpu.wait_dma2 semaphore(%run_scoped3A : memref<!tpu.dma_semaphore, #tpu.memory_space<semaphore_mem>>) src(%arg12 : memref<128x32xf32, #tpu.memory_space<vmem>>) dst(%dma_wait3A_87 : memref<128x32xf32, #tpu.memory_space<hbm>>)
          tpu.yield
        }) : () -> ()
        %add3A_56 = arith.constant 2 : i32
        %add3A_57 = arith.addi %add3A_28, %add3A_56 : i32
        %lt3A = arith.constant 24 : i32
        %lt3A_58 = arith.cmpi slt, %add3A_57, %lt3A : i32
        %convert_element_type3A_59 = arith.extui %lt3A_58 : i1 to i32
        %cond3A_60 = arith.constant 0 : i32
        %cond3A_61 = arith.cmpi ne, %convert_element_type3A_59, %cond3A_60 : i32
        scf.if %cond3A_61 {
          %add3A_80 = arith.constant 256 : i32
          %add3A_81 = arith.addi %mul3A_30, %add3A_80 : i32
          %dma_start3A_82 = tpu.memref_slice %arg8[%add3A_81] : memref<7168xi32, #tpu.memory_space<vmem>> -> memref<128xi32, #tpu.memory_space<vmem>>
          %dma_start3A_83 = arith.constant 0 : i32
          %dma_start3A_84 = arith.constant 0 : i32
          %dma_start3A_85 = tpu.memref_slice %arg2[%dma_start3A_83, %dma_start3A_84] : memref<10000x16xf32, #tpu.memory_space<hbm>> -> memref<10000x16xf32, #tpu.memory_space<hbm>>
          tpu.enqueue_indirect_dma source(%dma_start3A_85 : memref<10000x16xf32, #tpu.memory_space<hbm>>) target(%arg10 : memref<128x16xf32, #tpu.memory_space<vmem>>) offsets(%dma_start3A_82 : memref<128xi32, #tpu.memory_space<vmem>>) semaphore(%arg14 : memref<!tpu.dma_semaphore, #tpu.memory_space<semaphore_mem>>)
          %add3A_86 = arith.constant 256 : i32
          %add3A_87 = arith.addi %mul3A_30, %add3A_86 : i32
          %dma_start3A_88 = tpu.memref_slice %arg9[%add3A_87] : memref<7168xi32, #tpu.memory_space<vmem>> -> memref<128xi32, #tpu.memory_space<vmem>>
          %dma_start3A_89 = arith.constant 0 : i32
          %dma_start3A_90 = arith.constant 0 : i32
          %dma_start3A_91 = tpu.memref_slice %arg3[%dma_start3A_89, %dma_start3A_90] : memref<10000x32xf32, #tpu.memory_space<hbm>> -> memref<10000x32xf32, #tpu.memory_space<hbm>>
          tpu.enqueue_indirect_dma source(%dma_start3A_91 : memref<10000x32xf32, #tpu.memory_space<hbm>>) target(%arg12 : memref<128x32xf32, #tpu.memory_space<vmem>>) offsets(%dma_start3A_88 : memref<128xi32, #tpu.memory_space<vmem>>) semaphore(%arg16 : memref<!tpu.dma_semaphore, #tpu.memory_space<semaphore_mem>>)
        } else {
        }
        %dma_wait3A_62 = arith.constant 0 : i32
        %dma_wait3A_63 = arith.constant 0 : i32
        %dma_wait3A_64 = tpu.memref_slice %arg2[%dma_wait3A_62, %dma_wait3A_63] : memref<10000x16xf32, #tpu.memory_space<hbm>> -> memref<128x16xf32, #tpu.memory_space<hbm>>
        %dma_wait3A_65 = arith.constant 0 : i32
        %dma_wait3A_66 = arith.constant 0 : i32
        %dma_wait3A_67 = tpu.memref_slice %arg2[%dma_wait3A_65, %dma_wait3A_66] : memref<10000x16xf32, #tpu.memory_space<hbm>> -> memref<128x16xf32, #tpu.memory_space<hbm>>
        tpu.wait_dma2 semaphore(%arg15 : memref<!tpu.dma_semaphore, #tpu.memory_space<semaphore_mem>>) src(%dma_wait3A_67 : memref<128x16xf32, #tpu.memory_space<hbm>>) dst(%arg11 : memref<128x16xf32, #tpu.memory_space<vmem>>)
        %add3A_68 = arith.addi %add3A_10, %mul3A_30 : i32
        %add3A_69 = arith.constant 128 : i32
        %add3A_70 = arith.addi %add3A_68, %add3A_69 : i32
        "tpu.region"() ({
          %run_scoped3A = tpu.sem_alloc : memref<!tpu.dma_semaphore, #tpu.memory_space<semaphore_mem>>
          %dma_start3A_80 = arith.constant 0 : i32
          %dma_start3A_81 = tpu.memref_slice %arg6[%add3A_70, %dma_start3A_80] : memref<163840x16xf32, #tpu.memory_space<hbm>> -> memref<128x16xf32, #tpu.memory_space<hbm>>
          %dma_start3A_82 = arith.constant 0 : i32
          %dma_start3A_83 = tpu.memref_slice %arg6[%add3A_70, %dma_start3A_82] : memref<163840x16xf32, #tpu.memory_space<hbm>> -> memref<128x16xf32, #tpu.memory_space<hbm>>
          tpu.enqueue_dma source(%arg11 : memref<128x16xf32, #tpu.memory_space<vmem>>) target(%dma_start3A_83 : memref<128x16xf32, #tpu.memory_space<hbm>>) target_semaphore(%run_scoped3A : memref<!tpu.dma_semaphore, #tpu.memory_space<semaphore_mem>>)
          %dma_wait3A_84 = arith.constant 0 : i32
          %dma_wait3A_85 = tpu.memref_slice %arg6[%add3A_70, %dma_wait3A_84] : memref<163840x16xf32, #tpu.memory_space<hbm>> -> memref<128x16xf32, #tpu.memory_space<hbm>>
          %dma_wait3A_86 = arith.constant 0 : i32
          %dma_wait3A_87 = tpu.memref_slice %arg6[%add3A_70, %dma_wait3A_86] : memref<163840x16xf32, #tpu.memory_space<hbm>> -> memref<128x16xf32, #tpu.memory_space<hbm>>
          tpu.wait_dma2 semaphore(%run_scoped3A : memref<!tpu.dma_semaphore, #tpu.memory_space<semaphore_mem>>) src(%arg11 : memref<128x16xf32, #tpu.memory_space<vmem>>) dst(%dma_wait3A_87 : memref<128x16xf32, #tpu.memory_space<hbm>>)
          tpu.yield
        }) : () -> ()
        %dma_wait3A_71 = arith.constant 0 : i32
        %dma_wait3A_72 = arith.constant 0 : i32
        %dma_wait3A_73 = tpu.memref_slice %arg3[%dma_wait3A_71, %dma_wait3A_72] : memref<10000x32xf32, #tpu.memory_space<hbm>> -> memref<128x32xf32, #tpu.memory_space<hbm>>
        %dma_wait3A_74 = arith.constant 0 : i32
        %dma_wait3A_75 = arith.constant 0 : i32
        %dma_wait3A_76 = tpu.memref_slice %arg3[%dma_wait3A_74, %dma_wait3A_75] : memref<10000x32xf32, #tpu.memory_space<hbm>> -> memref<128x32xf32, #tpu.memory_space<hbm>>
        tpu.wait_dma2 semaphore(%arg17 : memref<!tpu.dma_semaphore, #tpu.memory_space<semaphore_mem>>) src(%dma_wait3A_76 : memref<128x32xf32, #tpu.memory_space<hbm>>) dst(%arg13 : memref<128x32xf32, #tpu.memory_space<vmem>>)
        %add3A_77 = arith.addi %add3A_10, %mul3A_30 : i32
        %add3A_78 = arith.constant 128 : i32
        %add3A_79 = arith.addi %add3A_77, %add3A_78 : i32
        "tpu.region"() ({
          %run_scoped3A = tpu.sem_alloc : memref<!tpu.dma_semaphore, #tpu.memory_space<semaphore_mem>>
          %dma_start3A_80 = arith.constant 0 : i32
          %dma_start3A_81 = tpu.memref_slice %arg7[%add3A_79, %dma_start3A_80] : memref<163840x32xf32, #tpu.memory_space<hbm>> -> memref<128x32xf32, #tpu.memory_space<hbm>>
          %dma_start3A_82 = arith.constant 0 : i32
          %dma_start3A_83 = tpu.memref_slice %arg7[%add3A_79, %dma_start3A_82] : memref<163840x32xf32, #tpu.memory_space<hbm>> -> memref<128x32xf32, #tpu.memory_space<hbm>>
          tpu.enqueue_dma source(%arg13 : memref<128x32xf32, #tpu.memory_space<vmem>>) target(%dma_start3A_83 : memref<128x32xf32, #tpu.memory_space<hbm>>) target_semaphore(%run_scoped3A : memref<!tpu.dma_semaphore, #tpu.memory_space<semaphore_mem>>)
          %dma_wait3A_84 = arith.constant 0 : i32
          %dma_wait3A_85 = tpu.memref_slice %arg7[%add3A_79, %dma_wait3A_84] : memref<163840x32xf32, #tpu.memory_space<hbm>> -> memref<128x32xf32, #tpu.memory_space<hbm>>
          %dma_wait3A_86 = arith.constant 0 : i32
          %dma_wait3A_87 = tpu.memref_slice %arg7[%add3A_79, %dma_wait3A_86] : memref<163840x32xf32, #tpu.memory_space<hbm>> -> memref<128x32xf32, #tpu.memory_space<hbm>>
          tpu.wait_dma2 semaphore(%run_scoped3A : memref<!tpu.dma_semaphore, #tpu.memory_space<semaphore_mem>>) src(%arg13 : memref<128x32xf32, #tpu.memory_space<vmem>>) dst(%dma_wait3A_87 : memref<128x32xf32, #tpu.memory_space<hbm>>)
          tpu.yield
        }) : () -> ()
      }
      %scan3A_23 = arith.constant 12 : i32
    } else {
    }
    return
  }
}

#map = affine_map<(d0, d1) -> (0, 0)>
#map1 = affine_map<(d0, d1) -> (0)>
module attributes {stable_mosaic.version = 14 : i64} {
  func.func @k(%arg0: i32, %arg1: i32, %arg2: memref<10000x16xf32, #tpu.memory_space<hbm>>, %arg3: memref<10000x16xf32, #tpu.memory_space<hbm>>, %arg4: memref<163840xi32, #tpu.memory_space<hbm>>, %arg5: memref<163840xi32, #tpu.memory_space<hbm>>, %arg6: memref<163840x16xf32, #tpu.memory_space<hbm>>, %arg7: memref<163840x16xf32, #tpu.memory_space<hbm>>, %arg8: memref<7168xi32, #tpu.memory_space<vmem>>, %arg9: memref<7168xi32, #tpu.memory_space<vmem>>, %arg10: memref<128x16xf32, #tpu.memory_space<vmem>>, %arg11: memref<128x16xf32, #tpu.memory_space<vmem>>, %arg12: memref<128x16xf32, #tpu.memory_space<vmem>>, %arg13: memref<128x16xf32, #tpu.memory_space<vmem>>, %arg14: memref<!tpu.dma_semaphore, #tpu.memory_space<semaphore_mem>>, %arg15: memref<!tpu.dma_semaphore, #tpu.memory_space<semaphore_mem>>, %arg16: memref<!tpu.dma_semaphore, #tpu.memory_space<semaphore_mem>>, %arg17: memref<!tpu.dma_semaphore, #tpu.memory_space<semaphore_mem>>) attributes {dimension_semantics = [#tpu.dimension_semantics<core_parallel>, #tpu.dimension_semantics<subcore_parallel>], iteration_bounds = array<i64: 2, 16>, scalar_prefetch = 0 : i64, scratch_operands = 10 : i64, tpu.core_type = #tpu.core_type<sc_vector_subcore>, window_params = [{transform_indices = #map}, {transform_indices = #map}, {transform_indices = #map1}, {transform_indices = #map1}, {transform_indices = #map}, {transform_indices = #map}]} {
    %eq3A = arith.constant 0 : i32
    %eq3A_0 = arith.cmpi eq, %arg0, %eq3A : i32
    %convert_element_type3A = arith.extui %eq3A_0 : i1 to i32
    %cond3A = arith.constant 0 : i32
    %cond3A_1 = arith.cmpi ne, %convert_element_type3A, %cond3A : i32
    scf.if %cond3A_1 {
      %mul3A = arith.constant 56 : i32
      %mul3A_7 = arith.muli %arg1, %mul3A : i32
      %mul3A_8 = arith.constant 128 : i32
      %mul3A_9 = arith.muli %mul3A_7, %mul3A_8 : i32
      "tpu.region"() ({
        %run_scoped3A = tpu.sem_alloc : memref<!tpu.dma_semaphore, #tpu.memory_space<semaphore_mem>>
        %dma_start3A_23 = arith.constant 0 : i32
        %dma_start3A_24 = tpu.memref_slice %arg8[%dma_start3A_23] : memref<7168xi32, #tpu.memory_space<vmem>> -> memref<7168xi32, #tpu.memory_space<vmem>>
        %dma_start3A_25 = tpu.memref_slice %arg4[%mul3A_9] : memref<163840xi32, #tpu.memory_space<hbm>> -> memref<7168xi32, #tpu.memory_space<hbm>>
        %dma_start3A_26 = arith.constant 0 : i32
        %dma_start3A_27 = tpu.memref_slice %arg8[%dma_start3A_26] : memref<7168xi32, #tpu.memory_space<vmem>> -> memref<7168xi32, #tpu.memory_space<vmem>>
        %dma_start3A_28 = tpu.memref_slice %arg4[%mul3A_9] : memref<163840xi32, #tpu.memory_space<hbm>> -> memref<7168xi32, #tpu.memory_space<hbm>>
        tpu.enqueue_dma source(%dma_start3A_28 : memref<7168xi32, #tpu.memory_space<hbm>>) target(%dma_start3A_27 : memref<7168xi32, #tpu.memory_space<vmem>>) target_semaphore(%run_scoped3A : memref<!tpu.dma_semaphore, #tpu.memory_space<semaphore_mem>>)
        %dma_wait3A = arith.constant 0 : i32
        %dma_wait3A_29 = tpu.memref_slice %arg8[%dma_wait3A] : memref<7168xi32, #tpu.memory_space<vmem>> -> memref<7168xi32, #tpu.memory_space<vmem>>
        %dma_wait3A_30 = tpu.memref_slice %arg4[%mul3A_9] : memref<163840xi32, #tpu.memory_space<hbm>> -> memref<7168xi32, #tpu.memory_space<hbm>>
        %dma_wait3A_31 = arith.constant 0 : i32
        %dma_wait3A_32 = tpu.memref_slice %arg8[%dma_wait3A_31] : memref<7168xi32, #tpu.memory_space<vmem>> -> memref<7168xi32, #tpu.memory_space<vmem>>
        %dma_wait3A_33 = tpu.memref_slice %arg4[%mul3A_9] : memref<163840xi32, #tpu.memory_space<hbm>> -> memref<7168xi32, #tpu.memory_space<hbm>>
        tpu.wait_dma2 semaphore(%run_scoped3A : memref<!tpu.dma_semaphore, #tpu.memory_space<semaphore_mem>>) src(%dma_wait3A_33 : memref<7168xi32, #tpu.memory_space<hbm>>) dst(%dma_wait3A_32 : memref<7168xi32, #tpu.memory_space<vmem>>)
        tpu.yield
      }) : () -> ()
      "tpu.region"() ({
        %run_scoped3A = tpu.sem_alloc : memref<!tpu.dma_semaphore, #tpu.memory_space<semaphore_mem>>
        %dma_start3A_23 = arith.constant 0 : i32
        %dma_start3A_24 = tpu.memref_slice %arg9[%dma_start3A_23] : memref<7168xi32, #tpu.memory_space<vmem>> -> memref<7168xi32, #tpu.memory_space<vmem>>
        %dma_start3A_25 = tpu.memref_slice %arg5[%mul3A_9] : memref<163840xi32, #tpu.memory_space<hbm>> -> memref<7168xi32, #tpu.memory_space<hbm>>
        %dma_start3A_26 = arith.constant 0 : i32
        %dma_start3A_27 = tpu.memref_slice %arg9[%dma_start3A_26] : memref<7168xi32, #tpu.memory_space<vmem>> -> memref<7168xi32, #tpu.memory_space<vmem>>
        %dma_start3A_28 = tpu.memref_slice %arg5[%mul3A_9] : memref<163840xi32, #tpu.memory_space<hbm>> -> memref<7168xi32, #tpu.memory_space<hbm>>
        tpu.enqueue_dma source(%dma_start3A_28 : memref<7168xi32, #tpu.memory_space<hbm>>) target(%dma_start3A_27 : memref<7168xi32, #tpu.memory_space<vmem>>) target_semaphore(%run_scoped3A : memref<!tpu.dma_semaphore, #tpu.memory_space<semaphore_mem>>)
        %dma_wait3A = arith.constant 0 : i32
        %dma_wait3A_29 = tpu.memref_slice %arg9[%dma_wait3A] : memref<7168xi32, #tpu.memory_space<vmem>> -> memref<7168xi32, #tpu.memory_space<vmem>>
        %dma_wait3A_30 = tpu.memref_slice %arg5[%mul3A_9] : memref<163840xi32, #tpu.memory_space<hbm>> -> memref<7168xi32, #tpu.memory_space<hbm>>
        %dma_wait3A_31 = arith.constant 0 : i32
        %dma_wait3A_32 = tpu.memref_slice %arg9[%dma_wait3A_31] : memref<7168xi32, #tpu.memory_space<vmem>> -> memref<7168xi32, #tpu.memory_space<vmem>>
        %dma_wait3A_33 = tpu.memref_slice %arg5[%mul3A_9] : memref<163840xi32, #tpu.memory_space<hbm>> -> memref<7168xi32, #tpu.memory_space<hbm>>
        tpu.wait_dma2 semaphore(%run_scoped3A : memref<!tpu.dma_semaphore, #tpu.memory_space<semaphore_mem>>) src(%dma_wait3A_33 : memref<7168xi32, #tpu.memory_space<hbm>>) dst(%dma_wait3A_32 : memref<7168xi32, #tpu.memory_space<vmem>>)
        tpu.yield
      }) : () -> ()
      %dma_start3A = arith.constant 0 : i32
      %dma_start3A_10 = tpu.memref_slice %arg8[%dma_start3A] : memref<7168xi32, #tpu.memory_space<vmem>> -> memref<128xi32, #tpu.memory_space<vmem>>
      %dma_start3A_11 = arith.constant 0 : i32
      %dma_start3A_12 = arith.constant 0 : i32
      %dma_start3A_13 = tpu.memref_slice %arg2[%dma_start3A_11, %dma_start3A_12] : memref<10000x16xf32, #tpu.memory_space<hbm>> -> memref<10000x16xf32, #tpu.memory_space<hbm>>
      tpu.enqueue_indirect_dma source(%dma_start3A_13 : memref<10000x16xf32, #tpu.memory_space<hbm>>) target(%arg10 : memref<128x16xf32, #tpu.memory_space<vmem>>) offsets(%dma_start3A_10 : memref<128xi32, #tpu.memory_space<vmem>>) semaphore(%arg14 : memref<!tpu.dma_semaphore, #tpu.memory_space<semaphore_mem>>)
      %dma_start3A_14 = arith.constant 0 : i32
      %dma_start3A_15 = tpu.memref_slice %arg9[%dma_start3A_14] : memref<7168xi32, #tpu.memory_space<vmem>> -> memref<128xi32, #tpu.memory_space<vmem>>
      %dma_start3A_16 = arith.constant 0 : i32
      %dma_start3A_17 = arith.constant 0 : i32
      %dma_start3A_18 = tpu.memref_slice %arg3[%dma_start3A_16, %dma_start3A_17] : memref<10000x16xf32, #tpu.memory_space<hbm>> -> memref<10000x16xf32, #tpu.memory_space<hbm>>
      tpu.enqueue_indirect_dma source(%dma_start3A_18 : memref<10000x16xf32, #tpu.memory_space<hbm>>) target(%arg12 : memref<128x16xf32, #tpu.memory_space<vmem>>) offsets(%dma_start3A_15 : memref<128xi32, #tpu.memory_space<vmem>>) semaphore(%arg16 : memref<!tpu.dma_semaphore, #tpu.memory_space<semaphore_mem>>)
      %scan3A = arith.constant 0 : i32
      %scan3A_19 = arith.constant 28 : i32
      %scan3A_20 = arith.addi %scan3A, %scan3A_19 : i32
      %scan3A_21 = arith.constant 1 : i32
      scf.for %scan3A_23 = %scan3A to %scan3A_20 step %scan3A_21  : i32 {
        %mul3A_24 = arith.constant 2 : i32
        %mul3A_25 = arith.muli %scan3A_23, %mul3A_24 : i32
        %add3A = arith.constant 0 : i32
        %add3A_26 = arith.addi %add3A, %mul3A_25 : i32
        %mul3A_27 = arith.constant 128 : i32
        %mul3A_28 = arith.muli %add3A_26, %mul3A_27 : i32
        %add3A_29 = arith.constant 128 : i32
        %add3A_30 = arith.addi %mul3A_28, %add3A_29 : i32
        %dma_start3A_31 = tpu.memref_slice %arg8[%add3A_30] : memref<7168xi32, #tpu.memory_space<vmem>> -> memref<128xi32, #tpu.memory_space<vmem>>
        %dma_start3A_32 = arith.constant 0 : i32
        %dma_start3A_33 = arith.constant 0 : i32
        %dma_start3A_34 = tpu.memref_slice %arg2[%dma_start3A_32, %dma_start3A_33] : memref<10000x16xf32, #tpu.memory_space<hbm>> -> memref<10000x16xf32, #tpu.memory_space<hbm>>
        tpu.enqueue_indirect_dma source(%dma_start3A_34 : memref<10000x16xf32, #tpu.memory_space<hbm>>) target(%arg11 : memref<128x16xf32, #tpu.memory_space<vmem>>) offsets(%dma_start3A_31 : memref<128xi32, #tpu.memory_space<vmem>>) semaphore(%arg15 : memref<!tpu.dma_semaphore, #tpu.memory_space<semaphore_mem>>)
        %add3A_35 = arith.constant 128 : i32
        %add3A_36 = arith.addi %mul3A_28, %add3A_35 : i32
        %dma_start3A_37 = tpu.memref_slice %arg9[%add3A_36] : memref<7168xi32, #tpu.memory_space<vmem>> -> memref<128xi32, #tpu.memory_space<vmem>>
        %dma_start3A_38 = arith.constant 0 : i32
        %dma_start3A_39 = arith.constant 0 : i32
        %dma_start3A_40 = tpu.memref_slice %arg3[%dma_start3A_38, %dma_start3A_39] : memref<10000x16xf32, #tpu.memory_space<hbm>> -> memref<10000x16xf32, #tpu.memory_space<hbm>>
        tpu.enqueue_indirect_dma source(%dma_start3A_40 : memref<10000x16xf32, #tpu.memory_space<hbm>>) target(%arg13 : memref<128x16xf32, #tpu.memory_space<vmem>>) offsets(%dma_start3A_37 : memref<128xi32, #tpu.memory_space<vmem>>) semaphore(%arg17 : memref<!tpu.dma_semaphore, #tpu.memory_space<semaphore_mem>>)
        %dma_wait3A = arith.constant 0 : i32
        %dma_wait3A_41 = arith.constant 0 : i32
        %dma_wait3A_42 = tpu.memref_slice %arg2[%dma_wait3A, %dma_wait3A_41] : memref<10000x16xf32, #tpu.memory_space<hbm>> -> memref<128x16xf32, #tpu.memory_space<hbm>>
        %dma_wait3A_43 = arith.constant 0 : i32
        %dma_wait3A_44 = arith.constant 0 : i32
        %dma_wait3A_45 = tpu.memref_slice %arg2[%dma_wait3A_43, %dma_wait3A_44] : memref<10000x16xf32, #tpu.memory_space<hbm>> -> memref<128x16xf32, #tpu.memory_space<hbm>>
        tpu.wait_dma2 semaphore(%arg14 : memref<!tpu.dma_semaphore, #tpu.memory_space<semaphore_mem>>) src(%dma_wait3A_45 : memref<128x16xf32, #tpu.memory_space<hbm>>) dst(%arg10 : memref<128x16xf32, #tpu.memory_space<vmem>>)
        %add3A_46 = arith.addi %mul3A_9, %mul3A_28 : i32
        "tpu.region"() ({
          %run_scoped3A = tpu.sem_alloc : memref<!tpu.dma_semaphore, #tpu.memory_space<semaphore_mem>>
          %dma_start3A_78 = arith.constant 0 : i32
          %dma_start3A_79 = tpu.memref_slice %arg6[%add3A_46, %dma_start3A_78] : memref<163840x16xf32, #tpu.memory_space<hbm>> -> memref<128x16xf32, #tpu.memory_space<hbm>>
          %dma_start3A_80 = arith.constant 0 : i32
          %dma_start3A_81 = tpu.memref_slice %arg6[%add3A_46, %dma_start3A_80] : memref<163840x16xf32, #tpu.memory_space<hbm>> -> memref<128x16xf32, #tpu.memory_space<hbm>>
          tpu.enqueue_dma source(%arg10 : memref<128x16xf32, #tpu.memory_space<vmem>>) target(%dma_start3A_81 : memref<128x16xf32, #tpu.memory_space<hbm>>) target_semaphore(%run_scoped3A : memref<!tpu.dma_semaphore, #tpu.memory_space<semaphore_mem>>)
          %dma_wait3A_82 = arith.constant 0 : i32
          %dma_wait3A_83 = tpu.memref_slice %arg6[%add3A_46, %dma_wait3A_82] : memref<163840x16xf32, #tpu.memory_space<hbm>> -> memref<128x16xf32, #tpu.memory_space<hbm>>
          %dma_wait3A_84 = arith.constant 0 : i32
          %dma_wait3A_85 = tpu.memref_slice %arg6[%add3A_46, %dma_wait3A_84] : memref<163840x16xf32, #tpu.memory_space<hbm>> -> memref<128x16xf32, #tpu.memory_space<hbm>>
          tpu.wait_dma2 semaphore(%run_scoped3A : memref<!tpu.dma_semaphore, #tpu.memory_space<semaphore_mem>>) src(%arg10 : memref<128x16xf32, #tpu.memory_space<vmem>>) dst(%dma_wait3A_85 : memref<128x16xf32, #tpu.memory_space<hbm>>)
          tpu.yield
        }) : () -> ()
        %dma_wait3A_47 = arith.constant 0 : i32
        %dma_wait3A_48 = arith.constant 0 : i32
        %dma_wait3A_49 = tpu.memref_slice %arg3[%dma_wait3A_47, %dma_wait3A_48] : memref<10000x16xf32, #tpu.memory_space<hbm>> -> memref<128x16xf32, #tpu.memory_space<hbm>>
        %dma_wait3A_50 = arith.constant 0 : i32
        %dma_wait3A_51 = arith.constant 0 : i32
        %dma_wait3A_52 = tpu.memref_slice %arg3[%dma_wait3A_50, %dma_wait3A_51] : memref<10000x16xf32, #tpu.memory_space<hbm>> -> memref<128x16xf32, #tpu.memory_space<hbm>>
        tpu.wait_dma2 semaphore(%arg16 : memref<!tpu.dma_semaphore, #tpu.memory_space<semaphore_mem>>) src(%dma_wait3A_52 : memref<128x16xf32, #tpu.memory_space<hbm>>) dst(%arg12 : memref<128x16xf32, #tpu.memory_space<vmem>>)
        %add3A_53 = arith.addi %mul3A_9, %mul3A_28 : i32
        "tpu.region"() ({
          %run_scoped3A = tpu.sem_alloc : memref<!tpu.dma_semaphore, #tpu.memory_space<semaphore_mem>>
          %dma_start3A_78 = arith.constant 0 : i32
          %dma_start3A_79 = tpu.memref_slice %arg7[%add3A_53, %dma_start3A_78] : memref<163840x16xf32, #tpu.memory_space<hbm>> -> memref<128x16xf32, #tpu.memory_space<hbm>>
          %dma_start3A_80 = arith.constant 0 : i32
          %dma_start3A_81 = tpu.memref_slice %arg7[%add3A_53, %dma_start3A_80] : memref<163840x16xf32, #tpu.memory_space<hbm>> -> memref<128x16xf32, #tpu.memory_space<hbm>>
          tpu.enqueue_dma source(%arg12 : memref<128x16xf32, #tpu.memory_space<vmem>>) target(%dma_start3A_81 : memref<128x16xf32, #tpu.memory_space<hbm>>) target_semaphore(%run_scoped3A : memref<!tpu.dma_semaphore, #tpu.memory_space<semaphore_mem>>)
          %dma_wait3A_82 = arith.constant 0 : i32
          %dma_wait3A_83 = tpu.memref_slice %arg7[%add3A_53, %dma_wait3A_82] : memref<163840x16xf32, #tpu.memory_space<hbm>> -> memref<128x16xf32, #tpu.memory_space<hbm>>
          %dma_wait3A_84 = arith.constant 0 : i32
          %dma_wait3A_85 = tpu.memref_slice %arg7[%add3A_53, %dma_wait3A_84] : memref<163840x16xf32, #tpu.memory_space<hbm>> -> memref<128x16xf32, #tpu.memory_space<hbm>>
          tpu.wait_dma2 semaphore(%run_scoped3A : memref<!tpu.dma_semaphore, #tpu.memory_space<semaphore_mem>>) src(%arg12 : memref<128x16xf32, #tpu.memory_space<vmem>>) dst(%dma_wait3A_85 : memref<128x16xf32, #tpu.memory_space<hbm>>)
          tpu.yield
        }) : () -> ()
        %add3A_54 = arith.constant 2 : i32
        %add3A_55 = arith.addi %add3A_26, %add3A_54 : i32
        %lt3A = arith.constant 56 : i32
        %lt3A_56 = arith.cmpi slt, %add3A_55, %lt3A : i32
        %convert_element_type3A_57 = arith.extui %lt3A_56 : i1 to i32
        %cond3A_58 = arith.constant 0 : i32
        %cond3A_59 = arith.cmpi ne, %convert_element_type3A_57, %cond3A_58 : i32
        scf.if %cond3A_59 {
          %add3A_78 = arith.constant 256 : i32
          %add3A_79 = arith.addi %mul3A_28, %add3A_78 : i32
          %dma_start3A_80 = tpu.memref_slice %arg8[%add3A_79] : memref<7168xi32, #tpu.memory_space<vmem>> -> memref<128xi32, #tpu.memory_space<vmem>>
          %dma_start3A_81 = arith.constant 0 : i32
          %dma_start3A_82 = arith.constant 0 : i32
          %dma_start3A_83 = tpu.memref_slice %arg2[%dma_start3A_81, %dma_start3A_82] : memref<10000x16xf32, #tpu.memory_space<hbm>> -> memref<10000x16xf32, #tpu.memory_space<hbm>>
          tpu.enqueue_indirect_dma source(%dma_start3A_83 : memref<10000x16xf32, #tpu.memory_space<hbm>>) target(%arg10 : memref<128x16xf32, #tpu.memory_space<vmem>>) offsets(%dma_start3A_80 : memref<128xi32, #tpu.memory_space<vmem>>) semaphore(%arg14 : memref<!tpu.dma_semaphore, #tpu.memory_space<semaphore_mem>>)
          %add3A_84 = arith.constant 256 : i32
          %add3A_85 = arith.addi %mul3A_28, %add3A_84 : i32
          %dma_start3A_86 = tpu.memref_slice %arg9[%add3A_85] : memref<7168xi32, #tpu.memory_space<vmem>> -> memref<128xi32, #tpu.memory_space<vmem>>
          %dma_start3A_87 = arith.constant 0 : i32
          %dma_start3A_88 = arith.constant 0 : i32
          %dma_start3A_89 = tpu.memref_slice %arg3[%dma_start3A_87, %dma_start3A_88] : memref<10000x16xf32, #tpu.memory_space<hbm>> -> memref<10000x16xf32, #tpu.memory_space<hbm>>
          tpu.enqueue_indirect_dma source(%dma_start3A_89 : memref<10000x16xf32, #tpu.memory_space<hbm>>) target(%arg12 : memref<128x16xf32, #tpu.memory_space<vmem>>) offsets(%dma_start3A_86 : memref<128xi32, #tpu.memory_space<vmem>>) semaphore(%arg16 : memref<!tpu.dma_semaphore, #tpu.memory_space<semaphore_mem>>)
        } else {
        }
        %dma_wait3A_60 = arith.constant 0 : i32
        %dma_wait3A_61 = arith.constant 0 : i32
        %dma_wait3A_62 = tpu.memref_slice %arg2[%dma_wait3A_60, %dma_wait3A_61] : memref<10000x16xf32, #tpu.memory_space<hbm>> -> memref<128x16xf32, #tpu.memory_space<hbm>>
        %dma_wait3A_63 = arith.constant 0 : i32
        %dma_wait3A_64 = arith.constant 0 : i32
        %dma_wait3A_65 = tpu.memref_slice %arg2[%dma_wait3A_63, %dma_wait3A_64] : memref<10000x16xf32, #tpu.memory_space<hbm>> -> memref<128x16xf32, #tpu.memory_space<hbm>>
        tpu.wait_dma2 semaphore(%arg15 : memref<!tpu.dma_semaphore, #tpu.memory_space<semaphore_mem>>) src(%dma_wait3A_65 : memref<128x16xf32, #tpu.memory_space<hbm>>) dst(%arg11 : memref<128x16xf32, #tpu.memory_space<vmem>>)
        %add3A_66 = arith.addi %mul3A_9, %mul3A_28 : i32
        %add3A_67 = arith.constant 128 : i32
        %add3A_68 = arith.addi %add3A_66, %add3A_67 : i32
        "tpu.region"() ({
          %run_scoped3A = tpu.sem_alloc : memref<!tpu.dma_semaphore, #tpu.memory_space<semaphore_mem>>
          %dma_start3A_78 = arith.constant 0 : i32
          %dma_start3A_79 = tpu.memref_slice %arg6[%add3A_68, %dma_start3A_78] : memref<163840x16xf32, #tpu.memory_space<hbm>> -> memref<128x16xf32, #tpu.memory_space<hbm>>
          %dma_start3A_80 = arith.constant 0 : i32
          %dma_start3A_81 = tpu.memref_slice %arg6[%add3A_68, %dma_start3A_80] : memref<163840x16xf32, #tpu.memory_space<hbm>> -> memref<128x16xf32, #tpu.memory_space<hbm>>
          tpu.enqueue_dma source(%arg11 : memref<128x16xf32, #tpu.memory_space<vmem>>) target(%dma_start3A_81 : memref<128x16xf32, #tpu.memory_space<hbm>>) target_semaphore(%run_scoped3A : memref<!tpu.dma_semaphore, #tpu.memory_space<semaphore_mem>>)
          %dma_wait3A_82 = arith.constant 0 : i32
          %dma_wait3A_83 = tpu.memref_slice %arg6[%add3A_68, %dma_wait3A_82] : memref<163840x16xf32, #tpu.memory_space<hbm>> -> memref<128x16xf32, #tpu.memory_space<hbm>>
          %dma_wait3A_84 = arith.constant 0 : i32
          %dma_wait3A_85 = tpu.memref_slice %arg6[%add3A_68, %dma_wait3A_84] : memref<163840x16xf32, #tpu.memory_space<hbm>> -> memref<128x16xf32, #tpu.memory_space<hbm>>
          tpu.wait_dma2 semaphore(%run_scoped3A : memref<!tpu.dma_semaphore, #tpu.memory_space<semaphore_mem>>) src(%arg11 : memref<128x16xf32, #tpu.memory_space<vmem>>) dst(%dma_wait3A_85 : memref<128x16xf32, #tpu.memory_space<hbm>>)
          tpu.yield
        }) : () -> ()
        %dma_wait3A_69 = arith.constant 0 : i32
        %dma_wait3A_70 = arith.constant 0 : i32
        %dma_wait3A_71 = tpu.memref_slice %arg3[%dma_wait3A_69, %dma_wait3A_70] : memref<10000x16xf32, #tpu.memory_space<hbm>> -> memref<128x16xf32, #tpu.memory_space<hbm>>
        %dma_wait3A_72 = arith.constant 0 : i32
        %dma_wait3A_73 = arith.constant 0 : i32
        %dma_wait3A_74 = tpu.memref_slice %arg3[%dma_wait3A_72, %dma_wait3A_73] : memref<10000x16xf32, #tpu.memory_space<hbm>> -> memref<128x16xf32, #tpu.memory_space<hbm>>
        tpu.wait_dma2 semaphore(%arg17 : memref<!tpu.dma_semaphore, #tpu.memory_space<semaphore_mem>>) src(%dma_wait3A_74 : memref<128x16xf32, #tpu.memory_space<hbm>>) dst(%arg13 : memref<128x16xf32, #tpu.memory_space<vmem>>)
        %add3A_75 = arith.addi %mul3A_9, %mul3A_28 : i32
        %add3A_76 = arith.constant 128 : i32
        %add3A_77 = arith.addi %add3A_75, %add3A_76 : i32
        "tpu.region"() ({
          %run_scoped3A = tpu.sem_alloc : memref<!tpu.dma_semaphore, #tpu.memory_space<semaphore_mem>>
          %dma_start3A_78 = arith.constant 0 : i32
          %dma_start3A_79 = tpu.memref_slice %arg7[%add3A_77, %dma_start3A_78] : memref<163840x16xf32, #tpu.memory_space<hbm>> -> memref<128x16xf32, #tpu.memory_space<hbm>>
          %dma_start3A_80 = arith.constant 0 : i32
          %dma_start3A_81 = tpu.memref_slice %arg7[%add3A_77, %dma_start3A_80] : memref<163840x16xf32, #tpu.memory_space<hbm>> -> memref<128x16xf32, #tpu.memory_space<hbm>>
          tpu.enqueue_dma source(%arg13 : memref<128x16xf32, #tpu.memory_space<vmem>>) target(%dma_start3A_81 : memref<128x16xf32, #tpu.memory_space<hbm>>) target_semaphore(%run_scoped3A : memref<!tpu.dma_semaphore, #tpu.memory_space<semaphore_mem>>)
          %dma_wait3A_82 = arith.constant 0 : i32
          %dma_wait3A_83 = tpu.memref_slice %arg7[%add3A_77, %dma_wait3A_82] : memref<163840x16xf32, #tpu.memory_space<hbm>> -> memref<128x16xf32, #tpu.memory_space<hbm>>
          %dma_wait3A_84 = arith.constant 0 : i32
          %dma_wait3A_85 = tpu.memref_slice %arg7[%add3A_77, %dma_wait3A_84] : memref<163840x16xf32, #tpu.memory_space<hbm>> -> memref<128x16xf32, #tpu.memory_space<hbm>>
          tpu.wait_dma2 semaphore(%run_scoped3A : memref<!tpu.dma_semaphore, #tpu.memory_space<semaphore_mem>>) src(%arg13 : memref<128x16xf32, #tpu.memory_space<vmem>>) dst(%dma_wait3A_85 : memref<128x16xf32, #tpu.memory_space<hbm>>)
          tpu.yield
        }) : () -> ()
      }
      %scan3A_22 = arith.constant 28 : i32
    } else {
    }
    %eq3A_2 = arith.constant 1 : i32
    %eq3A_3 = arith.cmpi eq, %arg0, %eq3A_2 : i32
    %convert_element_type3A_4 = arith.extui %eq3A_3 : i1 to i32
    %cond3A_5 = arith.constant 0 : i32
    %cond3A_6 = arith.cmpi ne, %convert_element_type3A_4, %cond3A_5 : i32
    scf.if %cond3A_6 {
      %mul3A = arith.constant 24 : i32
      %mul3A_7 = arith.muli %arg1, %mul3A : i32
      %mul3A_8 = arith.constant 128 : i32
      %mul3A_9 = arith.muli %mul3A_7, %mul3A_8 : i32
      %add3A = arith.constant 114688 : i32
      %add3A_10 = arith.addi %add3A, %mul3A_9 : i32
      "tpu.region"() ({
        %run_scoped3A = tpu.sem_alloc : memref<!tpu.dma_semaphore, #tpu.memory_space<semaphore_mem>>
        %dma_start3A_24 = arith.constant 0 : i32
        %dma_start3A_25 = tpu.memref_slice %arg8[%dma_start3A_24] : memref<7168xi32, #tpu.memory_space<vmem>> -> memref<3072xi32, #tpu.memory_space<vmem>>
        %dma_start3A_26 = tpu.memref_slice %arg4[%add3A_10] : memref<163840xi32, #tpu.memory_space<hbm>> -> memref<3072xi32, #tpu.memory_space<hbm>>
        %dma_start3A_27 = arith.constant 0 : i32
        %dma_start3A_28 = tpu.memref_slice %arg8[%dma_start3A_27] : memref<7168xi32, #tpu.memory_space<vmem>> -> memref<3072xi32, #tpu.memory_space<vmem>>
        %dma_start3A_29 = tpu.memref_slice %arg4[%add3A_10] : memref<163840xi32, #tpu.memory_space<hbm>> -> memref<3072xi32, #tpu.memory_space<hbm>>
        tpu.enqueue_dma source(%dma_start3A_29 : memref<3072xi32, #tpu.memory_space<hbm>>) target(%dma_start3A_28 : memref<3072xi32, #tpu.memory_space<vmem>>) target_semaphore(%run_scoped3A : memref<!tpu.dma_semaphore, #tpu.memory_space<semaphore_mem>>)
        %dma_wait3A = arith.constant 0 : i32
        %dma_wait3A_30 = tpu.memref_slice %arg8[%dma_wait3A] : memref<7168xi32, #tpu.memory_space<vmem>> -> memref<3072xi32, #tpu.memory_space<vmem>>
        %dma_wait3A_31 = tpu.memref_slice %arg4[%add3A_10] : memref<163840xi32, #tpu.memory_space<hbm>> -> memref<3072xi32, #tpu.memory_space<hbm>>
        %dma_wait3A_32 = arith.constant 0 : i32
        %dma_wait3A_33 = tpu.memref_slice %arg8[%dma_wait3A_32] : memref<7168xi32, #tpu.memory_space<vmem>> -> memref<3072xi32, #tpu.memory_space<vmem>>
        %dma_wait3A_34 = tpu.memref_slice %arg4[%add3A_10] : memref<163840xi32, #tpu.memory_space<hbm>> -> memref<3072xi32, #tpu.memory_space<hbm>>
        tpu.wait_dma2 semaphore(%run_scoped3A : memref<!tpu.dma_semaphore, #tpu.memory_space<semaphore_mem>>) src(%dma_wait3A_34 : memref<3072xi32, #tpu.memory_space<hbm>>) dst(%dma_wait3A_33 : memref<3072xi32, #tpu.memory_space<vmem>>)
        tpu.yield
      }) : () -> ()
      "tpu.region"() ({
        %run_scoped3A = tpu.sem_alloc : memref<!tpu.dma_semaphore, #tpu.memory_space<semaphore_mem>>
        %dma_start3A_24 = arith.constant 0 : i32
        %dma_start3A_25 = tpu.memref_slice %arg9[%dma_start3A_24] : memref<7168xi32, #tpu.memory_space<vmem>> -> memref<3072xi32, #tpu.memory_space<vmem>>
        %dma_start3A_26 = tpu.memref_slice %arg5[%add3A_10] : memref<163840xi32, #tpu.memory_space<hbm>> -> memref<3072xi32, #tpu.memory_space<hbm>>
        %dma_start3A_27 = arith.constant 0 : i32
        %dma_start3A_28 = tpu.memref_slice %arg9[%dma_start3A_27] : memref<7168xi32, #tpu.memory_space<vmem>> -> memref<3072xi32, #tpu.memory_space<vmem>>
        %dma_start3A_29 = tpu.memref_slice %arg5[%add3A_10] : memref<163840xi32, #tpu.memory_space<hbm>> -> memref<3072xi32, #tpu.memory_space<hbm>>
        tpu.enqueue_dma source(%dma_start3A_29 : memref<3072xi32, #tpu.memory_space<hbm>>) target(%dma_start3A_28 : memref<3072xi32, #tpu.memory_space<vmem>>) target_semaphore(%run_scoped3A : memref<!tpu.dma_semaphore, #tpu.memory_space<semaphore_mem>>)
        %dma_wait3A = arith.constant 0 : i32
        %dma_wait3A_30 = tpu.memref_slice %arg9[%dma_wait3A] : memref<7168xi32, #tpu.memory_space<vmem>> -> memref<3072xi32, #tpu.memory_space<vmem>>
        %dma_wait3A_31 = tpu.memref_slice %arg5[%add3A_10] : memref<163840xi32, #tpu.memory_space<hbm>> -> memref<3072xi32, #tpu.memory_space<hbm>>
        %dma_wait3A_32 = arith.constant 0 : i32
        %dma_wait3A_33 = tpu.memref_slice %arg9[%dma_wait3A_32] : memref<7168xi32, #tpu.memory_space<vmem>> -> memref<3072xi32, #tpu.memory_space<vmem>>
        %dma_wait3A_34 = tpu.memref_slice %arg5[%add3A_10] : memref<163840xi32, #tpu.memory_space<hbm>> -> memref<3072xi32, #tpu.memory_space<hbm>>
        tpu.wait_dma2 semaphore(%run_scoped3A : memref<!tpu.dma_semaphore, #tpu.memory_space<semaphore_mem>>) src(%dma_wait3A_34 : memref<3072xi32, #tpu.memory_space<hbm>>) dst(%dma_wait3A_33 : memref<3072xi32, #tpu.memory_space<vmem>>)
        tpu.yield
      }) : () -> ()
      %dma_start3A = arith.constant 0 : i32
      %dma_start3A_11 = tpu.memref_slice %arg8[%dma_start3A] : memref<7168xi32, #tpu.memory_space<vmem>> -> memref<128xi32, #tpu.memory_space<vmem>>
      %dma_start3A_12 = arith.constant 0 : i32
      %dma_start3A_13 = arith.constant 0 : i32
      %dma_start3A_14 = tpu.memref_slice %arg2[%dma_start3A_12, %dma_start3A_13] : memref<10000x16xf32, #tpu.memory_space<hbm>> -> memref<10000x16xf32, #tpu.memory_space<hbm>>
      tpu.enqueue_indirect_dma source(%dma_start3A_14 : memref<10000x16xf32, #tpu.memory_space<hbm>>) target(%arg10 : memref<128x16xf32, #tpu.memory_space<vmem>>) offsets(%dma_start3A_11 : memref<128xi32, #tpu.memory_space<vmem>>) semaphore(%arg14 : memref<!tpu.dma_semaphore, #tpu.memory_space<semaphore_mem>>)
      %dma_start3A_15 = arith.constant 0 : i32
      %dma_start3A_16 = tpu.memref_slice %arg9[%dma_start3A_15] : memref<7168xi32, #tpu.memory_space<vmem>> -> memref<128xi32, #tpu.memory_space<vmem>>
      %dma_start3A_17 = arith.constant 0 : i32
      %dma_start3A_18 = arith.constant 0 : i32
      %dma_start3A_19 = tpu.memref_slice %arg3[%dma_start3A_17, %dma_start3A_18] : memref<10000x16xf32, #tpu.memory_space<hbm>> -> memref<10000x16xf32, #tpu.memory_space<hbm>>
      tpu.enqueue_indirect_dma source(%dma_start3A_19 : memref<10000x16xf32, #tpu.memory_space<hbm>>) target(%arg12 : memref<128x16xf32, #tpu.memory_space<vmem>>) offsets(%dma_start3A_16 : memref<128xi32, #tpu.memory_space<vmem>>) semaphore(%arg16 : memref<!tpu.dma_semaphore, #tpu.memory_space<semaphore_mem>>)
      %scan3A = arith.constant 0 : i32
      %scan3A_20 = arith.constant 12 : i32
      %scan3A_21 = arith.addi %scan3A, %scan3A_20 : i32
      %scan3A_22 = arith.constant 1 : i32
      scf.for %scan3A_24 = %scan3A to %scan3A_21 step %scan3A_22  : i32 {
        %mul3A_25 = arith.constant 2 : i32
        %mul3A_26 = arith.muli %scan3A_24, %mul3A_25 : i32
        %add3A_27 = arith.constant 0 : i32
        %add3A_28 = arith.addi %add3A_27, %mul3A_26 : i32
        %mul3A_29 = arith.constant 128 : i32
        %mul3A_30 = arith.muli %add3A_28, %mul3A_29 : i32
        %add3A_31 = arith.constant 128 : i32
        %add3A_32 = arith.addi %mul3A_30, %add3A_31 : i32
        %dma_start3A_33 = tpu.memref_slice %arg8[%add3A_32] : memref<7168xi32, #tpu.memory_space<vmem>> -> memref<128xi32, #tpu.memory_space<vmem>>
        %dma_start3A_34 = arith.constant 0 : i32
        %dma_start3A_35 = arith.constant 0 : i32
        %dma_start3A_36 = tpu.memref_slice %arg2[%dma_start3A_34, %dma_start3A_35] : memref<10000x16xf32, #tpu.memory_space<hbm>> -> memref<10000x16xf32, #tpu.memory_space<hbm>>
        tpu.enqueue_indirect_dma source(%dma_start3A_36 : memref<10000x16xf32, #tpu.memory_space<hbm>>) target(%arg11 : memref<128x16xf32, #tpu.memory_space<vmem>>) offsets(%dma_start3A_33 : memref<128xi32, #tpu.memory_space<vmem>>) semaphore(%arg15 : memref<!tpu.dma_semaphore, #tpu.memory_space<semaphore_mem>>)
        %add3A_37 = arith.constant 128 : i32
        %add3A_38 = arith.addi %mul3A_30, %add3A_37 : i32
        %dma_start3A_39 = tpu.memref_slice %arg9[%add3A_38] : memref<7168xi32, #tpu.memory_space<vmem>> -> memref<128xi32, #tpu.memory_space<vmem>>
        %dma_start3A_40 = arith.constant 0 : i32
        %dma_start3A_41 = arith.constant 0 : i32
        %dma_start3A_42 = tpu.memref_slice %arg3[%dma_start3A_40, %dma_start3A_41] : memref<10000x16xf32, #tpu.memory_space<hbm>> -> memref<10000x16xf32, #tpu.memory_space<hbm>>
        tpu.enqueue_indirect_dma source(%dma_start3A_42 : memref<10000x16xf32, #tpu.memory_space<hbm>>) target(%arg13 : memref<128x16xf32, #tpu.memory_space<vmem>>) offsets(%dma_start3A_39 : memref<128xi32, #tpu.memory_space<vmem>>) semaphore(%arg17 : memref<!tpu.dma_semaphore, #tpu.memory_space<semaphore_mem>>)
        %dma_wait3A = arith.constant 0 : i32
        %dma_wait3A_43 = arith.constant 0 : i32
        %dma_wait3A_44 = tpu.memref_slice %arg2[%dma_wait3A, %dma_wait3A_43] : memref<10000x16xf32, #tpu.memory_space<hbm>> -> memref<128x16xf32, #tpu.memory_space<hbm>>
        %dma_wait3A_45 = arith.constant 0 : i32
        %dma_wait3A_46 = arith.constant 0 : i32
        %dma_wait3A_47 = tpu.memref_slice %arg2[%dma_wait3A_45, %dma_wait3A_46] : memref<10000x16xf32, #tpu.memory_space<hbm>> -> memref<128x16xf32, #tpu.memory_space<hbm>>
        tpu.wait_dma2 semaphore(%arg14 : memref<!tpu.dma_semaphore, #tpu.memory_space<semaphore_mem>>) src(%dma_wait3A_47 : memref<128x16xf32, #tpu.memory_space<hbm>>) dst(%arg10 : memref<128x16xf32, #tpu.memory_space<vmem>>)
        %add3A_48 = arith.addi %add3A_10, %mul3A_30 : i32
        "tpu.region"() ({
          %run_scoped3A = tpu.sem_alloc : memref<!tpu.dma_semaphore, #tpu.memory_space<semaphore_mem>>
          %dma_start3A_80 = arith.constant 0 : i32
          %dma_start3A_81 = tpu.memref_slice %arg6[%add3A_48, %dma_start3A_80] : memref<163840x16xf32, #tpu.memory_space<hbm>> -> memref<128x16xf32, #tpu.memory_space<hbm>>
          %dma_start3A_82 = arith.constant 0 : i32
          %dma_start3A_83 = tpu.memref_slice %arg6[%add3A_48, %dma_start3A_82] : memref<163840x16xf32, #tpu.memory_space<hbm>> -> memref<128x16xf32, #tpu.memory_space<hbm>>
          tpu.enqueue_dma source(%arg10 : memref<128x16xf32, #tpu.memory_space<vmem>>) target(%dma_start3A_83 : memref<128x16xf32, #tpu.memory_space<hbm>>) target_semaphore(%run_scoped3A : memref<!tpu.dma_semaphore, #tpu.memory_space<semaphore_mem>>)
          %dma_wait3A_84 = arith.constant 0 : i32
          %dma_wait3A_85 = tpu.memref_slice %arg6[%add3A_48, %dma_wait3A_84] : memref<163840x16xf32, #tpu.memory_space<hbm>> -> memref<128x16xf32, #tpu.memory_space<hbm>>
          %dma_wait3A_86 = arith.constant 0 : i32
          %dma_wait3A_87 = tpu.memref_slice %arg6[%add3A_48, %dma_wait3A_86] : memref<163840x16xf32, #tpu.memory_space<hbm>> -> memref<128x16xf32, #tpu.memory_space<hbm>>
          tpu.wait_dma2 semaphore(%run_scoped3A : memref<!tpu.dma_semaphore, #tpu.memory_space<semaphore_mem>>) src(%arg10 : memref<128x16xf32, #tpu.memory_space<vmem>>) dst(%dma_wait3A_87 : memref<128x16xf32, #tpu.memory_space<hbm>>)
          tpu.yield
        }) : () -> ()
        %dma_wait3A_49 = arith.constant 0 : i32
        %dma_wait3A_50 = arith.constant 0 : i32
        %dma_wait3A_51 = tpu.memref_slice %arg3[%dma_wait3A_49, %dma_wait3A_50] : memref<10000x16xf32, #tpu.memory_space<hbm>> -> memref<128x16xf32, #tpu.memory_space<hbm>>
        %dma_wait3A_52 = arith.constant 0 : i32
        %dma_wait3A_53 = arith.constant 0 : i32
        %dma_wait3A_54 = tpu.memref_slice %arg3[%dma_wait3A_52, %dma_wait3A_53] : memref<10000x16xf32, #tpu.memory_space<hbm>> -> memref<128x16xf32, #tpu.memory_space<hbm>>
        tpu.wait_dma2 semaphore(%arg16 : memref<!tpu.dma_semaphore, #tpu.memory_space<semaphore_mem>>) src(%dma_wait3A_54 : memref<128x16xf32, #tpu.memory_space<hbm>>) dst(%arg12 : memref<128x16xf32, #tpu.memory_space<vmem>>)
        %add3A_55 = arith.addi %add3A_10, %mul3A_30 : i32
        "tpu.region"() ({
          %run_scoped3A = tpu.sem_alloc : memref<!tpu.dma_semaphore, #tpu.memory_space<semaphore_mem>>
          %dma_start3A_80 = arith.constant 0 : i32
          %dma_start3A_81 = tpu.memref_slice %arg7[%add3A_55, %dma_start3A_80] : memref<163840x16xf32, #tpu.memory_space<hbm>> -> memref<128x16xf32, #tpu.memory_space<hbm>>
          %dma_start3A_82 = arith.constant 0 : i32
          %dma_start3A_83 = tpu.memref_slice %arg7[%add3A_55, %dma_start3A_82] : memref<163840x16xf32, #tpu.memory_space<hbm>> -> memref<128x16xf32, #tpu.memory_space<hbm>>
          tpu.enqueue_dma source(%arg12 : memref<128x16xf32, #tpu.memory_space<vmem>>) target(%dma_start3A_83 : memref<128x16xf32, #tpu.memory_space<hbm>>) target_semaphore(%run_scoped3A : memref<!tpu.dma_semaphore, #tpu.memory_space<semaphore_mem>>)
          %dma_wait3A_84 = arith.constant 0 : i32
          %dma_wait3A_85 = tpu.memref_slice %arg7[%add3A_55, %dma_wait3A_84] : memref<163840x16xf32, #tpu.memory_space<hbm>> -> memref<128x16xf32, #tpu.memory_space<hbm>>
          %dma_wait3A_86 = arith.constant 0 : i32
          %dma_wait3A_87 = tpu.memref_slice %arg7[%add3A_55, %dma_wait3A_86] : memref<163840x16xf32, #tpu.memory_space<hbm>> -> memref<128x16xf32, #tpu.memory_space<hbm>>
          tpu.wait_dma2 semaphore(%run_scoped3A : memref<!tpu.dma_semaphore, #tpu.memory_space<semaphore_mem>>) src(%arg12 : memref<128x16xf32, #tpu.memory_space<vmem>>) dst(%dma_wait3A_87 : memref<128x16xf32, #tpu.memory_space<hbm>>)
          tpu.yield
        }) : () -> ()
        %add3A_56 = arith.constant 2 : i32
        %add3A_57 = arith.addi %add3A_28, %add3A_56 : i32
        %lt3A = arith.constant 24 : i32
        %lt3A_58 = arith.cmpi slt, %add3A_57, %lt3A : i32
        %convert_element_type3A_59 = arith.extui %lt3A_58 : i1 to i32
        %cond3A_60 = arith.constant 0 : i32
        %cond3A_61 = arith.cmpi ne, %convert_element_type3A_59, %cond3A_60 : i32
        scf.if %cond3A_61 {
          %add3A_80 = arith.constant 256 : i32
          %add3A_81 = arith.addi %mul3A_30, %add3A_80 : i32
          %dma_start3A_82 = tpu.memref_slice %arg8[%add3A_81] : memref<7168xi32, #tpu.memory_space<vmem>> -> memref<128xi32, #tpu.memory_space<vmem>>
          %dma_start3A_83 = arith.constant 0 : i32
          %dma_start3A_84 = arith.constant 0 : i32
          %dma_start3A_85 = tpu.memref_slice %arg2[%dma_start3A_83, %dma_start3A_84] : memref<10000x16xf32, #tpu.memory_space<hbm>> -> memref<10000x16xf32, #tpu.memory_space<hbm>>
          tpu.enqueue_indirect_dma source(%dma_start3A_85 : memref<10000x16xf32, #tpu.memory_space<hbm>>) target(%arg10 : memref<128x16xf32, #tpu.memory_space<vmem>>) offsets(%dma_start3A_82 : memref<128xi32, #tpu.memory_space<vmem>>) semaphore(%arg14 : memref<!tpu.dma_semaphore, #tpu.memory_space<semaphore_mem>>)
          %add3A_86 = arith.constant 256 : i32
          %add3A_87 = arith.addi %mul3A_30, %add3A_86 : i32
          %dma_start3A_88 = tpu.memref_slice %arg9[%add3A_87] : memref<7168xi32, #tpu.memory_space<vmem>> -> memref<128xi32, #tpu.memory_space<vmem>>
          %dma_start3A_89 = arith.constant 0 : i32
          %dma_start3A_90 = arith.constant 0 : i32
          %dma_start3A_91 = tpu.memref_slice %arg3[%dma_start3A_89, %dma_start3A_90] : memref<10000x16xf32, #tpu.memory_space<hbm>> -> memref<10000x16xf32, #tpu.memory_space<hbm>>
          tpu.enqueue_indirect_dma source(%dma_start3A_91 : memref<10000x16xf32, #tpu.memory_space<hbm>>) target(%arg12 : memref<128x16xf32, #tpu.memory_space<vmem>>) offsets(%dma_start3A_88 : memref<128xi32, #tpu.memory_space<vmem>>) semaphore(%arg16 : memref<!tpu.dma_semaphore, #tpu.memory_space<semaphore_mem>>)
        } else {
        }
        %dma_wait3A_62 = arith.constant 0 : i32
        %dma_wait3A_63 = arith.constant 0 : i32
        %dma_wait3A_64 = tpu.memref_slice %arg2[%dma_wait3A_62, %dma_wait3A_63] : memref<10000x16xf32, #tpu.memory_space<hbm>> -> memref<128x16xf32, #tpu.memory_space<hbm>>
        %dma_wait3A_65 = arith.constant 0 : i32
        %dma_wait3A_66 = arith.constant 0 : i32
        %dma_wait3A_67 = tpu.memref_slice %arg2[%dma_wait3A_65, %dma_wait3A_66] : memref<10000x16xf32, #tpu.memory_space<hbm>> -> memref<128x16xf32, #tpu.memory_space<hbm>>
        tpu.wait_dma2 semaphore(%arg15 : memref<!tpu.dma_semaphore, #tpu.memory_space<semaphore_mem>>) src(%dma_wait3A_67 : memref<128x16xf32, #tpu.memory_space<hbm>>) dst(%arg11 : memref<128x16xf32, #tpu.memory_space<vmem>>)
        %add3A_68 = arith.addi %add3A_10, %mul3A_30 : i32
        %add3A_69 = arith.constant 128 : i32
        %add3A_70 = arith.addi %add3A_68, %add3A_69 : i32
        "tpu.region"() ({
          %run_scoped3A = tpu.sem_alloc : memref<!tpu.dma_semaphore, #tpu.memory_space<semaphore_mem>>
          %dma_start3A_80 = arith.constant 0 : i32
          %dma_start3A_81 = tpu.memref_slice %arg6[%add3A_70, %dma_start3A_80] : memref<163840x16xf32, #tpu.memory_space<hbm>> -> memref<128x16xf32, #tpu.memory_space<hbm>>
          %dma_start3A_82 = arith.constant 0 : i32
          %dma_start3A_83 = tpu.memref_slice %arg6[%add3A_70, %dma_start3A_82] : memref<163840x16xf32, #tpu.memory_space<hbm>> -> memref<128x16xf32, #tpu.memory_space<hbm>>
          tpu.enqueue_dma source(%arg11 : memref<128x16xf32, #tpu.memory_space<vmem>>) target(%dma_start3A_83 : memref<128x16xf32, #tpu.memory_space<hbm>>) target_semaphore(%run_scoped3A : memref<!tpu.dma_semaphore, #tpu.memory_space<semaphore_mem>>)
          %dma_wait3A_84 = arith.constant 0 : i32
          %dma_wait3A_85 = tpu.memref_slice %arg6[%add3A_70, %dma_wait3A_84] : memref<163840x16xf32, #tpu.memory_space<hbm>> -> memref<128x16xf32, #tpu.memory_space<hbm>>
          %dma_wait3A_86 = arith.constant 0 : i32
          %dma_wait3A_87 = tpu.memref_slice %arg6[%add3A_70, %dma_wait3A_86] : memref<163840x16xf32, #tpu.memory_space<hbm>> -> memref<128x16xf32, #tpu.memory_space<hbm>>
          tpu.wait_dma2 semaphore(%run_scoped3A : memref<!tpu.dma_semaphore, #tpu.memory_space<semaphore_mem>>) src(%arg11 : memref<128x16xf32, #tpu.memory_space<vmem>>) dst(%dma_wait3A_87 : memref<128x16xf32, #tpu.memory_space<hbm>>)
          tpu.yield
        }) : () -> ()
        %dma_wait3A_71 = arith.constant 0 : i32
        %dma_wait3A_72 = arith.constant 0 : i32
        %dma_wait3A_73 = tpu.memref_slice %arg3[%dma_wait3A_71, %dma_wait3A_72] : memref<10000x16xf32, #tpu.memory_space<hbm>> -> memref<128x16xf32, #tpu.memory_space<hbm>>
        %dma_wait3A_74 = arith.constant 0 : i32
        %dma_wait3A_75 = arith.constant 0 : i32
        %dma_wait3A_76 = tpu.memref_slice %arg3[%dma_wait3A_74, %dma_wait3A_75] : memref<10000x16xf32, #tpu.memory_space<hbm>> -> memref<128x16xf32, #tpu.memory_space<hbm>>
        tpu.wait_dma2 semaphore(%arg17 : memref<!tpu.dma_semaphore, #tpu.memory_space<semaphore_mem>>) src(%dma_wait3A_76 : memref<128x16xf32, #tpu.memory_space<hbm>>) dst(%arg13 : memref<128x16xf32, #tpu.memory_space<vmem>>)
        %add3A_77 = arith.addi %add3A_10, %mul3A_30 : i32
        %add3A_78 = arith.constant 128 : i32
        %add3A_79 = arith.addi %add3A_77, %add3A_78 : i32
        "tpu.region"() ({
          %run_scoped3A = tpu.sem_alloc : memref<!tpu.dma_semaphore, #tpu.memory_space<semaphore_mem>>
          %dma_start3A_80 = arith.constant 0 : i32
          %dma_start3A_81 = tpu.memref_slice %arg7[%add3A_79, %dma_start3A_80] : memref<163840x16xf32, #tpu.memory_space<hbm>> -> memref<128x16xf32, #tpu.memory_space<hbm>>
          %dma_start3A_82 = arith.constant 0 : i32
          %dma_start3A_83 = tpu.memref_slice %arg7[%add3A_79, %dma_start3A_82] : memref<163840x16xf32, #tpu.memory_space<hbm>> -> memref<128x16xf32, #tpu.memory_space<hbm>>
          tpu.enqueue_dma source(%arg13 : memref<128x16xf32, #tpu.memory_space<vmem>>) target(%dma_start3A_83 : memref<128x16xf32, #tpu.memory_space<hbm>>) target_semaphore(%run_scoped3A : memref<!tpu.dma_semaphore, #tpu.memory_space<semaphore_mem>>)
          %dma_wait3A_84 = arith.constant 0 : i32
          %dma_wait3A_85 = tpu.memref_slice %arg7[%add3A_79, %dma_wait3A_84] : memref<163840x16xf32, #tpu.memory_space<hbm>> -> memref<128x16xf32, #tpu.memory_space<hbm>>
          %dma_wait3A_86 = arith.constant 0 : i32
          %dma_wait3A_87 = tpu.memref_slice %arg7[%add3A_79, %dma_wait3A_86] : memref<163840x16xf32, #tpu.memory_space<hbm>> -> memref<128x16xf32, #tpu.memory_space<hbm>>
          tpu.wait_dma2 semaphore(%run_scoped3A : memref<!tpu.dma_semaphore, #tpu.memory_space<semaphore_mem>>) src(%arg13 : memref<128x16xf32, #tpu.memory_space<vmem>>) dst(%dma_wait3A_87 : memref<128x16xf32, #tpu.memory_space<hbm>>)
          tpu.yield
        }) : () -> ()
      }
      %scan3A_23 = arith.constant 12 : i32
    } else {
    }
    return
  }
}

#map = affine_map<(d0, d1) -> (0, 0)>
#map1 = affine_map<(d0, d1) -> (0)>
#map2 = affine_map<(d0, d1) -> (0, 0, 0)>
module attributes {stable_mosaic.version = 14 : i64} {
  func.func @k(%arg0: i32, %arg1: i32, %arg2: memref<163840x32xf32, #tpu.memory_space<hbm>>, %arg3: memref<163840xi32, #tpu.memory_space<hbm>>, %arg4: memref<10000x32xf32, #tpu.memory_space<hbm>>, %arg5: memref<2x10000x32xf32, #tpu.memory_space<hbm>>, %arg6: memref<128xi32, #tpu.memory_space<vmem>>, %arg7: memref<128xi32, #tpu.memory_space<vmem>>, %arg8: memref<128x32xf32, #tpu.memory_space<vmem>>, %arg9: memref<128x32xf32, #tpu.memory_space<vmem>>, %arg10: memref<10000x32xf32, #tpu.memory_space<vmem_shared>>, %arg11: memref<!tpu.dma_semaphore, #tpu.memory_space<semaphore_mem>>, %arg12: memref<!tpu.dma_semaphore, #tpu.memory_space<semaphore_mem>>) attributes {dimension_semantics = [#tpu.dimension_semantics<core_parallel>, #tpu.dimension_semantics<subcore_parallel>], iteration_bounds = array<i64: 2, 16>, scalar_prefetch = 0 : i64, scratch_operands = 7 : i64, tpu.core_type = #tpu.core_type<sc_vector_subcore>, window_params = [{transform_indices = #map}, {transform_indices = #map1}, {transform_indices = #map}, {transform_indices = #map2}]} {
    %mul3A = arith.constant 2 : i32
    %mul3A_0 = arith.muli %arg1, %mul3A : i32
    %add3A = arith.addi %mul3A_0, %arg0 : i32
    %mul3A_1 = arith.constant 625 : i32
    %mul3A_2 = arith.muli %arg1, %mul3A_1 : i32
    %mul3A_3 = arith.constant 625 : i32
    %mul3A_4 = arith.muli %arg1, %mul3A_3 : i32
    "tpu.region"() ({
      %run_scoped3A = tpu.sem_alloc : memref<!tpu.dma_semaphore, #tpu.memory_space<semaphore_mem>>
      %dma_start3A_19 = arith.constant 0 : i32
      %dma_start3A_20 = tpu.memref_slice %arg10[%mul3A_4, %dma_start3A_19] : memref<10000x32xf32, #tpu.memory_space<vmem_shared>> -> memref<625x32xf32, #tpu.memory_space<vmem_shared>>
      %dma_start3A_21 = arith.constant 0 : i32
      %dma_start3A_22 = tpu.memref_slice %arg4[%mul3A_2, %dma_start3A_21] : memref<10000x32xf32, #tpu.memory_space<hbm>> -> memref<625x32xf32, #tpu.memory_space<hbm>>
      tpu.enqueue_dma source(%dma_start3A_22 : memref<625x32xf32, #tpu.memory_space<hbm>>) target(%dma_start3A_20 : memref<625x32xf32, #tpu.memory_space<vmem_shared>>) target_semaphore(%run_scoped3A : memref<!tpu.dma_semaphore, #tpu.memory_space<semaphore_mem>>)
      %dma_wait3A = arith.constant 0 : i32
      %dma_wait3A_23 = tpu.memref_slice %arg10[%mul3A_4, %dma_wait3A] : memref<10000x32xf32, #tpu.memory_space<vmem_shared>> -> memref<625x32xf32, #tpu.memory_space<vmem_shared>>
      %dma_wait3A_24 = arith.constant 0 : i32
      %dma_wait3A_25 = tpu.memref_slice %arg4[%mul3A_2, %dma_wait3A_24] : memref<10000x32xf32, #tpu.memory_space<hbm>> -> memref<625x32xf32, #tpu.memory_space<hbm>>
      tpu.wait_dma2 semaphore(%run_scoped3A : memref<!tpu.dma_semaphore, #tpu.memory_space<semaphore_mem>>) src(%dma_wait3A_25 : memref<625x32xf32, #tpu.memory_space<hbm>>) dst(%dma_wait3A_23 : memref<625x32xf32, #tpu.memory_space<vmem_shared>>)
      tpu.yield
    }) : () -> ()
    %barrier3A = arith.constant 0 : index
    tpu.barrier barrier_id(%barrier3A)
    %mul3A_5 = arith.constant 5120 : i32
    %mul3A_6 = arith.muli %add3A, %mul3A_5 : i32
    "tpu.region"() ({
      %run_scoped3A = tpu.sem_alloc : memref<!tpu.dma_semaphore, #tpu.memory_space<semaphore_mem>>
      %dma_start3A_19 = tpu.memref_slice %arg3[%mul3A_6] : memref<163840xi32, #tpu.memory_space<hbm>> -> memref<128xi32, #tpu.memory_space<hbm>>
      %dma_start3A_20 = tpu.memref_slice %arg3[%mul3A_6] : memref<163840xi32, #tpu.memory_space<hbm>> -> memref<128xi32, #tpu.memory_space<hbm>>
      tpu.enqueue_dma source(%dma_start3A_20 : memref<128xi32, #tpu.memory_space<hbm>>) target(%arg6 : memref<128xi32, #tpu.memory_space<vmem>>) target_semaphore(%run_scoped3A : memref<!tpu.dma_semaphore, #tpu.memory_space<semaphore_mem>>)
      %dma_wait3A = tpu.memref_slice %arg3[%mul3A_6] : memref<163840xi32, #tpu.memory_space<hbm>> -> memref<128xi32, #tpu.memory_space<hbm>>
      %dma_wait3A_21 = tpu.memref_slice %arg3[%mul3A_6] : memref<163840xi32, #tpu.memory_space<hbm>> -> memref<128xi32, #tpu.memory_space<hbm>>
      tpu.wait_dma2 semaphore(%run_scoped3A : memref<!tpu.dma_semaphore, #tpu.memory_space<semaphore_mem>>) src(%dma_wait3A_21 : memref<128xi32, #tpu.memory_space<hbm>>) dst(%arg6 : memref<128xi32, #tpu.memory_space<vmem>>)
      tpu.yield
    }) : () -> ()
    %dma_start3A = arith.constant 0 : i32
    %dma_start3A_7 = tpu.memref_slice %arg2[%mul3A_6, %dma_start3A] : memref<163840x32xf32, #tpu.memory_space<hbm>> -> memref<128x32xf32, #tpu.memory_space<hbm>>
    %dma_start3A_8 = arith.constant 0 : i32
    %dma_start3A_9 = tpu.memref_slice %arg2[%mul3A_6, %dma_start3A_8] : memref<163840x32xf32, #tpu.memory_space<hbm>> -> memref<128x32xf32, #tpu.memory_space<hbm>>
    tpu.enqueue_dma source(%dma_start3A_9 : memref<128x32xf32, #tpu.memory_space<hbm>>) target(%arg8 : memref<128x32xf32, #tpu.memory_space<vmem>>) target_semaphore(%arg11 : memref<!tpu.dma_semaphore, #tpu.memory_space<semaphore_mem>>)
    %scan3A = arith.constant 0 : i32
    %scan3A_10 = arith.constant 20 : i32
    %scan3A_11 = arith.addi %scan3A, %scan3A_10 : i32
    %scan3A_12 = arith.constant 1 : i32
    scf.for %scan3A_19 = %scan3A to %scan3A_11 step %scan3A_12  : i32 {
      %mul3A_20 = arith.constant 2 : i32
      %mul3A_21 = arith.muli %scan3A_19, %mul3A_20 : i32
      %add3A_22 = arith.constant 0 : i32
      %add3A_23 = arith.addi %add3A_22, %mul3A_21 : i32
      %mul3A_24 = arith.constant 128 : i32
      %mul3A_25 = arith.muli %add3A_23, %mul3A_24 : i32
      %add3A_26 = arith.addi %mul3A_6, %mul3A_25 : i32
      %add3A_27 = arith.constant 128 : i32
      %add3A_28 = arith.addi %add3A_26, %add3A_27 : i32
      "tpu.region"() ({
        %run_scoped3A = tpu.sem_alloc : memref<!tpu.dma_semaphore, #tpu.memory_space<semaphore_mem>>
        %dma_start3A_48 = tpu.memref_slice %arg3[%add3A_28] : memref<163840xi32, #tpu.memory_space<hbm>> -> memref<128xi32, #tpu.memory_space<hbm>>
        %dma_start3A_49 = tpu.memref_slice %arg3[%add3A_28] : memref<163840xi32, #tpu.memory_space<hbm>> -> memref<128xi32, #tpu.memory_space<hbm>>
        tpu.enqueue_dma source(%dma_start3A_49 : memref<128xi32, #tpu.memory_space<hbm>>) target(%arg7 : memref<128xi32, #tpu.memory_space<vmem>>) target_semaphore(%run_scoped3A : memref<!tpu.dma_semaphore, #tpu.memory_space<semaphore_mem>>)
        %dma_wait3A_50 = tpu.memref_slice %arg3[%add3A_28] : memref<163840xi32, #tpu.memory_space<hbm>> -> memref<128xi32, #tpu.memory_space<hbm>>
        %dma_wait3A_51 = tpu.memref_slice %arg3[%add3A_28] : memref<163840xi32, #tpu.memory_space<hbm>> -> memref<128xi32, #tpu.memory_space<hbm>>
        tpu.wait_dma2 semaphore(%run_scoped3A : memref<!tpu.dma_semaphore, #tpu.memory_space<semaphore_mem>>) src(%dma_wait3A_51 : memref<128xi32, #tpu.memory_space<hbm>>) dst(%arg7 : memref<128xi32, #tpu.memory_space<vmem>>)
        tpu.yield
      }) : () -> ()
      %add3A_29 = arith.constant 128 : i32
      %add3A_30 = arith.addi %add3A_26, %add3A_29 : i32
      %dma_start3A_31 = arith.constant 0 : i32
      %dma_start3A_32 = tpu.memref_slice %arg2[%add3A_30, %dma_start3A_31] : memref<163840x32xf32, #tpu.memory_space<hbm>> -> memref<128x32xf32, #tpu.memory_space<hbm>>
      %dma_start3A_33 = arith.constant 0 : i32
      %dma_start3A_34 = tpu.memref_slice %arg2[%add3A_30, %dma_start3A_33] : memref<163840x32xf32, #tpu.memory_space<hbm>> -> memref<128x32xf32, #tpu.memory_space<hbm>>
      tpu.enqueue_dma source(%dma_start3A_34 : memref<128x32xf32, #tpu.memory_space<hbm>>) target(%arg9 : memref<128x32xf32, #tpu.memory_space<vmem>>) target_semaphore(%arg12 : memref<!tpu.dma_semaphore, #tpu.memory_space<semaphore_mem>>)
      %dma_wait3A = arith.constant 0 : i32
      %dma_wait3A_35 = arith.constant 0 : i32
      %dma_wait3A_36 = tpu.memref_slice %arg2[%dma_wait3A, %dma_wait3A_35] : memref<163840x32xf32, #tpu.memory_space<hbm>> -> memref<128x32xf32, #tpu.memory_space<hbm>>
      %dma_wait3A_37 = arith.constant 0 : i32
      %dma_wait3A_38 = arith.constant 0 : i32
      %dma_wait3A_39 = tpu.memref_slice %arg2[%dma_wait3A_37, %dma_wait3A_38] : memref<163840x32xf32, #tpu.memory_space<hbm>> -> memref<128x32xf32, #tpu.memory_space<hbm>>
      tpu.wait_dma2 semaphore(%arg11 : memref<!tpu.dma_semaphore, #tpu.memory_space<semaphore_mem>>) src(%dma_wait3A_39 : memref<128x32xf32, #tpu.memory_space<hbm>>) dst(%arg8 : memref<128x32xf32, #tpu.memory_space<vmem>>)
      "tpu.region"() ({
        %run_scoped3A = tpu.sem_alloc : memref<!tpu.dma_semaphore, #tpu.memory_space<semaphore_mem>>
        %dma_start3A_48 = arith.constant 0 : i32
        %dma_start3A_49 = arith.constant 0 : i32
        %dma_start3A_50 = tpu.memref_slice %arg10[%dma_start3A_48, %dma_start3A_49] : memref<10000x32xf32, #tpu.memory_space<vmem_shared>> -> memref<10000x32xf32, #tpu.memory_space<vmem_shared>>
        tpu.enqueue_indirect_dma source(%arg8 : memref<128x32xf32, #tpu.memory_space<vmem>>) target(%dma_start3A_50 : memref<10000x32xf32, #tpu.memory_space<vmem_shared>>) offsets(%arg6 : memref<128xi32, #tpu.memory_space<vmem>>) semaphore(%run_scoped3A : memref<!tpu.dma_semaphore, #tpu.memory_space<semaphore_mem>>) {add = true}
        %dma_wait3A_51 = arith.constant 0 : i32
        %dma_wait3A_52 = arith.constant 0 : i32
        %dma_wait3A_53 = tpu.memref_slice %arg10[%dma_wait3A_51, %dma_wait3A_52] : memref<10000x32xf32, #tpu.memory_space<vmem_shared>> -> memref<10000x32xf32, #tpu.memory_space<vmem_shared>>
        tpu.wait_indirect_dma semaphore(%run_scoped3A : memref<!tpu.dma_semaphore, #tpu.memory_space<semaphore_mem>>) src(%arg8 : memref<128x32xf32, #tpu.memory_space<vmem>>) dst(%dma_wait3A_53 : memref<10000x32xf32, #tpu.memory_space<vmem_shared>>)
        tpu.yield
      }) : () -> ()
      %add3A_40 = arith.constant 2 : i32
      %add3A_41 = arith.addi %add3A_23, %add3A_40 : i32
      %lt3A = arith.constant 40 : i32
      %lt3A_42 = arith.cmpi slt, %add3A_41, %lt3A : i32
      %convert_element_type3A = arith.extui %lt3A_42 : i1 to i32
      %cond3A = arith.constant 0 : i32
      %cond3A_43 = arith.cmpi ne, %convert_element_type3A, %cond3A : i32
      scf.if %cond3A_43 {
        %add3A_48 = arith.constant 256 : i32
        %add3A_49 = arith.addi %add3A_26, %add3A_48 : i32
        "tpu.region"() ({
          %run_scoped3A = tpu.sem_alloc : memref<!tpu.dma_semaphore, #tpu.memory_space<semaphore_mem>>
          %dma_start3A_56 = tpu.memref_slice %arg3[%add3A_49] : memref<163840xi32, #tpu.memory_space<hbm>> -> memref<128xi32, #tpu.memory_space<hbm>>
          %dma_start3A_57 = tpu.memref_slice %arg3[%add3A_49] : memref<163840xi32, #tpu.memory_space<hbm>> -> memref<128xi32, #tpu.memory_space<hbm>>
          tpu.enqueue_dma source(%dma_start3A_57 : memref<128xi32, #tpu.memory_space<hbm>>) target(%arg6 : memref<128xi32, #tpu.memory_space<vmem>>) target_semaphore(%run_scoped3A : memref<!tpu.dma_semaphore, #tpu.memory_space<semaphore_mem>>)
          %dma_wait3A_58 = tpu.memref_slice %arg3[%add3A_49] : memref<163840xi32, #tpu.memory_space<hbm>> -> memref<128xi32, #tpu.memory_space<hbm>>
          %dma_wait3A_59 = tpu.memref_slice %arg3[%add3A_49] : memref<163840xi32, #tpu.memory_space<hbm>> -> memref<128xi32, #tpu.memory_space<hbm>>
          tpu.wait_dma2 semaphore(%run_scoped3A : memref<!tpu.dma_semaphore, #tpu.memory_space<semaphore_mem>>) src(%dma_wait3A_59 : memref<128xi32, #tpu.memory_space<hbm>>) dst(%arg6 : memref<128xi32, #tpu.memory_space<vmem>>)
          tpu.yield
        }) : () -> ()
        %add3A_50 = arith.constant 256 : i32
        %add3A_51 = arith.addi %add3A_26, %add3A_50 : i32
        %dma_start3A_52 = arith.constant 0 : i32
        %dma_start3A_53 = tpu.memref_slice %arg2[%add3A_51, %dma_start3A_52] : memref<163840x32xf32, #tpu.memory_space<hbm>> -> memref<128x32xf32, #tpu.memory_space<hbm>>
        %dma_start3A_54 = arith.constant 0 : i32
        %dma_start3A_55 = tpu.memref_slice %arg2[%add3A_51, %dma_start3A_54] : memref<163840x32xf32, #tpu.memory_space<hbm>> -> memref<128x32xf32, #tpu.memory_space<hbm>>
        tpu.enqueue_dma source(%dma_start3A_55 : memref<128x32xf32, #tpu.memory_space<hbm>>) target(%arg8 : memref<128x32xf32, #tpu.memory_space<vmem>>) target_semaphore(%arg11 : memref<!tpu.dma_semaphore, #tpu.memory_space<semaphore_mem>>)
      } else {
      }
      %dma_wait3A_44 = arith.constant 0 : i32
      %dma_wait3A_45 = tpu.memref_slice %arg2[%add3A_30, %dma_wait3A_44] : memref<163840x32xf32, #tpu.memory_space<hbm>> -> memref<128x32xf32, #tpu.memory_space<hbm>>
      %dma_wait3A_46 = arith.constant 0 : i32
      %dma_wait3A_47 = tpu.memref_slice %arg2[%add3A_30, %dma_wait3A_46] : memref<163840x32xf32, #tpu.memory_space<hbm>> -> memref<128x32xf32, #tpu.memory_space<hbm>>
      tpu.wait_dma2 semaphore(%arg12 : memref<!tpu.dma_semaphore, #tpu.memory_space<semaphore_mem>>) src(%dma_wait3A_47 : memref<128x32xf32, #tpu.memory_space<hbm>>) dst(%arg9 : memref<128x32xf32, #tpu.memory_space<vmem>>)
      "tpu.region"() ({
        %run_scoped3A = tpu.sem_alloc : memref<!tpu.dma_semaphore, #tpu.memory_space<semaphore_mem>>
        %dma_start3A_48 = arith.constant 0 : i32
        %dma_start3A_49 = arith.constant 0 : i32
        %dma_start3A_50 = tpu.memref_slice %arg10[%dma_start3A_48, %dma_start3A_49] : memref<10000x32xf32, #tpu.memory_space<vmem_shared>> -> memref<10000x32xf32, #tpu.memory_space<vmem_shared>>
        tpu.enqueue_indirect_dma source(%arg9 : memref<128x32xf32, #tpu.memory_space<vmem>>) target(%dma_start3A_50 : memref<10000x32xf32, #tpu.memory_space<vmem_shared>>) offsets(%arg7 : memref<128xi32, #tpu.memory_space<vmem>>) semaphore(%run_scoped3A : memref<!tpu.dma_semaphore, #tpu.memory_space<semaphore_mem>>) {add = true}
        %dma_wait3A_51 = arith.constant 0 : i32
        %dma_wait3A_52 = arith.constant 0 : i32
        %dma_wait3A_53 = tpu.memref_slice %arg10[%dma_wait3A_51, %dma_wait3A_52] : memref<10000x32xf32, #tpu.memory_space<vmem_shared>> -> memref<10000x32xf32, #tpu.memory_space<vmem_shared>>
        tpu.wait_indirect_dma semaphore(%run_scoped3A : memref<!tpu.dma_semaphore, #tpu.memory_space<semaphore_mem>>) src(%arg9 : memref<128x32xf32, #tpu.memory_space<vmem>>) dst(%dma_wait3A_53 : memref<10000x32xf32, #tpu.memory_space<vmem_shared>>)
        tpu.yield
      }) : () -> ()
    }
    %scan3A_13 = arith.constant 20 : i32
    %barrier3A_14 = arith.constant 0 : index
    tpu.barrier barrier_id(%barrier3A_14)
    %mul3A_15 = arith.constant 625 : i32
    %mul3A_16 = arith.muli %arg1, %mul3A_15 : i32
    %mul3A_17 = arith.constant 625 : i32
    %mul3A_18 = arith.muli %arg1, %mul3A_17 : i32
    "tpu.region"() ({
      %run_scoped3A = tpu.sem_alloc : memref<!tpu.dma_semaphore, #tpu.memory_space<semaphore_mem>>
      %dma_start3A_19 = arith.constant 0 : i32
      %dma_start3A_20 = arith.constant 0 : i32
      %dma_start3A_21 = tpu.memref_slice %arg5[%arg0, %dma_start3A_19, %dma_start3A_20] : memref<2x10000x32xf32, #tpu.memory_space<hbm>> -> memref<1x10000x32xf32, #tpu.memory_space<hbm>>
      %dma_start3A_22 = tpu.memref_squeeze %dma_start3A_21 : memref<1x10000x32xf32, #tpu.memory_space<hbm>> -> memref<10000x32xf32, #tpu.memory_space<hbm>>
      %dma_start3A_23 = arith.constant 0 : i32
      %dma_start3A_24 = tpu.memref_slice %dma_start3A_22[%mul3A_18, %dma_start3A_23] : memref<10000x32xf32, #tpu.memory_space<hbm>> -> memref<625x32xf32, #tpu.memory_space<hbm>>
      %dma_start3A_25 = arith.constant 0 : i32
      %dma_start3A_26 = tpu.memref_slice %arg10[%mul3A_16, %dma_start3A_25] : memref<10000x32xf32, #tpu.memory_space<vmem_shared>> -> memref<625x32xf32, #tpu.memory_space<vmem_shared>>
      tpu.enqueue_dma source(%dma_start3A_26 : memref<625x32xf32, #tpu.memory_space<vmem_shared>>) target(%dma_start3A_24 : memref<625x32xf32, #tpu.memory_space<hbm>>) target_semaphore(%run_scoped3A : memref<!tpu.dma_semaphore, #tpu.memory_space<semaphore_mem>>)
      %dma_wait3A = arith.constant 0 : i32
      %dma_wait3A_27 = arith.constant 0 : i32
      %dma_wait3A_28 = tpu.memref_slice %arg5[%arg0, %dma_wait3A, %dma_wait3A_27] : memref<2x10000x32xf32, #tpu.memory_space<hbm>> -> memref<1x10000x32xf32, #tpu.memory_space<hbm>>
      %dma_wait3A_29 = tpu.memref_squeeze %dma_wait3A_28 : memref<1x10000x32xf32, #tpu.memory_space<hbm>> -> memref<10000x32xf32, #tpu.memory_space<hbm>>
      %dma_wait3A_30 = arith.constant 0 : i32
      %dma_wait3A_31 = tpu.memref_slice %dma_wait3A_29[%mul3A_18, %dma_wait3A_30] : memref<10000x32xf32, #tpu.memory_space<hbm>> -> memref<625x32xf32, #tpu.memory_space<hbm>>
      %dma_wait3A_32 = arith.constant 0 : i32
      %dma_wait3A_33 = tpu.memref_slice %arg10[%mul3A_16, %dma_wait3A_32] : memref<10000x32xf32, #tpu.memory_space<vmem_shared>> -> memref<625x32xf32, #tpu.memory_space<vmem_shared>>
      tpu.wait_dma2 semaphore(%run_scoped3A : memref<!tpu.dma_semaphore, #tpu.memory_space<semaphore_mem>>) src(%dma_wait3A_33 : memref<625x32xf32, #tpu.memory_space<vmem_shared>>) dst(%dma_wait3A_31 : memref<625x32xf32, #tpu.memory_space<hbm>>)
      tpu.yield
    }) : () -> ()
    return
  }
}

#map = affine_map<(d0, d1) -> (0, 0)>
#map1 = affine_map<(d0, d1) -> (0)>
module attributes {stable_mosaic.version = 14 : i64} {
  func.func @k(%arg0: i32, %arg1: i32, %arg2: memref<10000x16xf32, #tpu.memory_space<hbm>>, %arg3: memref<10000x16xf32, #tpu.memory_space<hbm>>, %arg4: memref<163840xi32, #tpu.memory_space<hbm>>, %arg5: memref<163840xi32, #tpu.memory_space<hbm>>, %arg6: memref<163840x16xf32, #tpu.memory_space<hbm>>, %arg7: memref<163840x16xf32, #tpu.memory_space<hbm>>, %arg8: memref<7168xi32, #tpu.memory_space<vmem>>, %arg9: memref<7168xi32, #tpu.memory_space<vmem>>, %arg10: memref<128x16xf32, #tpu.memory_space<vmem>>, %arg11: memref<128x16xf32, #tpu.memory_space<vmem>>, %arg12: memref<128x16xf32, #tpu.memory_space<vmem>>, %arg13: memref<128x16xf32, #tpu.memory_space<vmem>>, %arg14: memref<!tpu.dma_semaphore, #tpu.memory_space<semaphore_mem>>, %arg15: memref<!tpu.dma_semaphore, #tpu.memory_space<semaphore_mem>>, %arg16: memref<!tpu.dma_semaphore, #tpu.memory_space<semaphore_mem>>, %arg17: memref<!tpu.dma_semaphore, #tpu.memory_space<semaphore_mem>>) attributes {dimension_semantics = [#tpu.dimension_semantics<core_parallel>, #tpu.dimension_semantics<subcore_parallel>], iteration_bounds = array<i64: 2, 16>, scalar_prefetch = 0 : i64, scratch_operands = 10 : i64, tpu.core_type = #tpu.core_type<sc_vector_subcore>, window_params = [{transform_indices = #map}, {transform_indices = #map}, {transform_indices = #map1}, {transform_indices = #map1}, {transform_indices = #map}, {transform_indices = #map}]} {
    %eq3A = arith.constant 0 : i32
    %eq3A_0 = arith.cmpi eq, %arg0, %eq3A : i32
    %convert_element_type3A = arith.extui %eq3A_0 : i1 to i32
    %cond3A = arith.constant 0 : i32
    %cond3A_1 = arith.cmpi ne, %convert_element_type3A, %cond3A : i32
    scf.if %cond3A_1 {
      %mul3A = arith.constant 56 : i32
      %mul3A_7 = arith.muli %arg1, %mul3A : i32
      %mul3A_8 = arith.constant 128 : i32
      %mul3A_9 = arith.muli %mul3A_7, %mul3A_8 : i32
      "tpu.region"() ({
        %run_scoped3A = tpu.sem_alloc : memref<!tpu.dma_semaphore, #tpu.memory_space<semaphore_mem>>
        %dma_start3A_23 = arith.constant 0 : i32
        %dma_start3A_24 = tpu.memref_slice %arg8[%dma_start3A_23] : memref<7168xi32, #tpu.memory_space<vmem>> -> memref<7168xi32, #tpu.memory_space<vmem>>
        %dma_start3A_25 = tpu.memref_slice %arg4[%mul3A_9] : memref<163840xi32, #tpu.memory_space<hbm>> -> memref<7168xi32, #tpu.memory_space<hbm>>
        %dma_start3A_26 = arith.constant 0 : i32
        %dma_start3A_27 = tpu.memref_slice %arg8[%dma_start3A_26] : memref<7168xi32, #tpu.memory_space<vmem>> -> memref<7168xi32, #tpu.memory_space<vmem>>
        %dma_start3A_28 = tpu.memref_slice %arg4[%mul3A_9] : memref<163840xi32, #tpu.memory_space<hbm>> -> memref<7168xi32, #tpu.memory_space<hbm>>
        tpu.enqueue_dma source(%dma_start3A_28 : memref<7168xi32, #tpu.memory_space<hbm>>) target(%dma_start3A_27 : memref<7168xi32, #tpu.memory_space<vmem>>) target_semaphore(%run_scoped3A : memref<!tpu.dma_semaphore, #tpu.memory_space<semaphore_mem>>)
        %dma_wait3A = arith.constant 0 : i32
        %dma_wait3A_29 = tpu.memref_slice %arg8[%dma_wait3A] : memref<7168xi32, #tpu.memory_space<vmem>> -> memref<7168xi32, #tpu.memory_space<vmem>>
        %dma_wait3A_30 = tpu.memref_slice %arg4[%mul3A_9] : memref<163840xi32, #tpu.memory_space<hbm>> -> memref<7168xi32, #tpu.memory_space<hbm>>
        %dma_wait3A_31 = arith.constant 0 : i32
        %dma_wait3A_32 = tpu.memref_slice %arg8[%dma_wait3A_31] : memref<7168xi32, #tpu.memory_space<vmem>> -> memref<7168xi32, #tpu.memory_space<vmem>>
        %dma_wait3A_33 = tpu.memref_slice %arg4[%mul3A_9] : memref<163840xi32, #tpu.memory_space<hbm>> -> memref<7168xi32, #tpu.memory_space<hbm>>
        tpu.wait_dma2 semaphore(%run_scoped3A : memref<!tpu.dma_semaphore, #tpu.memory_space<semaphore_mem>>) src(%dma_wait3A_33 : memref<7168xi32, #tpu.memory_space<hbm>>) dst(%dma_wait3A_32 : memref<7168xi32, #tpu.memory_space<vmem>>)
        tpu.yield
      }) : () -> ()
      "tpu.region"() ({
        %run_scoped3A = tpu.sem_alloc : memref<!tpu.dma_semaphore, #tpu.memory_space<semaphore_mem>>
        %dma_start3A_23 = arith.constant 0 : i32
        %dma_start3A_24 = tpu.memref_slice %arg9[%dma_start3A_23] : memref<7168xi32, #tpu.memory_space<vmem>> -> memref<7168xi32, #tpu.memory_space<vmem>>
        %dma_start3A_25 = tpu.memref_slice %arg5[%mul3A_9] : memref<163840xi32, #tpu.memory_space<hbm>> -> memref<7168xi32, #tpu.memory_space<hbm>>
        %dma_start3A_26 = arith.constant 0 : i32
        %dma_start3A_27 = tpu.memref_slice %arg9[%dma_start3A_26] : memref<7168xi32, #tpu.memory_space<vmem>> -> memref<7168xi32, #tpu.memory_space<vmem>>
        %dma_start3A_28 = tpu.memref_slice %arg5[%mul3A_9] : memref<163840xi32, #tpu.memory_space<hbm>> -> memref<7168xi32, #tpu.memory_space<hbm>>
        tpu.enqueue_dma source(%dma_start3A_28 : memref<7168xi32, #tpu.memory_space<hbm>>) target(%dma_start3A_27 : memref<7168xi32, #tpu.memory_space<vmem>>) target_semaphore(%run_scoped3A : memref<!tpu.dma_semaphore, #tpu.memory_space<semaphore_mem>>)
        %dma_wait3A = arith.constant 0 : i32
        %dma_wait3A_29 = tpu.memref_slice %arg9[%dma_wait3A] : memref<7168xi32, #tpu.memory_space<vmem>> -> memref<7168xi32, #tpu.memory_space<vmem>>
        %dma_wait3A_30 = tpu.memref_slice %arg5[%mul3A_9] : memref<163840xi32, #tpu.memory_space<hbm>> -> memref<7168xi32, #tpu.memory_space<hbm>>
        %dma_wait3A_31 = arith.constant 0 : i32
        %dma_wait3A_32 = tpu.memref_slice %arg9[%dma_wait3A_31] : memref<7168xi32, #tpu.memory_space<vmem>> -> memref<7168xi32, #tpu.memory_space<vmem>>
        %dma_wait3A_33 = tpu.memref_slice %arg5[%mul3A_9] : memref<163840xi32, #tpu.memory_space<hbm>> -> memref<7168xi32, #tpu.memory_space<hbm>>
        tpu.wait_dma2 semaphore(%run_scoped3A : memref<!tpu.dma_semaphore, #tpu.memory_space<semaphore_mem>>) src(%dma_wait3A_33 : memref<7168xi32, #tpu.memory_space<hbm>>) dst(%dma_wait3A_32 : memref<7168xi32, #tpu.memory_space<vmem>>)
        tpu.yield
      }) : () -> ()
      %dma_start3A = arith.constant 0 : i32
      %dma_start3A_10 = tpu.memref_slice %arg8[%dma_start3A] : memref<7168xi32, #tpu.memory_space<vmem>> -> memref<128xi32, #tpu.memory_space<vmem>>
      %dma_start3A_11 = arith.constant 0 : i32
      %dma_start3A_12 = arith.constant 0 : i32
      %dma_start3A_13 = tpu.memref_slice %arg2[%dma_start3A_11, %dma_start3A_12] : memref<10000x16xf32, #tpu.memory_space<hbm>> -> memref<10000x16xf32, #tpu.memory_space<hbm>>
      tpu.enqueue_indirect_dma source(%dma_start3A_13 : memref<10000x16xf32, #tpu.memory_space<hbm>>) target(%arg10 : memref<128x16xf32, #tpu.memory_space<vmem>>) offsets(%dma_start3A_10 : memref<128xi32, #tpu.memory_space<vmem>>) semaphore(%arg14 : memref<!tpu.dma_semaphore, #tpu.memory_space<semaphore_mem>>)
      %dma_start3A_14 = arith.constant 0 : i32
      %dma_start3A_15 = tpu.memref_slice %arg9[%dma_start3A_14] : memref<7168xi32, #tpu.memory_space<vmem>> -> memref<128xi32, #tpu.memory_space<vmem>>
      %dma_start3A_16 = arith.constant 0 : i32
      %dma_start3A_17 = arith.constant 0 : i32
      %dma_start3A_18 = tpu.memref_slice %arg3[%dma_start3A_16, %dma_start3A_17] : memref<10000x16xf32, #tpu.memory_space<hbm>> -> memref<10000x16xf32, #tpu.memory_space<hbm>>
      tpu.enqueue_indirect_dma source(%dma_start3A_18 : memref<10000x16xf32, #tpu.memory_space<hbm>>) target(%arg12 : memref<128x16xf32, #tpu.memory_space<vmem>>) offsets(%dma_start3A_15 : memref<128xi32, #tpu.memory_space<vmem>>) semaphore(%arg16 : memref<!tpu.dma_semaphore, #tpu.memory_space<semaphore_mem>>)
      %scan3A = arith.constant 0 : i32
      %scan3A_19 = arith.constant 28 : i32
      %scan3A_20 = arith.addi %scan3A, %scan3A_19 : i32
      %scan3A_21 = arith.constant 1 : i32
      scf.for %scan3A_23 = %scan3A to %scan3A_20 step %scan3A_21  : i32 {
        %mul3A_24 = arith.constant 2 : i32
        %mul3A_25 = arith.muli %scan3A_23, %mul3A_24 : i32
        %add3A = arith.constant 0 : i32
        %add3A_26 = arith.addi %add3A, %mul3A_25 : i32
        %mul3A_27 = arith.constant 128 : i32
        %mul3A_28 = arith.muli %add3A_26, %mul3A_27 : i32
        %add3A_29 = arith.constant 128 : i32
        %add3A_30 = arith.addi %mul3A_28, %add3A_29 : i32
        %dma_start3A_31 = tpu.memref_slice %arg8[%add3A_30] : memref<7168xi32, #tpu.memory_space<vmem>> -> memref<128xi32, #tpu.memory_space<vmem>>
        %dma_start3A_32 = arith.constant 0 : i32
        %dma_start3A_33 = arith.constant 0 : i32
        %dma_start3A_34 = tpu.memref_slice %arg2[%dma_start3A_32, %dma_start3A_33] : memref<10000x16xf32, #tpu.memory_space<hbm>> -> memref<10000x16xf32, #tpu.memory_space<hbm>>
        tpu.enqueue_indirect_dma source(%dma_start3A_34 : memref<10000x16xf32, #tpu.memory_space<hbm>>) target(%arg11 : memref<128x16xf32, #tpu.memory_space<vmem>>) offsets(%dma_start3A_31 : memref<128xi32, #tpu.memory_space<vmem>>) semaphore(%arg15 : memref<!tpu.dma_semaphore, #tpu.memory_space<semaphore_mem>>)
        %add3A_35 = arith.constant 128 : i32
        %add3A_36 = arith.addi %mul3A_28, %add3A_35 : i32
        %dma_start3A_37 = tpu.memref_slice %arg9[%add3A_36] : memref<7168xi32, #tpu.memory_space<vmem>> -> memref<128xi32, #tpu.memory_space<vmem>>
        %dma_start3A_38 = arith.constant 0 : i32
        %dma_start3A_39 = arith.constant 0 : i32
        %dma_start3A_40 = tpu.memref_slice %arg3[%dma_start3A_38, %dma_start3A_39] : memref<10000x16xf32, #tpu.memory_space<hbm>> -> memref<10000x16xf32, #tpu.memory_space<hbm>>
        tpu.enqueue_indirect_dma source(%dma_start3A_40 : memref<10000x16xf32, #tpu.memory_space<hbm>>) target(%arg13 : memref<128x16xf32, #tpu.memory_space<vmem>>) offsets(%dma_start3A_37 : memref<128xi32, #tpu.memory_space<vmem>>) semaphore(%arg17 : memref<!tpu.dma_semaphore, #tpu.memory_space<semaphore_mem>>)
        %dma_wait3A = arith.constant 0 : i32
        %dma_wait3A_41 = arith.constant 0 : i32
        %dma_wait3A_42 = tpu.memref_slice %arg2[%dma_wait3A, %dma_wait3A_41] : memref<10000x16xf32, #tpu.memory_space<hbm>> -> memref<128x16xf32, #tpu.memory_space<hbm>>
        %dma_wait3A_43 = arith.constant 0 : i32
        %dma_wait3A_44 = arith.constant 0 : i32
        %dma_wait3A_45 = tpu.memref_slice %arg2[%dma_wait3A_43, %dma_wait3A_44] : memref<10000x16xf32, #tpu.memory_space<hbm>> -> memref<128x16xf32, #tpu.memory_space<hbm>>
        tpu.wait_dma2 semaphore(%arg14 : memref<!tpu.dma_semaphore, #tpu.memory_space<semaphore_mem>>) src(%dma_wait3A_45 : memref<128x16xf32, #tpu.memory_space<hbm>>) dst(%arg10 : memref<128x16xf32, #tpu.memory_space<vmem>>)
        %add3A_46 = arith.addi %mul3A_9, %mul3A_28 : i32
        "tpu.region"() ({
          %run_scoped3A = tpu.sem_alloc : memref<!tpu.dma_semaphore, #tpu.memory_space<semaphore_mem>>
          %dma_start3A_78 = arith.constant 0 : i32
          %dma_start3A_79 = tpu.memref_slice %arg6[%add3A_46, %dma_start3A_78] : memref<163840x16xf32, #tpu.memory_space<hbm>> -> memref<128x16xf32, #tpu.memory_space<hbm>>
          %dma_start3A_80 = arith.constant 0 : i32
          %dma_start3A_81 = tpu.memref_slice %arg6[%add3A_46, %dma_start3A_80] : memref<163840x16xf32, #tpu.memory_space<hbm>> -> memref<128x16xf32, #tpu.memory_space<hbm>>
          tpu.enqueue_dma source(%arg10 : memref<128x16xf32, #tpu.memory_space<vmem>>) target(%dma_start3A_81 : memref<128x16xf32, #tpu.memory_space<hbm>>) target_semaphore(%run_scoped3A : memref<!tpu.dma_semaphore, #tpu.memory_space<semaphore_mem>>)
          %dma_wait3A_82 = arith.constant 0 : i32
          %dma_wait3A_83 = tpu.memref_slice %arg6[%add3A_46, %dma_wait3A_82] : memref<163840x16xf32, #tpu.memory_space<hbm>> -> memref<128x16xf32, #tpu.memory_space<hbm>>
          %dma_wait3A_84 = arith.constant 0 : i32
          %dma_wait3A_85 = tpu.memref_slice %arg6[%add3A_46, %dma_wait3A_84] : memref<163840x16xf32, #tpu.memory_space<hbm>> -> memref<128x16xf32, #tpu.memory_space<hbm>>
          tpu.wait_dma2 semaphore(%run_scoped3A : memref<!tpu.dma_semaphore, #tpu.memory_space<semaphore_mem>>) src(%arg10 : memref<128x16xf32, #tpu.memory_space<vmem>>) dst(%dma_wait3A_85 : memref<128x16xf32, #tpu.memory_space<hbm>>)
          tpu.yield
        }) : () -> ()
        %dma_wait3A_47 = arith.constant 0 : i32
        %dma_wait3A_48 = arith.constant 0 : i32
        %dma_wait3A_49 = tpu.memref_slice %arg3[%dma_wait3A_47, %dma_wait3A_48] : memref<10000x16xf32, #tpu.memory_space<hbm>> -> memref<128x16xf32, #tpu.memory_space<hbm>>
        %dma_wait3A_50 = arith.constant 0 : i32
        %dma_wait3A_51 = arith.constant 0 : i32
        %dma_wait3A_52 = tpu.memref_slice %arg3[%dma_wait3A_50, %dma_wait3A_51] : memref<10000x16xf32, #tpu.memory_space<hbm>> -> memref<128x16xf32, #tpu.memory_space<hbm>>
        tpu.wait_dma2 semaphore(%arg16 : memref<!tpu.dma_semaphore, #tpu.memory_space<semaphore_mem>>) src(%dma_wait3A_52 : memref<128x16xf32, #tpu.memory_space<hbm>>) dst(%arg12 : memref<128x16xf32, #tpu.memory_space<vmem>>)
        %add3A_53 = arith.addi %mul3A_9, %mul3A_28 : i32
        "tpu.region"() ({
          %run_scoped3A = tpu.sem_alloc : memref<!tpu.dma_semaphore, #tpu.memory_space<semaphore_mem>>
          %dma_start3A_78 = arith.constant 0 : i32
          %dma_start3A_79 = tpu.memref_slice %arg7[%add3A_53, %dma_start3A_78] : memref<163840x16xf32, #tpu.memory_space<hbm>> -> memref<128x16xf32, #tpu.memory_space<hbm>>
          %dma_start3A_80 = arith.constant 0 : i32
          %dma_start3A_81 = tpu.memref_slice %arg7[%add3A_53, %dma_start3A_80] : memref<163840x16xf32, #tpu.memory_space<hbm>> -> memref<128x16xf32, #tpu.memory_space<hbm>>
          tpu.enqueue_dma source(%arg12 : memref<128x16xf32, #tpu.memory_space<vmem>>) target(%dma_start3A_81 : memref<128x16xf32, #tpu.memory_space<hbm>>) target_semaphore(%run_scoped3A : memref<!tpu.dma_semaphore, #tpu.memory_space<semaphore_mem>>)
          %dma_wait3A_82 = arith.constant 0 : i32
          %dma_wait3A_83 = tpu.memref_slice %arg7[%add3A_53, %dma_wait3A_82] : memref<163840x16xf32, #tpu.memory_space<hbm>> -> memref<128x16xf32, #tpu.memory_space<hbm>>
          %dma_wait3A_84 = arith.constant 0 : i32
          %dma_wait3A_85 = tpu.memref_slice %arg7[%add3A_53, %dma_wait3A_84] : memref<163840x16xf32, #tpu.memory_space<hbm>> -> memref<128x16xf32, #tpu.memory_space<hbm>>
          tpu.wait_dma2 semaphore(%run_scoped3A : memref<!tpu.dma_semaphore, #tpu.memory_space<semaphore_mem>>) src(%arg12 : memref<128x16xf32, #tpu.memory_space<vmem>>) dst(%dma_wait3A_85 : memref<128x16xf32, #tpu.memory_space<hbm>>)
          tpu.yield
        }) : () -> ()
        %add3A_54 = arith.constant 2 : i32
        %add3A_55 = arith.addi %add3A_26, %add3A_54 : i32
        %lt3A = arith.constant 56 : i32
        %lt3A_56 = arith.cmpi slt, %add3A_55, %lt3A : i32
        %convert_element_type3A_57 = arith.extui %lt3A_56 : i1 to i32
        %cond3A_58 = arith.constant 0 : i32
        %cond3A_59 = arith.cmpi ne, %convert_element_type3A_57, %cond3A_58 : i32
        scf.if %cond3A_59 {
          %add3A_78 = arith.constant 256 : i32
          %add3A_79 = arith.addi %mul3A_28, %add3A_78 : i32
          %dma_start3A_80 = tpu.memref_slice %arg8[%add3A_79] : memref<7168xi32, #tpu.memory_space<vmem>> -> memref<128xi32, #tpu.memory_space<vmem>>
          %dma_start3A_81 = arith.constant 0 : i32
          %dma_start3A_82 = arith.constant 0 : i32
          %dma_start3A_83 = tpu.memref_slice %arg2[%dma_start3A_81, %dma_start3A_82] : memref<10000x16xf32, #tpu.memory_space<hbm>> -> memref<10000x16xf32, #tpu.memory_space<hbm>>
          tpu.enqueue_indirect_dma source(%dma_start3A_83 : memref<10000x16xf32, #tpu.memory_space<hbm>>) target(%arg10 : memref<128x16xf32, #tpu.memory_space<vmem>>) offsets(%dma_start3A_80 : memref<128xi32, #tpu.memory_space<vmem>>) semaphore(%arg14 : memref<!tpu.dma_semaphore, #tpu.memory_space<semaphore_mem>>)
          %add3A_84 = arith.constant 256 : i32
          %add3A_85 = arith.addi %mul3A_28, %add3A_84 : i32
          %dma_start3A_86 = tpu.memref_slice %arg9[%add3A_85] : memref<7168xi32, #tpu.memory_space<vmem>> -> memref<128xi32, #tpu.memory_space<vmem>>
          %dma_start3A_87 = arith.constant 0 : i32
          %dma_start3A_88 = arith.constant 0 : i32
          %dma_start3A_89 = tpu.memref_slice %arg3[%dma_start3A_87, %dma_start3A_88] : memref<10000x16xf32, #tpu.memory_space<hbm>> -> memref<10000x16xf32, #tpu.memory_space<hbm>>
          tpu.enqueue_indirect_dma source(%dma_start3A_89 : memref<10000x16xf32, #tpu.memory_space<hbm>>) target(%arg12 : memref<128x16xf32, #tpu.memory_space<vmem>>) offsets(%dma_start3A_86 : memref<128xi32, #tpu.memory_space<vmem>>) semaphore(%arg16 : memref<!tpu.dma_semaphore, #tpu.memory_space<semaphore_mem>>)
        } else {
        }
        %dma_wait3A_60 = arith.constant 0 : i32
        %dma_wait3A_61 = arith.constant 0 : i32
        %dma_wait3A_62 = tpu.memref_slice %arg2[%dma_wait3A_60, %dma_wait3A_61] : memref<10000x16xf32, #tpu.memory_space<hbm>> -> memref<128x16xf32, #tpu.memory_space<hbm>>
        %dma_wait3A_63 = arith.constant 0 : i32
        %dma_wait3A_64 = arith.constant 0 : i32
        %dma_wait3A_65 = tpu.memref_slice %arg2[%dma_wait3A_63, %dma_wait3A_64] : memref<10000x16xf32, #tpu.memory_space<hbm>> -> memref<128x16xf32, #tpu.memory_space<hbm>>
        tpu.wait_dma2 semaphore(%arg15 : memref<!tpu.dma_semaphore, #tpu.memory_space<semaphore_mem>>) src(%dma_wait3A_65 : memref<128x16xf32, #tpu.memory_space<hbm>>) dst(%arg11 : memref<128x16xf32, #tpu.memory_space<vmem>>)
        %add3A_66 = arith.addi %mul3A_9, %mul3A_28 : i32
        %add3A_67 = arith.constant 128 : i32
        %add3A_68 = arith.addi %add3A_66, %add3A_67 : i32
        "tpu.region"() ({
          %run_scoped3A = tpu.sem_alloc : memref<!tpu.dma_semaphore, #tpu.memory_space<semaphore_mem>>
          %dma_start3A_78 = arith.constant 0 : i32
          %dma_start3A_79 = tpu.memref_slice %arg6[%add3A_68, %dma_start3A_78] : memref<163840x16xf32, #tpu.memory_space<hbm>> -> memref<128x16xf32, #tpu.memory_space<hbm>>
          %dma_start3A_80 = arith.constant 0 : i32
          %dma_start3A_81 = tpu.memref_slice %arg6[%add3A_68, %dma_start3A_80] : memref<163840x16xf32, #tpu.memory_space<hbm>> -> memref<128x16xf32, #tpu.memory_space<hbm>>
          tpu.enqueue_dma source(%arg11 : memref<128x16xf32, #tpu.memory_space<vmem>>) target(%dma_start3A_81 : memref<128x16xf32, #tpu.memory_space<hbm>>) target_semaphore(%run_scoped3A : memref<!tpu.dma_semaphore, #tpu.memory_space<semaphore_mem>>)
          %dma_wait3A_82 = arith.constant 0 : i32
          %dma_wait3A_83 = tpu.memref_slice %arg6[%add3A_68, %dma_wait3A_82] : memref<163840x16xf32, #tpu.memory_space<hbm>> -> memref<128x16xf32, #tpu.memory_space<hbm>>
          %dma_wait3A_84 = arith.constant 0 : i32
          %dma_wait3A_85 = tpu.memref_slice %arg6[%add3A_68, %dma_wait3A_84] : memref<163840x16xf32, #tpu.memory_space<hbm>> -> memref<128x16xf32, #tpu.memory_space<hbm>>
          tpu.wait_dma2 semaphore(%run_scoped3A : memref<!tpu.dma_semaphore, #tpu.memory_space<semaphore_mem>>) src(%arg11 : memref<128x16xf32, #tpu.memory_space<vmem>>) dst(%dma_wait3A_85 : memref<128x16xf32, #tpu.memory_space<hbm>>)
          tpu.yield
        }) : () -> ()
        %dma_wait3A_69 = arith.constant 0 : i32
        %dma_wait3A_70 = arith.constant 0 : i32
        %dma_wait3A_71 = tpu.memref_slice %arg3[%dma_wait3A_69, %dma_wait3A_70] : memref<10000x16xf32, #tpu.memory_space<hbm>> -> memref<128x16xf32, #tpu.memory_space<hbm>>
        %dma_wait3A_72 = arith.constant 0 : i32
        %dma_wait3A_73 = arith.constant 0 : i32
        %dma_wait3A_74 = tpu.memref_slice %arg3[%dma_wait3A_72, %dma_wait3A_73] : memref<10000x16xf32, #tpu.memory_space<hbm>> -> memref<128x16xf32, #tpu.memory_space<hbm>>
        tpu.wait_dma2 semaphore(%arg17 : memref<!tpu.dma_semaphore, #tpu.memory_space<semaphore_mem>>) src(%dma_wait3A_74 : memref<128x16xf32, #tpu.memory_space<hbm>>) dst(%arg13 : memref<128x16xf32, #tpu.memory_space<vmem>>)
        %add3A_75 = arith.addi %mul3A_9, %mul3A_28 : i32
        %add3A_76 = arith.constant 128 : i32
        %add3A_77 = arith.addi %add3A_75, %add3A_76 : i32
        "tpu.region"() ({
          %run_scoped3A = tpu.sem_alloc : memref<!tpu.dma_semaphore, #tpu.memory_space<semaphore_mem>>
          %dma_start3A_78 = arith.constant 0 : i32
          %dma_start3A_79 = tpu.memref_slice %arg7[%add3A_77, %dma_start3A_78] : memref<163840x16xf32, #tpu.memory_space<hbm>> -> memref<128x16xf32, #tpu.memory_space<hbm>>
          %dma_start3A_80 = arith.constant 0 : i32
          %dma_start3A_81 = tpu.memref_slice %arg7[%add3A_77, %dma_start3A_80] : memref<163840x16xf32, #tpu.memory_space<hbm>> -> memref<128x16xf32, #tpu.memory_space<hbm>>
          tpu.enqueue_dma source(%arg13 : memref<128x16xf32, #tpu.memory_space<vmem>>) target(%dma_start3A_81 : memref<128x16xf32, #tpu.memory_space<hbm>>) target_semaphore(%run_scoped3A : memref<!tpu.dma_semaphore, #tpu.memory_space<semaphore_mem>>)
          %dma_wait3A_82 = arith.constant 0 : i32
          %dma_wait3A_83 = tpu.memref_slice %arg7[%add3A_77, %dma_wait3A_82] : memref<163840x16xf32, #tpu.memory_space<hbm>> -> memref<128x16xf32, #tpu.memory_space<hbm>>
          %dma_wait3A_84 = arith.constant 0 : i32
          %dma_wait3A_85 = tpu.memref_slice %arg7[%add3A_77, %dma_wait3A_84] : memref<163840x16xf32, #tpu.memory_space<hbm>> -> memref<128x16xf32, #tpu.memory_space<hbm>>
          tpu.wait_dma2 semaphore(%run_scoped3A : memref<!tpu.dma_semaphore, #tpu.memory_space<semaphore_mem>>) src(%arg13 : memref<128x16xf32, #tpu.memory_space<vmem>>) dst(%dma_wait3A_85 : memref<128x16xf32, #tpu.memory_space<hbm>>)
          tpu.yield
        }) : () -> ()
      }
      %scan3A_22 = arith.constant 28 : i32
    } else {
    }
    %eq3A_2 = arith.constant 1 : i32
    %eq3A_3 = arith.cmpi eq, %arg0, %eq3A_2 : i32
    %convert_element_type3A_4 = arith.extui %eq3A_3 : i1 to i32
    %cond3A_5 = arith.constant 0 : i32
    %cond3A_6 = arith.cmpi ne, %convert_element_type3A_4, %cond3A_5 : i32
    scf.if %cond3A_6 {
      %mul3A = arith.constant 24 : i32
      %mul3A_7 = arith.muli %arg1, %mul3A : i32
      %mul3A_8 = arith.constant 128 : i32
      %mul3A_9 = arith.muli %mul3A_7, %mul3A_8 : i32
      %add3A = arith.constant 114688 : i32
      %add3A_10 = arith.addi %add3A, %mul3A_9 : i32
      "tpu.region"() ({
        %run_scoped3A = tpu.sem_alloc : memref<!tpu.dma_semaphore, #tpu.memory_space<semaphore_mem>>
        %dma_start3A_24 = arith.constant 0 : i32
        %dma_start3A_25 = tpu.memref_slice %arg8[%dma_start3A_24] : memref<7168xi32, #tpu.memory_space<vmem>> -> memref<3072xi32, #tpu.memory_space<vmem>>
        %dma_start3A_26 = tpu.memref_slice %arg4[%add3A_10] : memref<163840xi32, #tpu.memory_space<hbm>> -> memref<3072xi32, #tpu.memory_space<hbm>>
        %dma_start3A_27 = arith.constant 0 : i32
        %dma_start3A_28 = tpu.memref_slice %arg8[%dma_start3A_27] : memref<7168xi32, #tpu.memory_space<vmem>> -> memref<3072xi32, #tpu.memory_space<vmem>>
        %dma_start3A_29 = tpu.memref_slice %arg4[%add3A_10] : memref<163840xi32, #tpu.memory_space<hbm>> -> memref<3072xi32, #tpu.memory_space<hbm>>
        tpu.enqueue_dma source(%dma_start3A_29 : memref<3072xi32, #tpu.memory_space<hbm>>) target(%dma_start3A_28 : memref<3072xi32, #tpu.memory_space<vmem>>) target_semaphore(%run_scoped3A : memref<!tpu.dma_semaphore, #tpu.memory_space<semaphore_mem>>)
        %dma_wait3A = arith.constant 0 : i32
        %dma_wait3A_30 = tpu.memref_slice %arg8[%dma_wait3A] : memref<7168xi32, #tpu.memory_space<vmem>> -> memref<3072xi32, #tpu.memory_space<vmem>>
        %dma_wait3A_31 = tpu.memref_slice %arg4[%add3A_10] : memref<163840xi32, #tpu.memory_space<hbm>> -> memref<3072xi32, #tpu.memory_space<hbm>>
        %dma_wait3A_32 = arith.constant 0 : i32
        %dma_wait3A_33 = tpu.memref_slice %arg8[%dma_wait3A_32] : memref<7168xi32, #tpu.memory_space<vmem>> -> memref<3072xi32, #tpu.memory_space<vmem>>
        %dma_wait3A_34 = tpu.memref_slice %arg4[%add3A_10] : memref<163840xi32, #tpu.memory_space<hbm>> -> memref<3072xi32, #tpu.memory_space<hbm>>
        tpu.wait_dma2 semaphore(%run_scoped3A : memref<!tpu.dma_semaphore, #tpu.memory_space<semaphore_mem>>) src(%dma_wait3A_34 : memref<3072xi32, #tpu.memory_space<hbm>>) dst(%dma_wait3A_33 : memref<3072xi32, #tpu.memory_space<vmem>>)
        tpu.yield
      }) : () -> ()
      "tpu.region"() ({
        %run_scoped3A = tpu.sem_alloc : memref<!tpu.dma_semaphore, #tpu.memory_space<semaphore_mem>>
        %dma_start3A_24 = arith.constant 0 : i32
        %dma_start3A_25 = tpu.memref_slice %arg9[%dma_start3A_24] : memref<7168xi32, #tpu.memory_space<vmem>> -> memref<3072xi32, #tpu.memory_space<vmem>>
        %dma_start3A_26 = tpu.memref_slice %arg5[%add3A_10] : memref<163840xi32, #tpu.memory_space<hbm>> -> memref<3072xi32, #tpu.memory_space<hbm>>
        %dma_start3A_27 = arith.constant 0 : i32
        %dma_start3A_28 = tpu.memref_slice %arg9[%dma_start3A_27] : memref<7168xi32, #tpu.memory_space<vmem>> -> memref<3072xi32, #tpu.memory_space<vmem>>
        %dma_start3A_29 = tpu.memref_slice %arg5[%add3A_10] : memref<163840xi32, #tpu.memory_space<hbm>> -> memref<3072xi32, #tpu.memory_space<hbm>>
        tpu.enqueue_dma source(%dma_start3A_29 : memref<3072xi32, #tpu.memory_space<hbm>>) target(%dma_start3A_28 : memref<3072xi32, #tpu.memory_space<vmem>>) target_semaphore(%run_scoped3A : memref<!tpu.dma_semaphore, #tpu.memory_space<semaphore_mem>>)
        %dma_wait3A = arith.constant 0 : i32
        %dma_wait3A_30 = tpu.memref_slice %arg9[%dma_wait3A] : memref<7168xi32, #tpu.memory_space<vmem>> -> memref<3072xi32, #tpu.memory_space<vmem>>
        %dma_wait3A_31 = tpu.memref_slice %arg5[%add3A_10] : memref<163840xi32, #tpu.memory_space<hbm>> -> memref<3072xi32, #tpu.memory_space<hbm>>
        %dma_wait3A_32 = arith.constant 0 : i32
        %dma_wait3A_33 = tpu.memref_slice %arg9[%dma_wait3A_32] : memref<7168xi32, #tpu.memory_space<vmem>> -> memref<3072xi32, #tpu.memory_space<vmem>>
        %dma_wait3A_34 = tpu.memref_slice %arg5[%add3A_10] : memref<163840xi32, #tpu.memory_space<hbm>> -> memref<3072xi32, #tpu.memory_space<hbm>>
        tpu.wait_dma2 semaphore(%run_scoped3A : memref<!tpu.dma_semaphore, #tpu.memory_space<semaphore_mem>>) src(%dma_wait3A_34 : memref<3072xi32, #tpu.memory_space<hbm>>) dst(%dma_wait3A_33 : memref<3072xi32, #tpu.memory_space<vmem>>)
        tpu.yield
      }) : () -> ()
      %dma_start3A = arith.constant 0 : i32
      %dma_start3A_11 = tpu.memref_slice %arg8[%dma_start3A] : memref<7168xi32, #tpu.memory_space<vmem>> -> memref<128xi32, #tpu.memory_space<vmem>>
      %dma_start3A_12 = arith.constant 0 : i32
      %dma_start3A_13 = arith.constant 0 : i32
      %dma_start3A_14 = tpu.memref_slice %arg2[%dma_start3A_12, %dma_start3A_13] : memref<10000x16xf32, #tpu.memory_space<hbm>> -> memref<10000x16xf32, #tpu.memory_space<hbm>>
      tpu.enqueue_indirect_dma source(%dma_start3A_14 : memref<10000x16xf32, #tpu.memory_space<hbm>>) target(%arg10 : memref<128x16xf32, #tpu.memory_space<vmem>>) offsets(%dma_start3A_11 : memref<128xi32, #tpu.memory_space<vmem>>) semaphore(%arg14 : memref<!tpu.dma_semaphore, #tpu.memory_space<semaphore_mem>>)
      %dma_start3A_15 = arith.constant 0 : i32
      %dma_start3A_16 = tpu.memref_slice %arg9[%dma_start3A_15] : memref<7168xi32, #tpu.memory_space<vmem>> -> memref<128xi32, #tpu.memory_space<vmem>>
      %dma_start3A_17 = arith.constant 0 : i32
      %dma_start3A_18 = arith.constant 0 : i32
      %dma_start3A_19 = tpu.memref_slice %arg3[%dma_start3A_17, %dma_start3A_18] : memref<10000x16xf32, #tpu.memory_space<hbm>> -> memref<10000x16xf32, #tpu.memory_space<hbm>>
      tpu.enqueue_indirect_dma source(%dma_start3A_19 : memref<10000x16xf32, #tpu.memory_space<hbm>>) target(%arg12 : memref<128x16xf32, #tpu.memory_space<vmem>>) offsets(%dma_start3A_16 : memref<128xi32, #tpu.memory_space<vmem>>) semaphore(%arg16 : memref<!tpu.dma_semaphore, #tpu.memory_space<semaphore_mem>>)
      %scan3A = arith.constant 0 : i32
      %scan3A_20 = arith.constant 12 : i32
      %scan3A_21 = arith.addi %scan3A, %scan3A_20 : i32
      %scan3A_22 = arith.constant 1 : i32
      scf.for %scan3A_24 = %scan3A to %scan3A_21 step %scan3A_22  : i32 {
        %mul3A_25 = arith.constant 2 : i32
        %mul3A_26 = arith.muli %scan3A_24, %mul3A_25 : i32
        %add3A_27 = arith.constant 0 : i32
        %add3A_28 = arith.addi %add3A_27, %mul3A_26 : i32
        %mul3A_29 = arith.constant 128 : i32
        %mul3A_30 = arith.muli %add3A_28, %mul3A_29 : i32
        %add3A_31 = arith.constant 128 : i32
        %add3A_32 = arith.addi %mul3A_30, %add3A_31 : i32
        %dma_start3A_33 = tpu.memref_slice %arg8[%add3A_32] : memref<7168xi32, #tpu.memory_space<vmem>> -> memref<128xi32, #tpu.memory_space<vmem>>
        %dma_start3A_34 = arith.constant 0 : i32
        %dma_start3A_35 = arith.constant 0 : i32
        %dma_start3A_36 = tpu.memref_slice %arg2[%dma_start3A_34, %dma_start3A_35] : memref<10000x16xf32, #tpu.memory_space<hbm>> -> memref<10000x16xf32, #tpu.memory_space<hbm>>
        tpu.enqueue_indirect_dma source(%dma_start3A_36 : memref<10000x16xf32, #tpu.memory_space<hbm>>) target(%arg11 : memref<128x16xf32, #tpu.memory_space<vmem>>) offsets(%dma_start3A_33 : memref<128xi32, #tpu.memory_space<vmem>>) semaphore(%arg15 : memref<!tpu.dma_semaphore, #tpu.memory_space<semaphore_mem>>)
        %add3A_37 = arith.constant 128 : i32
        %add3A_38 = arith.addi %mul3A_30, %add3A_37 : i32
        %dma_start3A_39 = tpu.memref_slice %arg9[%add3A_38] : memref<7168xi32, #tpu.memory_space<vmem>> -> memref<128xi32, #tpu.memory_space<vmem>>
        %dma_start3A_40 = arith.constant 0 : i32
        %dma_start3A_41 = arith.constant 0 : i32
        %dma_start3A_42 = tpu.memref_slice %arg3[%dma_start3A_40, %dma_start3A_41] : memref<10000x16xf32, #tpu.memory_space<hbm>> -> memref<10000x16xf32, #tpu.memory_space<hbm>>
        tpu.enqueue_indirect_dma source(%dma_start3A_42 : memref<10000x16xf32, #tpu.memory_space<hbm>>) target(%arg13 : memref<128x16xf32, #tpu.memory_space<vmem>>) offsets(%dma_start3A_39 : memref<128xi32, #tpu.memory_space<vmem>>) semaphore(%arg17 : memref<!tpu.dma_semaphore, #tpu.memory_space<semaphore_mem>>)
        %dma_wait3A = arith.constant 0 : i32
        %dma_wait3A_43 = arith.constant 0 : i32
        %dma_wait3A_44 = tpu.memref_slice %arg2[%dma_wait3A, %dma_wait3A_43] : memref<10000x16xf32, #tpu.memory_space<hbm>> -> memref<128x16xf32, #tpu.memory_space<hbm>>
        %dma_wait3A_45 = arith.constant 0 : i32
        %dma_wait3A_46 = arith.constant 0 : i32
        %dma_wait3A_47 = tpu.memref_slice %arg2[%dma_wait3A_45, %dma_wait3A_46] : memref<10000x16xf32, #tpu.memory_space<hbm>> -> memref<128x16xf32, #tpu.memory_space<hbm>>
        tpu.wait_dma2 semaphore(%arg14 : memref<!tpu.dma_semaphore, #tpu.memory_space<semaphore_mem>>) src(%dma_wait3A_47 : memref<128x16xf32, #tpu.memory_space<hbm>>) dst(%arg10 : memref<128x16xf32, #tpu.memory_space<vmem>>)
        %add3A_48 = arith.addi %add3A_10, %mul3A_30 : i32
        "tpu.region"() ({
          %run_scoped3A = tpu.sem_alloc : memref<!tpu.dma_semaphore, #tpu.memory_space<semaphore_mem>>
          %dma_start3A_80 = arith.constant 0 : i32
          %dma_start3A_81 = tpu.memref_slice %arg6[%add3A_48, %dma_start3A_80] : memref<163840x16xf32, #tpu.memory_space<hbm>> -> memref<128x16xf32, #tpu.memory_space<hbm>>
          %dma_start3A_82 = arith.constant 0 : i32
          %dma_start3A_83 = tpu.memref_slice %arg6[%add3A_48, %dma_start3A_82] : memref<163840x16xf32, #tpu.memory_space<hbm>> -> memref<128x16xf32, #tpu.memory_space<hbm>>
          tpu.enqueue_dma source(%arg10 : memref<128x16xf32, #tpu.memory_space<vmem>>) target(%dma_start3A_83 : memref<128x16xf32, #tpu.memory_space<hbm>>) target_semaphore(%run_scoped3A : memref<!tpu.dma_semaphore, #tpu.memory_space<semaphore_mem>>)
          %dma_wait3A_84 = arith.constant 0 : i32
          %dma_wait3A_85 = tpu.memref_slice %arg6[%add3A_48, %dma_wait3A_84] : memref<163840x16xf32, #tpu.memory_space<hbm>> -> memref<128x16xf32, #tpu.memory_space<hbm>>
          %dma_wait3A_86 = arith.constant 0 : i32
          %dma_wait3A_87 = tpu.memref_slice %arg6[%add3A_48, %dma_wait3A_86] : memref<163840x16xf32, #tpu.memory_space<hbm>> -> memref<128x16xf32, #tpu.memory_space<hbm>>
          tpu.wait_dma2 semaphore(%run_scoped3A : memref<!tpu.dma_semaphore, #tpu.memory_space<semaphore_mem>>) src(%arg10 : memref<128x16xf32, #tpu.memory_space<vmem>>) dst(%dma_wait3A_87 : memref<128x16xf32, #tpu.memory_space<hbm>>)
          tpu.yield
        }) : () -> ()
        %dma_wait3A_49 = arith.constant 0 : i32
        %dma_wait3A_50 = arith.constant 0 : i32
        %dma_wait3A_51 = tpu.memref_slice %arg3[%dma_wait3A_49, %dma_wait3A_50] : memref<10000x16xf32, #tpu.memory_space<hbm>> -> memref<128x16xf32, #tpu.memory_space<hbm>>
        %dma_wait3A_52 = arith.constant 0 : i32
        %dma_wait3A_53 = arith.constant 0 : i32
        %dma_wait3A_54 = tpu.memref_slice %arg3[%dma_wait3A_52, %dma_wait3A_53] : memref<10000x16xf32, #tpu.memory_space<hbm>> -> memref<128x16xf32, #tpu.memory_space<hbm>>
        tpu.wait_dma2 semaphore(%arg16 : memref<!tpu.dma_semaphore, #tpu.memory_space<semaphore_mem>>) src(%dma_wait3A_54 : memref<128x16xf32, #tpu.memory_space<hbm>>) dst(%arg12 : memref<128x16xf32, #tpu.memory_space<vmem>>)
        %add3A_55 = arith.addi %add3A_10, %mul3A_30 : i32
        "tpu.region"() ({
          %run_scoped3A = tpu.sem_alloc : memref<!tpu.dma_semaphore, #tpu.memory_space<semaphore_mem>>
          %dma_start3A_80 = arith.constant 0 : i32
          %dma_start3A_81 = tpu.memref_slice %arg7[%add3A_55, %dma_start3A_80] : memref<163840x16xf32, #tpu.memory_space<hbm>> -> memref<128x16xf32, #tpu.memory_space<hbm>>
          %dma_start3A_82 = arith.constant 0 : i32
          %dma_start3A_83 = tpu.memref_slice %arg7[%add3A_55, %dma_start3A_82] : memref<163840x16xf32, #tpu.memory_space<hbm>> -> memref<128x16xf32, #tpu.memory_space<hbm>>
          tpu.enqueue_dma source(%arg12 : memref<128x16xf32, #tpu.memory_space<vmem>>) target(%dma_start3A_83 : memref<128x16xf32, #tpu.memory_space<hbm>>) target_semaphore(%run_scoped3A : memref<!tpu.dma_semaphore, #tpu.memory_space<semaphore_mem>>)
          %dma_wait3A_84 = arith.constant 0 : i32
          %dma_wait3A_85 = tpu.memref_slice %arg7[%add3A_55, %dma_wait3A_84] : memref<163840x16xf32, #tpu.memory_space<hbm>> -> memref<128x16xf32, #tpu.memory_space<hbm>>
          %dma_wait3A_86 = arith.constant 0 : i32
          %dma_wait3A_87 = tpu.memref_slice %arg7[%add3A_55, %dma_wait3A_86] : memref<163840x16xf32, #tpu.memory_space<hbm>> -> memref<128x16xf32, #tpu.memory_space<hbm>>
          tpu.wait_dma2 semaphore(%run_scoped3A : memref<!tpu.dma_semaphore, #tpu.memory_space<semaphore_mem>>) src(%arg12 : memref<128x16xf32, #tpu.memory_space<vmem>>) dst(%dma_wait3A_87 : memref<128x16xf32, #tpu.memory_space<hbm>>)
          tpu.yield
        }) : () -> ()
        %add3A_56 = arith.constant 2 : i32
        %add3A_57 = arith.addi %add3A_28, %add3A_56 : i32
        %lt3A = arith.constant 24 : i32
        %lt3A_58 = arith.cmpi slt, %add3A_57, %lt3A : i32
        %convert_element_type3A_59 = arith.extui %lt3A_58 : i1 to i32
        %cond3A_60 = arith.constant 0 : i32
        %cond3A_61 = arith.cmpi ne, %convert_element_type3A_59, %cond3A_60 : i32
        scf.if %cond3A_61 {
          %add3A_80 = arith.constant 256 : i32
          %add3A_81 = arith.addi %mul3A_30, %add3A_80 : i32
          %dma_start3A_82 = tpu.memref_slice %arg8[%add3A_81] : memref<7168xi32, #tpu.memory_space<vmem>> -> memref<128xi32, #tpu.memory_space<vmem>>
          %dma_start3A_83 = arith.constant 0 : i32
          %dma_start3A_84 = arith.constant 0 : i32
          %dma_start3A_85 = tpu.memref_slice %arg2[%dma_start3A_83, %dma_start3A_84] : memref<10000x16xf32, #tpu.memory_space<hbm>> -> memref<10000x16xf32, #tpu.memory_space<hbm>>
          tpu.enqueue_indirect_dma source(%dma_start3A_85 : memref<10000x16xf32, #tpu.memory_space<hbm>>) target(%arg10 : memref<128x16xf32, #tpu.memory_space<vmem>>) offsets(%dma_start3A_82 : memref<128xi32, #tpu.memory_space<vmem>>) semaphore(%arg14 : memref<!tpu.dma_semaphore, #tpu.memory_space<semaphore_mem>>)
          %add3A_86 = arith.constant 256 : i32
          %add3A_87 = arith.addi %mul3A_30, %add3A_86 : i32
          %dma_start3A_88 = tpu.memref_slice %arg9[%add3A_87] : memref<7168xi32, #tpu.memory_space<vmem>> -> memref<128xi32, #tpu.memory_space<vmem>>
          %dma_start3A_89 = arith.constant 0 : i32
          %dma_start3A_90 = arith.constant 0 : i32
          %dma_start3A_91 = tpu.memref_slice %arg3[%dma_start3A_89, %dma_start3A_90] : memref<10000x16xf32, #tpu.memory_space<hbm>> -> memref<10000x16xf32, #tpu.memory_space<hbm>>
          tpu.enqueue_indirect_dma source(%dma_start3A_91 : memref<10000x16xf32, #tpu.memory_space<hbm>>) target(%arg12 : memref<128x16xf32, #tpu.memory_space<vmem>>) offsets(%dma_start3A_88 : memref<128xi32, #tpu.memory_space<vmem>>) semaphore(%arg16 : memref<!tpu.dma_semaphore, #tpu.memory_space<semaphore_mem>>)
        } else {
        }
        %dma_wait3A_62 = arith.constant 0 : i32
        %dma_wait3A_63 = arith.constant 0 : i32
        %dma_wait3A_64 = tpu.memref_slice %arg2[%dma_wait3A_62, %dma_wait3A_63] : memref<10000x16xf32, #tpu.memory_space<hbm>> -> memref<128x16xf32, #tpu.memory_space<hbm>>
        %dma_wait3A_65 = arith.constant 0 : i32
        %dma_wait3A_66 = arith.constant 0 : i32
        %dma_wait3A_67 = tpu.memref_slice %arg2[%dma_wait3A_65, %dma_wait3A_66] : memref<10000x16xf32, #tpu.memory_space<hbm>> -> memref<128x16xf32, #tpu.memory_space<hbm>>
        tpu.wait_dma2 semaphore(%arg15 : memref<!tpu.dma_semaphore, #tpu.memory_space<semaphore_mem>>) src(%dma_wait3A_67 : memref<128x16xf32, #tpu.memory_space<hbm>>) dst(%arg11 : memref<128x16xf32, #tpu.memory_space<vmem>>)
        %add3A_68 = arith.addi %add3A_10, %mul3A_30 : i32
        %add3A_69 = arith.constant 128 : i32
        %add3A_70 = arith.addi %add3A_68, %add3A_69 : i32
        "tpu.region"() ({
          %run_scoped3A = tpu.sem_alloc : memref<!tpu.dma_semaphore, #tpu.memory_space<semaphore_mem>>
          %dma_start3A_80 = arith.constant 0 : i32
          %dma_start3A_81 = tpu.memref_slice %arg6[%add3A_70, %dma_start3A_80] : memref<163840x16xf32, #tpu.memory_space<hbm>> -> memref<128x16xf32, #tpu.memory_space<hbm>>
          %dma_start3A_82 = arith.constant 0 : i32
          %dma_start3A_83 = tpu.memref_slice %arg6[%add3A_70, %dma_start3A_82] : memref<163840x16xf32, #tpu.memory_space<hbm>> -> memref<128x16xf32, #tpu.memory_space<hbm>>
          tpu.enqueue_dma source(%arg11 : memref<128x16xf32, #tpu.memory_space<vmem>>) target(%dma_start3A_83 : memref<128x16xf32, #tpu.memory_space<hbm>>) target_semaphore(%run_scoped3A : memref<!tpu.dma_semaphore, #tpu.memory_space<semaphore_mem>>)
          %dma_wait3A_84 = arith.constant 0 : i32
          %dma_wait3A_85 = tpu.memref_slice %arg6[%add3A_70, %dma_wait3A_84] : memref<163840x16xf32, #tpu.memory_space<hbm>> -> memref<128x16xf32, #tpu.memory_space<hbm>>
          %dma_wait3A_86 = arith.constant 0 : i32
          %dma_wait3A_87 = tpu.memref_slice %arg6[%add3A_70, %dma_wait3A_86] : memref<163840x16xf32, #tpu.memory_space<hbm>> -> memref<128x16xf32, #tpu.memory_space<hbm>>
          tpu.wait_dma2 semaphore(%run_scoped3A : memref<!tpu.dma_semaphore, #tpu.memory_space<semaphore_mem>>) src(%arg11 : memref<128x16xf32, #tpu.memory_space<vmem>>) dst(%dma_wait3A_87 : memref<128x16xf32, #tpu.memory_space<hbm>>)
          tpu.yield
        }) : () -> ()
        %dma_wait3A_71 = arith.constant 0 : i32
        %dma_wait3A_72 = arith.constant 0 : i32
        %dma_wait3A_73 = tpu.memref_slice %arg3[%dma_wait3A_71, %dma_wait3A_72] : memref<10000x16xf32, #tpu.memory_space<hbm>> -> memref<128x16xf32, #tpu.memory_space<hbm>>
        %dma_wait3A_74 = arith.constant 0 : i32
        %dma_wait3A_75 = arith.constant 0 : i32
        %dma_wait3A_76 = tpu.memref_slice %arg3[%dma_wait3A_74, %dma_wait3A_75] : memref<10000x16xf32, #tpu.memory_space<hbm>> -> memref<128x16xf32, #tpu.memory_space<hbm>>
        tpu.wait_dma2 semaphore(%arg17 : memref<!tpu.dma_semaphore, #tpu.memory_space<semaphore_mem>>) src(%dma_wait3A_76 : memref<128x16xf32, #tpu.memory_space<hbm>>) dst(%arg13 : memref<128x16xf32, #tpu.memory_space<vmem>>)
        %add3A_77 = arith.addi %add3A_10, %mul3A_30 : i32
        %add3A_78 = arith.constant 128 : i32
        %add3A_79 = arith.addi %add3A_77, %add3A_78 : i32
        "tpu.region"() ({
          %run_scoped3A = tpu.sem_alloc : memref<!tpu.dma_semaphore, #tpu.memory_space<semaphore_mem>>
          %dma_start3A_80 = arith.constant 0 : i32
          %dma_start3A_81 = tpu.memref_slice %arg7[%add3A_79, %dma_start3A_80] : memref<163840x16xf32, #tpu.memory_space<hbm>> -> memref<128x16xf32, #tpu.memory_space<hbm>>
          %dma_start3A_82 = arith.constant 0 : i32
          %dma_start3A_83 = tpu.memref_slice %arg7[%add3A_79, %dma_start3A_82] : memref<163840x16xf32, #tpu.memory_space<hbm>> -> memref<128x16xf32, #tpu.memory_space<hbm>>
          tpu.enqueue_dma source(%arg13 : memref<128x16xf32, #tpu.memory_space<vmem>>) target(%dma_start3A_83 : memref<128x16xf32, #tpu.memory_space<hbm>>) target_semaphore(%run_scoped3A : memref<!tpu.dma_semaphore, #tpu.memory_space<semaphore_mem>>)
          %dma_wait3A_84 = arith.constant 0 : i32
          %dma_wait3A_85 = tpu.memref_slice %arg7[%add3A_79, %dma_wait3A_84] : memref<163840x16xf32, #tpu.memory_space<hbm>> -> memref<128x16xf32, #tpu.memory_space<hbm>>
          %dma_wait3A_86 = arith.constant 0 : i32
          %dma_wait3A_87 = tpu.memref_slice %arg7[%add3A_79, %dma_wait3A_86] : memref<163840x16xf32, #tpu.memory_space<hbm>> -> memref<128x16xf32, #tpu.memory_space<hbm>>
          tpu.wait_dma2 semaphore(%run_scoped3A : memref<!tpu.dma_semaphore, #tpu.memory_space<semaphore_mem>>) src(%arg13 : memref<128x16xf32, #tpu.memory_space<vmem>>) dst(%dma_wait3A_87 : memref<128x16xf32, #tpu.memory_space<hbm>>)
          tpu.yield
        }) : () -> ()
      }
      %scan3A_23 = arith.constant 12 : i32
    } else {
    }
    return
  }
}

#map = affine_map<(d0, d1) -> (0, 0)>
#map1 = affine_map<(d0, d1) -> (0)>
#map2 = affine_map<(d0, d1) -> (0, 0, 0)>
module attributes {stable_mosaic.version = 14 : i64} {
  func.func @k(%arg0: i32, %arg1: i32, %arg2: memref<163840x32xf32, #tpu.memory_space<hbm>>, %arg3: memref<163840xi32, #tpu.memory_space<hbm>>, %arg4: memref<10000x32xf32, #tpu.memory_space<hbm>>, %arg5: memref<2x10000x32xf32, #tpu.memory_space<hbm>>, %arg6: memref<128xi32, #tpu.memory_space<vmem>>, %arg7: memref<128xi32, #tpu.memory_space<vmem>>, %arg8: memref<128x32xf32, #tpu.memory_space<vmem>>, %arg9: memref<128x32xf32, #tpu.memory_space<vmem>>, %arg10: memref<10000x32xf32, #tpu.memory_space<vmem_shared>>, %arg11: memref<!tpu.dma_semaphore, #tpu.memory_space<semaphore_mem>>, %arg12: memref<!tpu.dma_semaphore, #tpu.memory_space<semaphore_mem>>) attributes {dimension_semantics = [#tpu.dimension_semantics<core_parallel>, #tpu.dimension_semantics<subcore_parallel>], iteration_bounds = array<i64: 2, 16>, scalar_prefetch = 0 : i64, scratch_operands = 7 : i64, tpu.core_type = #tpu.core_type<sc_vector_subcore>, window_params = [{transform_indices = #map}, {transform_indices = #map1}, {transform_indices = #map}, {transform_indices = #map2}]} {
    %mul3A = arith.constant 2 : i32
    %mul3A_0 = arith.muli %arg1, %mul3A : i32
    %add3A = arith.addi %mul3A_0, %arg0 : i32
    %mul3A_1 = arith.constant 625 : i32
    %mul3A_2 = arith.muli %arg1, %mul3A_1 : i32
    %mul3A_3 = arith.constant 625 : i32
    %mul3A_4 = arith.muli %arg1, %mul3A_3 : i32
    "tpu.region"() ({
      %run_scoped3A = tpu.sem_alloc : memref<!tpu.dma_semaphore, #tpu.memory_space<semaphore_mem>>
      %dma_start3A_19 = arith.constant 0 : i32
      %dma_start3A_20 = tpu.memref_slice %arg10[%mul3A_4, %dma_start3A_19] : memref<10000x32xf32, #tpu.memory_space<vmem_shared>> -> memref<625x32xf32, #tpu.memory_space<vmem_shared>>
      %dma_start3A_21 = arith.constant 0 : i32
      %dma_start3A_22 = tpu.memref_slice %arg4[%mul3A_2, %dma_start3A_21] : memref<10000x32xf32, #tpu.memory_space<hbm>> -> memref<625x32xf32, #tpu.memory_space<hbm>>
      tpu.enqueue_dma source(%dma_start3A_22 : memref<625x32xf32, #tpu.memory_space<hbm>>) target(%dma_start3A_20 : memref<625x32xf32, #tpu.memory_space<vmem_shared>>) target_semaphore(%run_scoped3A : memref<!tpu.dma_semaphore, #tpu.memory_space<semaphore_mem>>)
      %dma_wait3A = arith.constant 0 : i32
      %dma_wait3A_23 = tpu.memref_slice %arg10[%mul3A_4, %dma_wait3A] : memref<10000x32xf32, #tpu.memory_space<vmem_shared>> -> memref<625x32xf32, #tpu.memory_space<vmem_shared>>
      %dma_wait3A_24 = arith.constant 0 : i32
      %dma_wait3A_25 = tpu.memref_slice %arg4[%mul3A_2, %dma_wait3A_24] : memref<10000x32xf32, #tpu.memory_space<hbm>> -> memref<625x32xf32, #tpu.memory_space<hbm>>
      tpu.wait_dma2 semaphore(%run_scoped3A : memref<!tpu.dma_semaphore, #tpu.memory_space<semaphore_mem>>) src(%dma_wait3A_25 : memref<625x32xf32, #tpu.memory_space<hbm>>) dst(%dma_wait3A_23 : memref<625x32xf32, #tpu.memory_space<vmem_shared>>)
      tpu.yield
    }) : () -> ()
    %barrier3A = arith.constant 0 : index
    tpu.barrier barrier_id(%barrier3A)
    %mul3A_5 = arith.constant 5120 : i32
    %mul3A_6 = arith.muli %add3A, %mul3A_5 : i32
    "tpu.region"() ({
      %run_scoped3A = tpu.sem_alloc : memref<!tpu.dma_semaphore, #tpu.memory_space<semaphore_mem>>
      %dma_start3A_19 = tpu.memref_slice %arg3[%mul3A_6] : memref<163840xi32, #tpu.memory_space<hbm>> -> memref<128xi32, #tpu.memory_space<hbm>>
      %dma_start3A_20 = tpu.memref_slice %arg3[%mul3A_6] : memref<163840xi32, #tpu.memory_space<hbm>> -> memref<128xi32, #tpu.memory_space<hbm>>
      tpu.enqueue_dma source(%dma_start3A_20 : memref<128xi32, #tpu.memory_space<hbm>>) target(%arg6 : memref<128xi32, #tpu.memory_space<vmem>>) target_semaphore(%run_scoped3A : memref<!tpu.dma_semaphore, #tpu.memory_space<semaphore_mem>>)
      %dma_wait3A = tpu.memref_slice %arg3[%mul3A_6] : memref<163840xi32, #tpu.memory_space<hbm>> -> memref<128xi32, #tpu.memory_space<hbm>>
      %dma_wait3A_21 = tpu.memref_slice %arg3[%mul3A_6] : memref<163840xi32, #tpu.memory_space<hbm>> -> memref<128xi32, #tpu.memory_space<hbm>>
      tpu.wait_dma2 semaphore(%run_scoped3A : memref<!tpu.dma_semaphore, #tpu.memory_space<semaphore_mem>>) src(%dma_wait3A_21 : memref<128xi32, #tpu.memory_space<hbm>>) dst(%arg6 : memref<128xi32, #tpu.memory_space<vmem>>)
      tpu.yield
    }) : () -> ()
    %dma_start3A = arith.constant 0 : i32
    %dma_start3A_7 = tpu.memref_slice %arg2[%mul3A_6, %dma_start3A] : memref<163840x32xf32, #tpu.memory_space<hbm>> -> memref<128x32xf32, #tpu.memory_space<hbm>>
    %dma_start3A_8 = arith.constant 0 : i32
    %dma_start3A_9 = tpu.memref_slice %arg2[%mul3A_6, %dma_start3A_8] : memref<163840x32xf32, #tpu.memory_space<hbm>> -> memref<128x32xf32, #tpu.memory_space<hbm>>
    tpu.enqueue_dma source(%dma_start3A_9 : memref<128x32xf32, #tpu.memory_space<hbm>>) target(%arg8 : memref<128x32xf32, #tpu.memory_space<vmem>>) target_semaphore(%arg11 : memref<!tpu.dma_semaphore, #tpu.memory_space<semaphore_mem>>)
    %scan3A = arith.constant 0 : i32
    %scan3A_10 = arith.constant 20 : i32
    %scan3A_11 = arith.addi %scan3A, %scan3A_10 : i32
    %scan3A_12 = arith.constant 1 : i32
    scf.for %scan3A_19 = %scan3A to %scan3A_11 step %scan3A_12  : i32 {
      %mul3A_20 = arith.constant 2 : i32
      %mul3A_21 = arith.muli %scan3A_19, %mul3A_20 : i32
      %add3A_22 = arith.constant 0 : i32
      %add3A_23 = arith.addi %add3A_22, %mul3A_21 : i32
      %mul3A_24 = arith.constant 128 : i32
      %mul3A_25 = arith.muli %add3A_23, %mul3A_24 : i32
      %add3A_26 = arith.addi %mul3A_6, %mul3A_25 : i32
      %add3A_27 = arith.constant 128 : i32
      %add3A_28 = arith.addi %add3A_26, %add3A_27 : i32
      "tpu.region"() ({
        %run_scoped3A = tpu.sem_alloc : memref<!tpu.dma_semaphore, #tpu.memory_space<semaphore_mem>>
        %dma_start3A_48 = tpu.memref_slice %arg3[%add3A_28] : memref<163840xi32, #tpu.memory_space<hbm>> -> memref<128xi32, #tpu.memory_space<hbm>>
        %dma_start3A_49 = tpu.memref_slice %arg3[%add3A_28] : memref<163840xi32, #tpu.memory_space<hbm>> -> memref<128xi32, #tpu.memory_space<hbm>>
        tpu.enqueue_dma source(%dma_start3A_49 : memref<128xi32, #tpu.memory_space<hbm>>) target(%arg7 : memref<128xi32, #tpu.memory_space<vmem>>) target_semaphore(%run_scoped3A : memref<!tpu.dma_semaphore, #tpu.memory_space<semaphore_mem>>)
        %dma_wait3A_50 = tpu.memref_slice %arg3[%add3A_28] : memref<163840xi32, #tpu.memory_space<hbm>> -> memref<128xi32, #tpu.memory_space<hbm>>
        %dma_wait3A_51 = tpu.memref_slice %arg3[%add3A_28] : memref<163840xi32, #tpu.memory_space<hbm>> -> memref<128xi32, #tpu.memory_space<hbm>>
        tpu.wait_dma2 semaphore(%run_scoped3A : memref<!tpu.dma_semaphore, #tpu.memory_space<semaphore_mem>>) src(%dma_wait3A_51 : memref<128xi32, #tpu.memory_space<hbm>>) dst(%arg7 : memref<128xi32, #tpu.memory_space<vmem>>)
        tpu.yield
      }) : () -> ()
      %add3A_29 = arith.constant 128 : i32
      %add3A_30 = arith.addi %add3A_26, %add3A_29 : i32
      %dma_start3A_31 = arith.constant 0 : i32
      %dma_start3A_32 = tpu.memref_slice %arg2[%add3A_30, %dma_start3A_31] : memref<163840x32xf32, #tpu.memory_space<hbm>> -> memref<128x32xf32, #tpu.memory_space<hbm>>
      %dma_start3A_33 = arith.constant 0 : i32
      %dma_start3A_34 = tpu.memref_slice %arg2[%add3A_30, %dma_start3A_33] : memref<163840x32xf32, #tpu.memory_space<hbm>> -> memref<128x32xf32, #tpu.memory_space<hbm>>
      tpu.enqueue_dma source(%dma_start3A_34 : memref<128x32xf32, #tpu.memory_space<hbm>>) target(%arg9 : memref<128x32xf32, #tpu.memory_space<vmem>>) target_semaphore(%arg12 : memref<!tpu.dma_semaphore, #tpu.memory_space<semaphore_mem>>)
      %dma_wait3A = arith.constant 0 : i32
      %dma_wait3A_35 = arith.constant 0 : i32
      %dma_wait3A_36 = tpu.memref_slice %arg2[%dma_wait3A, %dma_wait3A_35] : memref<163840x32xf32, #tpu.memory_space<hbm>> -> memref<128x32xf32, #tpu.memory_space<hbm>>
      %dma_wait3A_37 = arith.constant 0 : i32
      %dma_wait3A_38 = arith.constant 0 : i32
      %dma_wait3A_39 = tpu.memref_slice %arg2[%dma_wait3A_37, %dma_wait3A_38] : memref<163840x32xf32, #tpu.memory_space<hbm>> -> memref<128x32xf32, #tpu.memory_space<hbm>>
      tpu.wait_dma2 semaphore(%arg11 : memref<!tpu.dma_semaphore, #tpu.memory_space<semaphore_mem>>) src(%dma_wait3A_39 : memref<128x32xf32, #tpu.memory_space<hbm>>) dst(%arg8 : memref<128x32xf32, #tpu.memory_space<vmem>>)
      "tpu.region"() ({
        %run_scoped3A = tpu.sem_alloc : memref<!tpu.dma_semaphore, #tpu.memory_space<semaphore_mem>>
        %dma_start3A_48 = arith.constant 0 : i32
        %dma_start3A_49 = arith.constant 0 : i32
        %dma_start3A_50 = tpu.memref_slice %arg10[%dma_start3A_48, %dma_start3A_49] : memref<10000x32xf32, #tpu.memory_space<vmem_shared>> -> memref<10000x32xf32, #tpu.memory_space<vmem_shared>>
        tpu.enqueue_indirect_dma source(%arg8 : memref<128x32xf32, #tpu.memory_space<vmem>>) target(%dma_start3A_50 : memref<10000x32xf32, #tpu.memory_space<vmem_shared>>) offsets(%arg6 : memref<128xi32, #tpu.memory_space<vmem>>) semaphore(%run_scoped3A : memref<!tpu.dma_semaphore, #tpu.memory_space<semaphore_mem>>) {add = true}
        %dma_wait3A_51 = arith.constant 0 : i32
        %dma_wait3A_52 = arith.constant 0 : i32
        %dma_wait3A_53 = tpu.memref_slice %arg10[%dma_wait3A_51, %dma_wait3A_52] : memref<10000x32xf32, #tpu.memory_space<vmem_shared>> -> memref<10000x32xf32, #tpu.memory_space<vmem_shared>>
        tpu.wait_indirect_dma semaphore(%run_scoped3A : memref<!tpu.dma_semaphore, #tpu.memory_space<semaphore_mem>>) src(%arg8 : memref<128x32xf32, #tpu.memory_space<vmem>>) dst(%dma_wait3A_53 : memref<10000x32xf32, #tpu.memory_space<vmem_shared>>)
        tpu.yield
      }) : () -> ()
      %add3A_40 = arith.constant 2 : i32
      %add3A_41 = arith.addi %add3A_23, %add3A_40 : i32
      %lt3A = arith.constant 40 : i32
      %lt3A_42 = arith.cmpi slt, %add3A_41, %lt3A : i32
      %convert_element_type3A = arith.extui %lt3A_42 : i1 to i32
      %cond3A = arith.constant 0 : i32
      %cond3A_43 = arith.cmpi ne, %convert_element_type3A, %cond3A : i32
      scf.if %cond3A_43 {
        %add3A_48 = arith.constant 256 : i32
        %add3A_49 = arith.addi %add3A_26, %add3A_48 : i32
        "tpu.region"() ({
          %run_scoped3A = tpu.sem_alloc : memref<!tpu.dma_semaphore, #tpu.memory_space<semaphore_mem>>
          %dma_start3A_56 = tpu.memref_slice %arg3[%add3A_49] : memref<163840xi32, #tpu.memory_space<hbm>> -> memref<128xi32, #tpu.memory_space<hbm>>
          %dma_start3A_57 = tpu.memref_slice %arg3[%add3A_49] : memref<163840xi32, #tpu.memory_space<hbm>> -> memref<128xi32, #tpu.memory_space<hbm>>
          tpu.enqueue_dma source(%dma_start3A_57 : memref<128xi32, #tpu.memory_space<hbm>>) target(%arg6 : memref<128xi32, #tpu.memory_space<vmem>>) target_semaphore(%run_scoped3A : memref<!tpu.dma_semaphore, #tpu.memory_space<semaphore_mem>>)
          %dma_wait3A_58 = tpu.memref_slice %arg3[%add3A_49] : memref<163840xi32, #tpu.memory_space<hbm>> -> memref<128xi32, #tpu.memory_space<hbm>>
          %dma_wait3A_59 = tpu.memref_slice %arg3[%add3A_49] : memref<163840xi32, #tpu.memory_space<hbm>> -> memref<128xi32, #tpu.memory_space<hbm>>
          tpu.wait_dma2 semaphore(%run_scoped3A : memref<!tpu.dma_semaphore, #tpu.memory_space<semaphore_mem>>) src(%dma_wait3A_59 : memref<128xi32, #tpu.memory_space<hbm>>) dst(%arg6 : memref<128xi32, #tpu.memory_space<vmem>>)
          tpu.yield
        }) : () -> ()
        %add3A_50 = arith.constant 256 : i32
        %add3A_51 = arith.addi %add3A_26, %add3A_50 : i32
        %dma_start3A_52 = arith.constant 0 : i32
        %dma_start3A_53 = tpu.memref_slice %arg2[%add3A_51, %dma_start3A_52] : memref<163840x32xf32, #tpu.memory_space<hbm>> -> memref<128x32xf32, #tpu.memory_space<hbm>>
        %dma_start3A_54 = arith.constant 0 : i32
        %dma_start3A_55 = tpu.memref_slice %arg2[%add3A_51, %dma_start3A_54] : memref<163840x32xf32, #tpu.memory_space<hbm>> -> memref<128x32xf32, #tpu.memory_space<hbm>>
        tpu.enqueue_dma source(%dma_start3A_55 : memref<128x32xf32, #tpu.memory_space<hbm>>) target(%arg8 : memref<128x32xf32, #tpu.memory_space<vmem>>) target_semaphore(%arg11 : memref<!tpu.dma_semaphore, #tpu.memory_space<semaphore_mem>>)
      } else {
      }
      %dma_wait3A_44 = arith.constant 0 : i32
      %dma_wait3A_45 = tpu.memref_slice %arg2[%add3A_30, %dma_wait3A_44] : memref<163840x32xf32, #tpu.memory_space<hbm>> -> memref<128x32xf32, #tpu.memory_space<hbm>>
      %dma_wait3A_46 = arith.constant 0 : i32
      %dma_wait3A_47 = tpu.memref_slice %arg2[%add3A_30, %dma_wait3A_46] : memref<163840x32xf32, #tpu.memory_space<hbm>> -> memref<128x32xf32, #tpu.memory_space<hbm>>
      tpu.wait_dma2 semaphore(%arg12 : memref<!tpu.dma_semaphore, #tpu.memory_space<semaphore_mem>>) src(%dma_wait3A_47 : memref<128x32xf32, #tpu.memory_space<hbm>>) dst(%arg9 : memref<128x32xf32, #tpu.memory_space<vmem>>)
      "tpu.region"() ({
        %run_scoped3A = tpu.sem_alloc : memref<!tpu.dma_semaphore, #tpu.memory_space<semaphore_mem>>
        %dma_start3A_48 = arith.constant 0 : i32
        %dma_start3A_49 = arith.constant 0 : i32
        %dma_start3A_50 = tpu.memref_slice %arg10[%dma_start3A_48, %dma_start3A_49] : memref<10000x32xf32, #tpu.memory_space<vmem_shared>> -> memref<10000x32xf32, #tpu.memory_space<vmem_shared>>
        tpu.enqueue_indirect_dma source(%arg9 : memref<128x32xf32, #tpu.memory_space<vmem>>) target(%dma_start3A_50 : memref<10000x32xf32, #tpu.memory_space<vmem_shared>>) offsets(%arg7 : memref<128xi32, #tpu.memory_space<vmem>>) semaphore(%run_scoped3A : memref<!tpu.dma_semaphore, #tpu.memory_space<semaphore_mem>>) {add = true}
        %dma_wait3A_51 = arith.constant 0 : i32
        %dma_wait3A_52 = arith.constant 0 : i32
        %dma_wait3A_53 = tpu.memref_slice %arg10[%dma_wait3A_51, %dma_wait3A_52] : memref<10000x32xf32, #tpu.memory_space<vmem_shared>> -> memref<10000x32xf32, #tpu.memory_space<vmem_shared>>
        tpu.wait_indirect_dma semaphore(%run_scoped3A : memref<!tpu.dma_semaphore, #tpu.memory_space<semaphore_mem>>) src(%arg9 : memref<128x32xf32, #tpu.memory_space<vmem>>) dst(%dma_wait3A_53 : memref<10000x32xf32, #tpu.memory_space<vmem_shared>>)
        tpu.yield
      }) : () -> ()
    }
    %scan3A_13 = arith.constant 20 : i32
    %barrier3A_14 = arith.constant 0 : index
    tpu.barrier barrier_id(%barrier3A_14)
    %mul3A_15 = arith.constant 625 : i32
    %mul3A_16 = arith.muli %arg1, %mul3A_15 : i32
    %mul3A_17 = arith.constant 625 : i32
    %mul3A_18 = arith.muli %arg1, %mul3A_17 : i32
    "tpu.region"() ({
      %run_scoped3A = tpu.sem_alloc : memref<!tpu.dma_semaphore, #tpu.memory_space<semaphore_mem>>
      %dma_start3A_19 = arith.constant 0 : i32
      %dma_start3A_20 = arith.constant 0 : i32
      %dma_start3A_21 = tpu.memref_slice %arg5[%arg0, %dma_start3A_19, %dma_start3A_20] : memref<2x10000x32xf32, #tpu.memory_space<hbm>> -> memref<1x10000x32xf32, #tpu.memory_space<hbm>>
      %dma_start3A_22 = tpu.memref_squeeze %dma_start3A_21 : memref<1x10000x32xf32, #tpu.memory_space<hbm>> -> memref<10000x32xf32, #tpu.memory_space<hbm>>
      %dma_start3A_23 = arith.constant 0 : i32
      %dma_start3A_24 = tpu.memref_slice %dma_start3A_22[%mul3A_18, %dma_start3A_23] : memref<10000x32xf32, #tpu.memory_space<hbm>> -> memref<625x32xf32, #tpu.memory_space<hbm>>
      %dma_start3A_25 = arith.constant 0 : i32
      %dma_start3A_26 = tpu.memref_slice %arg10[%mul3A_16, %dma_start3A_25] : memref<10000x32xf32, #tpu.memory_space<vmem_shared>> -> memref<625x32xf32, #tpu.memory_space<vmem_shared>>
      tpu.enqueue_dma source(%dma_start3A_26 : memref<625x32xf32, #tpu.memory_space<vmem_shared>>) target(%dma_start3A_24 : memref<625x32xf32, #tpu.memory_space<hbm>>) target_semaphore(%run_scoped3A : memref<!tpu.dma_semaphore, #tpu.memory_space<semaphore_mem>>)
      %dma_wait3A = arith.constant 0 : i32
      %dma_wait3A_27 = arith.constant 0 : i32
      %dma_wait3A_28 = tpu.memref_slice %arg5[%arg0, %dma_wait3A, %dma_wait3A_27] : memref<2x10000x32xf32, #tpu.memory_space<hbm>> -> memref<1x10000x32xf32, #tpu.memory_space<hbm>>
      %dma_wait3A_29 = tpu.memref_squeeze %dma_wait3A_28 : memref<1x10000x32xf32, #tpu.memory_space<hbm>> -> memref<10000x32xf32, #tpu.memory_space<hbm>>
      %dma_wait3A_30 = arith.constant 0 : i32
      %dma_wait3A_31 = tpu.memref_slice %dma_wait3A_29[%mul3A_18, %dma_wait3A_30] : memref<10000x32xf32, #tpu.memory_space<hbm>> -> memref<625x32xf32, #tpu.memory_space<hbm>>
      %dma_wait3A_32 = arith.constant 0 : i32
      %dma_wait3A_33 = tpu.memref_slice %arg10[%mul3A_16, %dma_wait3A_32] : memref<10000x32xf32, #tpu.memory_space<vmem_shared>> -> memref<625x32xf32, #tpu.memory_space<vmem_shared>>
      tpu.wait_dma2 semaphore(%run_scoped3A : memref<!tpu.dma_semaphore, #tpu.memory_space<semaphore_mem>>) src(%dma_wait3A_33 : memref<625x32xf32, #tpu.memory_space<vmem_shared>>) dst(%dma_wait3A_31 : memref<625x32xf32, #tpu.memory_space<hbm>>)
      tpu.yield
    }) : () -> ()
    return
  }
}

module attributes {stable_mosaic.version = 14 : i64} {
  func.func @body(%arg0: i32, %arg1: memref<2000x128xf32, #tpu.memory_space<vmem>>, %arg2: memref<128x16xf32, #tpu.memory_space<vmem>>, %arg3: memref<1x16xf32, #tpu.memory_space<vmem>>, %arg4: memref<16x16xf32, #tpu.memory_space<vmem>>, %arg5: memref<1x16xf32, #tpu.memory_space<vmem>>, %arg6: memref<16x16xf32, #tpu.memory_space<vmem>>, %arg7: memref<1x16xf32, #tpu.memory_space<vmem>>, %arg8: memref<2000x32xf32, #tpu.memory_space<vmem>>, %arg9: memref<2000x16xf32, #tpu.memory_space<vmem>>) attributes {dimension_semantics = [#tpu.dimension_semantics<arbitrary>], iteration_bounds = array<i64: 5>, scalar_prefetch = 0 : i64, scratch_operands = 0 : i64, tpu.core_type = #tpu.core_type<tc>, window_params = [{transform_indices = @transform_0, window_bounds = array<i64: 2000, 128>}, {pipeline_mode = #tpu.pipeline_mode<synchronous>, transform_indices = @transform_1, window_bounds = array<i64: 128, 16>}, {pipeline_mode = #tpu.pipeline_mode<synchronous>, transform_indices = @transform_2, window_bounds = array<i64: 1, 16>}, {pipeline_mode = #tpu.pipeline_mode<synchronous>, transform_indices = @transform_3, window_bounds = array<i64: 16, 16>}, {pipeline_mode = #tpu.pipeline_mode<synchronous>, transform_indices = @transform_4, window_bounds = array<i64: 1, 16>}, {pipeline_mode = #tpu.pipeline_mode<synchronous>, transform_indices = @transform_5, window_bounds = array<i64: 16, 16>}, {pipeline_mode = #tpu.pipeline_mode<synchronous>, transform_indices = @transform_6, window_bounds = array<i64: 1, 16>}, {transform_indices = @transform_7, window_bounds = array<i64: 2000, 32>}, {transform_indices = @transform_8, window_bounds = array<i64: 2000, 16>}]} {
    %get3A = arith.constant 0 : index
    %get3A_0 = arith.constant 0 : index
    %get3A_1 = vector.load %arg1[%get3A, %get3A_0] : memref<2000x128xf32, #tpu.memory_space<vmem>>, vector<2000x128xf32>
    %get3A_2 = arith.constant 0 : index
    %get3A_3 = arith.constant 0 : index
    %get3A_4 = vector.load %arg2[%get3A_2, %get3A_3] : memref<128x16xf32, #tpu.memory_space<vmem>>, vector<128x16xf32>
    %dot_general3A = arith.constant dense<0.000000e+00> : vector<2000x16xf32>
    %dot_general3A_5 = tpu.matmul %get3A_1, %get3A_4, %dot_general3A {dimension_numbers = #tpu.dot_dimension_numbers<[1], [0], [0], [1], [0, 0, 1, 1], [], []>, transpose_lhs_hint = false} : vector<2000x128xf32>, vector<128x16xf32>, vector<2000x16xf32> -> vector<2000x16xf32>
    %get3A_6 = arith.constant 0 : index
    %get3A_7 = arith.constant 0 : index
    %get3A_8 = vector.load %arg3[%get3A_6, %get3A_7] : memref<1x16xf32, #tpu.memory_space<vmem>>, vector<1x16xf32>
    %add3A = vector.broadcast %get3A_8 : vector<1x16xf32> to vector<2000x16xf32>
    %add3A_9 = arith.addf %dot_general3A_5, %add3A : vector<2000x16xf32>
    %get3A_10 = arith.constant 0 : index
    %get3A_11 = arith.constant 0 : index
    %get3A_12 = vector.load %arg4[%get3A_10, %get3A_11] : memref<16x16xf32, #tpu.memory_space<vmem>>, vector<16x16xf32>
    %dot_general3A_13 = arith.constant dense<0.000000e+00> : vector<2000x16xf32>
    %dot_general3A_14 = tpu.matmul %add3A_9, %get3A_12, %dot_general3A_13 {dimension_numbers = #tpu.dot_dimension_numbers<[1], [0], [0], [1], [0, 0, 1, 1], [], []>, transpose_lhs_hint = false} : vector<2000x16xf32>, vector<16x16xf32>, vector<2000x16xf32> -> vector<2000x16xf32>
    %get3A_15 = arith.constant 0 : index
    %get3A_16 = arith.constant 0 : index
    %get3A_17 = vector.load %arg5[%get3A_15, %get3A_16] : memref<1x16xf32, #tpu.memory_space<vmem>>, vector<1x16xf32>
    %add3A_18 = vector.broadcast %get3A_17 : vector<1x16xf32> to vector<2000x16xf32>
    %add3A_19 = arith.addf %dot_general3A_14, %add3A_18 : vector<2000x16xf32>
    %max3A = arith.constant 0.000000e+00 : f32
    %max3A_20 = vector.broadcast %max3A : f32 to vector<2000x16xf32>
    %max3A_21 = arith.maximumf %add3A_19, %max3A_20 : vector<2000x16xf32>
    %get3A_22 = arith.constant 0 : index
    %get3A_23 = arith.constant 0 : index
    %get3A_24 = vector.load %arg6[%get3A_22, %get3A_23] : memref<16x16xf32, #tpu.memory_space<vmem>>, vector<16x16xf32>
    %dot_general3A_25 = arith.constant dense<0.000000e+00> : vector<2000x16xf32>
    %dot_general3A_26 = tpu.matmul %max3A_21, %get3A_24, %dot_general3A_25 {dimension_numbers = #tpu.dot_dimension_numbers<[1], [0], [0], [1], [0, 0, 1, 1], [], []>, transpose_lhs_hint = false} : vector<2000x16xf32>, vector<16x16xf32>, vector<2000x16xf32> -> vector<2000x16xf32>
    %get3A_27 = arith.constant 0 : index
    %get3A_28 = arith.constant 0 : index
    %get3A_29 = vector.load %arg7[%get3A_27, %get3A_28] : memref<1x16xf32, #tpu.memory_space<vmem>>, vector<1x16xf32>
    %add3A_30 = vector.broadcast %get3A_29 : vector<1x16xf32> to vector<2000x16xf32>
    %add3A_31 = arith.addf %dot_general3A_26, %add3A_30 : vector<2000x16xf32>
    %swap3A = arith.constant 0 : index
    %swap3A_32 = arith.constant 0 : index
    %swap3A_33 = vector.load %arg9[%swap3A, %swap3A_32] : memref<2000x16xf32, #tpu.memory_space<vmem>>, vector<2000x16xf32>
    tpu.vector_store %arg9[%swap3A, %swap3A_32], %add3A_31 {strides = array<i32>} : memref<2000x16xf32, #tpu.memory_space<vmem>>, vector<2000x16xf32>,
    %broadcast_in_dim3A = arith.constant 0.000000e+00 : f32
    %broadcast_in_dim3A_34 = vector.broadcast %broadcast_in_dim3A : f32 to vector<2000x16xf32>
    %concatenate3A = tpu.concatenate %add3A_31, %broadcast_in_dim3A_34 in 1 : vector<2000x16xf32>, vector<2000x16xf32> -> vector<2000x32xf32>
    %swap3A_35 = arith.constant 0 : index
    %swap3A_36 = arith.constant 0 : index
    %swap3A_37 = vector.load %arg8[%swap3A_35, %swap3A_36] : memref<2000x32xf32, #tpu.memory_space<vmem>>, vector<2000x32xf32>
    tpu.vector_store %arg8[%swap3A_35, %swap3A_36], %concatenate3A {strides = array<i32>} : memref<2000x32xf32, #tpu.memory_space<vmem>>, vector<2000x32xf32>,
    return
  }
  func.func @transform_0(%arg0: i32) -> (i32, i32) {
    %c0_i32 = arith.constant 0 : i32
    %c0_i32_0 = arith.constant 0 : i32
    return %arg0, %c0_i32 : i32, i32
  }
  func.func @transform_1(%arg0: i32) -> (i32, i32) {
    %c0_i32 = arith.constant 0 : i32
    %c0_i32_0 = arith.constant 0 : i32
    %c0_i32_1 = arith.constant 0 : i32
    return %c0_i32, %c0_i32_0 : i32, i32
  }
  func.func @transform_2(%arg0: i32) -> (i32, i32) {
    %c0_i32 = arith.constant 0 : i32
    %c0_i32_0 = arith.constant 0 : i32
    %c0_i32_1 = arith.constant 0 : i32
    return %c0_i32, %c0_i32_0 : i32, i32
  }
  func.func @transform_3(%arg0: i32) -> (i32, i32) {
    %c0_i32 = arith.constant 0 : i32
    %c0_i32_0 = arith.constant 0 : i32
    %c0_i32_1 = arith.constant 0 : i32
    return %c0_i32, %c0_i32_0 : i32, i32
  }
  func.func @transform_4(%arg0: i32) -> (i32, i32) {
    %c0_i32 = arith.constant 0 : i32
    %c0_i32_0 = arith.constant 0 : i32
    %c0_i32_1 = arith.constant 0 : i32
    return %c0_i32, %c0_i32_0 : i32, i32
  }
  func.func @transform_5(%arg0: i32) -> (i32, i32) {
    %c0_i32 = arith.constant 0 : i32
    %c0_i32_0 = arith.constant 0 : i32
    %c0_i32_1 = arith.constant 0 : i32
    return %c0_i32, %c0_i32_0 : i32, i32
  }
  func.func @transform_6(%arg0: i32) -> (i32, i32) {
    %c0_i32 = arith.constant 0 : i32
    %c0_i32_0 = arith.constant 0 : i32
    %c0_i32_1 = arith.constant 0 : i32
    return %c0_i32, %c0_i32_0 : i32, i32
  }
  func.func @transform_7(%arg0: i32) -> (i32, i32) {
    %c0_i32 = arith.constant 0 : i32
    %c0_i32_0 = arith.constant 0 : i32
    return %arg0, %c0_i32 : i32, i32
  }
  func.func @transform_8(%arg0: i32) -> (i32, i32) {
    %c0_i32 = arith.constant 0 : i32
    %c0_i32_0 = arith.constant 0 : i32
    return %arg0, %c0_i32 : i32, i32
  }
}

module attributes {stable_mosaic.version = 14 : i64} {
  func.func @body(%arg0: i32, %arg1: memref<2560x16xf32, #tpu.memory_space<vmem>>, %arg2: memref<2560x16xf32, #tpu.memory_space<vmem>>, %arg3: memref<2560x16xf32, #tpu.memory_space<vmem>>, %arg4: memref<16x16xf32, #tpu.memory_space<vmem>>, %arg5: memref<16x1xf32, #tpu.memory_space<vmem>>, %arg6: memref<16x16xf32, #tpu.memory_space<vmem>>, %arg7: memref<16x1xf32, #tpu.memory_space<vmem>>, %arg8: memref<16x32xf32, #tpu.memory_space<vmem>>, %arg9: memref<16x1xf32, #tpu.memory_space<vmem>>, %arg10: memref<16x16xf32, #tpu.memory_space<vmem>>, %arg11: memref<16x1xf32, #tpu.memory_space<vmem>>, %arg12: memref<24x2560xf32, #tpu.memory_space<vmem>>) attributes {dimension_semantics = [#tpu.dimension_semantics<arbitrary>], iteration_bounds = array<i64: 64>, scalar_prefetch = 0 : i64, scratch_operands = 0 : i64, tpu.core_type = #tpu.core_type<tc>, window_params = [{transform_indices = @transform_0, window_bounds = array<i64: 2560, 16>}, {transform_indices = @transform_1, window_bounds = array<i64: 2560, 16>}, {transform_indices = @transform_2, window_bounds = array<i64: 2560, 16>}, {pipeline_mode = #tpu.pipeline_mode<synchronous>, transform_indices = @transform_3, window_bounds = array<i64: 16, 16>}, {pipeline_mode = #tpu.pipeline_mode<synchronous>, transform_indices = @transform_4, window_bounds = array<i64: 16, 1>}, {pipeline_mode = #tpu.pipeline_mode<synchronous>, transform_indices = @transform_5, window_bounds = array<i64: 16, 16>}, {pipeline_mode = #tpu.pipeline_mode<synchronous>, transform_indices = @transform_6, window_bounds = array<i64: 16, 1>}, {pipeline_mode = #tpu.pipeline_mode<synchronous>, transform_indices = @transform_7, window_bounds = array<i64: 16, 32>}, {pipeline_mode = #tpu.pipeline_mode<synchronous>, transform_indices = @transform_8, window_bounds = array<i64: 16, 1>}, {pipeline_mode = #tpu.pipeline_mode<synchronous>, transform_indices = @transform_9, window_bounds = array<i64: 16, 16>}, {pipeline_mode = #tpu.pipeline_mode<synchronous>, transform_indices = @transform_10, window_bounds = array<i64: 16, 1>}, {transform_indices = @transform_11, window_bounds = array<i64: 24, 2560>}]} {
    %iota3A = tpu.iota {dimensions = array<i32: 0>} : vector<32x1xi32>
    %convert_element_type3A = arith.sitofp %iota3A : vector<32x1xi32> to vector<32x1xf32>
    %mul3A = arith.constant 0.322580636 : f32
    %mul3A_0 = vector.broadcast %mul3A : f32 to vector<32x1xf32>
    %mul3A_1 = arith.mulf %mul3A_0, %convert_element_type3A : vector<32x1xf32>
    %iota3A_2 = tpu.iota {dimensions = array<i32: 1>} : vector<1x2560xi32>
    %mul3A_3 = arith.constant 2560 : i32
    %mul3A_4 = arith.muli %arg0, %mul3A_3 : i32
    %add3A = vector.broadcast %mul3A_4 : i32 to vector<1x2560xi32>
    %add3A_5 = arith.addi %iota3A_2, %add3A : vector<1x2560xi32>
    %get3A = arith.constant 0 : index
    %get3A_6 = arith.constant 0 : index
    %get3A_7 = vector.load %arg1[%get3A, %get3A_6] : memref<2560x16xf32, #tpu.memory_space<vmem>>, vector<2560x16xf32>
    %iota3A_8 = tpu.iota {dimensions = array<i32: 0>} : vector<16x16xi32>
    %iota3A_9 = tpu.iota {dimensions = array<i32: 1>} : vector<16x16xi32>
    %add3A_10 = arith.constant 0 : i32
    %add3A_11 = vector.broadcast %add3A_10 : i32 to vector<16x16xi32>
    %add3A_12 = arith.addi %iota3A_8, %add3A_11 : vector<16x16xi32>
    %eq3A = arith.cmpi eq, %add3A_12, %iota3A_9 : vector<16x16xi32>
    %convert_element_type3A_13 = arith.extui %eq3A : vector<16x16xi1> to vector<16x16xi32>
    %convert_element_type3A_14 = arith.sitofp %convert_element_type3A_13 : vector<16x16xi32> to vector<16x16xf32>
    %dot_general3A = arith.constant dense<0.000000e+00> : vector<16x2560xf32>
    %dot_general3A_15 = tpu.matmul %convert_element_type3A_14, %get3A_7, %dot_general3A {dimension_numbers = #tpu.dot_dimension_numbers<[1], [1], [0], [0], [0, 0, 1, 0], [], []>, transpose_lhs_hint = false} : vector<16x16xf32>, vector<2560x16xf32>, vector<16x2560xf32> -> vector<16x2560xf32>
    %get3A_16 = arith.constant 0 : index
    %get3A_17 = arith.constant 0 : index
    %get3A_18 = vector.load %arg2[%get3A_16, %get3A_17] : memref<2560x16xf32, #tpu.memory_space<vmem>>, vector<2560x16xf32>
    %iota3A_19 = tpu.iota {dimensions = array<i32: 0>} : vector<16x16xi32>
    %iota3A_20 = tpu.iota {dimensions = array<i32: 1>} : vector<16x16xi32>
    %add3A_21 = arith.constant 0 : i32
    %add3A_22 = vector.broadcast %add3A_21 : i32 to vector<16x16xi32>
    %add3A_23 = arith.addi %iota3A_19, %add3A_22 : vector<16x16xi32>
    %eq3A_24 = arith.cmpi eq, %add3A_23, %iota3A_20 : vector<16x16xi32>
    %convert_element_type3A_25 = arith.extui %eq3A_24 : vector<16x16xi1> to vector<16x16xi32>
    %convert_element_type3A_26 = arith.sitofp %convert_element_type3A_25 : vector<16x16xi32> to vector<16x16xf32>
    %dot_general3A_27 = arith.constant dense<0.000000e+00> : vector<16x2560xf32>
    %dot_general3A_28 = tpu.matmul %convert_element_type3A_26, %get3A_18, %dot_general3A_27 {dimension_numbers = #tpu.dot_dimension_numbers<[1], [1], [0], [0], [0, 0, 1, 0], [], []>, transpose_lhs_hint = false} : vector<16x16xf32>, vector<2560x16xf32>, vector<16x2560xf32> -> vector<16x2560xf32>
    %get3A_29 = arith.constant 0 : index
    %get3A_30 = arith.constant 0 : index
    %get3A_31 = vector.load %arg3[%get3A_29, %get3A_30] : memref<2560x16xf32, #tpu.memory_space<vmem>>, vector<2560x16xf32>
    %iota3A_32 = tpu.iota {dimensions = array<i32: 0>} : vector<16x16xi32>
    %iota3A_33 = tpu.iota {dimensions = array<i32: 1>} : vector<16x16xi32>
    %add3A_34 = arith.constant 0 : i32
    %add3A_35 = vector.broadcast %add3A_34 : i32 to vector<16x16xi32>
    %add3A_36 = arith.addi %iota3A_32, %add3A_35 : vector<16x16xi32>
    %eq3A_37 = arith.cmpi eq, %add3A_36, %iota3A_33 : vector<16x16xi32>
    %convert_element_type3A_38 = arith.extui %eq3A_37 : vector<16x16xi1> to vector<16x16xi32>
    %convert_element_type3A_39 = arith.sitofp %convert_element_type3A_38 : vector<16x16xi32> to vector<16x16xf32>
    %dot_general3A_40 = arith.constant dense<0.000000e+00> : vector<16x2560xf32>
    %dot_general3A_41 = tpu.matmul %convert_element_type3A_39, %get3A_31, %dot_general3A_40 {dimension_numbers = #tpu.dot_dimension_numbers<[1], [1], [0], [0], [0, 0, 1, 0], [], []>, transpose_lhs_hint = false} : vector<16x16xf32>, vector<2560x16xf32>, vector<16x2560xf32> -> vector<16x2560xf32>
    %slice3A = vector.extract_strided_slice %dot_general3A_28 {offsets = [0, 0], sizes = [3, 2560], strides = [1, 1]} : vector<16x2560xf32> to vector<3x2560xf32>
    %slice3A_42 = vector.extract_strided_slice %dot_general3A_41 {offsets = [0, 0], sizes = [3, 2560], strides = [1, 1]} : vector<16x2560xf32> to vector<3x2560xf32>
    %sub3A = arith.subf %slice3A, %slice3A_42 : vector<3x2560xf32>
    %slice3A_43 = vector.extract_strided_slice %sub3A {offsets = [0, 0], sizes = [1, 2560], strides = [1, 1]} : vector<3x2560xf32> to vector<1x2560xf32>
    %slice3A_44 = vector.extract_strided_slice %sub3A {offsets = [0, 0], sizes = [1, 2560], strides = [1, 1]} : vector<3x2560xf32> to vector<1x2560xf32>
    %mul3A_45 = arith.mulf %slice3A_43, %slice3A_44 : vector<1x2560xf32>
    %slice3A_46 = vector.extract_strided_slice %sub3A {offsets = [1, 0], sizes = [1, 2560], strides = [1, 1]} : vector<3x2560xf32> to vector<1x2560xf32>
    %slice3A_47 = vector.extract_strided_slice %sub3A {offsets = [1, 0], sizes = [1, 2560], strides = [1, 1]} : vector<3x2560xf32> to vector<1x2560xf32>
    %mul3A_48 = arith.mulf %slice3A_46, %slice3A_47 : vector<1x2560xf32>
    %add3A_49 = arith.addf %mul3A_45, %mul3A_48 : vector<1x2560xf32>
    %slice3A_50 = vector.extract_strided_slice %sub3A {offsets = [2, 0], sizes = [1, 2560], strides = [1, 1]} : vector<3x2560xf32> to vector<1x2560xf32>
    %slice3A_51 = vector.extract_strided_slice %sub3A {offsets = [2, 0], sizes = [1, 2560], strides = [1, 1]} : vector<3x2560xf32> to vector<1x2560xf32>
    %mul3A_52 = arith.mulf %slice3A_50, %slice3A_51 : vector<1x2560xf32>
    %add3A_53 = arith.addf %add3A_49, %mul3A_52 : vector<1x2560xf32>
    %add3A_54 = arith.constant 9.99999996E-13 : f32
    %add3A_55 = vector.broadcast %add3A_54 : f32 to vector<1x2560xf32>
    %add3A_56 = arith.addf %add3A_53, %add3A_55 : vector<1x2560xf32>
    %sqrt3A = math.sqrt %add3A_56 : vector<1x2560xf32>
    %sub3A_57 = vector.broadcast %sqrt3A : vector<1x2560xf32> to vector<32x2560xf32>
    %sub3A_58 = vector.broadcast %mul3A_1 : vector<32x1xf32> to vector<32x2560xf32>
    %sub3A_59 = arith.subf %sub3A_57, %sub3A_58 : vector<32x2560xf32>
    %integer_pow3A = arith.mulf %sub3A_59, %sub3A_59 : vector<32x2560xf32>
    %mul3A_60 = arith.constant -4.80500031 : f32
    %mul3A_61 = vector.broadcast %mul3A_60 : f32 to vector<32x2560xf32>
    %mul3A_62 = arith.mulf %mul3A_61, %integer_pow3A : vector<32x2560xf32>
    %exp3A = math.exp %mul3A_62 : vector<32x2560xf32>
    %get3A_63 = arith.constant 0 : index
    %get3A_64 = arith.constant 0 : index
    %get3A_65 = vector.load %arg4[%get3A_63, %get3A_64] : memref<16x16xf32, #tpu.memory_space<vmem>>, vector<16x16xf32>
    %dot_general3A_66 = arith.constant dense<0.000000e+00> : vector<16x2560xf32>
    %dot_general3A_67 = tpu.matmul %get3A_65, %dot_general3A_15, %dot_general3A_66 {dimension_numbers = #tpu.dot_dimension_numbers<[1], [0], [0], [1], [0, 0, 1, 1], [], []>, transpose_lhs_hint = false} : vector<16x16xf32>, vector<16x2560xf32>, vector<16x2560xf32> -> vector<16x2560xf32>
    %get3A_68 = arith.constant 0 : index
    %get3A_69 = arith.constant 0 : index
    %get3A_70 = vector.load %arg5[%get3A_68, %get3A_69] : memref<16x1xf32, #tpu.memory_space<vmem>>, vector<16x1xf32>
    %add3A_71 = vector.broadcast %get3A_70 : vector<16x1xf32> to vector<16x2560xf32>
    %add3A_72 = arith.addf %dot_general3A_67, %add3A_71 : vector<16x2560xf32>
    %max3A = arith.constant 0.000000e+00 : f32
    %max3A_73 = vector.broadcast %max3A : f32 to vector<16x2560xf32>
    %max3A_74 = arith.maximumf %add3A_72, %max3A_73 : vector<16x2560xf32>
    %get3A_75 = arith.constant 0 : index
    %get3A_76 = arith.constant 0 : index
    %get3A_77 = vector.load %arg6[%get3A_75, %get3A_76] : memref<16x16xf32, #tpu.memory_space<vmem>>, vector<16x16xf32>
    %dot_general3A_78 = arith.constant dense<0.000000e+00> : vector<16x2560xf32>
    %dot_general3A_79 = tpu.matmul %get3A_77, %max3A_74, %dot_general3A_78 {dimension_numbers = #tpu.dot_dimension_numbers<[1], [0], [0], [1], [0, 0, 1, 1], [], []>, transpose_lhs_hint = false} : vector<16x16xf32>, vector<16x2560xf32>, vector<16x2560xf32> -> vector<16x2560xf32>
    %get3A_80 = arith.constant 0 : index
    %get3A_81 = arith.constant 0 : index
    %get3A_82 = vector.load %arg7[%get3A_80, %get3A_81] : memref<16x1xf32, #tpu.memory_space<vmem>>, vector<16x1xf32>
    %add3A_83 = vector.broadcast %get3A_82 : vector<16x1xf32> to vector<16x2560xf32>
    %add3A_84 = arith.addf %dot_general3A_79, %add3A_83 : vector<16x2560xf32>
    %get3A_85 = arith.constant 0 : index
    %get3A_86 = arith.constant 0 : index
    %get3A_87 = vector.load %arg8[%get3A_85, %get3A_86] : memref<16x32xf32, #tpu.memory_space<vmem>>, vector<16x32xf32>
    %dot_general3A_88 = arith.constant dense<0.000000e+00> : vector<16x2560xf32>
    %dot_general3A_89 = tpu.matmul %get3A_87, %exp3A, %dot_general3A_88 {dimension_numbers = #tpu.dot_dimension_numbers<[1], [0], [0], [1], [0, 0, 1, 1], [], []>, transpose_lhs_hint = false} : vector<16x32xf32>, vector<32x2560xf32>, vector<16x2560xf32> -> vector<16x2560xf32>
    %get3A_90 = arith.constant 0 : index
    %get3A_91 = arith.constant 0 : index
    %get3A_92 = vector.load %arg9[%get3A_90, %get3A_91] : memref<16x1xf32, #tpu.memory_space<vmem>>, vector<16x1xf32>
    %add3A_93 = vector.broadcast %get3A_92 : vector<16x1xf32> to vector<16x2560xf32>
    %add3A_94 = arith.addf %dot_general3A_89, %add3A_93 : vector<16x2560xf32>
    %max3A_95 = arith.constant 0.000000e+00 : f32
    %max3A_96 = vector.broadcast %max3A_95 : f32 to vector<16x2560xf32>
    %max3A_97 = arith.maximumf %add3A_94, %max3A_96 : vector<16x2560xf32>
    %get3A_98 = arith.constant 0 : index
    %get3A_99 = arith.constant 0 : index
    %get3A_100 = vector.load %arg10[%get3A_98, %get3A_99] : memref<16x16xf32, #tpu.memory_space<vmem>>, vector<16x16xf32>
    %dot_general3A_101 = arith.constant dense<0.000000e+00> : vector<16x2560xf32>
    %dot_general3A_102 = tpu.matmul %get3A_100, %max3A_97, %dot_general3A_101 {dimension_numbers = #tpu.dot_dimension_numbers<[1], [0], [0], [1], [0, 0, 1, 1], [], []>, transpose_lhs_hint = false} : vector<16x16xf32>, vector<16x2560xf32>, vector<16x2560xf32> -> vector<16x2560xf32>
    %get3A_103 = arith.constant 0 : index
    %get3A_104 = arith.constant 0 : index
    %get3A_105 = vector.load %arg11[%get3A_103, %get3A_104] : memref<16x1xf32, #tpu.memory_space<vmem>>, vector<16x1xf32>
    %add3A_106 = vector.broadcast %get3A_105 : vector<16x1xf32> to vector<16x2560xf32>
    %add3A_107 = arith.addf %dot_general3A_102, %add3A_106 : vector<16x2560xf32>
    %div3A = arith.constant 1.000000e+00 : f32
    %div3A_108 = vector.broadcast %div3A : f32 to vector<1x2560xf32>
    %div3A_109 = arith.divf %div3A_108, %sqrt3A : vector<1x2560xf32>
    %slice3A_110 = vector.extract_strided_slice %sub3A {offsets = [1, 0], sizes = [1, 2560], strides = [1, 1]} : vector<3x2560xf32> to vector<1x2560xf32>
    %mul3A_111 = arith.mulf %slice3A_110, %div3A_109 : vector<1x2560xf32>
    %slice3A_112 = vector.extract_strided_slice %sub3A {offsets = [2, 0], sizes = [1, 2560], strides = [1, 1]} : vector<3x2560xf32> to vector<1x2560xf32>
    %mul3A_113 = arith.mulf %slice3A_112, %div3A_109 : vector<1x2560xf32>
    %slice3A_114 = vector.extract_strided_slice %sub3A {offsets = [0, 0], sizes = [1, 2560], strides = [1, 1]} : vector<3x2560xf32> to vector<1x2560xf32>
    %mul3A_115 = arith.mulf %slice3A_114, %div3A_109 : vector<1x2560xf32>
    %concatenate3A = tpu.concatenate %mul3A_111, %mul3A_113, %mul3A_115 in 0 : vector<1x2560xf32>, vector<1x2560xf32>, vector<1x2560xf32> -> vector<3x2560xf32>
    %mul3A_116 = arith.constant 1.73205078 : f32
    %mul3A_117 = vector.broadcast %mul3A_116 : f32 to vector<3x2560xf32>
    %mul3A_118 = arith.mulf %mul3A_117, %concatenate3A : vector<3x2560xf32>
    %add3A_119 = arith.addf %add3A_84, %add3A_107 : vector<16x2560xf32>
    %broadcast_in_dim3A = arith.constant 0.000000e+00 : f32
    %broadcast_in_dim3A_120 = vector.broadcast %broadcast_in_dim3A : f32 to vector<5x2560xf32>
    %concatenate3A_121 = tpu.concatenate %add3A_119, %mul3A_118, %broadcast_in_dim3A_120 in 0 : vector<16x2560xf32>, vector<3x2560xf32>, vector<5x2560xf32> -> vector<24x2560xf32>
    %lt3A = arith.constant 160000 : i32
    %lt3A_122 = vector.broadcast %lt3A : i32 to vector<1x2560xi32>
    %lt3A_123 = arith.cmpi slt, %add3A_5, %lt3A_122 : vector<1x2560xi32>
    %jit3A = arith.constant 0.000000e+00 : f32
    %broadcast_in_dim3A_124 = vector.shape_cast %lt3A_123 : vector<1x2560xi1> to vector<1x2560xi1>
    %broadcast_in_dim3A_125 = vector.broadcast %broadcast_in_dim3A_124 : vector<1x2560xi1> to vector<24x2560xi1>
    %broadcast_in_dim3A_126 = vector.broadcast %jit3A : f32 to vector<24x2560xf32>
    %select_n3A = arith.select %broadcast_in_dim3A_125, %concatenate3A_121, %broadcast_in_dim3A_126 : vector<24x2560xi1>, vector<24x2560xf32>
    %swap3A = arith.constant 0 : index
    %swap3A_127 = arith.constant 0 : index
    %swap3A_128 = vector.load %arg12[%swap3A, %swap3A_127] : memref<24x2560xf32, #tpu.memory_space<vmem>>, vector<24x2560xf32>
    tpu.vector_store %arg12[%swap3A, %swap3A_127], %select_n3A {strides = array<i32>} : memref<24x2560xf32, #tpu.memory_space<vmem>>, vector<24x2560xf32>,
    return
  }
  func.func @transform_0(%arg0: i32) -> (i32, i32) {
    %c0_i32 = arith.constant 0 : i32
    %c0_i32_0 = arith.constant 0 : i32
    return %arg0, %c0_i32 : i32, i32
  }
  func.func @transform_1(%arg0: i32) -> (i32, i32) {
    %c0_i32 = arith.constant 0 : i32
    %c0_i32_0 = arith.constant 0 : i32
    return %arg0, %c0_i32 : i32, i32
  }
  func.func @transform_2(%arg0: i32) -> (i32, i32) {
    %c0_i32 = arith.constant 0 : i32
    %c0_i32_0 = arith.constant 0 : i32
    return %arg0, %c0_i32 : i32, i32
  }
  func.func @transform_3(%arg0: i32) -> (i32, i32) {
    %c0_i32 = arith.constant 0 : i32
    %c0_i32_0 = arith.constant 0 : i32
    %c0_i32_1 = arith.constant 0 : i32
    return %c0_i32, %c0_i32_0 : i32, i32
  }
  func.func @transform_4(%arg0: i32) -> (i32, i32) {
    %c0_i32 = arith.constant 0 : i32
    %c0_i32_0 = arith.constant 0 : i32
    %c0_i32_1 = arith.constant 0 : i32
    return %c0_i32, %c0_i32_0 : i32, i32
  }
  func.func @transform_5(%arg0: i32) -> (i32, i32) {
    %c0_i32 = arith.constant 0 : i32
    %c0_i32_0 = arith.constant 0 : i32
    %c0_i32_1 = arith.constant 0 : i32
    return %c0_i32, %c0_i32_0 : i32, i32
  }
  func.func @transform_6(%arg0: i32) -> (i32, i32) {
    %c0_i32 = arith.constant 0 : i32
    %c0_i32_0 = arith.constant 0 : i32
    %c0_i32_1 = arith.constant 0 : i32
    return %c0_i32, %c0_i32_0 : i32, i32
  }
  func.func @transform_7(%arg0: i32) -> (i32, i32) {
    %c0_i32 = arith.constant 0 : i32
    %c0_i32_0 = arith.constant 0 : i32
    %c0_i32_1 = arith.constant 0 : i32
    return %c0_i32, %c0_i32_0 : i32, i32
  }
  func.func @transform_8(%arg0: i32) -> (i32, i32) {
    %c0_i32 = arith.constant 0 : i32
    %c0_i32_0 = arith.constant 0 : i32
    %c0_i32_1 = arith.constant 0 : i32
    return %c0_i32, %c0_i32_0 : i32, i32
  }
  func.func @transform_9(%arg0: i32) -> (i32, i32) {
    %c0_i32 = arith.constant 0 : i32
    %c0_i32_0 = arith.constant 0 : i32
    %c0_i32_1 = arith.constant 0 : i32
    return %c0_i32, %c0_i32_0 : i32, i32
  }
  func.func @transform_10(%arg0: i32) -> (i32, i32) {
    %c0_i32 = arith.constant 0 : i32
    %c0_i32_0 = arith.constant 0 : i32
    %c0_i32_1 = arith.constant 0 : i32
    return %c0_i32, %c0_i32_0 : i32, i32
  }
  func.func @transform_11(%arg0: i32) -> (i32, i32) {
    %c0_i32 = arith.constant 0 : i32
    %c0_i32_0 = arith.constant 0 : i32
    return %c0_i32, %arg0 : i32, i32
  }
}

module attributes {stable_mosaic.version = 14 : i64} {
  func.func @body(%arg0: i32, %arg1: memref<24x2560xf32, #tpu.memory_space<vmem>>, %arg2: memref<2560x16xf32, #tpu.memory_space<vmem>>, %arg3: memref<2560x16xf32, #tpu.memory_space<vmem>>, %arg4: memref<128x48xbf16, #tpu.memory_space<vmem>>, %arg5: memref<128x1xf32, #tpu.memory_space<vmem>>, %arg6: memref<320x128xbf16, #tpu.memory_space<vmem>>, %arg7: memref<320x1xf32, #tpu.memory_space<vmem>>, %arg8: memref<2560x32xf32, #tpu.memory_space<vmem>>) attributes {dimension_semantics = [#tpu.dimension_semantics<arbitrary>], iteration_bounds = array<i64: 64>, scalar_prefetch = 0 : i64, scratch_operands = 0 : i64, tpu.core_type = #tpu.core_type<tc>, window_params = [{transform_indices = @transform_0, window_bounds = array<i64: 24, 2560>}, {transform_indices = @transform_1, window_bounds = array<i64: 2560, 16>}, {transform_indices = @transform_2, window_bounds = array<i64: 2560, 16>}, {pipeline_mode = #tpu.pipeline_mode<synchronous>, transform_indices = @transform_3, window_bounds = array<i64: 128, 48>}, {pipeline_mode = #tpu.pipeline_mode<synchronous>, transform_indices = @transform_4, window_bounds = array<i64: 128, 1>}, {pipeline_mode = #tpu.pipeline_mode<synchronous>, transform_indices = @transform_5, window_bounds = array<i64: 320, 128>}, {pipeline_mode = #tpu.pipeline_mode<synchronous>, transform_indices = @transform_6, window_bounds = array<i64: 320, 1>}, {transform_indices = @transform_7, window_bounds = array<i64: 2560, 32>}]} {
    %iota3A = tpu.iota {dimensions = array<i32: 1>} : vector<1x2560xi32>
    %mul3A = arith.constant 2560 : i32
    %mul3A_0 = arith.muli %arg0, %mul3A : i32
    %add3A = vector.broadcast %mul3A_0 : i32 to vector<1x2560xi32>
    %add3A_1 = arith.addi %iota3A, %add3A : vector<1x2560xi32>
    %get3A = arith.constant 0 : index
    %get3A_2 = arith.constant 0 : index
    %get3A_3 = vector.load %arg1[%get3A, %get3A_2] : memref<24x2560xf32, #tpu.memory_space<vmem>>, vector<16x2560xf32>
    %get3A_4 = arith.constant 16 : index
    %get3A_5 = arith.constant 0 : index
    %get3A_6 = vector.load %arg1[%get3A_4, %get3A_5] : memref<24x2560xf32, #tpu.memory_space<vmem>>, vector<3x2560xf32>
    %get3A_7 = arith.constant 0 : index
    %get3A_8 = arith.constant 0 : index
    %get3A_9 = vector.load %arg2[%get3A_7, %get3A_8] : memref<2560x16xf32, #tpu.memory_space<vmem>>, vector<2560x16xf32>
    %iota3A_10 = tpu.iota {dimensions = array<i32: 0>} : vector<16x16xi32>
    %iota3A_11 = tpu.iota {dimensions = array<i32: 1>} : vector<16x16xi32>
    %add3A_12 = arith.constant 0 : i32
    %add3A_13 = vector.broadcast %add3A_12 : i32 to vector<16x16xi32>
    %add3A_14 = arith.addi %iota3A_10, %add3A_13 : vector<16x16xi32>
    %eq3A = arith.cmpi eq, %add3A_14, %iota3A_11 : vector<16x16xi32>
    %convert_element_type3A = arith.extui %eq3A : vector<16x16xi1> to vector<16x16xi32>
    %convert_element_type3A_15 = arith.sitofp %convert_element_type3A : vector<16x16xi32> to vector<16x16xf32>
    %dot_general3A = arith.constant dense<0.000000e+00> : vector<16x2560xf32>
    %dot_general3A_16 = tpu.matmul %convert_element_type3A_15, %get3A_9, %dot_general3A {dimension_numbers = #tpu.dot_dimension_numbers<[1], [1], [0], [0], [0, 0, 1, 0], [], []>, transpose_lhs_hint = false} : vector<16x16xf32>, vector<2560x16xf32>, vector<16x2560xf32> -> vector<16x2560xf32>
    %get3A_17 = arith.constant 0 : index
    %get3A_18 = arith.constant 0 : index
    %get3A_19 = vector.load %arg3[%get3A_17, %get3A_18] : memref<2560x16xf32, #tpu.memory_space<vmem>>, vector<2560x16xf32>
    %iota3A_20 = tpu.iota {dimensions = array<i32: 0>} : vector<16x16xi32>
    %iota3A_21 = tpu.iota {dimensions = array<i32: 1>} : vector<16x16xi32>
    %add3A_22 = arith.constant 0 : i32
    %add3A_23 = vector.broadcast %add3A_22 : i32 to vector<16x16xi32>
    %add3A_24 = arith.addi %iota3A_20, %add3A_23 : vector<16x16xi32>
    %eq3A_25 = arith.cmpi eq, %add3A_24, %iota3A_21 : vector<16x16xi32>
    %convert_element_type3A_26 = arith.extui %eq3A_25 : vector<16x16xi1> to vector<16x16xi32>
    %convert_element_type3A_27 = arith.sitofp %convert_element_type3A_26 : vector<16x16xi32> to vector<16x16xf32>
    %dot_general3A_28 = arith.constant dense<0.000000e+00> : vector<16x2560xf32>
    %dot_general3A_29 = tpu.matmul %convert_element_type3A_27, %get3A_19, %dot_general3A_28 {dimension_numbers = #tpu.dot_dimension_numbers<[1], [1], [0], [0], [0, 0, 1, 0], [], []>, transpose_lhs_hint = false} : vector<16x16xf32>, vector<2560x16xf32>, vector<16x2560xf32> -> vector<16x2560xf32>
    %concatenate3A = tpu.concatenate %get3A_3, %dot_general3A_16, %dot_general3A_29 in 0 : vector<16x2560xf32>, vector<16x2560xf32>, vector<16x2560xf32> -> vector<48x2560xf32>
    %get3A_30 = arith.constant 0 : index
    %get3A_31 = arith.constant 0 : index
    %get3A_32 = vector.load %arg4[%get3A_30, %get3A_31] : memref<128x48xbf16, #tpu.memory_space<vmem>>, vector<128x48xbf16>
    %convert_element_type3A_33 = arith.truncf %concatenate3A : vector<48x2560xf32> to vector<48x2560xbf16>
    %dot_general3A_34 = arith.constant dense<0.000000e+00> : vector<128x2560xf32>
    %dot_general3A_35 = tpu.matmul %get3A_32, %convert_element_type3A_33, %dot_general3A_34 {dimension_numbers = #tpu.dot_dimension_numbers<[1], [0], [0], [1], [0, 0, 1, 1], [], []>, transpose_lhs_hint = false} : vector<128x48xbf16>, vector<48x2560xbf16>, vector<128x2560xf32> -> vector<128x2560xf32>
    %get3A_36 = arith.constant 0 : index
    %get3A_37 = arith.constant 0 : index
    %get3A_38 = vector.load %arg5[%get3A_36, %get3A_37] : memref<128x1xf32, #tpu.memory_space<vmem>>, vector<128x1xf32>
    %add3A_39 = vector.broadcast %get3A_38 : vector<128x1xf32> to vector<128x2560xf32>
    %add3A_40 = arith.addf %dot_general3A_35, %add3A_39 : vector<128x2560xf32>
    %max3A = arith.constant 0.000000e+00 : f32
    %max3A_41 = vector.broadcast %max3A : f32 to vector<128x2560xf32>
    %max3A_42 = arith.maximumf %add3A_40, %max3A_41 : vector<128x2560xf32>
    %get3A_43 = arith.constant 0 : index
    %get3A_44 = arith.constant 0 : index
    %get3A_45 = vector.load %arg6[%get3A_43, %get3A_44] : memref<320x128xbf16, #tpu.memory_space<vmem>>, vector<320x128xbf16>
    %convert_element_type3A_46 = arith.truncf %max3A_42 : vector<128x2560xf32> to vector<128x2560xbf16>
    %dot_general3A_47 = arith.constant dense<0.000000e+00> : vector<320x2560xf32>
    %dot_general3A_48 = tpu.matmul %get3A_45, %convert_element_type3A_46, %dot_general3A_47 {dimension_numbers = #tpu.dot_dimension_numbers<[1], [0], [0], [1], [0, 0, 1, 1], [], []>, transpose_lhs_hint = false} : vector<320x128xbf16>, vector<128x2560xbf16>, vector<320x2560xf32> -> vector<320x2560xf32>
    %get3A_49 = arith.constant 0 : index
    %get3A_50 = arith.constant 0 : index
    %get3A_51 = vector.load %arg7[%get3A_49, %get3A_50] : memref<320x1xf32, #tpu.memory_space<vmem>>, vector<320x1xf32>
    %add3A_52 = vector.broadcast %get3A_51 : vector<320x1xf32> to vector<320x2560xf32>
    %add3A_53 = arith.addf %dot_general3A_48, %add3A_52 : vector<320x2560xf32>
    %slice3A = vector.extract_strided_slice %add3A_53 {offsets = [0, 0], sizes = [16, 2560], strides = [1, 1]} : vector<320x2560xf32> to vector<16x2560xf32>
    %slice3A_54 = vector.extract_strided_slice %dot_general3A_29 {offsets = [0, 0], sizes = [1, 2560], strides = [1, 1]} : vector<16x2560xf32> to vector<1x2560xf32>
    %mul3A_55 = vector.broadcast %slice3A_54 : vector<1x2560xf32> to vector<16x2560xf32>
    %mul3A_56 = arith.mulf %slice3A, %mul3A_55 : vector<16x2560xf32>
    %slice3A_57 = vector.extract_strided_slice %add3A_53 {offsets = [16, 0], sizes = [16, 2560], strides = [1, 1]} : vector<320x2560xf32> to vector<16x2560xf32>
    %slice3A_58 = vector.extract_strided_slice %dot_general3A_29 {offsets = [1, 0], sizes = [1, 2560], strides = [1, 1]} : vector<16x2560xf32> to vector<1x2560xf32>
    %mul3A_59 = vector.broadcast %slice3A_58 : vector<1x2560xf32> to vector<16x2560xf32>
    %mul3A_60 = arith.mulf %slice3A_57, %mul3A_59 : vector<16x2560xf32>
    %add3A_61 = arith.addf %mul3A_56, %mul3A_60 : vector<16x2560xf32>
    %slice3A_62 = vector.extract_strided_slice %add3A_53 {offsets = [32, 0], sizes = [16, 2560], strides = [1, 1]} : vector<320x2560xf32> to vector<16x2560xf32>
    %slice3A_63 = vector.extract_strided_slice %dot_general3A_29 {offsets = [2, 0], sizes = [1, 2560], strides = [1, 1]} : vector<16x2560xf32> to vector<1x2560xf32>
    %mul3A_64 = vector.broadcast %slice3A_63 : vector<1x2560xf32> to vector<16x2560xf32>
    %mul3A_65 = arith.mulf %slice3A_62, %mul3A_64 : vector<16x2560xf32>
    %add3A_66 = arith.addf %add3A_61, %mul3A_65 : vector<16x2560xf32>
    %slice3A_67 = vector.extract_strided_slice %add3A_53 {offsets = [48, 0], sizes = [16, 2560], strides = [1, 1]} : vector<320x2560xf32> to vector<16x2560xf32>
    %slice3A_68 = vector.extract_strided_slice %dot_general3A_29 {offsets = [3, 0], sizes = [1, 2560], strides = [1, 1]} : vector<16x2560xf32> to vector<1x2560xf32>
    %mul3A_69 = vector.broadcast %slice3A_68 : vector<1x2560xf32> to vector<16x2560xf32>
    %mul3A_70 = arith.mulf %slice3A_67, %mul3A_69 : vector<16x2560xf32>
    %add3A_71 = arith.addf %add3A_66, %mul3A_70 : vector<16x2560xf32>
    %slice3A_72 = vector.extract_strided_slice %add3A_53 {offsets = [64, 0], sizes = [16, 2560], strides = [1, 1]} : vector<320x2560xf32> to vector<16x2560xf32>
    %slice3A_73 = vector.extract_strided_slice %dot_general3A_29 {offsets = [4, 0], sizes = [1, 2560], strides = [1, 1]} : vector<16x2560xf32> to vector<1x2560xf32>
    %mul3A_74 = vector.broadcast %slice3A_73 : vector<1x2560xf32> to vector<16x2560xf32>
    %mul3A_75 = arith.mulf %slice3A_72, %mul3A_74 : vector<16x2560xf32>
    %add3A_76 = arith.addf %add3A_71, %mul3A_75 : vector<16x2560xf32>
    %slice3A_77 = vector.extract_strided_slice %add3A_53 {offsets = [80, 0], sizes = [16, 2560], strides = [1, 1]} : vector<320x2560xf32> to vector<16x2560xf32>
    %slice3A_78 = vector.extract_strided_slice %dot_general3A_29 {offsets = [5, 0], sizes = [1, 2560], strides = [1, 1]} : vector<16x2560xf32> to vector<1x2560xf32>
    %mul3A_79 = vector.broadcast %slice3A_78 : vector<1x2560xf32> to vector<16x2560xf32>
    %mul3A_80 = arith.mulf %slice3A_77, %mul3A_79 : vector<16x2560xf32>
    %add3A_81 = arith.addf %add3A_76, %mul3A_80 : vector<16x2560xf32>
    %slice3A_82 = vector.extract_strided_slice %add3A_53 {offsets = [96, 0], sizes = [16, 2560], strides = [1, 1]} : vector<320x2560xf32> to vector<16x2560xf32>
    %slice3A_83 = vector.extract_strided_slice %dot_general3A_29 {offsets = [6, 0], sizes = [1, 2560], strides = [1, 1]} : vector<16x2560xf32> to vector<1x2560xf32>
    %mul3A_84 = vector.broadcast %slice3A_83 : vector<1x2560xf32> to vector<16x2560xf32>
    %mul3A_85 = arith.mulf %slice3A_82, %mul3A_84 : vector<16x2560xf32>
    %add3A_86 = arith.addf %add3A_81, %mul3A_85 : vector<16x2560xf32>
    %slice3A_87 = vector.extract_strided_slice %add3A_53 {offsets = [112, 0], sizes = [16, 2560], strides = [1, 1]} : vector<320x2560xf32> to vector<16x2560xf32>
    %slice3A_88 = vector.extract_strided_slice %dot_general3A_29 {offsets = [7, 0], sizes = [1, 2560], strides = [1, 1]} : vector<16x2560xf32> to vector<1x2560xf32>
    %mul3A_89 = vector.broadcast %slice3A_88 : vector<1x2560xf32> to vector<16x2560xf32>
    %mul3A_90 = arith.mulf %slice3A_87, %mul3A_89 : vector<16x2560xf32>
    %add3A_91 = arith.addf %add3A_86, %mul3A_90 : vector<16x2560xf32>
    %slice3A_92 = vector.extract_strided_slice %add3A_53 {offsets = [128, 0], sizes = [16, 2560], strides = [1, 1]} : vector<320x2560xf32> to vector<16x2560xf32>
    %slice3A_93 = vector.extract_strided_slice %dot_general3A_29 {offsets = [8, 0], sizes = [1, 2560], strides = [1, 1]} : vector<16x2560xf32> to vector<1x2560xf32>
    %mul3A_94 = vector.broadcast %slice3A_93 : vector<1x2560xf32> to vector<16x2560xf32>
    %mul3A_95 = arith.mulf %slice3A_92, %mul3A_94 : vector<16x2560xf32>
    %add3A_96 = arith.addf %add3A_91, %mul3A_95 : vector<16x2560xf32>
    %slice3A_97 = vector.extract_strided_slice %add3A_53 {offsets = [144, 0], sizes = [16, 2560], strides = [1, 1]} : vector<320x2560xf32> to vector<16x2560xf32>
    %slice3A_98 = vector.extract_strided_slice %dot_general3A_29 {offsets = [9, 0], sizes = [1, 2560], strides = [1, 1]} : vector<16x2560xf32> to vector<1x2560xf32>
    %mul3A_99 = vector.broadcast %slice3A_98 : vector<1x2560xf32> to vector<16x2560xf32>
    %mul3A_100 = arith.mulf %slice3A_97, %mul3A_99 : vector<16x2560xf32>
    %add3A_101 = arith.addf %add3A_96, %mul3A_100 : vector<16x2560xf32>
    %slice3A_102 = vector.extract_strided_slice %add3A_53 {offsets = [160, 0], sizes = [16, 2560], strides = [1, 1]} : vector<320x2560xf32> to vector<16x2560xf32>
    %slice3A_103 = vector.extract_strided_slice %dot_general3A_29 {offsets = [10, 0], sizes = [1, 2560], strides = [1, 1]} : vector<16x2560xf32> to vector<1x2560xf32>
    %mul3A_104 = vector.broadcast %slice3A_103 : vector<1x2560xf32> to vector<16x2560xf32>
    %mul3A_105 = arith.mulf %slice3A_102, %mul3A_104 : vector<16x2560xf32>
    %add3A_106 = arith.addf %add3A_101, %mul3A_105 : vector<16x2560xf32>
    %slice3A_107 = vector.extract_strided_slice %add3A_53 {offsets = [176, 0], sizes = [16, 2560], strides = [1, 1]} : vector<320x2560xf32> to vector<16x2560xf32>
    %slice3A_108 = vector.extract_strided_slice %dot_general3A_29 {offsets = [11, 0], sizes = [1, 2560], strides = [1, 1]} : vector<16x2560xf32> to vector<1x2560xf32>
    %mul3A_109 = vector.broadcast %slice3A_108 : vector<1x2560xf32> to vector<16x2560xf32>
    %mul3A_110 = arith.mulf %slice3A_107, %mul3A_109 : vector<16x2560xf32>
    %add3A_111 = arith.addf %add3A_106, %mul3A_110 : vector<16x2560xf32>
    %slice3A_112 = vector.extract_strided_slice %add3A_53 {offsets = [192, 0], sizes = [16, 2560], strides = [1, 1]} : vector<320x2560xf32> to vector<16x2560xf32>
    %slice3A_113 = vector.extract_strided_slice %dot_general3A_29 {offsets = [12, 0], sizes = [1, 2560], strides = [1, 1]} : vector<16x2560xf32> to vector<1x2560xf32>
    %mul3A_114 = vector.broadcast %slice3A_113 : vector<1x2560xf32> to vector<16x2560xf32>
    %mul3A_115 = arith.mulf %slice3A_112, %mul3A_114 : vector<16x2560xf32>
    %add3A_116 = arith.addf %add3A_111, %mul3A_115 : vector<16x2560xf32>
    %slice3A_117 = vector.extract_strided_slice %add3A_53 {offsets = [208, 0], sizes = [16, 2560], strides = [1, 1]} : vector<320x2560xf32> to vector<16x2560xf32>
    %slice3A_118 = vector.extract_strided_slice %dot_general3A_29 {offsets = [13, 0], sizes = [1, 2560], strides = [1, 1]} : vector<16x2560xf32> to vector<1x2560xf32>
    %mul3A_119 = vector.broadcast %slice3A_118 : vector<1x2560xf32> to vector<16x2560xf32>
    %mul3A_120 = arith.mulf %slice3A_117, %mul3A_119 : vector<16x2560xf32>
    %add3A_121 = arith.addf %add3A_116, %mul3A_120 : vector<16x2560xf32>
    %slice3A_122 = vector.extract_strided_slice %add3A_53 {offsets = [224, 0], sizes = [16, 2560], strides = [1, 1]} : vector<320x2560xf32> to vector<16x2560xf32>
    %slice3A_123 = vector.extract_strided_slice %dot_general3A_29 {offsets = [14, 0], sizes = [1, 2560], strides = [1, 1]} : vector<16x2560xf32> to vector<1x2560xf32>
    %mul3A_124 = vector.broadcast %slice3A_123 : vector<1x2560xf32> to vector<16x2560xf32>
    %mul3A_125 = arith.mulf %slice3A_122, %mul3A_124 : vector<16x2560xf32>
    %add3A_126 = arith.addf %add3A_121, %mul3A_125 : vector<16x2560xf32>
    %slice3A_127 = vector.extract_strided_slice %add3A_53 {offsets = [240, 0], sizes = [16, 2560], strides = [1, 1]} : vector<320x2560xf32> to vector<16x2560xf32>
    %slice3A_128 = vector.extract_strided_slice %dot_general3A_29 {offsets = [15, 0], sizes = [1, 2560], strides = [1, 1]} : vector<16x2560xf32> to vector<1x2560xf32>
    %mul3A_129 = vector.broadcast %slice3A_128 : vector<1x2560xf32> to vector<16x2560xf32>
    %mul3A_130 = arith.mulf %slice3A_127, %mul3A_129 : vector<16x2560xf32>
    %add3A_131 = arith.addf %add3A_126, %mul3A_130 : vector<16x2560xf32>
    %slice3A_132 = vector.extract_strided_slice %add3A_53 {offsets = [256, 0], sizes = [4, 2560], strides = [1, 1]} : vector<320x2560xf32> to vector<4x2560xf32>
    %slice3A_133 = vector.extract_strided_slice %dot_general3A_29 {offsets = [0, 0], sizes = [1, 2560], strides = [1, 1]} : vector<16x2560xf32> to vector<1x2560xf32>
    %mul3A_134 = vector.broadcast %slice3A_133 : vector<1x2560xf32> to vector<4x2560xf32>
    %mul3A_135 = arith.mulf %slice3A_132, %mul3A_134 : vector<4x2560xf32>
    %slice3A_136 = vector.extract_strided_slice %add3A_53 {offsets = [260, 0], sizes = [4, 2560], strides = [1, 1]} : vector<320x2560xf32> to vector<4x2560xf32>
    %slice3A_137 = vector.extract_strided_slice %dot_general3A_29 {offsets = [1, 0], sizes = [1, 2560], strides = [1, 1]} : vector<16x2560xf32> to vector<1x2560xf32>
    %mul3A_138 = vector.broadcast %slice3A_137 : vector<1x2560xf32> to vector<4x2560xf32>
    %mul3A_139 = arith.mulf %slice3A_136, %mul3A_138 : vector<4x2560xf32>
    %add3A_140 = arith.addf %mul3A_135, %mul3A_139 : vector<4x2560xf32>
    %slice3A_141 = vector.extract_strided_slice %add3A_53 {offsets = [264, 0], sizes = [4, 2560], strides = [1, 1]} : vector<320x2560xf32> to vector<4x2560xf32>
    %slice3A_142 = vector.extract_strided_slice %dot_general3A_29 {offsets = [2, 0], sizes = [1, 2560], strides = [1, 1]} : vector<16x2560xf32> to vector<1x2560xf32>
    %mul3A_143 = vector.broadcast %slice3A_142 : vector<1x2560xf32> to vector<4x2560xf32>
    %mul3A_144 = arith.mulf %slice3A_141, %mul3A_143 : vector<4x2560xf32>
    %add3A_145 = arith.addf %add3A_140, %mul3A_144 : vector<4x2560xf32>
    %slice3A_146 = vector.extract_strided_slice %add3A_53 {offsets = [268, 0], sizes = [4, 2560], strides = [1, 1]} : vector<320x2560xf32> to vector<4x2560xf32>
    %slice3A_147 = vector.extract_strided_slice %dot_general3A_29 {offsets = [3, 0], sizes = [1, 2560], strides = [1, 1]} : vector<16x2560xf32> to vector<1x2560xf32>
    %mul3A_148 = vector.broadcast %slice3A_147 : vector<1x2560xf32> to vector<4x2560xf32>
    %mul3A_149 = arith.mulf %slice3A_146, %mul3A_148 : vector<4x2560xf32>
    %add3A_150 = arith.addf %add3A_145, %mul3A_149 : vector<4x2560xf32>
    %slice3A_151 = vector.extract_strided_slice %add3A_53 {offsets = [272, 0], sizes = [4, 2560], strides = [1, 1]} : vector<320x2560xf32> to vector<4x2560xf32>
    %slice3A_152 = vector.extract_strided_slice %dot_general3A_29 {offsets = [4, 0], sizes = [1, 2560], strides = [1, 1]} : vector<16x2560xf32> to vector<1x2560xf32>
    %mul3A_153 = vector.broadcast %slice3A_152 : vector<1x2560xf32> to vector<4x2560xf32>
    %mul3A_154 = arith.mulf %slice3A_151, %mul3A_153 : vector<4x2560xf32>
    %add3A_155 = arith.addf %add3A_150, %mul3A_154 : vector<4x2560xf32>
    %slice3A_156 = vector.extract_strided_slice %add3A_53 {offsets = [276, 0], sizes = [4, 2560], strides = [1, 1]} : vector<320x2560xf32> to vector<4x2560xf32>
    %slice3A_157 = vector.extract_strided_slice %dot_general3A_29 {offsets = [5, 0], sizes = [1, 2560], strides = [1, 1]} : vector<16x2560xf32> to vector<1x2560xf32>
    %mul3A_158 = vector.broadcast %slice3A_157 : vector<1x2560xf32> to vector<4x2560xf32>
    %mul3A_159 = arith.mulf %slice3A_156, %mul3A_158 : vector<4x2560xf32>
    %add3A_160 = arith.addf %add3A_155, %mul3A_159 : vector<4x2560xf32>
    %slice3A_161 = vector.extract_strided_slice %add3A_53 {offsets = [280, 0], sizes = [4, 2560], strides = [1, 1]} : vector<320x2560xf32> to vector<4x2560xf32>
    %slice3A_162 = vector.extract_strided_slice %dot_general3A_29 {offsets = [6, 0], sizes = [1, 2560], strides = [1, 1]} : vector<16x2560xf32> to vector<1x2560xf32>
    %mul3A_163 = vector.broadcast %slice3A_162 : vector<1x2560xf32> to vector<4x2560xf32>
    %mul3A_164 = arith.mulf %slice3A_161, %mul3A_163 : vector<4x2560xf32>
    %add3A_165 = arith.addf %add3A_160, %mul3A_164 : vector<4x2560xf32>
    %slice3A_166 = vector.extract_strided_slice %add3A_53 {offsets = [284, 0], sizes = [4, 2560], strides = [1, 1]} : vector<320x2560xf32> to vector<4x2560xf32>
    %slice3A_167 = vector.extract_strided_slice %dot_general3A_29 {offsets = [7, 0], sizes = [1, 2560], strides = [1, 1]} : vector<16x2560xf32> to vector<1x2560xf32>
    %mul3A_168 = vector.broadcast %slice3A_167 : vector<1x2560xf32> to vector<4x2560xf32>
    %mul3A_169 = arith.mulf %slice3A_166, %mul3A_168 : vector<4x2560xf32>
    %add3A_170 = arith.addf %add3A_165, %mul3A_169 : vector<4x2560xf32>
    %slice3A_171 = vector.extract_strided_slice %add3A_53 {offsets = [288, 0], sizes = [4, 2560], strides = [1, 1]} : vector<320x2560xf32> to vector<4x2560xf32>
    %slice3A_172 = vector.extract_strided_slice %dot_general3A_29 {offsets = [8, 0], sizes = [1, 2560], strides = [1, 1]} : vector<16x2560xf32> to vector<1x2560xf32>
    %mul3A_173 = vector.broadcast %slice3A_172 : vector<1x2560xf32> to vector<4x2560xf32>
    %mul3A_174 = arith.mulf %slice3A_171, %mul3A_173 : vector<4x2560xf32>
    %add3A_175 = arith.addf %add3A_170, %mul3A_174 : vector<4x2560xf32>
    %slice3A_176 = vector.extract_strided_slice %add3A_53 {offsets = [292, 0], sizes = [4, 2560], strides = [1, 1]} : vector<320x2560xf32> to vector<4x2560xf32>
    %slice3A_177 = vector.extract_strided_slice %dot_general3A_29 {offsets = [9, 0], sizes = [1, 2560], strides = [1, 1]} : vector<16x2560xf32> to vector<1x2560xf32>
    %mul3A_178 = vector.broadcast %slice3A_177 : vector<1x2560xf32> to vector<4x2560xf32>
    %mul3A_179 = arith.mulf %slice3A_176, %mul3A_178 : vector<4x2560xf32>
    %add3A_180 = arith.addf %add3A_175, %mul3A_179 : vector<4x2560xf32>
    %slice3A_181 = vector.extract_strided_slice %add3A_53 {offsets = [296, 0], sizes = [4, 2560], strides = [1, 1]} : vector<320x2560xf32> to vector<4x2560xf32>
    %slice3A_182 = vector.extract_strided_slice %dot_general3A_29 {offsets = [10, 0], sizes = [1, 2560], strides = [1, 1]} : vector<16x2560xf32> to vector<1x2560xf32>
    %mul3A_183 = vector.broadcast %slice3A_182 : vector<1x2560xf32> to vector<4x2560xf32>
    %mul3A_184 = arith.mulf %slice3A_181, %mul3A_183 : vector<4x2560xf32>
    %add3A_185 = arith.addf %add3A_180, %mul3A_184 : vector<4x2560xf32>
    %slice3A_186 = vector.extract_strided_slice %add3A_53 {offsets = [300, 0], sizes = [4, 2560], strides = [1, 1]} : vector<320x2560xf32> to vector<4x2560xf32>
    %slice3A_187 = vector.extract_strided_slice %dot_general3A_29 {offsets = [11, 0], sizes = [1, 2560], strides = [1, 1]} : vector<16x2560xf32> to vector<1x2560xf32>
    %mul3A_188 = vector.broadcast %slice3A_187 : vector<1x2560xf32> to vector<4x2560xf32>
    %mul3A_189 = arith.mulf %slice3A_186, %mul3A_188 : vector<4x2560xf32>
    %add3A_190 = arith.addf %add3A_185, %mul3A_189 : vector<4x2560xf32>
    %slice3A_191 = vector.extract_strided_slice %add3A_53 {offsets = [304, 0], sizes = [4, 2560], strides = [1, 1]} : vector<320x2560xf32> to vector<4x2560xf32>
    %slice3A_192 = vector.extract_strided_slice %dot_general3A_29 {offsets = [12, 0], sizes = [1, 2560], strides = [1, 1]} : vector<16x2560xf32> to vector<1x2560xf32>
    %mul3A_193 = vector.broadcast %slice3A_192 : vector<1x2560xf32> to vector<4x2560xf32>
    %mul3A_194 = arith.mulf %slice3A_191, %mul3A_193 : vector<4x2560xf32>
    %add3A_195 = arith.addf %add3A_190, %mul3A_194 : vector<4x2560xf32>
    %slice3A_196 = vector.extract_strided_slice %add3A_53 {offsets = [308, 0], sizes = [4, 2560], strides = [1, 1]} : vector<320x2560xf32> to vector<4x2560xf32>
    %slice3A_197 = vector.extract_strided_slice %dot_general3A_29 {offsets = [13, 0], sizes = [1, 2560], strides = [1, 1]} : vector<16x2560xf32> to vector<1x2560xf32>
    %mul3A_198 = vector.broadcast %slice3A_197 : vector<1x2560xf32> to vector<4x2560xf32>
    %mul3A_199 = arith.mulf %slice3A_196, %mul3A_198 : vector<4x2560xf32>
    %add3A_200 = arith.addf %add3A_195, %mul3A_199 : vector<4x2560xf32>
    %slice3A_201 = vector.extract_strided_slice %add3A_53 {offsets = [312, 0], sizes = [4, 2560], strides = [1, 1]} : vector<320x2560xf32> to vector<4x2560xf32>
    %slice3A_202 = vector.extract_strided_slice %dot_general3A_29 {offsets = [14, 0], sizes = [1, 2560], strides = [1, 1]} : vector<16x2560xf32> to vector<1x2560xf32>
    %mul3A_203 = vector.broadcast %slice3A_202 : vector<1x2560xf32> to vector<4x2560xf32>
    %mul3A_204 = arith.mulf %slice3A_201, %mul3A_203 : vector<4x2560xf32>
    %add3A_205 = arith.addf %add3A_200, %mul3A_204 : vector<4x2560xf32>
    %slice3A_206 = vector.extract_strided_slice %add3A_53 {offsets = [316, 0], sizes = [4, 2560], strides = [1, 1]} : vector<320x2560xf32> to vector<4x2560xf32>
    %slice3A_207 = vector.extract_strided_slice %dot_general3A_29 {offsets = [15, 0], sizes = [1, 2560], strides = [1, 1]} : vector<16x2560xf32> to vector<1x2560xf32>
    %mul3A_208 = vector.broadcast %slice3A_207 : vector<1x2560xf32> to vector<4x2560xf32>
    %mul3A_209 = arith.mulf %slice3A_206, %mul3A_208 : vector<4x2560xf32>
    %add3A_210 = arith.addf %add3A_205, %mul3A_209 : vector<4x2560xf32>
    %slice3A_211 = vector.extract_strided_slice %add3A_210 {offsets = [0, 0], sizes = [1, 2560], strides = [1, 1]} : vector<4x2560xf32> to vector<1x2560xf32>
    %mul3A_212 = vector.broadcast %slice3A_211 : vector<1x2560xf32> to vector<3x2560xf32>
    %mul3A_213 = arith.mulf %mul3A_212, %get3A_6 : vector<3x2560xf32>
    %slice3A_214 = vector.extract_strided_slice %add3A_210 {offsets = [1, 0], sizes = [1, 2560], strides = [1, 1]} : vector<4x2560xf32> to vector<1x2560xf32>
    %mul3A_215 = vector.broadcast %slice3A_214 : vector<1x2560xf32> to vector<3x2560xf32>
    %mul3A_216 = arith.mulf %mul3A_215, %get3A_6 : vector<3x2560xf32>
    %slice3A_217 = vector.extract_strided_slice %add3A_210 {offsets = [2, 0], sizes = [1, 2560], strides = [1, 1]} : vector<4x2560xf32> to vector<1x2560xf32>
    %mul3A_218 = vector.broadcast %slice3A_217 : vector<1x2560xf32> to vector<3x2560xf32>
    %mul3A_219 = arith.mulf %mul3A_218, %get3A_6 : vector<3x2560xf32>
    %slice3A_220 = vector.extract_strided_slice %add3A_210 {offsets = [3, 0], sizes = [1, 2560], strides = [1, 1]} : vector<4x2560xf32> to vector<1x2560xf32>
    %mul3A_221 = vector.broadcast %slice3A_220 : vector<1x2560xf32> to vector<3x2560xf32>
    %mul3A_222 = arith.mulf %mul3A_221, %get3A_6 : vector<3x2560xf32>
    %broadcast_in_dim3A = arith.constant 1.000000e+00 : f32
    %broadcast_in_dim3A_223 = vector.broadcast %broadcast_in_dim3A : f32 to vector<1x2560xf32>
    %broadcast_in_dim3A_224 = arith.constant 0.000000e+00 : f32
    %broadcast_in_dim3A_225 = vector.broadcast %broadcast_in_dim3A_224 : f32 to vector<3x2560xf32>
    %concatenate3A_226 = tpu.concatenate %add3A_131, %mul3A_213, %mul3A_216, %mul3A_219, %mul3A_222, %broadcast_in_dim3A_223, %broadcast_in_dim3A_225 in 0 : vector<16x2560xf32>, vector<3x2560xf32>, vector<3x2560xf32>, vector<3x2560xf32>, vector<3x2560xf32>, vector<1x2560xf32>, vector<3x2560xf32> -> vector<32x2560xf32>
    %lt3A = arith.constant 160000 : i32
    %lt3A_227 = vector.broadcast %lt3A : i32 to vector<1x2560xi32>
    %lt3A_228 = arith.cmpi slt, %add3A_1, %lt3A_227 : vector<1x2560xi32>
    %jit3A = arith.constant 0.000000e+00 : f32
    %broadcast_in_dim3A_229 = vector.shape_cast %lt3A_228 : vector<1x2560xi1> to vector<1x2560xi1>
    %broadcast_in_dim3A_230 = vector.broadcast %broadcast_in_dim3A_229 : vector<1x2560xi1> to vector<32x2560xi1>
    %broadcast_in_dim3A_231 = vector.broadcast %jit3A : f32 to vector<32x2560xf32>
    %select_n3A = arith.select %broadcast_in_dim3A_230, %concatenate3A_226, %broadcast_in_dim3A_231 : vector<32x2560xi1>, vector<32x2560xf32>
    %iota3A_232 = tpu.iota {dimensions = array<i32: 0>} : vector<32x32xi32>
    %iota3A_233 = tpu.iota {dimensions = array<i32: 1>} : vector<32x32xi32>
    %add3A_234 = arith.constant 0 : i32
    %add3A_235 = vector.broadcast %add3A_234 : i32 to vector<32x32xi32>
    %add3A_236 = arith.addi %iota3A_232, %add3A_235 : vector<32x32xi32>
    %eq3A_237 = arith.cmpi eq, %add3A_236, %iota3A_233 : vector<32x32xi32>
    %convert_element_type3A_238 = arith.extui %eq3A_237 : vector<32x32xi1> to vector<32x32xi32>
    %convert_element_type3A_239 = arith.sitofp %convert_element_type3A_238 : vector<32x32xi32> to vector<32x32xf32>
    %dot_general3A_240 = arith.constant dense<0.000000e+00> : vector<2560x32xf32>
    %dot_general3A_241 = tpu.matmul %select_n3A, %convert_element_type3A_239, %dot_general3A_240 {dimension_numbers = #tpu.dot_dimension_numbers<[0], [0], [1], [1], [0, 1, 1, 1], [], []>, transpose_lhs_hint = false} : vector<32x2560xf32>, vector<32x32xf32>, vector<2560x32xf32> -> vector<2560x32xf32>
    %swap3A = arith.constant 0 : index
    %swap3A_242 = arith.constant 0 : index
    %swap3A_243 = vector.load %arg8[%swap3A, %swap3A_242] : memref<2560x32xf32, #tpu.memory_space<vmem>>, vector<2560x32xf32>
    tpu.vector_store %arg8[%swap3A, %swap3A_242], %dot_general3A_241 {strides = array<i32>} : memref<2560x32xf32, #tpu.memory_space<vmem>>, vector<2560x32xf32>,
    return
  }
  func.func @transform_0(%arg0: i32) -> (i32, i32) {
    %c0_i32 = arith.constant 0 : i32
    %c0_i32_0 = arith.constant 0 : i32
    return %c0_i32, %arg0 : i32, i32
  }
  func.func @transform_1(%arg0: i32) -> (i32, i32) {
    %c0_i32 = arith.constant 0 : i32
    %c0_i32_0 = arith.constant 0 : i32
    return %arg0, %c0_i32 : i32, i32
  }
  func.func @transform_2(%arg0: i32) -> (i32, i32) {
    %c0_i32 = arith.constant 0 : i32
    %c0_i32_0 = arith.constant 0 : i32
    return %arg0, %c0_i32 : i32, i32
  }
  func.func @transform_3(%arg0: i32) -> (i32, i32) {
    %c0_i32 = arith.constant 0 : i32
    %c0_i32_0 = arith.constant 0 : i32
    %c0_i32_1 = arith.constant 0 : i32
    return %c0_i32, %c0_i32_0 : i32, i32
  }
  func.func @transform_4(%arg0: i32) -> (i32, i32) {
    %c0_i32 = arith.constant 0 : i32
    %c0_i32_0 = arith.constant 0 : i32
    %c0_i32_1 = arith.constant 0 : i32
    return %c0_i32, %c0_i32_0 : i32, i32
  }
  func.func @transform_5(%arg0: i32) -> (i32, i32) {
    %c0_i32 = arith.constant 0 : i32
    %c0_i32_0 = arith.constant 0 : i32
    %c0_i32_1 = arith.constant 0 : i32
    return %c0_i32, %c0_i32_0 : i32, i32
  }
  func.func @transform_6(%arg0: i32) -> (i32, i32) {
    %c0_i32 = arith.constant 0 : i32
    %c0_i32_0 = arith.constant 0 : i32
    %c0_i32_1 = arith.constant 0 : i32
    return %c0_i32, %c0_i32_0 : i32, i32
  }
  func.func @transform_7(%arg0: i32) -> (i32, i32) {
    %c0_i32 = arith.constant 0 : i32
    %c0_i32_0 = arith.constant 0 : i32
    return %arg0, %c0_i32 : i32, i32
  }
}

module attributes {stable_mosaic.version = 14 : i64} {
  func.func @body(%arg0: i32, %arg1: memref<2000x32xf32, #tpu.memory_space<vmem>>, %arg2: memref<2000x32xf32, #tpu.memory_space<vmem>>, %arg3: memref<2000x32xf32, #tpu.memory_space<vmem>>, %arg4: memref<2000x32xf32, #tpu.memory_space<vmem>>, %arg5: memref<2000x16xf32, #tpu.memory_space<vmem>>) attributes {dimension_semantics = [#tpu.dimension_semantics<arbitrary>], iteration_bounds = array<i64: 5>, scalar_prefetch = 0 : i64, scratch_operands = 0 : i64, tpu.core_type = #tpu.core_type<tc>, window_params = [{transform_indices = @transform_0, window_bounds = array<i64: 2000, 32>}, {transform_indices = @transform_1, window_bounds = array<i64: 2000, 32>}, {transform_indices = @transform_2, window_bounds = array<i64: 2000, 32>}, {transform_indices = @transform_3, window_bounds = array<i64: 2000, 32>}, {transform_indices = @transform_4, window_bounds = array<i64: 2000, 16>}]} {
    %get3A = arith.constant 0 : index
    %get3A_0 = arith.constant 0 : index
    %get3A_1 = vector.load %arg2[%get3A, %get3A_0] : memref<2000x32xf32, #tpu.memory_space<vmem>>, vector<2000x32xf32>
    %get3A_2 = arith.constant 0 : index
    %get3A_3 = arith.constant 0 : index
    %get3A_4 = vector.load %arg3[%get3A_2, %get3A_3] : memref<2000x32xf32, #tpu.memory_space<vmem>>, vector<2000x32xf32>
    %add3A = arith.addf %get3A_1, %get3A_4 : vector<2000x32xf32>
    %slice3A = vector.extract_strided_slice %add3A {offsets = [0, 28], sizes = [2000, 1], strides = [1, 1]} : vector<2000x32xf32> to vector<2000x1xf32>
    %max3A = arith.constant 1.000000e+00 : f32
    %max3A_5 = vector.broadcast %max3A : f32 to vector<2000x1xf32>
    %max3A_6 = arith.maximumf %slice3A, %max3A_5 : vector<2000x1xf32>
    %get3A_7 = arith.constant 0 : index
    %get3A_8 = arith.constant 0 : index
    %get3A_9 = vector.load %arg1[%get3A_7, %get3A_8] : memref<2000x32xf32, #tpu.memory_space<vmem>>, vector<2000x32xf32>
    %slice3A_10 = vector.extract_strided_slice %add3A {offsets = [0, 0], sizes = [2000, 28], strides = [1, 1]} : vector<2000x32xf32> to vector<2000x28xf32>
    %div3A = vector.broadcast %max3A_6 : vector<2000x1xf32> to vector<2000x28xf32>
    %div3A_11 = arith.divf %slice3A_10, %div3A : vector<2000x28xf32>
    %broadcast_in_dim3A = arith.constant 0.000000e+00 : f32
    %broadcast_in_dim3A_12 = vector.broadcast %broadcast_in_dim3A : f32 to vector<2000x4xf32>
    %concatenate3A = tpu.concatenate %div3A_11, %broadcast_in_dim3A_12 in 1 : vector<2000x28xf32>, vector<2000x4xf32> -> vector<2000x32xf32>
    %add3A_13 = arith.addf %get3A_9, %concatenate3A : vector<2000x32xf32>
    %swap3A = arith.constant 0 : index
    %swap3A_14 = arith.constant 0 : index
    %swap3A_15 = vector.load %arg4[%swap3A, %swap3A_14] : memref<2000x32xf32, #tpu.memory_space<vmem>>, vector<2000x32xf32>
    tpu.vector_store %arg4[%swap3A, %swap3A_14], %add3A_13 {strides = array<i32>} : memref<2000x32xf32, #tpu.memory_space<vmem>>, vector<2000x32xf32>,
    %slice3A_16 = vector.extract_strided_slice %add3A_13 {offsets = [0, 0], sizes = [2000, 16], strides = [1, 1]} : vector<2000x32xf32> to vector<2000x16xf32>
    %swap3A_17 = arith.constant 0 : index
    %swap3A_18 = arith.constant 0 : index
    %swap3A_19 = vector.load %arg5[%swap3A_17, %swap3A_18] : memref<2000x16xf32, #tpu.memory_space<vmem>>, vector<2000x16xf32>
    tpu.vector_store %arg5[%swap3A_17, %swap3A_18], %slice3A_16 {strides = array<i32>} : memref<2000x16xf32, #tpu.memory_space<vmem>>, vector<2000x16xf32>,
    return
  }
  func.func @transform_0(%arg0: i32) -> (i32, i32) {
    %c0_i32 = arith.constant 0 : i32
    %c0_i32_0 = arith.constant 0 : i32
    return %arg0, %c0_i32 : i32, i32
  }
  func.func @transform_1(%arg0: i32) -> (i32, i32) {
    %c0_i32 = arith.constant 0 : i32
    %c0_i32_0 = arith.constant 0 : i32
    return %arg0, %c0_i32 : i32, i32
  }
  func.func @transform_2(%arg0: i32) -> (i32, i32) {
    %c0_i32 = arith.constant 0 : i32
    %c0_i32_0 = arith.constant 0 : i32
    return %arg0, %c0_i32 : i32, i32
  }
  func.func @transform_3(%arg0: i32) -> (i32, i32) {
    %c0_i32 = arith.constant 0 : i32
    %c0_i32_0 = arith.constant 0 : i32
    return %arg0, %c0_i32 : i32, i32
  }
  func.func @transform_4(%arg0: i32) -> (i32, i32) {
    %c0_i32 = arith.constant 0 : i32
    %c0_i32_0 = arith.constant 0 : i32
    return %arg0, %c0_i32 : i32, i32
  }
}

module attributes {stable_mosaic.version = 14 : i64} {
  func.func @body(%arg0: i32, %arg1: memref<24x2560xf32, #tpu.memory_space<vmem>>, %arg2: memref<2560x16xf32, #tpu.memory_space<vmem>>, %arg3: memref<2560x32xf32, #tpu.memory_space<vmem>>, %arg4: memref<128x48xbf16, #tpu.memory_space<vmem>>, %arg5: memref<128x1xf32, #tpu.memory_space<vmem>>, %arg6: memref<416x128xbf16, #tpu.memory_space<vmem>>, %arg7: memref<416x1xf32, #tpu.memory_space<vmem>>, %arg8: memref<2560x32xf32, #tpu.memory_space<vmem>>) attributes {dimension_semantics = [#tpu.dimension_semantics<arbitrary>], iteration_bounds = array<i64: 64>, scalar_prefetch = 0 : i64, scratch_operands = 0 : i64, tpu.core_type = #tpu.core_type<tc>, window_params = [{transform_indices = @transform_0, window_bounds = array<i64: 24, 2560>}, {transform_indices = @transform_1, window_bounds = array<i64: 2560, 16>}, {transform_indices = @transform_2, window_bounds = array<i64: 2560, 32>}, {pipeline_mode = #tpu.pipeline_mode<synchronous>, transform_indices = @transform_3, window_bounds = array<i64: 128, 48>}, {pipeline_mode = #tpu.pipeline_mode<synchronous>, transform_indices = @transform_4, window_bounds = array<i64: 128, 1>}, {pipeline_mode = #tpu.pipeline_mode<synchronous>, transform_indices = @transform_5, window_bounds = array<i64: 416, 128>}, {pipeline_mode = #tpu.pipeline_mode<synchronous>, transform_indices = @transform_6, window_bounds = array<i64: 416, 1>}, {transform_indices = @transform_7, window_bounds = array<i64: 2560, 32>}]} {
    %iota3A = tpu.iota {dimensions = array<i32: 1>} : vector<1x2560xi32>
    %mul3A = arith.constant 2560 : i32
    %mul3A_0 = arith.muli %arg0, %mul3A : i32
    %add3A = vector.broadcast %mul3A_0 : i32 to vector<1x2560xi32>
    %add3A_1 = arith.addi %iota3A, %add3A : vector<1x2560xi32>
    %get3A = arith.constant 0 : index
    %get3A_2 = arith.constant 0 : index
    %get3A_3 = vector.load %arg1[%get3A, %get3A_2] : memref<24x2560xf32, #tpu.memory_space<vmem>>, vector<16x2560xf32>
    %get3A_4 = arith.constant 16 : index
    %get3A_5 = arith.constant 0 : index
    %get3A_6 = vector.load %arg1[%get3A_4, %get3A_5] : memref<24x2560xf32, #tpu.memory_space<vmem>>, vector<3x2560xf32>
    %get3A_7 = arith.constant 0 : index
    %get3A_8 = arith.constant 0 : index
    %get3A_9 = vector.load %arg2[%get3A_7, %get3A_8] : memref<2560x16xf32, #tpu.memory_space<vmem>>, vector<2560x16xf32>
    %iota3A_10 = tpu.iota {dimensions = array<i32: 0>} : vector<16x16xi32>
    %iota3A_11 = tpu.iota {dimensions = array<i32: 1>} : vector<16x16xi32>
    %add3A_12 = arith.constant 0 : i32
    %add3A_13 = vector.broadcast %add3A_12 : i32 to vector<16x16xi32>
    %add3A_14 = arith.addi %iota3A_10, %add3A_13 : vector<16x16xi32>
    %eq3A = arith.cmpi eq, %add3A_14, %iota3A_11 : vector<16x16xi32>
    %convert_element_type3A = arith.extui %eq3A : vector<16x16xi1> to vector<16x16xi32>
    %convert_element_type3A_15 = arith.sitofp %convert_element_type3A : vector<16x16xi32> to vector<16x16xf32>
    %dot_general3A = arith.constant dense<0.000000e+00> : vector<16x2560xf32>
    %dot_general3A_16 = tpu.matmul %convert_element_type3A_15, %get3A_9, %dot_general3A {dimension_numbers = #tpu.dot_dimension_numbers<[1], [1], [0], [0], [0, 0, 1, 0], [], []>, transpose_lhs_hint = false} : vector<16x16xf32>, vector<2560x16xf32>, vector<16x2560xf32> -> vector<16x2560xf32>
    %get3A_17 = arith.constant 0 : index
    %get3A_18 = arith.constant 0 : index
    %get3A_19 = vector.load %arg3[%get3A_17, %get3A_18] : memref<2560x32xf32, #tpu.memory_space<vmem>>, vector<2560x32xf32>
    %iota3A_20 = tpu.iota {dimensions = array<i32: 0>} : vector<32x32xi32>
    %iota3A_21 = tpu.iota {dimensions = array<i32: 1>} : vector<32x32xi32>
    %add3A_22 = arith.constant 0 : i32
    %add3A_23 = vector.broadcast %add3A_22 : i32 to vector<32x32xi32>
    %add3A_24 = arith.addi %iota3A_20, %add3A_23 : vector<32x32xi32>
    %eq3A_25 = arith.cmpi eq, %add3A_24, %iota3A_21 : vector<32x32xi32>
    %convert_element_type3A_26 = arith.extui %eq3A_25 : vector<32x32xi1> to vector<32x32xi32>
    %convert_element_type3A_27 = arith.sitofp %convert_element_type3A_26 : vector<32x32xi32> to vector<32x32xf32>
    %dot_general3A_28 = arith.constant dense<0.000000e+00> : vector<32x2560xf32>
    %dot_general3A_29 = tpu.matmul %convert_element_type3A_27, %get3A_19, %dot_general3A_28 {dimension_numbers = #tpu.dot_dimension_numbers<[1], [1], [0], [0], [0, 0, 1, 0], [], []>, transpose_lhs_hint = false} : vector<32x32xf32>, vector<2560x32xf32>, vector<32x2560xf32> -> vector<32x2560xf32>
    %slice3A = vector.extract_strided_slice %dot_general3A_29 {offsets = [0, 0], sizes = [16, 2560], strides = [1, 1]} : vector<32x2560xf32> to vector<16x2560xf32>
    %concatenate3A = tpu.concatenate %get3A_3, %dot_general3A_16, %slice3A in 0 : vector<16x2560xf32>, vector<16x2560xf32>, vector<16x2560xf32> -> vector<48x2560xf32>
    %get3A_30 = arith.constant 0 : index
    %get3A_31 = arith.constant 0 : index
    %get3A_32 = vector.load %arg4[%get3A_30, %get3A_31] : memref<128x48xbf16, #tpu.memory_space<vmem>>, vector<128x48xbf16>
    %convert_element_type3A_33 = arith.truncf %concatenate3A : vector<48x2560xf32> to vector<48x2560xbf16>
    %dot_general3A_34 = arith.constant dense<0.000000e+00> : vector<128x2560xf32>
    %dot_general3A_35 = tpu.matmul %get3A_32, %convert_element_type3A_33, %dot_general3A_34 {dimension_numbers = #tpu.dot_dimension_numbers<[1], [0], [0], [1], [0, 0, 1, 1], [], []>, transpose_lhs_hint = false} : vector<128x48xbf16>, vector<48x2560xbf16>, vector<128x2560xf32> -> vector<128x2560xf32>
    %get3A_36 = arith.constant 0 : index
    %get3A_37 = arith.constant 0 : index
    %get3A_38 = vector.load %arg5[%get3A_36, %get3A_37] : memref<128x1xf32, #tpu.memory_space<vmem>>, vector<128x1xf32>
    %add3A_39 = vector.broadcast %get3A_38 : vector<128x1xf32> to vector<128x2560xf32>
    %add3A_40 = arith.addf %dot_general3A_35, %add3A_39 : vector<128x2560xf32>
    %max3A = arith.constant 0.000000e+00 : f32
    %max3A_41 = vector.broadcast %max3A : f32 to vector<128x2560xf32>
    %max3A_42 = arith.maximumf %add3A_40, %max3A_41 : vector<128x2560xf32>
    %get3A_43 = arith.constant 0 : index
    %get3A_44 = arith.constant 0 : index
    %get3A_45 = vector.load %arg6[%get3A_43, %get3A_44] : memref<416x128xbf16, #tpu.memory_space<vmem>>, vector<416x128xbf16>
    %convert_element_type3A_46 = arith.truncf %max3A_42 : vector<128x2560xf32> to vector<128x2560xbf16>
    %dot_general3A_47 = arith.constant dense<0.000000e+00> : vector<416x2560xf32>
    %dot_general3A_48 = tpu.matmul %get3A_45, %convert_element_type3A_46, %dot_general3A_47 {dimension_numbers = #tpu.dot_dimension_numbers<[1], [0], [0], [1], [0, 0, 1, 1], [], []>, transpose_lhs_hint = false} : vector<416x128xbf16>, vector<128x2560xbf16>, vector<416x2560xf32> -> vector<416x2560xf32>
    %get3A_49 = arith.constant 0 : index
    %get3A_50 = arith.constant 0 : index
    %get3A_51 = vector.load %arg7[%get3A_49, %get3A_50] : memref<416x1xf32, #tpu.memory_space<vmem>>, vector<416x1xf32>
    %add3A_52 = vector.broadcast %get3A_51 : vector<416x1xf32> to vector<416x2560xf32>
    %add3A_53 = arith.addf %dot_general3A_48, %add3A_52 : vector<416x2560xf32>
    %slice3A_54 = vector.extract_strided_slice %get3A_6 {offsets = [0, 0], sizes = [1, 2560], strides = [1, 1]} : vector<3x2560xf32> to vector<1x2560xf32>
    %slice3A_55 = vector.extract_strided_slice %get3A_6 {offsets = [1, 0], sizes = [1, 2560], strides = [1, 1]} : vector<3x2560xf32> to vector<1x2560xf32>
    %slice3A_56 = vector.extract_strided_slice %get3A_6 {offsets = [2, 0], sizes = [1, 2560], strides = [1, 1]} : vector<3x2560xf32> to vector<1x2560xf32>
    %slice3A_57 = vector.extract_strided_slice %add3A_53 {offsets = [0, 0], sizes = [16, 2560], strides = [1, 1]} : vector<416x2560xf32> to vector<16x2560xf32>
    %slice3A_58 = vector.extract_strided_slice %slice3A {offsets = [0, 0], sizes = [1, 2560], strides = [1, 1]} : vector<16x2560xf32> to vector<1x2560xf32>
    %mul3A_59 = vector.broadcast %slice3A_58 : vector<1x2560xf32> to vector<16x2560xf32>
    %mul3A_60 = arith.mulf %slice3A_57, %mul3A_59 : vector<16x2560xf32>
    %slice3A_61 = vector.extract_strided_slice %add3A_53 {offsets = [16, 0], sizes = [16, 2560], strides = [1, 1]} : vector<416x2560xf32> to vector<16x2560xf32>
    %slice3A_62 = vector.extract_strided_slice %slice3A {offsets = [1, 0], sizes = [1, 2560], strides = [1, 1]} : vector<16x2560xf32> to vector<1x2560xf32>
    %mul3A_63 = vector.broadcast %slice3A_62 : vector<1x2560xf32> to vector<16x2560xf32>
    %mul3A_64 = arith.mulf %slice3A_61, %mul3A_63 : vector<16x2560xf32>
    %add3A_65 = arith.addf %mul3A_60, %mul3A_64 : vector<16x2560xf32>
    %slice3A_66 = vector.extract_strided_slice %add3A_53 {offsets = [32, 0], sizes = [16, 2560], strides = [1, 1]} : vector<416x2560xf32> to vector<16x2560xf32>
    %slice3A_67 = vector.extract_strided_slice %slice3A {offsets = [2, 0], sizes = [1, 2560], strides = [1, 1]} : vector<16x2560xf32> to vector<1x2560xf32>
    %mul3A_68 = vector.broadcast %slice3A_67 : vector<1x2560xf32> to vector<16x2560xf32>
    %mul3A_69 = arith.mulf %slice3A_66, %mul3A_68 : vector<16x2560xf32>
    %add3A_70 = arith.addf %add3A_65, %mul3A_69 : vector<16x2560xf32>
    %slice3A_71 = vector.extract_strided_slice %add3A_53 {offsets = [48, 0], sizes = [16, 2560], strides = [1, 1]} : vector<416x2560xf32> to vector<16x2560xf32>
    %slice3A_72 = vector.extract_strided_slice %slice3A {offsets = [3, 0], sizes = [1, 2560], strides = [1, 1]} : vector<16x2560xf32> to vector<1x2560xf32>
    %mul3A_73 = vector.broadcast %slice3A_72 : vector<1x2560xf32> to vector<16x2560xf32>
    %mul3A_74 = arith.mulf %slice3A_71, %mul3A_73 : vector<16x2560xf32>
    %add3A_75 = arith.addf %add3A_70, %mul3A_74 : vector<16x2560xf32>
    %slice3A_76 = vector.extract_strided_slice %add3A_53 {offsets = [64, 0], sizes = [16, 2560], strides = [1, 1]} : vector<416x2560xf32> to vector<16x2560xf32>
    %slice3A_77 = vector.extract_strided_slice %slice3A {offsets = [4, 0], sizes = [1, 2560], strides = [1, 1]} : vector<16x2560xf32> to vector<1x2560xf32>
    %mul3A_78 = vector.broadcast %slice3A_77 : vector<1x2560xf32> to vector<16x2560xf32>
    %mul3A_79 = arith.mulf %slice3A_76, %mul3A_78 : vector<16x2560xf32>
    %add3A_80 = arith.addf %add3A_75, %mul3A_79 : vector<16x2560xf32>
    %slice3A_81 = vector.extract_strided_slice %add3A_53 {offsets = [80, 0], sizes = [16, 2560], strides = [1, 1]} : vector<416x2560xf32> to vector<16x2560xf32>
    %slice3A_82 = vector.extract_strided_slice %slice3A {offsets = [5, 0], sizes = [1, 2560], strides = [1, 1]} : vector<16x2560xf32> to vector<1x2560xf32>
    %mul3A_83 = vector.broadcast %slice3A_82 : vector<1x2560xf32> to vector<16x2560xf32>
    %mul3A_84 = arith.mulf %slice3A_81, %mul3A_83 : vector<16x2560xf32>
    %add3A_85 = arith.addf %add3A_80, %mul3A_84 : vector<16x2560xf32>
    %slice3A_86 = vector.extract_strided_slice %add3A_53 {offsets = [96, 0], sizes = [16, 2560], strides = [1, 1]} : vector<416x2560xf32> to vector<16x2560xf32>
    %slice3A_87 = vector.extract_strided_slice %slice3A {offsets = [6, 0], sizes = [1, 2560], strides = [1, 1]} : vector<16x2560xf32> to vector<1x2560xf32>
    %mul3A_88 = vector.broadcast %slice3A_87 : vector<1x2560xf32> to vector<16x2560xf32>
    %mul3A_89 = arith.mulf %slice3A_86, %mul3A_88 : vector<16x2560xf32>
    %add3A_90 = arith.addf %add3A_85, %mul3A_89 : vector<16x2560xf32>
    %slice3A_91 = vector.extract_strided_slice %add3A_53 {offsets = [112, 0], sizes = [16, 2560], strides = [1, 1]} : vector<416x2560xf32> to vector<16x2560xf32>
    %slice3A_92 = vector.extract_strided_slice %slice3A {offsets = [7, 0], sizes = [1, 2560], strides = [1, 1]} : vector<16x2560xf32> to vector<1x2560xf32>
    %mul3A_93 = vector.broadcast %slice3A_92 : vector<1x2560xf32> to vector<16x2560xf32>
    %mul3A_94 = arith.mulf %slice3A_91, %mul3A_93 : vector<16x2560xf32>
    %add3A_95 = arith.addf %add3A_90, %mul3A_94 : vector<16x2560xf32>
    %slice3A_96 = vector.extract_strided_slice %add3A_53 {offsets = [128, 0], sizes = [16, 2560], strides = [1, 1]} : vector<416x2560xf32> to vector<16x2560xf32>
    %slice3A_97 = vector.extract_strided_slice %slice3A {offsets = [8, 0], sizes = [1, 2560], strides = [1, 1]} : vector<16x2560xf32> to vector<1x2560xf32>
    %mul3A_98 = vector.broadcast %slice3A_97 : vector<1x2560xf32> to vector<16x2560xf32>
    %mul3A_99 = arith.mulf %slice3A_96, %mul3A_98 : vector<16x2560xf32>
    %add3A_100 = arith.addf %add3A_95, %mul3A_99 : vector<16x2560xf32>
    %slice3A_101 = vector.extract_strided_slice %add3A_53 {offsets = [144, 0], sizes = [16, 2560], strides = [1, 1]} : vector<416x2560xf32> to vector<16x2560xf32>
    %slice3A_102 = vector.extract_strided_slice %slice3A {offsets = [9, 0], sizes = [1, 2560], strides = [1, 1]} : vector<16x2560xf32> to vector<1x2560xf32>
    %mul3A_103 = vector.broadcast %slice3A_102 : vector<1x2560xf32> to vector<16x2560xf32>
    %mul3A_104 = arith.mulf %slice3A_101, %mul3A_103 : vector<16x2560xf32>
    %add3A_105 = arith.addf %add3A_100, %mul3A_104 : vector<16x2560xf32>
    %slice3A_106 = vector.extract_strided_slice %add3A_53 {offsets = [160, 0], sizes = [16, 2560], strides = [1, 1]} : vector<416x2560xf32> to vector<16x2560xf32>
    %slice3A_107 = vector.extract_strided_slice %slice3A {offsets = [10, 0], sizes = [1, 2560], strides = [1, 1]} : vector<16x2560xf32> to vector<1x2560xf32>
    %mul3A_108 = vector.broadcast %slice3A_107 : vector<1x2560xf32> to vector<16x2560xf32>
    %mul3A_109 = arith.mulf %slice3A_106, %mul3A_108 : vector<16x2560xf32>
    %add3A_110 = arith.addf %add3A_105, %mul3A_109 : vector<16x2560xf32>
    %slice3A_111 = vector.extract_strided_slice %add3A_53 {offsets = [176, 0], sizes = [16, 2560], strides = [1, 1]} : vector<416x2560xf32> to vector<16x2560xf32>
    %slice3A_112 = vector.extract_strided_slice %slice3A {offsets = [11, 0], sizes = [1, 2560], strides = [1, 1]} : vector<16x2560xf32> to vector<1x2560xf32>
    %mul3A_113 = vector.broadcast %slice3A_112 : vector<1x2560xf32> to vector<16x2560xf32>
    %mul3A_114 = arith.mulf %slice3A_111, %mul3A_113 : vector<16x2560xf32>
    %add3A_115 = arith.addf %add3A_110, %mul3A_114 : vector<16x2560xf32>
    %slice3A_116 = vector.extract_strided_slice %add3A_53 {offsets = [192, 0], sizes = [16, 2560], strides = [1, 1]} : vector<416x2560xf32> to vector<16x2560xf32>
    %slice3A_117 = vector.extract_strided_slice %slice3A {offsets = [12, 0], sizes = [1, 2560], strides = [1, 1]} : vector<16x2560xf32> to vector<1x2560xf32>
    %mul3A_118 = vector.broadcast %slice3A_117 : vector<1x2560xf32> to vector<16x2560xf32>
    %mul3A_119 = arith.mulf %slice3A_116, %mul3A_118 : vector<16x2560xf32>
    %add3A_120 = arith.addf %add3A_115, %mul3A_119 : vector<16x2560xf32>
    %slice3A_121 = vector.extract_strided_slice %add3A_53 {offsets = [208, 0], sizes = [16, 2560], strides = [1, 1]} : vector<416x2560xf32> to vector<16x2560xf32>
    %slice3A_122 = vector.extract_strided_slice %slice3A {offsets = [13, 0], sizes = [1, 2560], strides = [1, 1]} : vector<16x2560xf32> to vector<1x2560xf32>
    %mul3A_123 = vector.broadcast %slice3A_122 : vector<1x2560xf32> to vector<16x2560xf32>
    %mul3A_124 = arith.mulf %slice3A_121, %mul3A_123 : vector<16x2560xf32>
    %add3A_125 = arith.addf %add3A_120, %mul3A_124 : vector<16x2560xf32>
    %slice3A_126 = vector.extract_strided_slice %add3A_53 {offsets = [224, 0], sizes = [16, 2560], strides = [1, 1]} : vector<416x2560xf32> to vector<16x2560xf32>
    %slice3A_127 = vector.extract_strided_slice %slice3A {offsets = [14, 0], sizes = [1, 2560], strides = [1, 1]} : vector<16x2560xf32> to vector<1x2560xf32>
    %mul3A_128 = vector.broadcast %slice3A_127 : vector<1x2560xf32> to vector<16x2560xf32>
    %mul3A_129 = arith.mulf %slice3A_126, %mul3A_128 : vector<16x2560xf32>
    %add3A_130 = arith.addf %add3A_125, %mul3A_129 : vector<16x2560xf32>
    %slice3A_131 = vector.extract_strided_slice %add3A_53 {offsets = [240, 0], sizes = [16, 2560], strides = [1, 1]} : vector<416x2560xf32> to vector<16x2560xf32>
    %slice3A_132 = vector.extract_strided_slice %slice3A {offsets = [15, 0], sizes = [1, 2560], strides = [1, 1]} : vector<16x2560xf32> to vector<1x2560xf32>
    %mul3A_133 = vector.broadcast %slice3A_132 : vector<1x2560xf32> to vector<16x2560xf32>
    %mul3A_134 = arith.mulf %slice3A_131, %mul3A_133 : vector<16x2560xf32>
    %add3A_135 = arith.addf %add3A_130, %mul3A_134 : vector<16x2560xf32>
    %slice3A_136 = vector.extract_strided_slice %add3A_53 {offsets = [320, 0], sizes = [4, 2560], strides = [1, 1]} : vector<416x2560xf32> to vector<4x2560xf32>
    %slice3A_137 = vector.extract_strided_slice %slice3A {offsets = [0, 0], sizes = [1, 2560], strides = [1, 1]} : vector<16x2560xf32> to vector<1x2560xf32>
    %mul3A_138 = vector.broadcast %slice3A_137 : vector<1x2560xf32> to vector<4x2560xf32>
    %mul3A_139 = arith.mulf %slice3A_136, %mul3A_138 : vector<4x2560xf32>
    %slice3A_140 = vector.extract_strided_slice %add3A_53 {offsets = [324, 0], sizes = [4, 2560], strides = [1, 1]} : vector<416x2560xf32> to vector<4x2560xf32>
    %slice3A_141 = vector.extract_strided_slice %slice3A {offsets = [1, 0], sizes = [1, 2560], strides = [1, 1]} : vector<16x2560xf32> to vector<1x2560xf32>
    %mul3A_142 = vector.broadcast %slice3A_141 : vector<1x2560xf32> to vector<4x2560xf32>
    %mul3A_143 = arith.mulf %slice3A_140, %mul3A_142 : vector<4x2560xf32>
    %add3A_144 = arith.addf %mul3A_139, %mul3A_143 : vector<4x2560xf32>
    %slice3A_145 = vector.extract_strided_slice %add3A_53 {offsets = [328, 0], sizes = [4, 2560], strides = [1, 1]} : vector<416x2560xf32> to vector<4x2560xf32>
    %slice3A_146 = vector.extract_strided_slice %slice3A {offsets = [2, 0], sizes = [1, 2560], strides = [1, 1]} : vector<16x2560xf32> to vector<1x2560xf32>
    %mul3A_147 = vector.broadcast %slice3A_146 : vector<1x2560xf32> to vector<4x2560xf32>
    %mul3A_148 = arith.mulf %slice3A_145, %mul3A_147 : vector<4x2560xf32>
    %add3A_149 = arith.addf %add3A_144, %mul3A_148 : vector<4x2560xf32>
    %slice3A_150 = vector.extract_strided_slice %add3A_53 {offsets = [332, 0], sizes = [4, 2560], strides = [1, 1]} : vector<416x2560xf32> to vector<4x2560xf32>
    %slice3A_151 = vector.extract_strided_slice %slice3A {offsets = [3, 0], sizes = [1, 2560], strides = [1, 1]} : vector<16x2560xf32> to vector<1x2560xf32>
    %mul3A_152 = vector.broadcast %slice3A_151 : vector<1x2560xf32> to vector<4x2560xf32>
    %mul3A_153 = arith.mulf %slice3A_150, %mul3A_152 : vector<4x2560xf32>
    %add3A_154 = arith.addf %add3A_149, %mul3A_153 : vector<4x2560xf32>
    %slice3A_155 = vector.extract_strided_slice %add3A_53 {offsets = [336, 0], sizes = [4, 2560], strides = [1, 1]} : vector<416x2560xf32> to vector<4x2560xf32>
    %slice3A_156 = vector.extract_strided_slice %slice3A {offsets = [4, 0], sizes = [1, 2560], strides = [1, 1]} : vector<16x2560xf32> to vector<1x2560xf32>
    %mul3A_157 = vector.broadcast %slice3A_156 : vector<1x2560xf32> to vector<4x2560xf32>
    %mul3A_158 = arith.mulf %slice3A_155, %mul3A_157 : vector<4x2560xf32>
    %add3A_159 = arith.addf %add3A_154, %mul3A_158 : vector<4x2560xf32>
    %slice3A_160 = vector.extract_strided_slice %add3A_53 {offsets = [340, 0], sizes = [4, 2560], strides = [1, 1]} : vector<416x2560xf32> to vector<4x2560xf32>
    %slice3A_161 = vector.extract_strided_slice %slice3A {offsets = [5, 0], sizes = [1, 2560], strides = [1, 1]} : vector<16x2560xf32> to vector<1x2560xf32>
    %mul3A_162 = vector.broadcast %slice3A_161 : vector<1x2560xf32> to vector<4x2560xf32>
    %mul3A_163 = arith.mulf %slice3A_160, %mul3A_162 : vector<4x2560xf32>
    %add3A_164 = arith.addf %add3A_159, %mul3A_163 : vector<4x2560xf32>
    %slice3A_165 = vector.extract_strided_slice %add3A_53 {offsets = [344, 0], sizes = [4, 2560], strides = [1, 1]} : vector<416x2560xf32> to vector<4x2560xf32>
    %slice3A_166 = vector.extract_strided_slice %slice3A {offsets = [6, 0], sizes = [1, 2560], strides = [1, 1]} : vector<16x2560xf32> to vector<1x2560xf32>
    %mul3A_167 = vector.broadcast %slice3A_166 : vector<1x2560xf32> to vector<4x2560xf32>
    %mul3A_168 = arith.mulf %slice3A_165, %mul3A_167 : vector<4x2560xf32>
    %add3A_169 = arith.addf %add3A_164, %mul3A_168 : vector<4x2560xf32>
    %slice3A_170 = vector.extract_strided_slice %add3A_53 {offsets = [348, 0], sizes = [4, 2560], strides = [1, 1]} : vector<416x2560xf32> to vector<4x2560xf32>
    %slice3A_171 = vector.extract_strided_slice %slice3A {offsets = [7, 0], sizes = [1, 2560], strides = [1, 1]} : vector<16x2560xf32> to vector<1x2560xf32>
    %mul3A_172 = vector.broadcast %slice3A_171 : vector<1x2560xf32> to vector<4x2560xf32>
    %mul3A_173 = arith.mulf %slice3A_170, %mul3A_172 : vector<4x2560xf32>
    %add3A_174 = arith.addf %add3A_169, %mul3A_173 : vector<4x2560xf32>
    %slice3A_175 = vector.extract_strided_slice %add3A_53 {offsets = [352, 0], sizes = [4, 2560], strides = [1, 1]} : vector<416x2560xf32> to vector<4x2560xf32>
    %slice3A_176 = vector.extract_strided_slice %slice3A {offsets = [8, 0], sizes = [1, 2560], strides = [1, 1]} : vector<16x2560xf32> to vector<1x2560xf32>
    %mul3A_177 = vector.broadcast %slice3A_176 : vector<1x2560xf32> to vector<4x2560xf32>
    %mul3A_178 = arith.mulf %slice3A_175, %mul3A_177 : vector<4x2560xf32>
    %add3A_179 = arith.addf %add3A_174, %mul3A_178 : vector<4x2560xf32>
    %slice3A_180 = vector.extract_strided_slice %add3A_53 {offsets = [356, 0], sizes = [4, 2560], strides = [1, 1]} : vector<416x2560xf32> to vector<4x2560xf32>
    %slice3A_181 = vector.extract_strided_slice %slice3A {offsets = [9, 0], sizes = [1, 2560], strides = [1, 1]} : vector<16x2560xf32> to vector<1x2560xf32>
    %mul3A_182 = vector.broadcast %slice3A_181 : vector<1x2560xf32> to vector<4x2560xf32>
    %mul3A_183 = arith.mulf %slice3A_180, %mul3A_182 : vector<4x2560xf32>
    %add3A_184 = arith.addf %add3A_179, %mul3A_183 : vector<4x2560xf32>
    %slice3A_185 = vector.extract_strided_slice %add3A_53 {offsets = [360, 0], sizes = [4, 2560], strides = [1, 1]} : vector<416x2560xf32> to vector<4x2560xf32>
    %slice3A_186 = vector.extract_strided_slice %slice3A {offsets = [10, 0], sizes = [1, 2560], strides = [1, 1]} : vector<16x2560xf32> to vector<1x2560xf32>
    %mul3A_187 = vector.broadcast %slice3A_186 : vector<1x2560xf32> to vector<4x2560xf32>
    %mul3A_188 = arith.mulf %slice3A_185, %mul3A_187 : vector<4x2560xf32>
    %add3A_189 = arith.addf %add3A_184, %mul3A_188 : vector<4x2560xf32>
    %slice3A_190 = vector.extract_strided_slice %add3A_53 {offsets = [364, 0], sizes = [4, 2560], strides = [1, 1]} : vector<416x2560xf32> to vector<4x2560xf32>
    %slice3A_191 = vector.extract_strided_slice %slice3A {offsets = [11, 0], sizes = [1, 2560], strides = [1, 1]} : vector<16x2560xf32> to vector<1x2560xf32>
    %mul3A_192 = vector.broadcast %slice3A_191 : vector<1x2560xf32> to vector<4x2560xf32>
    %mul3A_193 = arith.mulf %slice3A_190, %mul3A_192 : vector<4x2560xf32>
    %add3A_194 = arith.addf %add3A_189, %mul3A_193 : vector<4x2560xf32>
    %slice3A_195 = vector.extract_strided_slice %add3A_53 {offsets = [368, 0], sizes = [4, 2560], strides = [1, 1]} : vector<416x2560xf32> to vector<4x2560xf32>
    %slice3A_196 = vector.extract_strided_slice %slice3A {offsets = [12, 0], sizes = [1, 2560], strides = [1, 1]} : vector<16x2560xf32> to vector<1x2560xf32>
    %mul3A_197 = vector.broadcast %slice3A_196 : vector<1x2560xf32> to vector<4x2560xf32>
    %mul3A_198 = arith.mulf %slice3A_195, %mul3A_197 : vector<4x2560xf32>
    %add3A_199 = arith.addf %add3A_194, %mul3A_198 : vector<4x2560xf32>
    %slice3A_200 = vector.extract_strided_slice %add3A_53 {offsets = [372, 0], sizes = [4, 2560], strides = [1, 1]} : vector<416x2560xf32> to vector<4x2560xf32>
    %slice3A_201 = vector.extract_strided_slice %slice3A {offsets = [13, 0], sizes = [1, 2560], strides = [1, 1]} : vector<16x2560xf32> to vector<1x2560xf32>
    %mul3A_202 = vector.broadcast %slice3A_201 : vector<1x2560xf32> to vector<4x2560xf32>
    %mul3A_203 = arith.mulf %slice3A_200, %mul3A_202 : vector<4x2560xf32>
    %add3A_204 = arith.addf %add3A_199, %mul3A_203 : vector<4x2560xf32>
    %slice3A_205 = vector.extract_strided_slice %add3A_53 {offsets = [376, 0], sizes = [4, 2560], strides = [1, 1]} : vector<416x2560xf32> to vector<4x2560xf32>
    %slice3A_206 = vector.extract_strided_slice %slice3A {offsets = [14, 0], sizes = [1, 2560], strides = [1, 1]} : vector<16x2560xf32> to vector<1x2560xf32>
    %mul3A_207 = vector.broadcast %slice3A_206 : vector<1x2560xf32> to vector<4x2560xf32>
    %mul3A_208 = arith.mulf %slice3A_205, %mul3A_207 : vector<4x2560xf32>
    %add3A_209 = arith.addf %add3A_204, %mul3A_208 : vector<4x2560xf32>
    %slice3A_210 = vector.extract_strided_slice %add3A_53 {offsets = [380, 0], sizes = [4, 2560], strides = [1, 1]} : vector<416x2560xf32> to vector<4x2560xf32>
    %slice3A_211 = vector.extract_strided_slice %slice3A {offsets = [15, 0], sizes = [1, 2560], strides = [1, 1]} : vector<16x2560xf32> to vector<1x2560xf32>
    %mul3A_212 = vector.broadcast %slice3A_211 : vector<1x2560xf32> to vector<4x2560xf32>
    %mul3A_213 = arith.mulf %slice3A_210, %mul3A_212 : vector<4x2560xf32>
    %add3A_214 = arith.addf %add3A_209, %mul3A_213 : vector<4x2560xf32>
    %slice3A_215 = vector.extract_strided_slice %dot_general3A_29 {offsets = [16, 0], sizes = [12, 2560], strides = [1, 1]} : vector<32x2560xf32> to vector<12x2560xf32>
    %slice3A_216 = vector.extract_strided_slice %slice3A_215 {offsets = [0, 0], sizes = [1, 2560], strides = [1, 1]} : vector<12x2560xf32> to vector<1x2560xf32>
    %mul3A_217 = arith.mulf %slice3A_216, %slice3A_54 : vector<1x2560xf32>
    %slice3A_218 = vector.extract_strided_slice %slice3A_215 {offsets = [1, 0], sizes = [1, 2560], strides = [1, 1]} : vector<12x2560xf32> to vector<1x2560xf32>
    %mul3A_219 = arith.mulf %slice3A_218, %slice3A_55 : vector<1x2560xf32>
    %add3A_220 = arith.addf %mul3A_217, %mul3A_219 : vector<1x2560xf32>
    %slice3A_221 = vector.extract_strided_slice %slice3A_215 {offsets = [2, 0], sizes = [1, 2560], strides = [1, 1]} : vector<12x2560xf32> to vector<1x2560xf32>
    %mul3A_222 = arith.mulf %slice3A_221, %slice3A_56 : vector<1x2560xf32>
    %add3A_223 = arith.addf %add3A_220, %mul3A_222 : vector<1x2560xf32>
    %slice3A_224 = vector.extract_strided_slice %add3A_53 {offsets = [256, 0], sizes = [16, 2560], strides = [1, 1]} : vector<416x2560xf32> to vector<16x2560xf32>
    %mul3A_225 = vector.broadcast %add3A_223 : vector<1x2560xf32> to vector<16x2560xf32>
    %mul3A_226 = arith.mulf %slice3A_224, %mul3A_225 : vector<16x2560xf32>
    %add3A_227 = arith.addf %add3A_135, %mul3A_226 : vector<16x2560xf32>
    %slice3A_228 = vector.extract_strided_slice %slice3A_215 {offsets = [3, 0], sizes = [1, 2560], strides = [1, 1]} : vector<12x2560xf32> to vector<1x2560xf32>
    %mul3A_229 = arith.mulf %slice3A_228, %slice3A_54 : vector<1x2560xf32>
    %slice3A_230 = vector.extract_strided_slice %slice3A_215 {offsets = [4, 0], sizes = [1, 2560], strides = [1, 1]} : vector<12x2560xf32> to vector<1x2560xf32>
    %mul3A_231 = arith.mulf %slice3A_230, %slice3A_55 : vector<1x2560xf32>
    %add3A_232 = arith.addf %mul3A_229, %mul3A_231 : vector<1x2560xf32>
    %slice3A_233 = vector.extract_strided_slice %slice3A_215 {offsets = [5, 0], sizes = [1, 2560], strides = [1, 1]} : vector<12x2560xf32> to vector<1x2560xf32>
    %mul3A_234 = arith.mulf %slice3A_233, %slice3A_56 : vector<1x2560xf32>
    %add3A_235 = arith.addf %add3A_232, %mul3A_234 : vector<1x2560xf32>
    %slice3A_236 = vector.extract_strided_slice %add3A_53 {offsets = [272, 0], sizes = [16, 2560], strides = [1, 1]} : vector<416x2560xf32> to vector<16x2560xf32>
    %mul3A_237 = vector.broadcast %add3A_235 : vector<1x2560xf32> to vector<16x2560xf32>
    %mul3A_238 = arith.mulf %slice3A_236, %mul3A_237 : vector<16x2560xf32>
    %add3A_239 = arith.addf %add3A_227, %mul3A_238 : vector<16x2560xf32>
    %slice3A_240 = vector.extract_strided_slice %slice3A_215 {offsets = [6, 0], sizes = [1, 2560], strides = [1, 1]} : vector<12x2560xf32> to vector<1x2560xf32>
    %mul3A_241 = arith.mulf %slice3A_240, %slice3A_54 : vector<1x2560xf32>
    %slice3A_242 = vector.extract_strided_slice %slice3A_215 {offsets = [7, 0], sizes = [1, 2560], strides = [1, 1]} : vector<12x2560xf32> to vector<1x2560xf32>
    %mul3A_243 = arith.mulf %slice3A_242, %slice3A_55 : vector<1x2560xf32>
    %add3A_244 = arith.addf %mul3A_241, %mul3A_243 : vector<1x2560xf32>
    %slice3A_245 = vector.extract_strided_slice %slice3A_215 {offsets = [8, 0], sizes = [1, 2560], strides = [1, 1]} : vector<12x2560xf32> to vector<1x2560xf32>
    %mul3A_246 = arith.mulf %slice3A_245, %slice3A_56 : vector<1x2560xf32>
    %add3A_247 = arith.addf %add3A_244, %mul3A_246 : vector<1x2560xf32>
    %slice3A_248 = vector.extract_strided_slice %add3A_53 {offsets = [288, 0], sizes = [16, 2560], strides = [1, 1]} : vector<416x2560xf32> to vector<16x2560xf32>
    %mul3A_249 = vector.broadcast %add3A_247 : vector<1x2560xf32> to vector<16x2560xf32>
    %mul3A_250 = arith.mulf %slice3A_248, %mul3A_249 : vector<16x2560xf32>
    %add3A_251 = arith.addf %add3A_239, %mul3A_250 : vector<16x2560xf32>
    %slice3A_252 = vector.extract_strided_slice %slice3A_215 {offsets = [9, 0], sizes = [1, 2560], strides = [1, 1]} : vector<12x2560xf32> to vector<1x2560xf32>
    %mul3A_253 = arith.mulf %slice3A_252, %slice3A_54 : vector<1x2560xf32>
    %slice3A_254 = vector.extract_strided_slice %slice3A_215 {offsets = [10, 0], sizes = [1, 2560], strides = [1, 1]} : vector<12x2560xf32> to vector<1x2560xf32>
    %mul3A_255 = arith.mulf %slice3A_254, %slice3A_55 : vector<1x2560xf32>
    %add3A_256 = arith.addf %mul3A_253, %mul3A_255 : vector<1x2560xf32>
    %slice3A_257 = vector.extract_strided_slice %slice3A_215 {offsets = [11, 0], sizes = [1, 2560], strides = [1, 1]} : vector<12x2560xf32> to vector<1x2560xf32>
    %mul3A_258 = arith.mulf %slice3A_257, %slice3A_56 : vector<1x2560xf32>
    %add3A_259 = arith.addf %add3A_256, %mul3A_258 : vector<1x2560xf32>
    %slice3A_260 = vector.extract_strided_slice %add3A_53 {offsets = [304, 0], sizes = [16, 2560], strides = [1, 1]} : vector<416x2560xf32> to vector<16x2560xf32>
    %mul3A_261 = vector.broadcast %add3A_259 : vector<1x2560xf32> to vector<16x2560xf32>
    %mul3A_262 = arith.mulf %slice3A_260, %mul3A_261 : vector<16x2560xf32>
    %add3A_263 = arith.addf %add3A_251, %mul3A_262 : vector<16x2560xf32>
    %slice3A_264 = vector.extract_strided_slice %slice3A_215 {offsets = [0, 0], sizes = [1, 2560], strides = [1, 1]} : vector<12x2560xf32> to vector<1x2560xf32>
    %slice3A_265 = vector.extract_strided_slice %slice3A_215 {offsets = [1, 0], sizes = [1, 2560], strides = [1, 1]} : vector<12x2560xf32> to vector<1x2560xf32>
    %slice3A_266 = vector.extract_strided_slice %slice3A_215 {offsets = [2, 0], sizes = [1, 2560], strides = [1, 1]} : vector<12x2560xf32> to vector<1x2560xf32>
    %mul3A_267 = arith.mulf %slice3A_265, %slice3A_56 : vector<1x2560xf32>
    %mul3A_268 = arith.mulf %slice3A_266, %slice3A_55 : vector<1x2560xf32>
    %sub3A = arith.subf %mul3A_267, %mul3A_268 : vector<1x2560xf32>
    %mul3A_269 = arith.mulf %slice3A_266, %slice3A_54 : vector<1x2560xf32>
    %mul3A_270 = arith.mulf %slice3A_264, %slice3A_56 : vector<1x2560xf32>
    %sub3A_271 = arith.subf %mul3A_269, %mul3A_270 : vector<1x2560xf32>
    %mul3A_272 = arith.mulf %slice3A_264, %slice3A_55 : vector<1x2560xf32>
    %mul3A_273 = arith.mulf %slice3A_265, %slice3A_54 : vector<1x2560xf32>
    %sub3A_274 = arith.subf %mul3A_272, %mul3A_273 : vector<1x2560xf32>
    %slice3A_275 = vector.extract_strided_slice %slice3A_215 {offsets = [3, 0], sizes = [1, 2560], strides = [1, 1]} : vector<12x2560xf32> to vector<1x2560xf32>
    %slice3A_276 = vector.extract_strided_slice %slice3A_215 {offsets = [4, 0], sizes = [1, 2560], strides = [1, 1]} : vector<12x2560xf32> to vector<1x2560xf32>
    %slice3A_277 = vector.extract_strided_slice %slice3A_215 {offsets = [5, 0], sizes = [1, 2560], strides = [1, 1]} : vector<12x2560xf32> to vector<1x2560xf32>
    %mul3A_278 = arith.mulf %slice3A_276, %slice3A_56 : vector<1x2560xf32>
    %mul3A_279 = arith.mulf %slice3A_277, %slice3A_55 : vector<1x2560xf32>
    %sub3A_280 = arith.subf %mul3A_278, %mul3A_279 : vector<1x2560xf32>
    %mul3A_281 = arith.mulf %slice3A_277, %slice3A_54 : vector<1x2560xf32>
    %mul3A_282 = arith.mulf %slice3A_275, %slice3A_56 : vector<1x2560xf32>
    %sub3A_283 = arith.subf %mul3A_281, %mul3A_282 : vector<1x2560xf32>
    %mul3A_284 = arith.mulf %slice3A_275, %slice3A_55 : vector<1x2560xf32>
    %mul3A_285 = arith.mulf %slice3A_276, %slice3A_54 : vector<1x2560xf32>
    %sub3A_286 = arith.subf %mul3A_284, %mul3A_285 : vector<1x2560xf32>
    %slice3A_287 = vector.extract_strided_slice %slice3A_215 {offsets = [6, 0], sizes = [1, 2560], strides = [1, 1]} : vector<12x2560xf32> to vector<1x2560xf32>
    %slice3A_288 = vector.extract_strided_slice %slice3A_215 {offsets = [7, 0], sizes = [1, 2560], strides = [1, 1]} : vector<12x2560xf32> to vector<1x2560xf32>
    %slice3A_289 = vector.extract_strided_slice %slice3A_215 {offsets = [8, 0], sizes = [1, 2560], strides = [1, 1]} : vector<12x2560xf32> to vector<1x2560xf32>
    %mul3A_290 = arith.mulf %slice3A_288, %slice3A_56 : vector<1x2560xf32>
    %mul3A_291 = arith.mulf %slice3A_289, %slice3A_55 : vector<1x2560xf32>
    %sub3A_292 = arith.subf %mul3A_290, %mul3A_291 : vector<1x2560xf32>
    %mul3A_293 = arith.mulf %slice3A_289, %slice3A_54 : vector<1x2560xf32>
    %mul3A_294 = arith.mulf %slice3A_287, %slice3A_56 : vector<1x2560xf32>
    %sub3A_295 = arith.subf %mul3A_293, %mul3A_294 : vector<1x2560xf32>
    %mul3A_296 = arith.mulf %slice3A_287, %slice3A_55 : vector<1x2560xf32>
    %mul3A_297 = arith.mulf %slice3A_288, %slice3A_54 : vector<1x2560xf32>
    %sub3A_298 = arith.subf %mul3A_296, %mul3A_297 : vector<1x2560xf32>
    %slice3A_299 = vector.extract_strided_slice %slice3A_215 {offsets = [9, 0], sizes = [1, 2560], strides = [1, 1]} : vector<12x2560xf32> to vector<1x2560xf32>
    %slice3A_300 = vector.extract_strided_slice %slice3A_215 {offsets = [10, 0], sizes = [1, 2560], strides = [1, 1]} : vector<12x2560xf32> to vector<1x2560xf32>
    %slice3A_301 = vector.extract_strided_slice %slice3A_215 {offsets = [11, 0], sizes = [1, 2560], strides = [1, 1]} : vector<12x2560xf32> to vector<1x2560xf32>
    %mul3A_302 = arith.mulf %slice3A_300, %slice3A_56 : vector<1x2560xf32>
    %mul3A_303 = arith.mulf %slice3A_301, %slice3A_55 : vector<1x2560xf32>
    %sub3A_304 = arith.subf %mul3A_302, %mul3A_303 : vector<1x2560xf32>
    %mul3A_305 = arith.mulf %slice3A_301, %slice3A_54 : vector<1x2560xf32>
    %mul3A_306 = arith.mulf %slice3A_299, %slice3A_56 : vector<1x2560xf32>
    %sub3A_307 = arith.subf %mul3A_305, %mul3A_306 : vector<1x2560xf32>
    %mul3A_308 = arith.mulf %slice3A_299, %slice3A_55 : vector<1x2560xf32>
    %mul3A_309 = arith.mulf %slice3A_300, %slice3A_54 : vector<1x2560xf32>
    %sub3A_310 = arith.subf %mul3A_308, %mul3A_309 : vector<1x2560xf32>
    %concatenate3A_311 = tpu.concatenate %sub3A, %sub3A_271, %sub3A_274, %sub3A_280, %sub3A_283, %sub3A_286, %sub3A_292, %sub3A_295, %sub3A_298, %sub3A_304, %sub3A_307, %sub3A_310 in 0 : vector<1x2560xf32>, vector<1x2560xf32>, vector<1x2560xf32>, vector<1x2560xf32>, vector<1x2560xf32>, vector<1x2560xf32>, vector<1x2560xf32>, vector<1x2560xf32>, vector<1x2560xf32>, vector<1x2560xf32>, vector<1x2560xf32>, vector<1x2560xf32> -> vector<12x2560xf32>
    %slice3A_312 = vector.extract_strided_slice %add3A_214 {offsets = [0, 0], sizes = [1, 2560], strides = [1, 1]} : vector<4x2560xf32> to vector<1x2560xf32>
    %mul3A_313 = vector.broadcast %slice3A_312 : vector<1x2560xf32> to vector<3x2560xf32>
    %mul3A_314 = arith.mulf %mul3A_313, %get3A_6 : vector<3x2560xf32>
    %slice3A_315 = vector.extract_strided_slice %add3A_53 {offsets = [384, 0], sizes = [1, 2560], strides = [1, 1]} : vector<416x2560xf32> to vector<1x2560xf32>
    %slice3A_316 = vector.extract_strided_slice %slice3A_215 {offsets = [0, 0], sizes = [3, 2560], strides = [1, 1]} : vector<12x2560xf32> to vector<3x2560xf32>
    %mul3A_317 = vector.broadcast %slice3A_315 : vector<1x2560xf32> to vector<3x2560xf32>
    %mul3A_318 = arith.mulf %mul3A_317, %slice3A_316 : vector<3x2560xf32>
    %add3A_319 = arith.addf %mul3A_314, %mul3A_318 : vector<3x2560xf32>
    %slice3A_320 = vector.extract_strided_slice %add3A_53 {offsets = [400, 0], sizes = [1, 2560], strides = [1, 1]} : vector<416x2560xf32> to vector<1x2560xf32>
    %slice3A_321 = vector.extract_strided_slice %concatenate3A_311 {offsets = [0, 0], sizes = [3, 2560], strides = [1, 1]} : vector<12x2560xf32> to vector<3x2560xf32>
    %mul3A_322 = vector.broadcast %slice3A_320 : vector<1x2560xf32> to vector<3x2560xf32>
    %mul3A_323 = arith.mulf %mul3A_322, %slice3A_321 : vector<3x2560xf32>
    %add3A_324 = arith.addf %add3A_319, %mul3A_323 : vector<3x2560xf32>
    %slice3A_325 = vector.extract_strided_slice %add3A_53 {offsets = [388, 0], sizes = [1, 2560], strides = [1, 1]} : vector<416x2560xf32> to vector<1x2560xf32>
    %slice3A_326 = vector.extract_strided_slice %slice3A_215 {offsets = [3, 0], sizes = [3, 2560], strides = [1, 1]} : vector<12x2560xf32> to vector<3x2560xf32>
    %mul3A_327 = vector.broadcast %slice3A_325 : vector<1x2560xf32> to vector<3x2560xf32>
    %mul3A_328 = arith.mulf %mul3A_327, %slice3A_326 : vector<3x2560xf32>
    %add3A_329 = arith.addf %add3A_324, %mul3A_328 : vector<3x2560xf32>
    %slice3A_330 = vector.extract_strided_slice %add3A_53 {offsets = [404, 0], sizes = [1, 2560], strides = [1, 1]} : vector<416x2560xf32> to vector<1x2560xf32>
    %slice3A_331 = vector.extract_strided_slice %concatenate3A_311 {offsets = [3, 0], sizes = [3, 2560], strides = [1, 1]} : vector<12x2560xf32> to vector<3x2560xf32>
    %mul3A_332 = vector.broadcast %slice3A_330 : vector<1x2560xf32> to vector<3x2560xf32>
    %mul3A_333 = arith.mulf %mul3A_332, %slice3A_331 : vector<3x2560xf32>
    %add3A_334 = arith.addf %add3A_329, %mul3A_333 : vector<3x2560xf32>
    %slice3A_335 = vector.extract_strided_slice %add3A_53 {offsets = [392, 0], sizes = [1, 2560], strides = [1, 1]} : vector<416x2560xf32> to vector<1x2560xf32>
    %slice3A_336 = vector.extract_strided_slice %slice3A_215 {offsets = [6, 0], sizes = [3, 2560], strides = [1, 1]} : vector<12x2560xf32> to vector<3x2560xf32>
    %mul3A_337 = vector.broadcast %slice3A_335 : vector<1x2560xf32> to vector<3x2560xf32>
    %mul3A_338 = arith.mulf %mul3A_337, %slice3A_336 : vector<3x2560xf32>
    %add3A_339 = arith.addf %add3A_334, %mul3A_338 : vector<3x2560xf32>
    %slice3A_340 = vector.extract_strided_slice %add3A_53 {offsets = [408, 0], sizes = [1, 2560], strides = [1, 1]} : vector<416x2560xf32> to vector<1x2560xf32>
    %slice3A_341 = vector.extract_strided_slice %concatenate3A_311 {offsets = [6, 0], sizes = [3, 2560], strides = [1, 1]} : vector<12x2560xf32> to vector<3x2560xf32>
    %mul3A_342 = vector.broadcast %slice3A_340 : vector<1x2560xf32> to vector<3x2560xf32>
    %mul3A_343 = arith.mulf %mul3A_342, %slice3A_341 : vector<3x2560xf32>
    %add3A_344 = arith.addf %add3A_339, %mul3A_343 : vector<3x2560xf32>
    %slice3A_345 = vector.extract_strided_slice %add3A_53 {offsets = [396, 0], sizes = [1, 2560], strides = [1, 1]} : vector<416x2560xf32> to vector<1x2560xf32>
    %slice3A_346 = vector.extract_strided_slice %slice3A_215 {offsets = [9, 0], sizes = [3, 2560], strides = [1, 1]} : vector<12x2560xf32> to vector<3x2560xf32>
    %mul3A_347 = vector.broadcast %slice3A_345 : vector<1x2560xf32> to vector<3x2560xf32>
    %mul3A_348 = arith.mulf %mul3A_347, %slice3A_346 : vector<3x2560xf32>
    %add3A_349 = arith.addf %add3A_344, %mul3A_348 : vector<3x2560xf32>
    %slice3A_350 = vector.extract_strided_slice %add3A_53 {offsets = [412, 0], sizes = [1, 2560], strides = [1, 1]} : vector<416x2560xf32> to vector<1x2560xf32>
    %slice3A_351 = vector.extract_strided_slice %concatenate3A_311 {offsets = [9, 0], sizes = [3, 2560], strides = [1, 1]} : vector<12x2560xf32> to vector<3x2560xf32>
    %mul3A_352 = vector.broadcast %slice3A_350 : vector<1x2560xf32> to vector<3x2560xf32>
    %mul3A_353 = arith.mulf %mul3A_352, %slice3A_351 : vector<3x2560xf32>
    %add3A_354 = arith.addf %add3A_349, %mul3A_353 : vector<3x2560xf32>
    %slice3A_355 = vector.extract_strided_slice %add3A_214 {offsets = [1, 0], sizes = [1, 2560], strides = [1, 1]} : vector<4x2560xf32> to vector<1x2560xf32>
    %mul3A_356 = vector.broadcast %slice3A_355 : vector<1x2560xf32> to vector<3x2560xf32>
    %mul3A_357 = arith.mulf %mul3A_356, %get3A_6 : vector<3x2560xf32>
    %slice3A_358 = vector.extract_strided_slice %add3A_53 {offsets = [385, 0], sizes = [1, 2560], strides = [1, 1]} : vector<416x2560xf32> to vector<1x2560xf32>
    %slice3A_359 = vector.extract_strided_slice %slice3A_215 {offsets = [0, 0], sizes = [3, 2560], strides = [1, 1]} : vector<12x2560xf32> to vector<3x2560xf32>
    %mul3A_360 = vector.broadcast %slice3A_358 : vector<1x2560xf32> to vector<3x2560xf32>
    %mul3A_361 = arith.mulf %mul3A_360, %slice3A_359 : vector<3x2560xf32>
    %add3A_362 = arith.addf %mul3A_357, %mul3A_361 : vector<3x2560xf32>
    %slice3A_363 = vector.extract_strided_slice %add3A_53 {offsets = [401, 0], sizes = [1, 2560], strides = [1, 1]} : vector<416x2560xf32> to vector<1x2560xf32>
    %slice3A_364 = vector.extract_strided_slice %concatenate3A_311 {offsets = [0, 0], sizes = [3, 2560], strides = [1, 1]} : vector<12x2560xf32> to vector<3x2560xf32>
    %mul3A_365 = vector.broadcast %slice3A_363 : vector<1x2560xf32> to vector<3x2560xf32>
    %mul3A_366 = arith.mulf %mul3A_365, %slice3A_364 : vector<3x2560xf32>
    %add3A_367 = arith.addf %add3A_362, %mul3A_366 : vector<3x2560xf32>
    %slice3A_368 = vector.extract_strided_slice %add3A_53 {offsets = [389, 0], sizes = [1, 2560], strides = [1, 1]} : vector<416x2560xf32> to vector<1x2560xf32>
    %slice3A_369 = vector.extract_strided_slice %slice3A_215 {offsets = [3, 0], sizes = [3, 2560], strides = [1, 1]} : vector<12x2560xf32> to vector<3x2560xf32>
    %mul3A_370 = vector.broadcast %slice3A_368 : vector<1x2560xf32> to vector<3x2560xf32>
    %mul3A_371 = arith.mulf %mul3A_370, %slice3A_369 : vector<3x2560xf32>
    %add3A_372 = arith.addf %add3A_367, %mul3A_371 : vector<3x2560xf32>
    %slice3A_373 = vector.extract_strided_slice %add3A_53 {offsets = [405, 0], sizes = [1, 2560], strides = [1, 1]} : vector<416x2560xf32> to vector<1x2560xf32>
    %slice3A_374 = vector.extract_strided_slice %concatenate3A_311 {offsets = [3, 0], sizes = [3, 2560], strides = [1, 1]} : vector<12x2560xf32> to vector<3x2560xf32>
    %mul3A_375 = vector.broadcast %slice3A_373 : vector<1x2560xf32> to vector<3x2560xf32>
    %mul3A_376 = arith.mulf %mul3A_375, %slice3A_374 : vector<3x2560xf32>
    %add3A_377 = arith.addf %add3A_372, %mul3A_376 : vector<3x2560xf32>
    %slice3A_378 = vector.extract_strided_slice %add3A_53 {offsets = [393, 0], sizes = [1, 2560], strides = [1, 1]} : vector<416x2560xf32> to vector<1x2560xf32>
    %slice3A_379 = vector.extract_strided_slice %slice3A_215 {offsets = [6, 0], sizes = [3, 2560], strides = [1, 1]} : vector<12x2560xf32> to vector<3x2560xf32>
    %mul3A_380 = vector.broadcast %slice3A_378 : vector<1x2560xf32> to vector<3x2560xf32>
    %mul3A_381 = arith.mulf %mul3A_380, %slice3A_379 : vector<3x2560xf32>
    %add3A_382 = arith.addf %add3A_377, %mul3A_381 : vector<3x2560xf32>
    %slice3A_383 = vector.extract_strided_slice %add3A_53 {offsets = [409, 0], sizes = [1, 2560], strides = [1, 1]} : vector<416x2560xf32> to vector<1x2560xf32>
    %slice3A_384 = vector.extract_strided_slice %concatenate3A_311 {offsets = [6, 0], sizes = [3, 2560], strides = [1, 1]} : vector<12x2560xf32> to vector<3x2560xf32>
    %mul3A_385 = vector.broadcast %slice3A_383 : vector<1x2560xf32> to vector<3x2560xf32>
    %mul3A_386 = arith.mulf %mul3A_385, %slice3A_384 : vector<3x2560xf32>
    %add3A_387 = arith.addf %add3A_382, %mul3A_386 : vector<3x2560xf32>
    %slice3A_388 = vector.extract_strided_slice %add3A_53 {offsets = [397, 0], sizes = [1, 2560], strides = [1, 1]} : vector<416x2560xf32> to vector<1x2560xf32>
    %slice3A_389 = vector.extract_strided_slice %slice3A_215 {offsets = [9, 0], sizes = [3, 2560], strides = [1, 1]} : vector<12x2560xf32> to vector<3x2560xf32>
    %mul3A_390 = vector.broadcast %slice3A_388 : vector<1x2560xf32> to vector<3x2560xf32>
    %mul3A_391 = arith.mulf %mul3A_390, %slice3A_389 : vector<3x2560xf32>
    %add3A_392 = arith.addf %add3A_387, %mul3A_391 : vector<3x2560xf32>
    %slice3A_393 = vector.extract_strided_slice %add3A_53 {offsets = [413, 0], sizes = [1, 2560], strides = [1, 1]} : vector<416x2560xf32> to vector<1x2560xf32>
    %slice3A_394 = vector.extract_strided_slice %concatenate3A_311 {offsets = [9, 0], sizes = [3, 2560], strides = [1, 1]} : vector<12x2560xf32> to vector<3x2560xf32>
    %mul3A_395 = vector.broadcast %slice3A_393 : vector<1x2560xf32> to vector<3x2560xf32>
    %mul3A_396 = arith.mulf %mul3A_395, %slice3A_394 : vector<3x2560xf32>
    %add3A_397 = arith.addf %add3A_392, %mul3A_396 : vector<3x2560xf32>
    %slice3A_398 = vector.extract_strided_slice %add3A_214 {offsets = [2, 0], sizes = [1, 2560], strides = [1, 1]} : vector<4x2560xf32> to vector<1x2560xf32>
    %mul3A_399 = vector.broadcast %slice3A_398 : vector<1x2560xf32> to vector<3x2560xf32>
    %mul3A_400 = arith.mulf %mul3A_399, %get3A_6 : vector<3x2560xf32>
    %slice3A_401 = vector.extract_strided_slice %add3A_53 {offsets = [386, 0], sizes = [1, 2560], strides = [1, 1]} : vector<416x2560xf32> to vector<1x2560xf32>
    %slice3A_402 = vector.extract_strided_slice %slice3A_215 {offsets = [0, 0], sizes = [3, 2560], strides = [1, 1]} : vector<12x2560xf32> to vector<3x2560xf32>
    %mul3A_403 = vector.broadcast %slice3A_401 : vector<1x2560xf32> to vector<3x2560xf32>
    %mul3A_404 = arith.mulf %mul3A_403, %slice3A_402 : vector<3x2560xf32>
    %add3A_405 = arith.addf %mul3A_400, %mul3A_404 : vector<3x2560xf32>
    %slice3A_406 = vector.extract_strided_slice %add3A_53 {offsets = [402, 0], sizes = [1, 2560], strides = [1, 1]} : vector<416x2560xf32> to vector<1x2560xf32>
    %slice3A_407 = vector.extract_strided_slice %concatenate3A_311 {offsets = [0, 0], sizes = [3, 2560], strides = [1, 1]} : vector<12x2560xf32> to vector<3x2560xf32>
    %mul3A_408 = vector.broadcast %slice3A_406 : vector<1x2560xf32> to vector<3x2560xf32>
    %mul3A_409 = arith.mulf %mul3A_408, %slice3A_407 : vector<3x2560xf32>
    %add3A_410 = arith.addf %add3A_405, %mul3A_409 : vector<3x2560xf32>
    %slice3A_411 = vector.extract_strided_slice %add3A_53 {offsets = [390, 0], sizes = [1, 2560], strides = [1, 1]} : vector<416x2560xf32> to vector<1x2560xf32>
    %slice3A_412 = vector.extract_strided_slice %slice3A_215 {offsets = [3, 0], sizes = [3, 2560], strides = [1, 1]} : vector<12x2560xf32> to vector<3x2560xf32>
    %mul3A_413 = vector.broadcast %slice3A_411 : vector<1x2560xf32> to vector<3x2560xf32>
    %mul3A_414 = arith.mulf %mul3A_413, %slice3A_412 : vector<3x2560xf32>
    %add3A_415 = arith.addf %add3A_410, %mul3A_414 : vector<3x2560xf32>
    %slice3A_416 = vector.extract_strided_slice %add3A_53 {offsets = [406, 0], sizes = [1, 2560], strides = [1, 1]} : vector<416x2560xf32> to vector<1x2560xf32>
    %slice3A_417 = vector.extract_strided_slice %concatenate3A_311 {offsets = [3, 0], sizes = [3, 2560], strides = [1, 1]} : vector<12x2560xf32> to vector<3x2560xf32>
    %mul3A_418 = vector.broadcast %slice3A_416 : vector<1x2560xf32> to vector<3x2560xf32>
    %mul3A_419 = arith.mulf %mul3A_418, %slice3A_417 : vector<3x2560xf32>
    %add3A_420 = arith.addf %add3A_415, %mul3A_419 : vector<3x2560xf32>
    %slice3A_421 = vector.extract_strided_slice %add3A_53 {offsets = [394, 0], sizes = [1, 2560], strides = [1, 1]} : vector<416x2560xf32> to vector<1x2560xf32>
    %slice3A_422 = vector.extract_strided_slice %slice3A_215 {offsets = [6, 0], sizes = [3, 2560], strides = [1, 1]} : vector<12x2560xf32> to vector<3x2560xf32>
    %mul3A_423 = vector.broadcast %slice3A_421 : vector<1x2560xf32> to vector<3x2560xf32>
    %mul3A_424 = arith.mulf %mul3A_423, %slice3A_422 : vector<3x2560xf32>
    %add3A_425 = arith.addf %add3A_420, %mul3A_424 : vector<3x2560xf32>
    %slice3A_426 = vector.extract_strided_slice %add3A_53 {offsets = [410, 0], sizes = [1, 2560], strides = [1, 1]} : vector<416x2560xf32> to vector<1x2560xf32>
    %slice3A_427 = vector.extract_strided_slice %concatenate3A_311 {offsets = [6, 0], sizes = [3, 2560], strides = [1, 1]} : vector<12x2560xf32> to vector<3x2560xf32>
    %mul3A_428 = vector.broadcast %slice3A_426 : vector<1x2560xf32> to vector<3x2560xf32>
    %mul3A_429 = arith.mulf %mul3A_428, %slice3A_427 : vector<3x2560xf32>
    %add3A_430 = arith.addf %add3A_425, %mul3A_429 : vector<3x2560xf32>
    %slice3A_431 = vector.extract_strided_slice %add3A_53 {offsets = [398, 0], sizes = [1, 2560], strides = [1, 1]} : vector<416x2560xf32> to vector<1x2560xf32>
    %slice3A_432 = vector.extract_strided_slice %slice3A_215 {offsets = [9, 0], sizes = [3, 2560], strides = [1, 1]} : vector<12x2560xf32> to vector<3x2560xf32>
    %mul3A_433 = vector.broadcast %slice3A_431 : vector<1x2560xf32> to vector<3x2560xf32>
    %mul3A_434 = arith.mulf %mul3A_433, %slice3A_432 : vector<3x2560xf32>
    %add3A_435 = arith.addf %add3A_430, %mul3A_434 : vector<3x2560xf32>
    %slice3A_436 = vector.extract_strided_slice %add3A_53 {offsets = [414, 0], sizes = [1, 2560], strides = [1, 1]} : vector<416x2560xf32> to vector<1x2560xf32>
    %slice3A_437 = vector.extract_strided_slice %concatenate3A_311 {offsets = [9, 0], sizes = [3, 2560], strides = [1, 1]} : vector<12x2560xf32> to vector<3x2560xf32>
    %mul3A_438 = vector.broadcast %slice3A_436 : vector<1x2560xf32> to vector<3x2560xf32>
    %mul3A_439 = arith.mulf %mul3A_438, %slice3A_437 : vector<3x2560xf32>
    %add3A_440 = arith.addf %add3A_435, %mul3A_439 : vector<3x2560xf32>
    %slice3A_441 = vector.extract_strided_slice %add3A_214 {offsets = [3, 0], sizes = [1, 2560], strides = [1, 1]} : vector<4x2560xf32> to vector<1x2560xf32>
    %mul3A_442 = vector.broadcast %slice3A_441 : vector<1x2560xf32> to vector<3x2560xf32>
    %mul3A_443 = arith.mulf %mul3A_442, %get3A_6 : vector<3x2560xf32>
    %slice3A_444 = vector.extract_strided_slice %add3A_53 {offsets = [387, 0], sizes = [1, 2560], strides = [1, 1]} : vector<416x2560xf32> to vector<1x2560xf32>
    %slice3A_445 = vector.extract_strided_slice %slice3A_215 {offsets = [0, 0], sizes = [3, 2560], strides = [1, 1]} : vector<12x2560xf32> to vector<3x2560xf32>
    %mul3A_446 = vector.broadcast %slice3A_444 : vector<1x2560xf32> to vector<3x2560xf32>
    %mul3A_447 = arith.mulf %mul3A_446, %slice3A_445 : vector<3x2560xf32>
    %add3A_448 = arith.addf %mul3A_443, %mul3A_447 : vector<3x2560xf32>
    %slice3A_449 = vector.extract_strided_slice %add3A_53 {offsets = [403, 0], sizes = [1, 2560], strides = [1, 1]} : vector<416x2560xf32> to vector<1x2560xf32>
    %slice3A_450 = vector.extract_strided_slice %concatenate3A_311 {offsets = [0, 0], sizes = [3, 2560], strides = [1, 1]} : vector<12x2560xf32> to vector<3x2560xf32>
    %mul3A_451 = vector.broadcast %slice3A_449 : vector<1x2560xf32> to vector<3x2560xf32>
    %mul3A_452 = arith.mulf %mul3A_451, %slice3A_450 : vector<3x2560xf32>
    %add3A_453 = arith.addf %add3A_448, %mul3A_452 : vector<3x2560xf32>
    %slice3A_454 = vector.extract_strided_slice %add3A_53 {offsets = [391, 0], sizes = [1, 2560], strides = [1, 1]} : vector<416x2560xf32> to vector<1x2560xf32>
    %slice3A_455 = vector.extract_strided_slice %slice3A_215 {offsets = [3, 0], sizes = [3, 2560], strides = [1, 1]} : vector<12x2560xf32> to vector<3x2560xf32>
    %mul3A_456 = vector.broadcast %slice3A_454 : vector<1x2560xf32> to vector<3x2560xf32>
    %mul3A_457 = arith.mulf %mul3A_456, %slice3A_455 : vector<3x2560xf32>
    %add3A_458 = arith.addf %add3A_453, %mul3A_457 : vector<3x2560xf32>
    %slice3A_459 = vector.extract_strided_slice %add3A_53 {offsets = [407, 0], sizes = [1, 2560], strides = [1, 1]} : vector<416x2560xf32> to vector<1x2560xf32>
    %slice3A_460 = vector.extract_strided_slice %concatenate3A_311 {offsets = [3, 0], sizes = [3, 2560], strides = [1, 1]} : vector<12x2560xf32> to vector<3x2560xf32>
    %mul3A_461 = vector.broadcast %slice3A_459 : vector<1x2560xf32> to vector<3x2560xf32>
    %mul3A_462 = arith.mulf %mul3A_461, %slice3A_460 : vector<3x2560xf32>
    %add3A_463 = arith.addf %add3A_458, %mul3A_462 : vector<3x2560xf32>
    %slice3A_464 = vector.extract_strided_slice %add3A_53 {offsets = [395, 0], sizes = [1, 2560], strides = [1, 1]} : vector<416x2560xf32> to vector<1x2560xf32>
    %slice3A_465 = vector.extract_strided_slice %slice3A_215 {offsets = [6, 0], sizes = [3, 2560], strides = [1, 1]} : vector<12x2560xf32> to vector<3x2560xf32>
    %mul3A_466 = vector.broadcast %slice3A_464 : vector<1x2560xf32> to vector<3x2560xf32>
    %mul3A_467 = arith.mulf %mul3A_466, %slice3A_465 : vector<3x2560xf32>
    %add3A_468 = arith.addf %add3A_463, %mul3A_467 : vector<3x2560xf32>
    %slice3A_469 = vector.extract_strided_slice %add3A_53 {offsets = [411, 0], sizes = [1, 2560], strides = [1, 1]} : vector<416x2560xf32> to vector<1x2560xf32>
    %slice3A_470 = vector.extract_strided_slice %concatenate3A_311 {offsets = [6, 0], sizes = [3, 2560], strides = [1, 1]} : vector<12x2560xf32> to vector<3x2560xf32>
    %mul3A_471 = vector.broadcast %slice3A_469 : vector<1x2560xf32> to vector<3x2560xf32>
    %mul3A_472 = arith.mulf %mul3A_471, %slice3A_470 : vector<3x2560xf32>
    %add3A_473 = arith.addf %add3A_468, %mul3A_472 : vector<3x2560xf32>
    %slice3A_474 = vector.extract_strided_slice %add3A_53 {offsets = [399, 0], sizes = [1, 2560], strides = [1, 1]} : vector<416x2560xf32> to vector<1x2560xf32>
    %slice3A_475 = vector.extract_strided_slice %slice3A_215 {offsets = [9, 0], sizes = [3, 2560], strides = [1, 1]} : vector<12x2560xf32> to vector<3x2560xf32>
    %mul3A_476 = vector.broadcast %slice3A_474 : vector<1x2560xf32> to vector<3x2560xf32>
    %mul3A_477 = arith.mulf %mul3A_476, %slice3A_475 : vector<3x2560xf32>
    %add3A_478 = arith.addf %add3A_473, %mul3A_477 : vector<3x2560xf32>
    %slice3A_479 = vector.extract_strided_slice %add3A_53 {offsets = [415, 0], sizes = [1, 2560], strides = [1, 1]} : vector<416x2560xf32> to vector<1x2560xf32>
    %slice3A_480 = vector.extract_strided_slice %concatenate3A_311 {offsets = [9, 0], sizes = [3, 2560], strides = [1, 1]} : vector<12x2560xf32> to vector<3x2560xf32>
    %mul3A_481 = vector.broadcast %slice3A_479 : vector<1x2560xf32> to vector<3x2560xf32>
    %mul3A_482 = arith.mulf %mul3A_481, %slice3A_480 : vector<3x2560xf32>
    %add3A_483 = arith.addf %add3A_478, %mul3A_482 : vector<3x2560xf32>
    %broadcast_in_dim3A = arith.constant 1.000000e+00 : f32
    %broadcast_in_dim3A_484 = vector.broadcast %broadcast_in_dim3A : f32 to vector<1x2560xf32>
    %broadcast_in_dim3A_485 = arith.constant 0.000000e+00 : f32
    %broadcast_in_dim3A_486 = vector.broadcast %broadcast_in_dim3A_485 : f32 to vector<3x2560xf32>
    %concatenate3A_487 = tpu.concatenate %add3A_263, %add3A_354, %add3A_397, %add3A_440, %add3A_483, %broadcast_in_dim3A_484, %broadcast_in_dim3A_486 in 0 : vector<16x2560xf32>, vector<3x2560xf32>, vector<3x2560xf32>, vector<3x2560xf32>, vector<3x2560xf32>, vector<1x2560xf32>, vector<3x2560xf32> -> vector<32x2560xf32>
    %lt3A = arith.constant 160000 : i32
    %lt3A_488 = vector.broadcast %lt3A : i32 to vector<1x2560xi32>
    %lt3A_489 = arith.cmpi slt, %add3A_1, %lt3A_488 : vector<1x2560xi32>
    %jit3A = arith.constant 0.000000e+00 : f32
    %broadcast_in_dim3A_490 = vector.shape_cast %lt3A_489 : vector<1x2560xi1> to vector<1x2560xi1>
    %broadcast_in_dim3A_491 = vector.broadcast %broadcast_in_dim3A_490 : vector<1x2560xi1> to vector<32x2560xi1>
    %broadcast_in_dim3A_492 = vector.broadcast %jit3A : f32 to vector<32x2560xf32>
    %select_n3A = arith.select %broadcast_in_dim3A_491, %concatenate3A_487, %broadcast_in_dim3A_492 : vector<32x2560xi1>, vector<32x2560xf32>
    %iota3A_493 = tpu.iota {dimensions = array<i32: 0>} : vector<32x32xi32>
    %iota3A_494 = tpu.iota {dimensions = array<i32: 1>} : vector<32x32xi32>
    %add3A_495 = arith.constant 0 : i32
    %add3A_496 = vector.broadcast %add3A_495 : i32 to vector<32x32xi32>
    %add3A_497 = arith.addi %iota3A_493, %add3A_496 : vector<32x32xi32>
    %eq3A_498 = arith.cmpi eq, %add3A_497, %iota3A_494 : vector<32x32xi32>
    %convert_element_type3A_499 = arith.extui %eq3A_498 : vector<32x32xi1> to vector<32x32xi32>
    %convert_element_type3A_500 = arith.sitofp %convert_element_type3A_499 : vector<32x32xi32> to vector<32x32xf32>
    %dot_general3A_501 = arith.constant dense<0.000000e+00> : vector<2560x32xf32>
    %dot_general3A_502 = tpu.matmul %select_n3A, %convert_element_type3A_500, %dot_general3A_501 {dimension_numbers = #tpu.dot_dimension_numbers<[0], [0], [1], [1], [0, 1, 1, 1], [], []>, transpose_lhs_hint = false} : vector<32x2560xf32>, vector<32x32xf32>, vector<2560x32xf32> -> vector<2560x32xf32>
    %swap3A = arith.constant 0 : index
    %swap3A_503 = arith.constant 0 : index
    %swap3A_504 = vector.load %arg8[%swap3A, %swap3A_503] : memref<2560x32xf32, #tpu.memory_space<vmem>>, vector<2560x32xf32>
    tpu.vector_store %arg8[%swap3A, %swap3A_503], %dot_general3A_502 {strides = array<i32>} : memref<2560x32xf32, #tpu.memory_space<vmem>>, vector<2560x32xf32>,
    return
  }
  func.func @transform_0(%arg0: i32) -> (i32, i32) {
    %c0_i32 = arith.constant 0 : i32
    %c0_i32_0 = arith.constant 0 : i32
    return %c0_i32, %arg0 : i32, i32
  }
  func.func @transform_1(%arg0: i32) -> (i32, i32) {
    %c0_i32 = arith.constant 0 : i32
    %c0_i32_0 = arith.constant 0 : i32
    return %arg0, %c0_i32 : i32, i32
  }
  func.func @transform_2(%arg0: i32) -> (i32, i32) {
    %c0_i32 = arith.constant 0 : i32
    %c0_i32_0 = arith.constant 0 : i32
    return %arg0, %c0_i32 : i32, i32
  }
  func.func @transform_3(%arg0: i32) -> (i32, i32) {
    %c0_i32 = arith.constant 0 : i32
    %c0_i32_0 = arith.constant 0 : i32
    %c0_i32_1 = arith.constant 0 : i32
    return %c0_i32, %c0_i32_0 : i32, i32
  }
  func.func @transform_4(%arg0: i32) -> (i32, i32) {
    %c0_i32 = arith.constant 0 : i32
    %c0_i32_0 = arith.constant 0 : i32
    %c0_i32_1 = arith.constant 0 : i32
    return %c0_i32, %c0_i32_0 : i32, i32
  }
  func.func @transform_5(%arg0: i32) -> (i32, i32) {
    %c0_i32 = arith.constant 0 : i32
    %c0_i32_0 = arith.constant 0 : i32
    %c0_i32_1 = arith.constant 0 : i32
    return %c0_i32, %c0_i32_0 : i32, i32
  }
  func.func @transform_6(%arg0: i32) -> (i32, i32) {
    %c0_i32 = arith.constant 0 : i32
    %c0_i32_0 = arith.constant 0 : i32
    %c0_i32_1 = arith.constant 0 : i32
    return %c0_i32, %c0_i32_0 : i32, i32
  }
  func.func @transform_7(%arg0: i32) -> (i32, i32) {
    %c0_i32 = arith.constant 0 : i32
    %c0_i32_0 = arith.constant 0 : i32
    return %arg0, %c0_i32 : i32, i32
  }
}

module attributes {stable_mosaic.version = 14 : i64} {
  func.func @body(%arg0: i32, %arg1: memref<2000x32xf32, #tpu.memory_space<vmem>>, %arg2: memref<2000x32xf32, #tpu.memory_space<vmem>>, %arg3: memref<2000x32xf32, #tpu.memory_space<vmem>>, %arg4: memref<32x128xf32, #tpu.memory_space<vmem>>, %arg5: memref<2000x128xf32, #tpu.memory_space<vmem>>) attributes {dimension_semantics = [#tpu.dimension_semantics<arbitrary>], iteration_bounds = array<i64: 5>, scalar_prefetch = 0 : i64, scratch_operands = 0 : i64, tpu.core_type = #tpu.core_type<tc>, window_params = [{transform_indices = @transform_0, window_bounds = array<i64: 2000, 32>}, {transform_indices = @transform_1, window_bounds = array<i64: 2000, 32>}, {transform_indices = @transform_2, window_bounds = array<i64: 2000, 32>}, {pipeline_mode = #tpu.pipeline_mode<synchronous>, transform_indices = @transform_3, window_bounds = array<i64: 32, 128>}, {transform_indices = @transform_4, window_bounds = array<i64: 2000, 128>}]} {
    %get3A = arith.constant 0 : index
    %get3A_0 = arith.constant 0 : index
    %get3A_1 = vector.load %arg2[%get3A, %get3A_0] : memref<2000x32xf32, #tpu.memory_space<vmem>>, vector<2000x32xf32>
    %get3A_2 = arith.constant 0 : index
    %get3A_3 = arith.constant 0 : index
    %get3A_4 = vector.load %arg3[%get3A_2, %get3A_3] : memref<2000x32xf32, #tpu.memory_space<vmem>>, vector<2000x32xf32>
    %add3A = arith.addf %get3A_1, %get3A_4 : vector<2000x32xf32>
    %slice3A = vector.extract_strided_slice %add3A {offsets = [0, 28], sizes = [2000, 1], strides = [1, 1]} : vector<2000x32xf32> to vector<2000x1xf32>
    %max3A = arith.constant 1.000000e+00 : f32
    %max3A_5 = vector.broadcast %max3A : f32 to vector<2000x1xf32>
    %max3A_6 = arith.maximumf %slice3A, %max3A_5 : vector<2000x1xf32>
    %get3A_7 = arith.constant 0 : index
    %get3A_8 = arith.constant 0 : index
    %get3A_9 = vector.load %arg1[%get3A_7, %get3A_8] : memref<2000x32xf32, #tpu.memory_space<vmem>>, vector<2000x32xf32>
    %slice3A_10 = vector.extract_strided_slice %add3A {offsets = [0, 0], sizes = [2000, 28], strides = [1, 1]} : vector<2000x32xf32> to vector<2000x28xf32>
    %div3A = vector.broadcast %max3A_6 : vector<2000x1xf32> to vector<2000x28xf32>
    %div3A_11 = arith.divf %slice3A_10, %div3A : vector<2000x28xf32>
    %broadcast_in_dim3A = arith.constant 0.000000e+00 : f32
    %broadcast_in_dim3A_12 = vector.broadcast %broadcast_in_dim3A : f32 to vector<2000x4xf32>
    %concatenate3A = tpu.concatenate %div3A_11, %broadcast_in_dim3A_12 in 1 : vector<2000x28xf32>, vector<2000x4xf32> -> vector<2000x32xf32>
    %add3A_13 = arith.addf %get3A_9, %concatenate3A : vector<2000x32xf32>
    %get3A_14 = arith.constant 0 : index
    %get3A_15 = arith.constant 0 : index
    %get3A_16 = vector.load %arg4[%get3A_14, %get3A_15] : memref<32x128xf32, #tpu.memory_space<vmem>>, vector<32x128xf32>
    %dot_general3A = arith.constant dense<0.000000e+00> : vector<2000x128xf32>
    %dot_general3A_17 = tpu.matmul %add3A_13, %get3A_16, %dot_general3A {dimension_numbers = #tpu.dot_dimension_numbers<[1], [0], [0], [1], [0, 0, 1, 1], [], []>, transpose_lhs_hint = false} : vector<2000x32xf32>, vector<32x128xf32>, vector<2000x128xf32> -> vector<2000x128xf32>
    %swap3A = arith.constant 0 : index
    %swap3A_18 = arith.constant 0 : index
    %swap3A_19 = vector.load %arg5[%swap3A, %swap3A_18] : memref<2000x128xf32, #tpu.memory_space<vmem>>, vector<2000x128xf32>
    tpu.vector_store %arg5[%swap3A, %swap3A_18], %dot_general3A_17 {strides = array<i32>} : memref<2000x128xf32, #tpu.memory_space<vmem>>, vector<2000x128xf32>,
    return
  }
  func.func @transform_0(%arg0: i32) -> (i32, i32) {
    %c0_i32 = arith.constant 0 : i32
    %c0_i32_0 = arith.constant 0 : i32
    return %arg0, %c0_i32 : i32, i32
  }
  func.func @transform_1(%arg0: i32) -> (i32, i32) {
    %c0_i32 = arith.constant 0 : i32
    %c0_i32_0 = arith.constant 0 : i32
    return %arg0, %c0_i32 : i32, i32
  }
  func.func @transform_2(%arg0: i32) -> (i32, i32) {
    %c0_i32 = arith.constant 0 : i32
    %c0_i32_0 = arith.constant 0 : i32
    return %arg0, %c0_i32 : i32, i32
  }
  func.func @transform_3(%arg0: i32) -> (i32, i32) {
    %c0_i32 = arith.constant 0 : i32
    %c0_i32_0 = arith.constant 0 : i32
    %c0_i32_1 = arith.constant 0 : i32
    return %c0_i32, %c0_i32_0 : i32, i32
  }
  func.func @transform_4(%arg0: i32) -> (i32, i32) {
    %c0_i32 = arith.constant 0 : i32
    %c0_i32_0 = arith.constant 0 : i32
    return %arg0, %c0_i32 : i32, i32
  }
}

</mosaic_0001>

<sc_bundles>
// kernel: kernel.13.cloned.1.call-start
scs
__scs_entry_jumppad:
0x0: {  	(pc) =	sbr.rel $0x88, $3  }
0x1: {  	(tag) =	ssettag $0x0;
	lr =	simm.s32 $0x1  }
0x2: {  	[smem:$0x3F89] =	sst lr;
	_ =	strace $0xD0000000  }
0x3: {  	_ = 	snop  }
0x4: {  	_ = 	snop  }
0x5: {  	_ = 	snop  }
0x6: {  	_ = 	snop  }
0x7: {  	_ = 	snop  }
__scs_overlays_trampoline_lowered:
0x8: {  	[smem:$0x3F98] =	sst s0  }
0x9: {  	[smem:$0x3F99] =	sst s1  }
0xa: {  	[smem:$0x3F9A] =	sst s2  }
0xb: {  	[smem:$0x3F9B] =	sst s3  }
0xc: {  	[smem:$0x3F9C] =	sst s4  }
0xd: {  	[smem:$0x3F9D] =	sst s5  }
0xe: {  	[smem:$0x3F9E] =	sst s6  }
0xf: {  	[smem:$0x3F9F] =	sst s7  }
0x10: {  	[smem:$0x3FA0] =	sst s8  }
0x11: {  	[smem:$0x3FA1] =	sst s9;
	s0 =	simm.s32 @!p0 $0x0  }
0x12: {  	s1 =	sld [smem:$0x3F87];
	s0 =	simm.s32 @p0 $0x1  }
0x13: {  	[smem:$0x3FA2] =	sst s0;
	s0 =	simm.s32 @!p1 $0x0  }
0x14: {  	s2 =	sld [smem:$0x3F86];
	s0 =	simm.s32 @p1 $0x1  }
0x15: {  	[smem:$0x3FA3] =	sst s0;
	s0 =	simm.s32 @!p2 $0x0  }
0x16: {  	s3 =	sld [smem:$0x3FDB];
	s0 =	simm.s32 @p2 $0x1  }
0x17: {  	s4 =	simm.s32 $0x1BF5;
	[smem:$0x3FA5] =	sst s0  }
0x18: {  	s0 =	sld [smem:$0x3F88];
	_ =	swait.ge [sflag:s4], $0x0  }
0x19: {  	s7 =	sld [smem:$0x3F89]  }
0x1a: {  	s8 =	sadd.s32 $0xFFFFE003, lr  }
0x1b: {  	s9 =	sadd.s32 $0xFFFFFEF7, lr;
	s5 =	simm.s32 $0xFFFFFFFF;
	p2 =	slt.u32 s8, $0xFFFFF086  }
0x1c: {  	p1 =	slt.u32 s9, $0xF7A;
	s5 =	simm.s32 @!p2 $0x0  }
0x1d: {  	s5 =	simm.s32 @p1 $0x1;
	p0 =	seq.s32 s7, s2  }
0x1e: {  	s7 =	smul.u32 @!p0 $0xF7A, s2;
	p2 =	seq.s32 @!p0 s5, $0x0  }
0x1f: {  	s9 =	smul.u32 $0xF7A, s1;
	s8 =	simm.s32 @!p0 $0x1BF5;
	p2 =	por !p2, p0  }
0x20: {  	[sflag:s8] =	ssyncset.s32 @!p0 $0xFFFFF086;
	s6 =	sadd.s32 @!p0 s3, s7;
	s7 =	simm.s32 @!p0 $0x108  }
0x21: {  	s3 =	sadd.s32 s3, s9;
	s6 =	sadd.s32 @!p0 $0x88, s6;
	s7 =	simm.s32 @p2 $0x1082  }
0x22: {  	[simem:s7], [sflag:s8] =	dma.local @!p0 [hbm:s6], $0xF7A  }
0x23: {  	s9 =	sor.u32 $0xD0000000, s2;
	s6 =	simm.s32 $0x108;
	_ =	swait.ge @!p0 [sflag:s8], $0x0  }
0x24: {  	s3 =	sadd.s32 $0x88, s3;
	s6 =	simm.s32 @!p1 $0x1082;
	[sflag:s4] =	ssyncset.s32 $0xFFFFF086  }
0x25: {  	[simem:s6], [sflag:s4] =	dma.local [hbm:s3], $0xF7A  }
0x26: {  	[smem:$0x3F89] =	sst s1;
	(tag) =	ssettag s2;
	_ =	strace s9  }
0x27: {  	s1 =	sld [smem:$0x3F99]  }
0x28: {  	s2 =	sld [smem:$0x3F9A]  }
0x29: {  	s4 =	sld [smem:$0x3F9C]  }
0x2a: {  	p0 =	seq.s32 s5, $0x0;
	s5 =	sld [smem:$0x3F9D]  }
0x2b: {  	s6 =	sld [smem:$0x3F9E]  }
0x2c: {  	s7 =	sld [smem:$0x3F9F]  }
0x2d: {  	s3 =	simm.s32 $0x108;
	s8 =	sld [smem:$0x3FA0]  }
0x2e: {  	s3 =	simm.s32 @!p0 $0x1082;
	s9 =	sld [smem:$0x3FA1]  }
0x2f: {  	lr =	sadd.s32 s0, s3;
	s0 =	sld [smem:$0x3F98]  }
0x30: {  	s3 =	sld [smem:$0x3F9B]  }
0x31: {  	[smem:$0x3FA4] =	sst s10  }
0x32: {  	s10 =	sld [smem:$0x3FA2];
	_ =	sdelay $0x3  }
0x33: {  	p0 =	seq.s32 s10, $0x1;
	s10 =	sld [smem:$0x3FA4];
	_ =	sdelay $0x3  }
0x34: {  	[smem:$0x3FA4] =	sst s10  }
0x35: {  	s10 =	sld [smem:$0x3FA3];
	_ =	sdelay $0x3  }
0x36: {  	p1 =	seq.s32 s10, $0x1;
	s10 =	sld [smem:$0x3FA4];
	_ =	sdelay $0x3  }
0x37: {  	[smem:$0x3FA4] =	sst s10  }
0x38: {  	s10 =	sld [smem:$0x3FA5]  }
0x39: {  	_ = 	snop;
	(pc) =	sbr.ind lr, $3  }
0x3a: {  	_ = 	snop  }
0x3b: {  	_ = 	snop  }
0x3c: {  	p2 =	seq.s32 s10, $0x1;
	s10 =	sld [smem:$0x3FA4]  }
0x3d: {  	_ =	shalt  }
0x3e: {  	_ =	shalt  }
0x3f: {  	_ =	shalt  }
0x40: {  	_ =	shalt  }
0x41: {  	_ =	shalt  }
0x42: {  	_ =	shalt  }
0x43: {  	_ =	shalt  }
0x44: {  	_ =	shalt  }
0x45: {  	_ =	shalt  }
0x46: {  	_ =	shalt  }
0x47: {  	_ =	shalt  }
0x48: {  	_ =	shalt  }
0x49: {  	_ =	shalt  }
0x4a: {  	_ =	shalt  }
0x4b: {  	_ =	shalt  }
0x4c: {  	_ =	shalt  }
0x4d: {  	_ =	shalt  }
0x4e: {  	_ =	shalt  }
0x4f: {  	_ =	shalt  }
0x50: {  	_ =	shalt  }
0x51: {  	_ =	shalt  }
0x52: {  	_ =	shalt  }
0x53: {  	_ =	shalt  }
0x54: {  	_ =	shalt  }
0x55: {  	_ =	shalt  }
0x56: {  	_ =	shalt  }
0x57: {  	_ =	shalt  }
0x58: {  	_ =	shalt  }
0x59: {  	_ =	shalt  }
0x5a: {  	_ =	shalt  }
0x5b: {  	_ =	shalt  }
0x5c: {  	_ =	shalt  }
0x5d: {  	_ =	shalt  }
0x5e: {  	_ =	shalt  }
0x5f: {  	_ =	shalt  }
0x60: {  	_ =	shalt  }
0x61: {  	_ =	shalt  }
0x62: {  	_ =	shalt  }
0x63: {  	_ =	shalt  }
0x64: {  	_ =	shalt  }
0x65: {  	_ =	shalt  }
0x66: {  	_ =	shalt  }
0x67: {  	_ =	shalt  }
0x68: {  	_ =	shalt  }
0x69: {  	_ =	shalt  }
0x6a: {  	_ =	shalt  }
0x6b: {  	_ =	shalt  }
0x6c: {  	_ =	shalt  }
0x6d: {  	_ =	shalt  }
0x6e: {  	_ =	shalt  }
0x6f: {  	_ =	shalt  }
0x70: {  	_ =	shalt  }
0x71: {  	_ =	shalt  }
0x72: {  	_ =	shalt  }
0x73: {  	_ =	shalt  }
0x74: {  	_ =	shalt  }
0x75: {  	_ =	shalt  }
0x76: {  	_ =	shalt  }
0x77: {  	_ =	shalt  }
0x78: {  	_ =	shalt  }
0x79: {  	_ =	shalt  }
0x7a: {  	_ =	shalt  }
0x7b: {  	_ =	shalt  }
0x7c: {  	_ =	shalt  }
0x7d: {  	_ =	shalt  }
0x7e: {  	_ =	shalt  }
0x7f: {  	_ =	shalt  }
0x80: {  	_ =	shalt  }
0x81: {  	_ =	shalt  }
0x82: {  	_ =	shalt  }
0x83: {  	_ =	shalt  }
0x84: {  	_ =	shalt  }
0x85: {  	_ =	shalt  }
0x86: {  	_ =	shalt  }
0x87: {  	_ =	shalt  }
.Lfunc_end0:
.L_simem_size_0:
called_computation_lowered:
.L_overlay_start_0:
0x88: {  	s2 =	sld [smem:$0x3FD9]  }
0x89: {  	s3 =	sld [smem:$0x3FFE];
	_ =	sdelay $0x1  }
0x8a: {  	s1 =	srdreg.scid  }
0x8b: {  	s0 =	sand.u32 $0x1, s1  }
0x8c: {  	s16 =	sshll.u32 s0, $0xA;
	s2 =	sadd.s32 s3, s2  }
0x8d: {  	s2 =	sadd.s32 s2, s16  }
0x8e: {  	[smem:$0x3FB0] =	sst s2  }
0x8f: {  	_ = 	snop  }
0x90: {  	(tm) =	ssettm $0x1  }
0x91: {  	s17 =	sld [smem:$0x3FFB];
	_ =	sdelay $0x3  }
0x92: {  	_ =	strace s17  }
0x93: {  	s2 =	sld [smem:$0x3FFC];
	_ =	sdelay $0x3  }
0x94: {  	_ =	strace s2  }
0x95: {  	s2 =	sld [smem:$0x3FFD];
	_ =	sdelay $0x3  }
0x96: {  	_ =	strace s2  }
0x97: {  	_ =	strace $0x8FFFFFFF  }
0x98: {  	s18 =	sld [smem:$0x3FDB];
	_ =	sdelay $0x1  }
0x99: {  	s19 =	simm.s32 $_scs_section_size  }
0x9a: {  	s4 =	simm.s32 $_size__tile_overlayer_lowered;
	s5 =	simm.s32 $_tile_overlayer_lowered  }
0x9b: {  	s22 =	simm.s32 $0x1BFF;
	s21 =	sshll.u32 s5, $0x1;
	s2 =	sadd.s32 s19, s18  }
0x9c: {  	s6 =	simm.s32 $0x0;
	s20 =	sshll.u32 s4, $0x1;
	s4 =	sadd.s32 s21, s2  }
0x9d: {  	[timem:s6], [sflag:s22] =	dma.local [hbm:s4], s20  }
0x9e: {  	_ =	swait.ge [sflag:s22], s20  }
0x9f: {  	s3 =	ssub.s32 $0x0, s20;
	[sflag:s22] =	ssyncset.done $0x0  }
0xa0: {  	[sflag:s22] =	ssyncadd.s32 s3;
	_ =	sdelay $0x1  }
0xa1: {  	s23 =	simm.s32 $0x1B8B  }
0xa2: {  	_ =	swait.ge [sflag:s23], $0x1  }
0xa3: {  	[sflag:s23] =	ssyncset.done $0x0  }
0xa4: {  	s25 =	simm.s32 $0x1B8E;
	s24 =	sld [smem:$0x3FFE];
	[sflag:s23] =	ssyncadd.s32 $0xFFFFFFFF  }
0xa5: {  	s26 =	simm.s32 $execute0_lowered;
	[smem:$0x3FD2] =	sst s25  }
0xa6: {  	s4 =	sshll.u32 s26, $0x1;
	_ =	strace $0x80000046;
	[dreg:$0x1] =	wrdreg $0xFFFFFFFF  }
0xa7: {  	s28 =	simm.s32 $_size_execute0_lowered;
	s2 =	sadd.s32 s2, s4;
	[dreg:$0x0] =	wrdreg $0x0  }
0xa8: {  	s4 =	sshll.u32 s28, $0x1;
	[dreg:$0x2] =	wrdreg s2  }
0xa9: {  	[dreg:$0x3] =	wrdreg s4  }
0xaa: {  	[dreg:$0x4] =	wrdreg $0xC0  }
0xab: {  	_ =	task [dreg:s6], $0x5FFFF  }
0xac: {  	[dreg:$0x1] =	wrdreg $0xFFFFFFFF  }
0xad: {  	[dreg:$0x0] =	wrdreg $0x60  }
0xae: {  	[dreg:$0x2] =	wrdreg s24  }
0xaf: {  	[dreg:$0x3] =	wrdreg $0x9  }
0xb0: {  	_ =	task.clear_ibuf [dreg:s6], $0x4FFFF;
	_ =	strace $0x90000046  }
0xb1: {  	s29 =	simm.s32 $0x9;
	_ =	strace $0x80000048  }
0xb2: {  	_ =	swait.ge [sflag:s29], $0x1  }
0xb3: {  	[sflag:s29] =	ssyncadd.s32 $0xFFFFFFFF  }
0xb4: {  	_ =	strace $0x90000048  }
0xb5: {  	_ =	sfence  }
0xb6: {  	s30 =	sld [smem:$0x0];
	_ =	sdelay $0x2  }
0xb7: {  	s31 =	sshll.u32 s1, $0xD;
	s1 =	sshrl.u32 s1, $0x2  }
0xb8: {  	s3 =	sand.u32 $0x4000, s31;
	s1 =	sadd.s32 s1, s30  }
0xb9: {  	s0 =	sor.u32 s3, s0;
	s1 =	sshll.u32 s1, $0x11  }
0xba: {  	s0 =	sor.u32 s1, s0  }
0xbb: {  	s0 =	sadd.s32 $0x8F2B, s0  }
0xbc: {  	[sflag:s0] =	ssyncadd.remote.s32 $0x1  }
0xbd: {  	_ =	sfence.sel $0xFFFF  }
0xbe: {  	[dreg:$0x0] =	wrdreg $0xFFFFFFFF;
	(pc) =	sbr.abs _section_cstart, $3  }
0xbf: {  	[dreg:$0x1] =	wrdreg $0xFFFFFFFF  }
0xc0: {  	_ =	task.clear_ibuf [dreg:s6], $0x2FFFF;
	_ =	strace $0x9FFFFFFF  }
0xc1: {  	(tm) =	ssettm $0x7FFFFFFF  }
tec
execute0_lowered:
.L_overlay_start_1:
0x0: {  	(tag) =	ssettag $0x1  }
0x1: {  	s0 =	rddreg [dreg:$0x0];
	s1 =	simm.s32 $0x0;
	s2 =	srdreg.scid  }
0x2: {  	s12 =	stileid.u32;
	s17 =	simm.s32 $0x5;
	s18 =	simm.s32 $0x1C00  }
0x3: {  	s19 =	simm.s32 $0x80;
	s20 =	simm.s32 $0x3800;
	s28 =	simm.s32 $0x4  }
0x4: {  	s29 =	simm.s32 $0x0;
	[smem:$0x7FF] =	sst s1;
	s8 =	smul.u32 $0x1C00, s12  }
0x5: {  	s3 =	sadd.s32 $0xA600, s0;
	s2 =	sand.u32 $0x1, s2;
	s11 =	smul.u32 $0xC00, s12  }
0x6: {  	s6 =	sadd.s32 $0xF600, s0;
	s9 =	sadd.s32 $0x14600, s0;
	s14 =	smul.u32 $0x3800, s12  }
0x7: {  	s4 =	sadd.s32 $0x19600, s0;
	s5 =	sadd.s32 $0x69600, s0;
	s25 =	smul.u32 $0x1800, s12  }
0x8: {  	_ =	strace $0x80000047;
	s7 =	ssub.s32 $0x2, s2;
	p0 =	seq.s32 s2, $0x1  }
0x9: {  	s10 =	sshrl.u32 s7, $0x1;
	s22 =	sshrl.u32 s8, $0x3;
	s23 =	sshrl.u32 s11, $0x3  }
0xa: {  	s26 =	sadd.s32 s14, s4;
	s11 =	sadd.s32 $0x3600, s14;
	s12 =	sadd.s32 $0x39600, s25  }
0xb: {  	s30 =	sadd.s32 s14, s5;
	s31 =	sadd.s32 s25, s5;
	s21 =	ssub.s32 s7, s10  }
0xc: {  	s8 =	sadd.s32 s6, s22;
	s7 =	sadd.s32 $0x3800, s23;
	s2 =	sadd.s32 s9, s22  }
0xd: {  	s13 =	sadd.s32 $0x100, s26;
	s14 =	sadd.s32 $0x100, s30;
	s15 =	sadd.s32 $0x38000, s31  }
.Ltmp0:
0xe: {  	s22 =	simm.s32 $0x4000;
	[dreg:$0x2] =	wrdreg s8;
	(pc) =	sbr.rel .LBB2_1-.Ltmp0, $4  }
0xf: {  	s23 =	simm.s32 $0x5000;
	s26 =	simm.s32 $0x2;
	[dreg:$0x3] =	wrdreg s2  }
0x10: {  	s24 =	sadd.s32 s6, s7;
	s9 =	sadd.s32 s9, s7;
	s10 =	smax.u32 s21, $0x1  }
0x11: {  	s2 =	sadd.s32 s25, s4;
	s21 =	simm.s32 $0x4800;
	s25 =	simm.s32 $0x3  }
0x12: {  	[dreg:$0x4] =	wrdreg s24;
	s16 =	sadd.s32 $0x38000, s2;
	s24 =	simm.s32 $0x1  }
.LBB2_5:
0x13: {  	s2 =	sadd.s32 $0x80, s0;
	[sflag:s17] =	ssyncadd.s32 @p1 $0xFFFFF800  }
0x14: {  	[tilespmem:s22], [sflag:$0x2] =	stream.indirect.gather [hbm4b:s3+s19], $0x10, s2, s19, $0xb8;
	[tilespmem:$0x5800] =	vst v63  }
0x15: {  	s7 =	sadd.s32 $0x1C80, s0  }
0x16: {  	[tilespmem:s23], [sflag:$0x4] =	stream.indirect.gather [hbm4b:s3+s19], $0x10, s7, s19, $0xb8;
	[tilespmem:$0x5800] =	vst v63  }
0x17: {  	_ =	swait.ge [sflag:s24], $0x800  }
0x18: {  	[sflag:s24] =	ssyncset.done $0x0  }
0x19: {  	s8 =	sadd.s32 $0xFFFFFF00, s31;
	[sflag:s24] =	ssyncadd.s32 $0xFFFFF800  }
0x1a: {  	[hbm4b:s8+s1] =	stream.linear.scatter [tilespmem:s20], [sflag:$0x5], $0x800, $0x38;
	[tilespmem:$0x5800] =	vst v63  }
0x1b: {  	_ =	swait.ge [sflag:s17], $0x800  }
0x1c: {  	[sflag:s17] =	ssyncset.done $0x0  }
0x1d: {  	[sflag:s17] =	ssyncadd.s32 $0xFFFFF800  }
0x1e: {  	_ =	swait.ge [sflag:s25], $0x800  }
0x1f: {  	[sflag:s25] =	ssyncset.done $0x0  }
0x20: {  	s6 =	sadd.s32 $0xFFFFFF00, s30;
	[sflag:s25] =	ssyncadd.s32 $0xFFFFF800  }
0x21: {  	[hbm4b:s6+s1] =	stream.linear.scatter [tilespmem:s21], [sflag:$0x5], $0x800, $0x38;
	[tilespmem:$0x5800] =	vst v63  }
0x22: {  	_ =	swait.ge [sflag:s17], $0x800  }
0x23: {  	[sflag:s17] =	ssyncset.done $0x0  }
0x24: {  	s7 =	sadd.s32 $0x100, s0;
	[sflag:s17] =	ssyncadd.s32 $0xFFFFF800  }
0x25: {  	[tilespmem:s20], [sflag:$0x1] =	stream.indirect.gather [hbm4b:s3+s19], $0x10, s7, s19, $0xb8;
	[tilespmem:$0x5800] =	vst v63  }
0x26: {  	s8 =	sadd.s32 $0x1D00, s0  }
0x27: {  	[tilespmem:s21], [sflag:$0x3] =	stream.indirect.gather [hbm4b:s3+s19], $0x10, s8, s19, $0xb8;
	[tilespmem:$0x5800] =	vst v63  }
0x28: {  	_ =	swait.ge [sflag:s26], $0x800  }
0x29: {  	[sflag:s26] =	ssyncset.done $0x0  }
0x2a: {  	[sflag:s26] =	ssyncadd.s32 $0xFFFFF800  }
0x2b: {  	[hbm4b:s31+s1] =	stream.linear.scatter [tilespmem:s22], [sflag:$0x5], $0x800, $0x38;
	[tilespmem:$0x5800] =	vst v63  }
0x2c: {  	_ =	swait.ge [sflag:s17], $0x800  }
0x2d: {  	[sflag:s17] =	ssyncset.done $0x0  }
0x2e: {  	[sflag:s17] =	ssyncadd.s32 $0xFFFFF800  }
0x2f: {  	_ =	swait.ge [sflag:s28], $0x800  }
0x30: {  	[sflag:s28] =	ssyncset.done $0x0  }
0x31: {  	[sflag:s28] =	ssyncadd.s32 $0xFFFFF800  }
0x32: {  	[hbm4b:s30+s1] =	stream.linear.scatter [tilespmem:s23], [sflag:$0x5], $0x800, $0x38;
	[tilespmem:$0x5800] =	vst v63  }
0x33: {  	_ =	swait.ge [sflag:s17], $0x800  }
0x34: {  	s2 =	simm.s32 $0x3780;
	[sflag:s17] =	ssyncset.done $0x0  }
0x35: {  	s0 =	smov.u32 s11;
	s6 =	simm.s32 $0x1B80;
	[sflag:s17] =	ssyncadd.s32 $0xFFFFF800  }
.LBB2_9:
0x36: {  	[tilespmem:s22], [sflag:$0x2] =	stream.indirect.gather [hbm4b:s3+s19], $0x10, s6, s19, $0xb8;
	[tilespmem:$0x5800] =	vst v63  }
0x37: {  	_ = 	snop  }
0x38: {  	[tilespmem:s23], [sflag:$0x4] =	stream.indirect.gather [hbm4b:s3+s19], $0x10, s2, s19, $0xb8;
	[tilespmem:$0x5800] =	vst v63  }
0x39: {  	_ =	swait.ge [sflag:s24], $0x800  }
0x3a: {  	[sflag:s24] =	ssyncset.done $0x0  }
0x3b: {  	s7 =	sadd.s32 s4, s0;
	[sflag:s24] =	ssyncadd.s32 $0xFFFFF800  }
0x3c: {  	[hbm4b:s7+s1] =	stream.linear.scatter [tilespmem:s20], [sflag:$0x5], $0x800, $0x38;
	[tilespmem:$0x5800] =	vst v63  }
0x3d: {  	_ =	swait.ge [sflag:s17], $0x800  }
0x3e: {  	[sflag:s17] =	ssyncset.done $0x0  }
0x3f: {  	[sflag:s17] =	ssyncadd.s32 $0xFFFFF800  }
0x40: {  	_ =	swait.ge [sflag:s25], $0x800  }
0x41: {  	[sflag:s25] =	ssyncset.done $0x0  }
0x42: {  	s8 =	sadd.s32 s5, s0;
	[sflag:s25] =	ssyncadd.s32 $0xFFFFF800  }
0x43: {  	[hbm4b:s8+s1] =	stream.linear.scatter [tilespmem:s21], [sflag:$0x5], $0x800, $0x38;
	[tilespmem:$0x5800] =	vst v63  }
0x44: {  	_ =	swait.ge [sflag:s17], $0x800  }
0x45: {  	[sflag:s17] =	ssyncset.done $0x0  }
0x46: {  	[sflag:s17] =	ssyncadd.s32 $0xFFFFF800  }
0x47: {  	_ =	swait.ge [sflag:s26], $0x800  }
0x48: {  	s30 =	sor.u32 $0x100, s0;
	[sflag:s26] =	ssyncset.done $0x0  }
0x49: {  	s31 =	sadd.s32 s4, s30;
	[sflag:s26] =	ssyncadd.s32 $0xFFFFF800  }
0x4a: {  	[hbm4b:s31+s1] =	stream.linear.scatter [tilespmem:s22], [sflag:$0x5], $0x800, $0x38;
	[tilespmem:$0x5800] =	vst v63  }
0x4b: {  	_ =	swait.ge [sflag:s17], $0x800  }
0x4c: {  	[sflag:s17] =	ssyncset.done $0x0  }
0x4d: {  	[sflag:s17] =	ssyncadd.s32 $0xFFFFF800  }
0x4e: {  	s29 =	sadd.s32 $0x1, s29;
	_ =	swait.ge [sflag:s28], $0x800  }
0x4f: {  	p1 =	sne.s32 s29, s10;
	[sflag:s28] =	ssyncset.done $0x0  }
.Ltmp1:
0x50: {  	s0 =	sadd.s32 s5, s30;
	[sflag:s28] =	ssyncadd.s32 $0xFFFFF800;
	(pc) =	sbr.rel @!p1 .LBB2_10-.Ltmp1, $4  }
0x51: {  	[hbm4b:s0+s1] =	stream.linear.scatter [tilespmem:s23], [sflag:$0x5], $0x800, $0x38;
	[tilespmem:$0x5800] =	vst v63  }
0x52: {  	_ =	swait.ge [sflag:s17], $0x800  }
0x53: {  	[sflag:s17] =	ssyncset.done $0x0  }
0x54: {  	[sflag:s17] =	ssyncadd.s32 $0xFFFFF800  }
.LBB2_1:
.Ltmp2:
0x55: {  	(pc) =	sbr.rel @!p0 .LBB2_2-.Ltmp2, $2  }
0x56: {  	_ =	sdelay $0x2  }
0x57: {  	s0 =	simm.s32 $0x0  }
0x58: {  	s2 =	rddreg [dreg:$0x4]  }
0x59: {  	[tilespmem:s0], [sflag:$0x5] =	stream.linear.gather [hbm4b:s2+s0], $0xC00, $0x38;
	[tilespmem:$0x5800] =	vst v63  }
0x5a: {  	_ =	swait.ge [sflag:s17], $0xC00  }
0x5b: {  	[sflag:s17] =	ssyncset.done $0x0  }
0x5c: {  	[sflag:s17] =	ssyncadd.s32 $0xFFFFF400  }
0x5d: {  	[tilespmem:s18], [sflag:$0x5] =	stream.linear.gather [hbm4b:s9+s0], $0xC00, $0x38;
	[tilespmem:$0x5800] =	vst v63  }
0x5e: {  	_ =	swait.ge [sflag:s17], $0xC00  }
0x5f: {  	[sflag:s17] =	ssyncset.done $0x0  }
0x60: {  	[sflag:s17] =	ssyncadd.s32 $0xFFFFF400  }
0x61: {  	[tilespmem:s20], [sflag:$0x1] =	stream.indirect.gather [hbm4b:s3+s19], $0x10, s0, s19, $0xb8;
	[tilespmem:$0x5800] =	vst v63  }
0x62: {  	_ = 	snop  }
0x63: {  	[tilespmem:s21], [sflag:$0x3] =	stream.indirect.gather [hbm4b:s3+s19], $0x10, s18, s19, $0xb8;
	[tilespmem:$0x5800] =	vst v63  }
0x64: {  	s7 =	simm.s32 $0x80  }
0x65: {  	[tilespmem:s22], [sflag:$0x2] =	stream.indirect.gather [hbm4b:s3+s19], $0x10, s7, s19, $0xb8;
	[tilespmem:$0x5800] =	vst v63  }
0x66: {  	s8 =	simm.s32 $0x1C80  }
0x67: {  	[tilespmem:s23], [sflag:$0x4] =	stream.indirect.gather [hbm4b:s3+s19], $0x10, s8, s19, $0xb8;
	[tilespmem:$0x5800] =	vst v63  }
0x68: {  	_ =	swait.ge [sflag:s24], $0x800  }
0x69: {  	[sflag:s24] =	ssyncset.done $0x0  }
0x6a: {  	[sflag:s24] =	ssyncadd.s32 $0xFFFFF800  }
0x6b: {  	[hbm4b:s16+s1] =	stream.linear.scatter [tilespmem:s20], [sflag:$0x5], $0x800, $0x38;
	[tilespmem:$0x5800] =	vst v63  }
0x6c: {  	_ =	swait.ge [sflag:s17], $0x800  }
0x6d: {  	[sflag:s17] =	ssyncset.done $0x0  }
0x6e: {  	[sflag:s17] =	ssyncadd.s32 $0xFFFFF800  }
0x6f: {  	_ =	swait.ge [sflag:s25], $0x800  }
0x70: {  	[sflag:s25] =	ssyncset.done $0x0  }
0x71: {  	[sflag:s25] =	ssyncadd.s32 $0xFFFFF800  }
0x72: {  	[hbm4b:s15+s1] =	stream.linear.scatter [tilespmem:s21], [sflag:$0x5], $0x800, $0x38;
	[tilespmem:$0x5800] =	vst v63  }
0x73: {  	_ =	swait.ge [sflag:s17], $0x800  }
0x74: {  	[sflag:s17] =	ssyncset.done $0x0  }
0x75: {  	s2 =	simm.s32 $0x100;
	[sflag:s17] =	ssyncadd.s32 $0xFFFFF800  }
0x76: {  	[tilespmem:s20], [sflag:$0x1] =	stream.indirect.gather [hbm4b:s3+s19], $0x10, s2, s19, $0xb8;
	[tilespmem:$0x5800] =	vst v63  }
0x77: {  	s6 =	simm.s32 $0x1D00  }
0x78: {  	[tilespmem:s21], [sflag:$0x3] =	stream.indirect.gather [hbm4b:s3+s19], $0x10, s6, s19, $0xb8;
	[tilespmem:$0x5800] =	vst v63  }
0x79: {  	_ =	swait.ge [sflag:s26], $0x800  }
0x7a: {  	[sflag:s26] =	ssyncset.done $0x0  }
0x7b: {  	s7 =	sadd.s32 $0x100, s16;
	[sflag:s26] =	ssyncadd.s32 $0xFFFFF800  }
0x7c: {  	[hbm4b:s7+s1] =	stream.linear.scatter [tilespmem:s22], [sflag:$0x5], $0x800, $0x38;
	[tilespmem:$0x5800] =	vst v63  }
0x7d: {  	_ =	swait.ge [sflag:s17], $0x800  }
0x7e: {  	[sflag:s17] =	ssyncset.done $0x0  }
0x7f: {  	[sflag:s17] =	ssyncadd.s32 $0xFFFFF800  }
0x80: {  	_ =	swait.ge [sflag:s28], $0x800  }
0x81: {  	[sflag:s28] =	ssyncset.done $0x0  }
0x82: {  	s8 =	sadd.s32 $0x100, s15;
	[sflag:s28] =	ssyncadd.s32 $0xFFFFF800  }
0x83: {  	[hbm4b:s8+s1] =	stream.linear.scatter [tilespmem:s23], [sflag:$0x5], $0x800, $0x38;
	[tilespmem:$0x5800] =	vst v63  }
0x84: {  	s31 =	sadd.s32 $0x200, s16;
	s30 =	sadd.s32 $0x200, s15;
	_ =	swait.ge [sflag:s17], $0x800  }
0x85: {  	s0 =	simm.s32 $0x100;
	s7 =	simm.s32 $0x800;
	[sflag:s17] =	ssyncset.done $0x0  }
.LBB2_7:
0x86: {  	s8 =	sadd.s32 $0x80, s0  }
0x87: {  	[sflag:s17] =	ssyncadd.s32 $0xFFFFF800;
	s6 =	smov.u32 s7;
	s2 =	sadd.s32 $0x400, s7  }
0x88: {  	[tilespmem:s22], [sflag:$0x2] =	stream.indirect.gather [hbm4b:s3+s19], $0x10, s8, s19, $0xb8;
	[tilespmem:$0x5800] =	vst v63  }
0x89: {  	p1 =	sne.s32 s7, $0x2800;
	s7 =	sadd.s32 $0x1C80, s0  }
0x8a: {  	[tilespmem:s23], [sflag:$0x4] =	stream.indirect.gather [hbm4b:s3+s19], $0x10, s7, s19, $0xb8;
	[tilespmem:$0x5800] =	vst v63  }
0x8b: {  	_ =	swait.ge [sflag:s24], $0x800  }
0x8c: {  	[sflag:s24] =	ssyncset.done $0x0  }
0x8d: {  	[sflag:s24] =	ssyncadd.s32 $0xFFFFF800  }
0x8e: {  	[hbm4b:s31+s1] =	stream.linear.scatter [tilespmem:s20], [sflag:$0x5], $0x800, $0x38;
	[tilespmem:$0x5800] =	vst v63  }
0x8f: {  	_ =	swait.ge [sflag:s17], $0x800  }
0x90: {  	[sflag:s17] =	ssyncset.done $0x0  }
0x91: {  	[sflag:s17] =	ssyncadd.s32 $0xFFFFF800  }
0x92: {  	_ =	swait.ge [sflag:s25], $0x800  }
0x93: {  	[sflag:s25] =	ssyncset.done $0x0  }
0x94: {  	[sflag:s25] =	ssyncadd.s32 $0xFFFFF800  }
0x95: {  	[hbm4b:s30+s1] =	stream.linear.scatter [tilespmem:s21], [sflag:$0x5], $0x800, $0x38;
	[tilespmem:$0x5800] =	vst v63  }
0x96: {  	_ =	swait.ge [sflag:s17], $0x800  }
0x97: {  	[sflag:s17] =	ssyncset.done $0x0  }
0x98: {  	s7 =	sadd.s32 $0x100, s0;
	[sflag:s17] =	ssyncadd.s32 $0xFFFFF800  }
0x99: {  	[tilespmem:s20], [sflag:$0x1] =	stream.indirect.gather [hbm4b:s3+s19], $0x10, s7, s19, $0xb8;
	[tilespmem:$0x5800] =	vst v63  }
0x9a: {  	s0 =	sadd.s32 $0x1D00, s0  }
0x9b: {  	[tilespmem:s21], [sflag:$0x3] =	stream.indirect.gather [hbm4b:s3+s19], $0x10, s0, s19, $0xb8;
	[tilespmem:$0x5800] =	vst v63  }
0x9c: {  	_ =	swait.ge [sflag:s26], $0x800  }
0x9d: {  	[sflag:s26] =	ssyncset.done $0x0  }
0x9e: {  	s0 =	sadd.s32 $0x100, s31;
	[sflag:s26] =	ssyncadd.s32 $0xFFFFF800  }
0x9f: {  	[hbm4b:s0+s1] =	stream.linear.scatter [tilespmem:s22], [sflag:$0x5], $0x800, $0x38;
	[tilespmem:$0x5800] =	vst v63  }
0xa0: {  	_ =	swait.ge [sflag:s17], $0x800  }
0xa1: {  	[sflag:s17] =	ssyncset.done $0x0  }
0xa2: {  	[sflag:s17] =	ssyncadd.s32 $0xFFFFF800  }
0xa3: {  	_ =	swait.ge [sflag:s28], $0x800  }
.Ltmp3:
0xa4: {  	[sflag:s28] =	ssyncset.done $0x0;
	(pc) =	sbr.rel @p1 .LBB2_7-.Ltmp3, $4  }
0xa5: {  	s0 =	sadd.s32 $0x100, s30;
	[sflag:s28] =	ssyncadd.s32 $0xFFFFF800  }
0xa6: {  	[hbm4b:s0+s1] =	stream.linear.scatter [tilespmem:s23], [sflag:$0x5], $0x800, $0x38;
	[tilespmem:$0x5800] =	vst v63  }
0xa7: {  	s7 =	smov.u32 s2;
	s31 =	sadd.s32 $0x200, s31;
	_ =	swait.ge [sflag:s17], $0x800  }
0xa8: {  	s30 =	sadd.s32 $0x200, s30;
	s0 =	sshra.s32 s6, $0x2;
	[sflag:s17] =	ssyncset.done $0x0  }
0xa9: {  	s2 =	sadd.s32 $0x80, s0;
	[sflag:s17] =	ssyncadd.s32 $0xFFFFF800  }
0xaa: {  	[tilespmem:s22], [sflag:$0x2] =	stream.indirect.gather [hbm4b:s3+s19], $0x10, s2, s19, $0xb8;
	[tilespmem:$0x5800] =	vst v63  }
0xab: {  	s8 =	sadd.s32 $0x1C80, s0  }
0xac: {  	[tilespmem:s23], [sflag:$0x4] =	stream.indirect.gather [hbm4b:s3+s19], $0x10, s8, s19, $0xb8;
	[tilespmem:$0x5800] =	vst v63  }
0xad: {  	_ =	swait.ge [sflag:s24], $0x800  }
0xae: {  	[sflag:s24] =	ssyncset.done $0x0  }
0xaf: {  	[sflag:s24] =	ssyncadd.s32 $0xFFFFF800  }
0xb0: {  	[hbm4b:s31+s1] =	stream.linear.scatter [tilespmem:s20], [sflag:$0x5], $0x800, $0x38;
	[tilespmem:$0x5800] =	vst v63  }
0xb1: {  	_ =	swait.ge [sflag:s17], $0x800  }
0xb2: {  	[sflag:s17] =	ssyncset.done $0x0  }
0xb3: {  	[sflag:s17] =	ssyncadd.s32 $0xFFFFF800  }
0xb4: {  	_ =	swait.ge [sflag:s25], $0x800  }
0xb5: {  	[sflag:s25] =	ssyncset.done $0x0  }
0xb6: {  	[sflag:s25] =	ssyncadd.s32 $0xFFFFF800  }
0xb7: {  	[hbm4b:s30+s1] =	stream.linear.scatter [tilespmem:s21], [sflag:$0x5], $0x800, $0x38;
	[tilespmem:$0x5800] =	vst v63  }
0xb8: {  	_ =	swait.ge [sflag:s17], $0x800  }
0xb9: {  	[sflag:s17] =	ssyncset.done $0x0  }
0xba: {  	s6 =	sadd.s32 $0x100, s0;
	[sflag:s17] =	ssyncadd.s32 $0xFFFFF800  }
0xbb: {  	[tilespmem:s20], [sflag:$0x1] =	stream.indirect.gather [hbm4b:s3+s19], $0x10, s6, s19, $0xb8;
	[tilespmem:$0x5800] =	vst v63  }
0xbc: {  	s7 =	sadd.s32 $0x1D00, s0  }
0xbd: {  	[tilespmem:s21], [sflag:$0x3] =	stream.indirect.gather [hbm4b:s3+s19], $0x10, s7, s19, $0xb8;
	[tilespmem:$0x5800] =	vst v63  }
0xbe: {  	_ =	swait.ge [sflag:s26], $0x800  }
0xbf: {  	[sflag:s26] =	ssyncset.done $0x0  }
0xc0: {  	s8 =	sadd.s32 $0x100, s31;
	[sflag:s26] =	ssyncadd.s32 $0xFFFFF800  }
0xc1: {  	[hbm4b:s8+s1] =	stream.linear.scatter [tilespmem:s22], [sflag:$0x5], $0x800, $0x38;
	[tilespmem:$0x5800] =	vst v63  }
0xc2: {  	_ =	swait.ge [sflag:s17], $0x800  }
0xc3: {  	[sflag:s17] =	ssyncset.done $0x0  }
0xc4: {  	[sflag:s17] =	ssyncadd.s32 $0xFFFFF800  }
0xc5: {  	_ =	swait.ge [sflag:s28], $0x800  }
0xc6: {  	[sflag:s28] =	ssyncset.done $0x0  }
.Ltmp4:
0xc7: {  	s31 =	sadd.s32 $0x100, s30;
	[sflag:s28] =	ssyncadd.s32 $0xFFFFF800;
	(pc) =	sbr.rel .LBB2_9-.Ltmp4, $4  }
0xc8: {  	[hbm4b:s31+s1] =	stream.linear.scatter [tilespmem:s23], [sflag:$0x5], $0x800, $0x38;
	[tilespmem:$0x5800] =	vst v63  }
0xc9: {  	_ =	swait.ge [sflag:s17], $0x800  }
0xca: {  	s0 =	smov.u32 s12;
	[sflag:s17] =	ssyncset.done $0x0  }
0xcb: {  	s2 =	simm.s32 $0x2780;
	s6 =	simm.s32 $0xB80;
	[sflag:s17] =	ssyncadd.s32 $0xFFFFF800  }
.LBB2_2:
0xcc: {  	s2 =	rddreg [dreg:$0x2]  }
0xcd: {  	[tilespmem:s0], [sflag:$0x5] =	stream.linear.gather [hbm4b:s2+s0], $0x1C00, $0x38;
	[tilespmem:$0x5800] =	vst v63  }
0xce: {  	_ =	swait.ge [sflag:s17], $0x1C00  }
0xcf: {  	[sflag:s17] =	ssyncset.done $0x0  }
0xd0: {  	s8 =	rddreg [dreg:$0x3];
	[sflag:s17] =	ssyncadd.s32 $0xFFFFE400  }
0xd1: {  	[tilespmem:s18], [sflag:$0x5] =	stream.linear.gather [hbm4b:s8+s0], $0x1C00, $0x38;
	[tilespmem:$0x5800] =	vst v63  }
0xd2: {  	p2 =	por $0x0, $0x0;
	_ =	swait.ge [sflag:s17], $0x1C00  }
.Ltmp5:
0xd3: {  	[sflag:s17] =	ssyncset.done $0x0;
	(pc) =	sbr.rel @p2 .LBB2_5-.Ltmp5, $4  }
0xd4: {  	p1 =	por $0x0, $0x0;
	[sflag:s17] =	ssyncadd.s32 $0xFFFFE400  }
0xd5: {  	[tilespmem:s20], [sflag:$0x1] =	stream.indirect.gather [hbm4b:s3+s19], $0x10, s0, s19, $0xb8;
	[tilespmem:$0x5800] =	vst v63  }
0xd6: {  	s31 =	smov.u32 s13;
	s30 =	smov.u32 s14;
	s0 =	simm.s32 $0x0  }
0xd7: {  	[tilespmem:s21], [sflag:$0x3] =	stream.indirect.gather [hbm4b:s3+s19], $0x10, s18, s19, $0xb8;
	[tilespmem:$0x5800] =	vst v63  }
0xd8: {  	s0 =	simm.s32 $0x80  }
0xd9: {  	[tilespmem:s22], [sflag:$0x2] =	stream.indirect.gather [hbm4b:s3+s19], $0x10, s0, s19, $0xb8;
	[tilespmem:$0x5800] =	vst v63  }
0xda: {  	s8 =	simm.s32 $0x1C80  }
0xdb: {  	[tilespmem:s23], [sflag:$0x4] =	stream.indirect.gather [hbm4b:s3+s19], $0x10, s8, s19, $0xb8;
	[tilespmem:$0x5800] =	vst v63  }
0xdc: {  	_ =	swait.ge [sflag:s24], $0x800  }
0xdd: {  	[sflag:s24] =	ssyncset.done $0x0  }
0xde: {  	s2 =	sadd.s32 $0xFFFFFF00, s13;
	[sflag:s24] =	ssyncadd.s32 $0xFFFFF800  }
0xdf: {  	[hbm4b:s2+s1] =	stream.linear.scatter [tilespmem:s20], [sflag:$0x5], $0x800, $0x38;
	[tilespmem:$0x5800] =	vst v63  }
0xe0: {  	_ =	swait.ge [sflag:s17], $0x800  }
0xe1: {  	[sflag:s17] =	ssyncset.done $0x0  }
0xe2: {  	[sflag:s17] =	ssyncadd.s32 $0xFFFFF800  }
0xe3: {  	_ =	swait.ge [sflag:s25], $0x800  }
0xe4: {  	[sflag:s25] =	ssyncset.done $0x0  }
0xe5: {  	s6 =	sadd.s32 $0xFFFFFF00, s14;
	[sflag:s25] =	ssyncadd.s32 $0xFFFFF800  }
0xe6: {  	[hbm4b:s6+s1] =	stream.linear.scatter [tilespmem:s21], [sflag:$0x5], $0x800, $0x38;
	[tilespmem:$0x5800] =	vst v63  }
0xe7: {  	_ =	swait.ge [sflag:s17], $0x800  }
0xe8: {  	[sflag:s17] =	ssyncset.done $0x0  }
0xe9: {  	s7 =	simm.s32 $0x100;
	[sflag:s17] =	ssyncadd.s32 $0xFFFFF800  }
0xea: {  	[tilespmem:s20], [sflag:$0x1] =	stream.indirect.gather [hbm4b:s3+s19], $0x10, s7, s19, $0xb8;
	[tilespmem:$0x5800] =	vst v63  }
0xeb: {  	s8 =	simm.s32 $0x1D00  }
0xec: {  	[tilespmem:s21], [sflag:$0x3] =	stream.indirect.gather [hbm4b:s3+s19], $0x10, s8, s19, $0xb8;
	[tilespmem:$0x5800] =	vst v63  }
0xed: {  	_ =	swait.ge [sflag:s26], $0x800  }
0xee: {  	[sflag:s26] =	ssyncset.done $0x0  }
0xef: {  	[sflag:s26] =	ssyncadd.s32 $0xFFFFF800  }
0xf0: {  	[hbm4b:s13+s1] =	stream.linear.scatter [tilespmem:s22], [sflag:$0x5], $0x800, $0x38;
	[tilespmem:$0x5800] =	vst v63  }
0xf1: {  	_ =	swait.ge [sflag:s17], $0x800  }
0xf2: {  	[sflag:s17] =	ssyncset.done $0x0  }
0xf3: {  	[sflag:s17] =	ssyncadd.s32 $0xFFFFF800  }
0xf4: {  	p2 =	por $0x0, $0x0;
	_ =	swait.ge [sflag:s28], $0x800  }
.Ltmp6:
0xf5: {  	[sflag:s28] =	ssyncset.done $0x0;
	(pc) =	sbr.rel @p2 .LBB2_5-.Ltmp6, $4  }
0xf6: {  	s30 =	sadd.s32 $0x200, s14;
	[sflag:s28] =	ssyncadd.s32 $0xFFFFF800  }
0xf7: {  	[hbm4b:s14+s1] =	stream.linear.scatter [tilespmem:s23], [sflag:$0x5], $0x800, $0x38;
	[tilespmem:$0x5800] =	vst v63  }
0xf8: {  	s31 =	sadd.s32 $0x200, s13;
	p1 =	por $0x1, $0x1;
	_ =	swait.ge [sflag:s17], $0x800  }
0xf9: {  	s0 =	simm.s32 $0x100;
	s2 =	simm.s32 $0x800;
	[sflag:s17] =	ssyncset.done $0x0  }
.LBB2_4:
0xfa: {  	s8 =	sadd.s32 $0x80, s0  }
0xfb: {  	[sflag:s17] =	ssyncadd.s32 $0xFFFFF800;
	s6 =	smov.u32 s2;
	s7 =	sadd.s32 $0x400, s2  }
0xfc: {  	[tilespmem:s22], [sflag:$0x2] =	stream.indirect.gather [hbm4b:s3+s19], $0x10, s8, s19, $0xb8;
	[tilespmem:$0x5800] =	vst v63  }
0xfd: {  	p2 =	seq.s32 s2, $0x6800;
	s2 =	sadd.s32 $0x1C80, s0  }
0xfe: {  	[tilespmem:s23], [sflag:$0x4] =	stream.indirect.gather [hbm4b:s3+s19], $0x10, s2, s19, $0xb8;
	[tilespmem:$0x5800] =	vst v63  }
0xff: {  	_ =	swait.ge [sflag:s24], $0x800  }
0x100: {  	[sflag:s24] =	ssyncset.done $0x0  }
0x101: {  	s2 =	sadd.s32 $0xFFFFFF00, s31;
	[sflag:s24] =	ssyncadd.s32 $0xFFFFF800  }
0x102: {  	[hbm4b:s2+s1] =	stream.linear.scatter [tilespmem:s20], [sflag:$0x5], $0x800, $0x38;
	[tilespmem:$0x5800] =	vst v63  }
0x103: {  	_ =	swait.ge [sflag:s17], $0x800  }
0x104: {  	[sflag:s17] =	ssyncset.done $0x0  }
0x105: {  	[sflag:s17] =	ssyncadd.s32 $0xFFFFF800  }
0x106: {  	_ =	swait.ge [sflag:s25], $0x800  }
0x107: {  	[sflag:s25] =	ssyncset.done $0x0  }
0x108: {  	s2 =	sadd.s32 $0xFFFFFF00, s30;
	[sflag:s25] =	ssyncadd.s32 $0xFFFFF800  }
0x109: {  	[hbm4b:s2+s1] =	stream.linear.scatter [tilespmem:s21], [sflag:$0x5], $0x800, $0x38;
	[tilespmem:$0x5800] =	vst v63  }
0x10a: {  	_ =	swait.ge [sflag:s17], $0x800  }
0x10b: {  	[sflag:s17] =	ssyncset.done $0x0  }
0x10c: {  	s2 =	sadd.s32 $0x100, s0;
	[sflag:s17] =	ssyncadd.s32 $0xFFFFF800  }
0x10d: {  	[tilespmem:s20], [sflag:$0x1] =	stream.indirect.gather [hbm4b:s3+s19], $0x10, s2, s19, $0xb8;
	[tilespmem:$0x5800] =	vst v63  }
0x10e: {  	s0 =	sadd.s32 $0x1D00, s0  }
0x10f: {  	[tilespmem:s21], [sflag:$0x3] =	stream.indirect.gather [hbm4b:s3+s19], $0x10, s0, s19, $0xb8;
	[tilespmem:$0x5800] =	vst v63  }
0x110: {  	_ =	swait.ge [sflag:s26], $0x800  }
0x111: {  	[sflag:s26] =	ssyncset.done $0x0  }
0x112: {  	[sflag:s26] =	ssyncadd.s32 $0xFFFFF800  }
0x113: {  	[hbm4b:s31+s1] =	stream.linear.scatter [tilespmem:s22], [sflag:$0x5], $0x800, $0x38;
	[tilespmem:$0x5800] =	vst v63  }
0x114: {  	_ =	swait.ge [sflag:s17], $0x800  }
0x115: {  	[sflag:s17] =	ssyncset.done $0x0  }
0x116: {  	[sflag:s17] =	ssyncadd.s32 $0xFFFFF800  }
0x117: {  	_ =	swait.ge [sflag:s28], $0x800  }
.Ltmp7:
0x118: {  	[sflag:s28] =	ssyncset.done $0x0;
	(pc) =	sbr.rel @!p2 .LBB2_4-.Ltmp7, $4  }
0x119: {  	[sflag:s28] =	ssyncadd.s32 $0xFFFFF800  }
0x11a: {  	[hbm4b:s30+s1] =	stream.linear.scatter [tilespmem:s23], [sflag:$0x5], $0x800, $0x38;
	[tilespmem:$0x5800] =	vst v63  }
0x11b: {  	s2 =	smov.u32 s7;
	s30 =	sadd.s32 $0x200, s30;
	_ =	swait.ge [sflag:s17], $0x800  }
0x11c: {  	s0 =	sshra.s32 s6, $0x2;
	s31 =	sadd.s32 $0x200, s31;
	[sflag:s17] =	ssyncset.done $0x0  }
.Ltmp8:
0x11d: {  	_ = 	snop;
	(pc) =	sbr.rel .LBB2_5-.Ltmp8, $1  }
0x11e: {  	_ =	sdelay $0x3  }
.LBB2_10:
0x11f: {  	_ =	sfence.sel $0x180000  }
0x120: {  	[bflag:$0x0] =	sbarrier.arrive $0xFFFF  }
0x121: {  	_ =	strace $0x90000047  }
0x122: {  	s0 =	stileid.u32;
	[bflag:$0x2] =	sbarrier.arrive $0xFFFF  }
0x123: {  	p0 =	sne.s32 s0, $0x0;
	s0 =	rddreg [dreg:$0x1]  }
0x124: {  	s0 =	sadd.s32 @!p0 $0x100000, s0  }
0x125: {  	[sflag:s0] =	ssyncadd.tile.s32 @!p0 $0x1;
	_ =	shalt  }
.Lfunc_end2:
_tile_overlayer_lowered:
.L_overlay_start_2:
0x126: {  	(tag) =	ssettag $0x2  }
0x127: {  	s0 =	rddreg [dreg:$0x0];
	s2 =	stileid.u32  }
0x128: {  	s1 =	rddreg [dreg:$0x1];
	p0 =	sne.s32 s2, $0x0  }
0x129: {  	s3 =	rddreg [dreg:$0x2];
	[bflag:$0x3] =	sbarrier.arrive $0xFFFF;
	s2 =	simm.s32 @!p0 $0x1C05  }
0x12a: {  	[timem:s3], [sflag:s2] =	dma.local @!p0 [hbm:s0], s1  }
0x12b: {  	s0 =	simm.s32 @!p0 $0x5  }
0x12c: {  	_ =	swait.ge @!p0 [sflag:s0], s1  }
0x12d: {  	s1 =	ssub.s32 @!p0 $0x0, s1;
	[sflag:s0] =	ssyncset.done @!p0 $0x0  }
0x12e: {  	[sflag:s0] =	ssyncadd.s32 @!p0 s1  }
0x12f: {  	[bflag:$0x3] =	sbarrier.arrive $0xFFFF  }
0x130: {  	_ =	shalt  }

// kernel: kernel.16.cloned.1.call-start
scs
__scs_entry_jumppad:
0x0: {  	(pc) =	sbr.rel $0x88, $3  }
0x1: {  	(tag) =	ssettag $0x0;
	lr =	simm.s32 $0x1  }
0x2: {  	[smem:$0x3F89] =	sst lr;
	_ =	strace $0xD0000000  }
0x3: {  	_ = 	snop  }
0x4: {  	_ = 	snop  }
0x5: {  	_ = 	snop  }
0x6: {  	_ = 	snop  }
0x7: {  	_ = 	snop  }
__scs_overlays_trampoline_lowered:
0x8: {  	[smem:$0x3F98] =	sst s0  }
0x9: {  	[smem:$0x3F99] =	sst s1  }
0xa: {  	[smem:$0x3F9A] =	sst s2  }
0xb: {  	[smem:$0x3F9B] =	sst s3  }
0xc: {  	[smem:$0x3F9C] =	sst s4  }
0xd: {  	[smem:$0x3F9D] =	sst s5  }
0xe: {  	[smem:$0x3F9E] =	sst s6  }
0xf: {  	[smem:$0x3F9F] =	sst s7  }
0x10: {  	[smem:$0x3FA0] =	sst s8  }
0x11: {  	[smem:$0x3FA1] =	sst s9;
	s0 =	simm.s32 @!p0 $0x0  }
0x12: {  	s1 =	sld [smem:$0x3F87];
	s0 =	simm.s32 @p0 $0x1  }
0x13: {  	[smem:$0x3FA2] =	sst s0;
	s0 =	simm.s32 @!p1 $0x0  }
0x14: {  	s2 =	sld [smem:$0x3F86];
	s0 =	simm.s32 @p1 $0x1  }
0x15: {  	[smem:$0x3FA3] =	sst s0;
	s0 =	simm.s32 @!p2 $0x0  }
0x16: {  	s3 =	sld [smem:$0x3FDB];
	s0 =	simm.s32 @p2 $0x1  }
0x17: {  	s4 =	simm.s32 $0x1BF5;
	[smem:$0x3FA5] =	sst s0  }
0x18: {  	s0 =	sld [smem:$0x3F88];
	_ =	swait.ge [sflag:s4], $0x0  }
0x19: {  	s7 =	sld [smem:$0x3F89]  }
0x1a: {  	s8 =	sadd.s32 $0xFFFFE003, lr  }
0x1b: {  	s9 =	sadd.s32 $0xFFFFFEF7, lr;
	s5 =	simm.s32 $0xFFFFFFFF;
	p2 =	slt.u32 s8, $0xFFFFF086  }
0x1c: {  	p1 =	slt.u32 s9, $0xF7A;
	s5 =	simm.s32 @!p2 $0x0  }
0x1d: {  	s5 =	simm.s32 @p1 $0x1;
	p0 =	seq.s32 s7, s2  }
0x1e: {  	s7 =	smul.u32 @!p0 $0xF7A, s2;
	p2 =	seq.s32 @!p0 s5, $0x0  }
0x1f: {  	s9 =	smul.u32 $0xF7A, s1;
	s8 =	simm.s32 @!p0 $0x1BF5;
	p2 =	por !p2, p0  }
0x20: {  	[sflag:s8] =	ssyncset.s32 @!p0 $0xFFFFF086;
	s6 =	sadd.s32 @!p0 s3, s7;
	s7 =	simm.s32 @!p0 $0x108  }
0x21: {  	s3 =	sadd.s32 s3, s9;
	s6 =	sadd.s32 @!p0 $0x88, s6;
	s7 =	simm.s32 @p2 $0x1082  }
0x22: {  	[simem:s7], [sflag:s8] =	dma.local @!p0 [hbm:s6], $0xF7A  }
0x23: {  	s9 =	sor.u32 $0xD0000000, s2;
	s6 =	simm.s32 $0x108;
	_ =	swait.ge @!p0 [sflag:s8], $0x0  }
0x24: {  	s3 =	sadd.s32 $0x88, s3;
	s6 =	simm.s32 @!p1 $0x1082;
	[sflag:s4] =	ssyncset.s32 $0xFFFFF086  }
0x25: {  	[simem:s6], [sflag:s4] =	dma.local [hbm:s3], $0xF7A  }
0x26: {  	[smem:$0x3F89] =	sst s1;
	(tag) =	ssettag s2;
	_ =	strace s9  }
0x27: {  	s1 =	sld [smem:$0x3F99]  }
0x28: {  	s2 =	sld [smem:$0x3F9A]  }
0x29: {  	s4 =	sld [smem:$0x3F9C]  }
0x2a: {  	p0 =	seq.s32 s5, $0x0;
	s5 =	sld [smem:$0x3F9D]  }
0x2b: {  	s6 =	sld [smem:$0x3F9E]  }
0x2c: {  	s7 =	sld [smem:$0x3F9F]  }
0x2d: {  	s3 =	simm.s32 $0x108;
	s8 =	sld [smem:$0x3FA0]  }
0x2e: {  	s3 =	simm.s32 @!p0 $0x1082;
	s9 =	sld [smem:$0x3FA1]  }
0x2f: {  	lr =	sadd.s32 s0, s3;
	s0 =	sld [smem:$0x3F98]  }
0x30: {  	s3 =	sld [smem:$0x3F9B]  }
0x31: {  	[smem:$0x3FA4] =	sst s10  }
0x32: {  	s10 =	sld [smem:$0x3FA2];
	_ =	sdelay $0x3  }
0x33: {  	p0 =	seq.s32 s10, $0x1;
	s10 =	sld [smem:$0x3FA4];
	_ =	sdelay $0x3  }
0x34: {  	[smem:$0x3FA4] =	sst s10  }
0x35: {  	s10 =	sld [smem:$0x3FA3];
	_ =	sdelay $0x3  }
0x36: {  	p1 =	seq.s32 s10, $0x1;
	s10 =	sld [smem:$0x3FA4];
	_ =	sdelay $0x3  }
0x37: {  	[smem:$0x3FA4] =	sst s10  }
0x38: {  	s10 =	sld [smem:$0x3FA5]  }
0x39: {  	_ = 	snop;
	(pc) =	sbr.ind lr, $3  }
0x3a: {  	_ = 	snop  }
0x3b: {  	_ = 	snop  }
0x3c: {  	p2 =	seq.s32 s10, $0x1;
	s10 =	sld [smem:$0x3FA4]  }
0x3d: {  	_ =	shalt  }
0x3e: {  	_ =	shalt  }
0x3f: {  	_ =	shalt  }
0x40: {  	_ =	shalt  }
0x41: {  	_ =	shalt  }
0x42: {  	_ =	shalt  }
0x43: {  	_ =	shalt  }
0x44: {  	_ =	shalt  }
0x45: {  	_ =	shalt  }
0x46: {  	_ =	shalt  }
0x47: {  	_ =	shalt  }
0x48: {  	_ =	shalt  }
0x49: {  	_ =	shalt  }
0x4a: {  	_ =	shalt  }
0x4b: {  	_ =	shalt  }
0x4c: {  	_ =	shalt  }
0x4d: {  	_ =	shalt  }
0x4e: {  	_ =	shalt  }
0x4f: {  	_ =	shalt  }
0x50: {  	_ =	shalt  }
0x51: {  	_ =	shalt  }
0x52: {  	_ =	shalt  }
0x53: {  	_ =	shalt  }
0x54: {  	_ =	shalt  }
0x55: {  	_ =	shalt  }
0x56: {  	_ =	shalt  }
0x57: {  	_ =	shalt  }
0x58: {  	_ =	shalt  }
0x59: {  	_ =	shalt  }
0x5a: {  	_ =	shalt  }
0x5b: {  	_ =	shalt  }
0x5c: {  	_ =	shalt  }
0x5d: {  	_ =	shalt  }
0x5e: {  	_ =	shalt  }
0x5f: {  	_ =	shalt  }
0x60: {  	_ =	shalt  }
0x61: {  	_ =	shalt  }
0x62: {  	_ =	shalt  }
0x63: {  	_ =	shalt  }
0x64: {  	_ =	shalt  }
0x65: {  	_ =	shalt  }
0x66: {  	_ =	shalt  }
0x67: {  	_ =	shalt  }
0x68: {  	_ =	shalt  }
0x69: {  	_ =	shalt  }
0x6a: {  	_ =	shalt  }
0x6b: {  	_ =	shalt  }
0x6c: {  	_ =	shalt  }
0x6d: {  	_ =	shalt  }
0x6e: {  	_ =	shalt  }
0x6f: {  	_ =	shalt  }
0x70: {  	_ =	shalt  }
0x71: {  	_ =	shalt  }
0x72: {  	_ =	shalt  }
0x73: {  	_ =	shalt  }
0x74: {  	_ =	shalt  }
0x75: {  	_ =	shalt  }
0x76: {  	_ =	shalt  }
0x77: {  	_ =	shalt  }
0x78: {  	_ =	shalt  }
0x79: {  	_ =	shalt  }
0x7a: {  	_ =	shalt  }
0x7b: {  	_ =	shalt  }
0x7c: {  	_ =	shalt  }
0x7d: {  	_ =	shalt  }
0x7e: {  	_ =	shalt  }
0x7f: {  	_ =	shalt  }
0x80: {  	_ =	shalt  }
0x81: {  	_ =	shalt  }
0x82: {  	_ =	shalt  }
0x83: {  	_ =	shalt  }
0x84: {  	_ =	shalt  }
0x85: {  	_ =	shalt  }
0x86: {  	_ =	shalt  }
0x87: {  	_ =	shalt  }
.Lfunc_end0:
.L_simem_size_0:
called_computation.1_lowered:
.L_overlay_start_0:
0x88: {  	s2 =	sld [smem:$0x3FD9]  }
0x89: {  	s3 =	sld [smem:$0x3FFE];
	_ =	sdelay $0x1  }
0x8a: {  	s1 =	srdreg.scid  }
0x8b: {  	s0 =	sand.u32 $0x1, s1  }
0x8c: {  	s17 =	sshll.u32 s0, $0xA;
	s2 =	sadd.s32 s3, s2  }
0x8d: {  	s2 =	sadd.s32 s2, s17  }
0x8e: {  	[smem:$0x3FB0] =	sst s2  }
0x8f: {  	_ = 	snop  }
0x90: {  	(tm) =	ssettm $0x1  }
0x91: {  	s18 =	sld [smem:$0x3FFB];
	_ =	sdelay $0x3  }
0x92: {  	_ =	strace s18  }
0x93: {  	s2 =	sld [smem:$0x3FFC];
	_ =	sdelay $0x3  }
0x94: {  	_ =	strace s2  }
0x95: {  	s2 =	sld [smem:$0x3FFD];
	_ =	sdelay $0x3  }
0x96: {  	_ =	strace s2  }
0x97: {  	_ =	strace $0x8FFFFFFF  }
0x98: {  	s19 =	sld [smem:$0x3FDB];
	_ =	sdelay $0x1  }
0x99: {  	s20 =	simm.s32 $_scs_section_size  }
0x9a: {  	s4 =	simm.s32 $_size__tile_overlayer_lowered;
	s5 =	simm.s32 $_tile_overlayer_lowered  }
0x9b: {  	s6 =	simm.s32 $0x1BFF;
	s21 =	sshll.u32 s5, $0x1;
	s3 =	sadd.s32 s20, s19  }
0x9c: {  	s22 =	simm.s32 $0x0;
	s4 =	sshll.u32 s4, $0x1;
	s5 =	sadd.s32 s21, s3  }
0x9d: {  	[timem:s22], [sflag:s6] =	dma.local [hbm:s5], s4  }
0x9e: {  	_ =	swait.ge [sflag:s6], s4  }
0x9f: {  	s4 =	ssub.s32 $0x0, s4;
	[sflag:s6] =	ssyncset.done $0x0  }
0xa0: {  	[sflag:s6] =	ssyncadd.s32 s4;
	_ =	sdelay $0x1  }
0xa1: {  	s23 =	simm.s32 $0x1B8B  }
0xa2: {  	_ =	swait.ge [sflag:s23], $0x1  }
0xa3: {  	[sflag:s23] =	ssyncset.done $0x0  }
0xa4: {  	[sflag:s23] =	ssyncadd.s32 $0xFFFFFFFF  }
0xa5: {  	s4 =	sld [smem:$0x0]  }
0xa6: {  	s5 =	sand.u32 $0xFFFFFFFE, s1  }
0xa7: {  	p0 =	sne.s32 s1, s5  }
0xa8: {  	s5 =	sshll.u32 @p0 s5, $0xE  }
0xa9: {  	s5 =	sadd.s32 @p0 $0x11B8D, s5;
	s6 =	sshll.u32 @p0 s4, $0x11  }
0xaa: {  	s5 =	sor.u32 @p0 s6, s5  }
0xab: {  	[sflag:s5] =	ssyncadd.remote.s32 @p0 $0x1;
	_ =	sdelay $0x1  }
0xac: {  	s5 =	simm.s32 @p0 $0x1B8D  }
0xad: {  	_ =	swait.eq @p0 [sflag:s5], $0x1  }
0xae: {  	[sflag:s5] =	ssyncadd.s32 @p0 $0xFFFFFFFF  }
0xaf: {  	s6 =	sshll.u32 @!p0 s1, $0xE  }
0xb0: {  	s6 =	sor.u32 @!p0 $0x4000, s6;
	s5 =	simm.s32 @!p0 $0x1B8D  }
0xb1: {  	s4 =	sshll.u32 @!p0 s4, $0x11;
	s6 =	sadd.s32 @!p0 $0x11B8D, s6;
	_ =	swait.eq @!p0 [sflag:s5], $0x1  }
0xb2: {  	s4 =	sor.u32 @!p0 s4, s6;
	[sflag:s5] =	ssyncadd.s32 @!p0 $0xFFFFFFFF  }
0xb3: {  	s25 =	simm.s32 $0x1B8E;
	s24 =	sld [smem:$0x3FFE];
	[sflag:s4] =	ssyncadd.remote.s32 @!p0 $0x1  }
0xb4: {  	s26 =	simm.s32 $execute0_lowered;
	[smem:$0x3FD2] =	sst s25  }
0xb5: {  	s5 =	sshll.u32 s26, $0x1;
	_ =	strace $0x80000049;
	[dreg:$0x1] =	wrdreg $0xFFFFFFFF  }
0xb6: {  	s28 =	simm.s32 $_size_execute0_lowered;
	s3 =	sadd.s32 s3, s5;
	[dreg:$0x0] =	wrdreg $0x0  }
0xb7: {  	s5 =	sshll.u32 s28, $0x1;
	[dreg:$0x2] =	wrdreg s3  }
0xb8: {  	[dreg:$0x3] =	wrdreg s5  }
0xb9: {  	[dreg:$0x4] =	wrdreg $0xC0  }
0xba: {  	_ =	task [dreg:s22], $0x5FFFF  }
0xbb: {  	[dreg:$0x1] =	wrdreg $0xFFFFFFFF  }
0xbc: {  	[dreg:$0x0] =	wrdreg $0x60  }
0xbd: {  	[dreg:$0x2] =	wrdreg s24  }
0xbe: {  	[dreg:$0x3] =	wrdreg $0xA  }
0xbf: {  	_ =	task.clear_ibuf [dreg:s22], $0x4FFFF;
	_ =	strace $0x90000049  }
0xc0: {  	s29 =	simm.s32 $0xA;
	_ =	strace $0x8000004B  }
0xc1: {  	_ =	swait.ge [sflag:s29], $0x1  }
0xc2: {  	[sflag:s29] =	ssyncadd.s32 $0xFFFFFFFF  }
0xc3: {  	_ =	strace $0x9000004B  }
0xc4: {  	_ =	sfence  }
0xc5: {  	s30 =	sld [smem:$0x0];
	_ =	sdelay $0x2  }
0xc6: {  	s31 =	sshll.u32 s1, $0xD;
	s1 =	sshrl.u32 s1, $0x2  }
0xc7: {  	s4 =	sand.u32 $0x4000, s31;
	s1 =	sadd.s32 s1, s30  }
0xc8: {  	s0 =	sor.u32 s4, s0;
	s1 =	sshll.u32 s1, $0x11  }
0xc9: {  	s0 =	sor.u32 s1, s0  }
0xca: {  	s0 =	sadd.s32 $0x8F2B, s0  }
0xcb: {  	[sflag:s0] =	ssyncadd.remote.s32 $0x1  }
0xcc: {  	_ =	sfence.sel $0xFFFF  }
0xcd: {  	[dreg:$0x0] =	wrdreg $0xFFFFFFFF;
	(pc) =	sbr.abs _section_cstart, $3  }
0xce: {  	[dreg:$0x1] =	wrdreg $0xFFFFFFFF  }
0xcf: {  	_ =	task.clear_ibuf [dreg:s22], $0x2FFFF;
	_ =	strace $0x9FFFFFFF  }
0xd0: {  	(tm) =	ssettm $0x7FFFFFFF  }
0xd1: {  	_ =	shalt  }
tec
execute0_lowered:
.L_overlay_start_1:
0x0: {  	(tag) =	ssettag $0x1  }
0x1: {  	s0 =	rddreg [dreg:$0x0];
	s1 =	simm.s32 $0x0;
	s2 =	srdreg.scid  }
0x2: {  	s12 =	stileid.u32;
	s17 =	simm.s32 $0x5;
	s18 =	simm.s32 $0x1C00  }
0x3: {  	s19 =	simm.s32 $0x80;
	s20 =	simm.s32 $0x3800;
	s28 =	simm.s32 $0x4  }
0x4: {  	s29 =	simm.s32 $0x0;
	[smem:$0x7FF] =	sst s1;
	s8 =	smul.u32 $0x1C00, s12  }
0x5: {  	s3 =	sadd.s32 $0xB9600, s0;
	s2 =	sand.u32 $0x1, s2;
	s11 =	smul.u32 $0xC00, s12  }
0x6: {  	s6 =	sadd.s32 $0xF600, s0;
	s9 =	sadd.s32 $0x14600, s0;
	s14 =	smul.u32 $0x3800, s12  }
0x7: {  	s4 =	sadd.s32 $0xBE600, s0;
	s5 =	sadd.s32 $0x10E600, s0;
	s25 =	smul.u32 $0x1800, s12  }
0x8: {  	_ =	strace $0x8000004A;
	s7 =	ssub.s32 $0x2, s2;
	p0 =	seq.s32 s2, $0x1  }
0x9: {  	s10 =	sshrl.u32 s7, $0x1;
	s22 =	sshrl.u32 s8, $0x3;
	s23 =	sshrl.u32 s11, $0x3  }
0xa: {  	s26 =	sadd.s32 s14, s4;
	s11 =	sadd.s32 $0x3600, s14;
	s12 =	sadd.s32 $0x39600, s25  }
0xb: {  	s30 =	sadd.s32 s14, s5;
	s31 =	sadd.s32 s25, s5;
	s21 =	ssub.s32 s7, s10  }
0xc: {  	s8 =	sadd.s32 s6, s22;
	s7 =	sadd.s32 $0x3800, s23;
	s2 =	sadd.s32 s9, s22  }
0xd: {  	s13 =	sadd.s32 $0x100, s26;
	s14 =	sadd.s32 $0x100, s30;
	s15 =	sadd.s32 $0x38000, s31  }
.Ltmp0:
0xe: {  	s22 =	simm.s32 $0x4000;
	[dreg:$0x2] =	wrdreg s8;
	(pc) =	sbr.rel .LBB2_1-.Ltmp0, $4  }
0xf: {  	s23 =	simm.s32 $0x5000;
	s26 =	simm.s32 $0x2;
	[dreg:$0x3] =	wrdreg s2  }
0x10: {  	s24 =	sadd.s32 s6, s7;
	s9 =	sadd.s32 s9, s7;
	s10 =	smax.u32 s21, $0x1  }
0x11: {  	s2 =	sadd.s32 s25, s4;
	s21 =	simm.s32 $0x4800;
	s25 =	simm.s32 $0x3  }
0x12: {  	[dreg:$0x4] =	wrdreg s24;
	s16 =	sadd.s32 $0x38000, s2;
	s24 =	simm.s32 $0x1  }
.LBB2_5:
0x13: {  	s2 =	sadd.s32 $0x80, s0;
	[sflag:s17] =	ssyncadd.s32 @p1 $0xFFFFF800  }
0x14: {  	[tilespmem:s22], [sflag:$0x2] =	stream.indirect.gather [hbm4b:s3+s19], $0x10, s2, s19, $0xb8;
	[tilespmem:$0x5800] =	vst v63  }
0x15: {  	s7 =	sadd.s32 $0x1C80, s0  }
0x16: {  	[tilespmem:s23], [sflag:$0x4] =	stream.indirect.gather [hbm4b:s3+s19], $0x10, s7, s19, $0xb8;
	[tilespmem:$0x5800] =	vst v63  }
0x17: {  	_ =	swait.ge [sflag:s24], $0x800  }
0x18: {  	[sflag:s24] =	ssyncset.done $0x0  }
0x19: {  	s8 =	sadd.s32 $0xFFFFFF00, s31;
	[sflag:s24] =	ssyncadd.s32 $0xFFFFF800  }
0x1a: {  	[hbm4b:s8+s1] =	stream.linear.scatter [tilespmem:s20], [sflag:$0x5], $0x800, $0x38;
	[tilespmem:$0x5800] =	vst v63  }
0x1b: {  	_ =	swait.ge [sflag:s17], $0x800  }
0x1c: {  	[sflag:s17] =	ssyncset.done $0x0  }
0x1d: {  	[sflag:s17] =	ssyncadd.s32 $0xFFFFF800  }
0x1e: {  	_ =	swait.ge [sflag:s25], $0x800  }
0x1f: {  	[sflag:s25] =	ssyncset.done $0x0  }
0x20: {  	s6 =	sadd.s32 $0xFFFFFF00, s30;
	[sflag:s25] =	ssyncadd.s32 $0xFFFFF800  }
0x21: {  	[hbm4b:s6+s1] =	stream.linear.scatter [tilespmem:s21], [sflag:$0x5], $0x800, $0x38;
	[tilespmem:$0x5800] =	vst v63  }
0x22: {  	_ =	swait.ge [sflag:s17], $0x800  }
0x23: {  	[sflag:s17] =	ssyncset.done $0x0  }
0x24: {  	s7 =	sadd.s32 $0x100, s0;
	[sflag:s17] =	ssyncadd.s32 $0xFFFFF800  }
0x25: {  	[tilespmem:s20], [sflag:$0x1] =	stream.indirect.gather [hbm4b:s3+s19], $0x10, s7, s19, $0xb8;
	[tilespmem:$0x5800] =	vst v63  }
0x26: {  	s8 =	sadd.s32 $0x1D00, s0  }
0x27: {  	[tilespmem:s21], [sflag:$0x3] =	stream.indirect.gather [hbm4b:s3+s19], $0x10, s8, s19, $0xb8;
	[tilespmem:$0x5800] =	vst v63  }
0x28: {  	_ =	swait.ge [sflag:s26], $0x800  }
0x29: {  	[sflag:s26] =	ssyncset.done $0x0  }
0x2a: {  	[sflag:s26] =	ssyncadd.s32 $0xFFFFF800  }
0x2b: {  	[hbm4b:s31+s1] =	stream.linear.scatter [tilespmem:s22], [sflag:$0x5], $0x800, $0x38;
	[tilespmem:$0x5800] =	vst v63  }
0x2c: {  	_ =	swait.ge [sflag:s17], $0x800  }
0x2d: {  	[sflag:s17] =	ssyncset.done $0x0  }
0x2e: {  	[sflag:s17] =	ssyncadd.s32 $0xFFFFF800  }
0x2f: {  	_ =	swait.ge [sflag:s28], $0x800  }
0x30: {  	[sflag:s28] =	ssyncset.done $0x0  }
0x31: {  	[sflag:s28] =	ssyncadd.s32 $0xFFFFF800  }
0x32: {  	[hbm4b:s30+s1] =	stream.linear.scatter [tilespmem:s23], [sflag:$0x5], $0x800, $0x38;
	[tilespmem:$0x5800] =	vst v63  }
0x33: {  	_ =	swait.ge [sflag:s17], $0x800  }
0x34: {  	s2 =	simm.s32 $0x3780;
	[sflag:s17] =	ssyncset.done $0x0  }
0x35: {  	s0 =	smov.u32 s11;
	s6 =	simm.s32 $0x1B80;
	[sflag:s17] =	ssyncadd.s32 $0xFFFFF800  }
.LBB2_9:
0x36: {  	[tilespmem:s22], [sflag:$0x2] =	stream.indirect.gather [hbm4b:s3+s19], $0x10, s6, s19, $0xb8;
	[tilespmem:$0x5800] =	vst v63  }
0x37: {  	_ = 	snop  }
0x38: {  	[tilespmem:s23], [sflag:$0x4] =	stream.indirect.gather [hbm4b:s3+s19], $0x10, s2, s19, $0xb8;
	[tilespmem:$0x5800] =	vst v63  }
0x39: {  	_ =	swait.ge [sflag:s24], $0x800  }
0x3a: {  	[sflag:s24] =	ssyncset.done $0x0  }
0x3b: {  	s7 =	sadd.s32 s4, s0;
	[sflag:s24] =	ssyncadd.s32 $0xFFFFF800  }
0x3c: {  	[hbm4b:s7+s1] =	stream.linear.scatter [tilespmem:s20], [sflag:$0x5], $0x800, $0x38;
	[tilespmem:$0x5800] =	vst v63  }
0x3d: {  	_ =	swait.ge [sflag:s17], $0x800  }
0x3e: {  	[sflag:s17] =	ssyncset.done $0x0  }
0x3f: {  	[sflag:s17] =	ssyncadd.s32 $0xFFFFF800  }
0x40: {  	_ =	swait.ge [sflag:s25], $0x800  }
0x41: {  	[sflag:s25] =	ssyncset.done $0x0  }
0x42: {  	s8 =	sadd.s32 s5, s0;
	[sflag:s25] =	ssyncadd.s32 $0xFFFFF800  }
0x43: {  	[hbm4b:s8+s1] =	stream.linear.scatter [tilespmem:s21], [sflag:$0x5], $0x800, $0x38;
	[tilespmem:$0x5800] =	vst v63  }
0x44: {  	_ =	swait.ge [sflag:s17], $0x800  }
0x45: {  	[sflag:s17] =	ssyncset.done $0x0  }
0x46: {  	[sflag:s17] =	ssyncadd.s32 $0xFFFFF800  }
0x47: {  	_ =	swait.ge [sflag:s26], $0x800  }
0x48: {  	s30 =	sor.u32 $0x100, s0;
	[sflag:s26] =	ssyncset.done $0x0  }
0x49: {  	s31 =	sadd.s32 s4, s30;
	[sflag:s26] =	ssyncadd.s32 $0xFFFFF800  }
0x4a: {  	[hbm4b:s31+s1] =	stream.linear.scatter [tilespmem:s22], [sflag:$0x5], $0x800, $0x38;
	[tilespmem:$0x5800] =	vst v63  }
0x4b: {  	_ =	swait.ge [sflag:s17], $0x800  }
0x4c: {  	[sflag:s17] =	ssyncset.done $0x0  }
0x4d: {  	[sflag:s17] =	ssyncadd.s32 $0xFFFFF800  }
0x4e: {  	s29 =	sadd.s32 $0x1, s29;
	_ =	swait.ge [sflag:s28], $0x800  }
0x4f: {  	p1 =	sne.s32 s29, s10;
	[sflag:s28] =	ssyncset.done $0x0  }
.Ltmp1:
0x50: {  	s0 =	sadd.s32 s5, s30;
	[sflag:s28] =	ssyncadd.s32 $0xFFFFF800;
	(pc) =	sbr.rel @!p1 .LBB2_10-.Ltmp1, $4  }
0x51: {  	[hbm4b:s0+s1] =	stream.linear.scatter [tilespmem:s23], [sflag:$0x5], $0x800, $0x38;
	[tilespmem:$0x5800] =	vst v63  }
0x52: {  	_ =	swait.ge [sflag:s17], $0x800  }
0x53: {  	[sflag:s17] =	ssyncset.done $0x0  }
0x54: {  	[sflag:s17] =	ssyncadd.s32 $0xFFFFF800  }
.LBB2_1:
.Ltmp2:
0x55: {  	(pc) =	sbr.rel @!p0 .LBB2_2-.Ltmp2, $2  }
0x56: {  	_ =	sdelay $0x2  }
0x57: {  	s0 =	simm.s32 $0x0  }
0x58: {  	s2 =	rddreg [dreg:$0x4]  }
0x59: {  	[tilespmem:s0], [sflag:$0x5] =	stream.linear.gather [hbm4b:s2+s0], $0xC00, $0x38;
	[tilespmem:$0x5800] =	vst v63  }
0x5a: {  	_ =	swait.ge [sflag:s17], $0xC00  }
0x5b: {  	[sflag:s17] =	ssyncset.done $0x0  }
0x5c: {  	[sflag:s17] =	ssyncadd.s32 $0xFFFFF400  }
0x5d: {  	[tilespmem:s18], [sflag:$0x5] =	stream.linear.gather [hbm4b:s9+s0], $0xC00, $0x38;
	[tilespmem:$0x5800] =	vst v63  }
0x5e: {  	_ =	swait.ge [sflag:s17], $0xC00  }
0x5f: {  	[sflag:s17] =	ssyncset.done $0x0  }
0x60: {  	[sflag:s17] =	ssyncadd.s32 $0xFFFFF400  }
0x61: {  	[tilespmem:s20], [sflag:$0x1] =	stream.indirect.gather [hbm4b:s3+s19], $0x10, s0, s19, $0xb8;
	[tilespmem:$0x5800] =	vst v63  }
0x62: {  	_ = 	snop  }
0x63: {  	[tilespmem:s21], [sflag:$0x3] =	stream.indirect.gather [hbm4b:s3+s19], $0x10, s18, s19, $0xb8;
	[tilespmem:$0x5800] =	vst v63  }
0x64: {  	s7 =	simm.s32 $0x80  }
0x65: {  	[tilespmem:s22], [sflag:$0x2] =	stream.indirect.gather [hbm4b:s3+s19], $0x10, s7, s19, $0xb8;
	[tilespmem:$0x5800] =	vst v63  }
0x66: {  	s8 =	simm.s32 $0x1C80  }
0x67: {  	[tilespmem:s23], [sflag:$0x4] =	stream.indirect.gather [hbm4b:s3+s19], $0x10, s8, s19, $0xb8;
	[tilespmem:$0x5800] =	vst v63  }
0x68: {  	_ =	swait.ge [sflag:s24], $0x800  }
0x69: {  	[sflag:s24] =	ssyncset.done $0x0  }
0x6a: {  	[sflag:s24] =	ssyncadd.s32 $0xFFFFF800  }
0x6b: {  	[hbm4b:s16+s1] =	stream.linear.scatter [tilespmem:s20], [sflag:$0x5], $0x800, $0x38;
	[tilespmem:$0x5800] =	vst v63  }
0x6c: {  	_ =	swait.ge [sflag:s17], $0x800  }
0x6d: {  	[sflag:s17] =	ssyncset.done $0x0  }
0x6e: {  	[sflag:s17] =	ssyncadd.s32 $0xFFFFF800  }
0x6f: {  	_ =	swait.ge [sflag:s25], $0x800  }
0x70: {  	[sflag:s25] =	ssyncset.done $0x0  }
0x71: {  	[sflag:s25] =	ssyncadd.s32 $0xFFFFF800  }
0x72: {  	[hbm4b:s15+s1] =	stream.linear.scatter [tilespmem:s21], [sflag:$0x5], $0x800, $0x38;
	[tilespmem:$0x5800] =	vst v63  }
0x73: {  	_ =	swait.ge [sflag:s17], $0x800  }
0x74: {  	[sflag:s17] =	ssyncset.done $0x0  }
0x75: {  	s2 =	simm.s32 $0x100;
	[sflag:s17] =	ssyncadd.s32 $0xFFFFF800  }
0x76: {  	[tilespmem:s20], [sflag:$0x1] =	stream.indirect.gather [hbm4b:s3+s19], $0x10, s2, s19, $0xb8;
	[tilespmem:$0x5800] =	vst v63  }
0x77: {  	s6 =	simm.s32 $0x1D00  }
0x78: {  	[tilespmem:s21], [sflag:$0x3] =	stream.indirect.gather [hbm4b:s3+s19], $0x10, s6, s19, $0xb8;
	[tilespmem:$0x5800] =	vst v63  }
0x79: {  	_ =	swait.ge [sflag:s26], $0x800  }
0x7a: {  	[sflag:s26] =	ssyncset.done $0x0  }
0x7b: {  	s7 =	sadd.s32 $0x100, s16;
	[sflag:s26] =	ssyncadd.s32 $0xFFFFF800  }
0x7c: {  	[hbm4b:s7+s1] =	stream.linear.scatter [tilespmem:s22], [sflag:$0x5], $0x800, $0x38;
	[tilespmem:$0x5800] =	vst v63  }
0x7d: {  	_ =	swait.ge [sflag:s17], $0x800  }
0x7e: {  	[sflag:s17] =	ssyncset.done $0x0  }
0x7f: {  	[sflag:s17] =	ssyncadd.s32 $0xFFFFF800  }
0x80: {  	_ =	swait.ge [sflag:s28], $0x800  }
0x81: {  	[sflag:s28] =	ssyncset.done $0x0  }
0x82: {  	s8 =	sadd.s32 $0x100, s15;
	[sflag:s28] =	ssyncadd.s32 $0xFFFFF800  }
0x83: {  	[hbm4b:s8+s1] =	stream.linear.scatter [tilespmem:s23], [sflag:$0x5], $0x800, $0x38;
	[tilespmem:$0x5800] =	vst v63  }
0x84: {  	s31 =	sadd.s32 $0x200, s16;
	s30 =	sadd.s32 $0x200, s15;
	_ =	swait.ge [sflag:s17], $0x800  }
0x85: {  	s0 =	simm.s32 $0x100;
	s7 =	simm.s32 $0x800;
	[sflag:s17] =	ssyncset.done $0x0  }
.LBB2_7:
0x86: {  	s8 =	sadd.s32 $0x80, s0  }
0x87: {  	[sflag:s17] =	ssyncadd.s32 $0xFFFFF800;
	s6 =	smov.u32 s7;
	s2 =	sadd.s32 $0x400, s7  }
0x88: {  	[tilespmem:s22], [sflag:$0x2] =	stream.indirect.gather [hbm4b:s3+s19], $0x10, s8, s19, $0xb8;
	[tilespmem:$0x5800] =	vst v63  }
0x89: {  	p1 =	sne.s32 s7, $0x2800;
	s7 =	sadd.s32 $0x1C80, s0  }
0x8a: {  	[tilespmem:s23], [sflag:$0x4] =	stream.indirect.gather [hbm4b:s3+s19], $0x10, s7, s19, $0xb8;
	[tilespmem:$0x5800] =	vst v63  }
0x8b: {  	_ =	swait.ge [sflag:s24], $0x800  }
0x8c: {  	[sflag:s24] =	ssyncset.done $0x0  }
0x8d: {  	[sflag:s24] =	ssyncadd.s32 $0xFFFFF800  }
0x8e: {  	[hbm4b:s31+s1] =	stream.linear.scatter [tilespmem:s20], [sflag:$0x5], $0x800, $0x38;
	[tilespmem:$0x5800] =	vst v63  }
0x8f: {  	_ =	swait.ge [sflag:s17], $0x800  }
0x90: {  	[sflag:s17] =	ssyncset.done $0x0  }
0x91: {  	[sflag:s17] =	ssyncadd.s32 $0xFFFFF800  }
0x92: {  	_ =	swait.ge [sflag:s25], $0x800  }
0x93: {  	[sflag:s25] =	ssyncset.done $0x0  }
0x94: {  	[sflag:s25] =	ssyncadd.s32 $0xFFFFF800  }
0x95: {  	[hbm4b:s30+s1] =	stream.linear.scatter [tilespmem:s21], [sflag:$0x5], $0x800, $0x38;
	[tilespmem:$0x5800] =	vst v63  }
0x96: {  	_ =	swait.ge [sflag:s17], $0x800  }
0x97: {  	[sflag:s17] =	ssyncset.done $0x0  }
0x98: {  	s7 =	sadd.s32 $0x100, s0;
	[sflag:s17] =	ssyncadd.s32 $0xFFFFF800  }
0x99: {  	[tilespmem:s20], [sflag:$0x1] =	stream.indirect.gather [hbm4b:s3+s19], $0x10, s7, s19, $0xb8;
	[tilespmem:$0x5800] =	vst v63  }
0x9a: {  	s0 =	sadd.s32 $0x1D00, s0  }
0x9b: {  	[tilespmem:s21], [sflag:$0x3] =	stream.indirect.gather [hbm4b:s3+s19], $0x10, s0, s19, $0xb8;
	[tilespmem:$0x5800] =	vst v63  }
0x9c: {  	_ =	swait.ge [sflag:s26], $0x800  }
0x9d: {  	[sflag:s26] =	ssyncset.done $0x0  }
0x9e: {  	s0 =	sadd.s32 $0x100, s31;
	[sflag:s26] =	ssyncadd.s32 $0xFFFFF800  }
0x9f: {  	[hbm4b:s0+s1] =	stream.linear.scatter [tilespmem:s22], [sflag:$0x5], $0x800, $0x38;
	[tilespmem:$0x5800] =	vst v63  }
0xa0: {  	_ =	swait.ge [sflag:s17], $0x800  }
0xa1: {  	[sflag:s17] =	ssyncset.done $0x0  }
0xa2: {  	[sflag:s17] =	ssyncadd.s32 $0xFFFFF800  }
0xa3: {  	_ =	swait.ge [sflag:s28], $0x800  }
.Ltmp3:
0xa4: {  	[sflag:s28] =	ssyncset.done $0x0;
	(pc) =	sbr.rel @p1 .LBB2_7-.Ltmp3, $4  }
0xa5: {  	s0 =	sadd.s32 $0x100, s30;
	[sflag:s28] =	ssyncadd.s32 $0xFFFFF800  }
0xa6: {  	[hbm4b:s0+s1] =	stream.linear.scatter [tilespmem:s23], [sflag:$0x5], $0x800, $0x38;
	[tilespmem:$0x5800] =	vst v63  }
0xa7: {  	s7 =	smov.u32 s2;
	s31 =	sadd.s32 $0x200, s31;
	_ =	swait.ge [sflag:s17], $0x800  }
0xa8: {  	s30 =	sadd.s32 $0x200, s30;
	s0 =	sshra.s32 s6, $0x2;
	[sflag:s17] =	ssyncset.done $0x0  }
0xa9: {  	s2 =	sadd.s32 $0x80, s0;
	[sflag:s17] =	ssyncadd.s32 $0xFFFFF800  }
0xaa: {  	[tilespmem:s22], [sflag:$0x2] =	stream.indirect.gather [hbm4b:s3+s19], $0x10, s2, s19, $0xb8;
	[tilespmem:$0x5800] =	vst v63  }
0xab: {  	s8 =	sadd.s32 $0x1C80, s0  }
0xac: {  	[tilespmem:s23], [sflag:$0x4] =	stream.indirect.gather [hbm4b:s3+s19], $0x10, s8, s19, $0xb8;
	[tilespmem:$0x5800] =	vst v63  }
0xad: {  	_ =	swait.ge [sflag:s24], $0x800  }
0xae: {  	[sflag:s24] =	ssyncset.done $0x0  }
0xaf: {  	[sflag:s24] =	ssyncadd.s32 $0xFFFFF800  }
0xb0: {  	[hbm4b:s31+s1] =	stream.linear.scatter [tilespmem:s20], [sflag:$0x5], $0x800, $0x38;
	[tilespmem:$0x5800] =	vst v63  }
0xb1: {  	_ =	swait.ge [sflag:s17], $0x800  }
0xb2: {  	[sflag:s17] =	ssyncset.done $0x0  }
0xb3: {  	[sflag:s17] =	ssyncadd.s32 $0xFFFFF800  }
0xb4: {  	_ =	swait.ge [sflag:s25], $0x800  }
0xb5: {  	[sflag:s25] =	ssyncset.done $0x0  }
0xb6: {  	[sflag:s25] =	ssyncadd.s32 $0xFFFFF800  }
0xb7: {  	[hbm4b:s30+s1] =	stream.linear.scatter [tilespmem:s21], [sflag:$0x5], $0x800, $0x38;
	[tilespmem:$0x5800] =	vst v63  }
0xb8: {  	_ =	swait.ge [sflag:s17], $0x800  }
0xb9: {  	[sflag:s17] =	ssyncset.done $0x0  }
0xba: {  	s6 =	sadd.s32 $0x100, s0;
	[sflag:s17] =	ssyncadd.s32 $0xFFFFF800  }
0xbb: {  	[tilespmem:s20], [sflag:$0x1] =	stream.indirect.gather [hbm4b:s3+s19], $0x10, s6, s19, $0xb8;
	[tilespmem:$0x5800] =	vst v63  }
0xbc: {  	s7 =	sadd.s32 $0x1D00, s0  }
0xbd: {  	[tilespmem:s21], [sflag:$0x3] =	stream.indirect.gather [hbm4b:s3+s19], $0x10, s7, s19, $0xb8;
	[tilespmem:$0x5800] =	vst v63  }
0xbe: {  	_ =	swait.ge [sflag:s26], $0x800  }
0xbf: {  	[sflag:s26] =	ssyncset.done $0x0  }
0xc0: {  	s8 =	sadd.s32 $0x100, s31;
	[sflag:s26] =	ssyncadd.s32 $0xFFFFF800  }
0xc1: {  	[hbm4b:s8+s1] =	stream.linear.scatter [tilespmem:s22], [sflag:$0x5], $0x800, $0x38;
	[tilespmem:$0x5800] =	vst v63  }
0xc2: {  	_ =	swait.ge [sflag:s17], $0x800  }
0xc3: {  	[sflag:s17] =	ssyncset.done $0x0  }
0xc4: {  	[sflag:s17] =	ssyncadd.s32 $0xFFFFF800  }
0xc5: {  	_ =	swait.ge [sflag:s28], $0x800  }
0xc6: {  	[sflag:s28] =	ssyncset.done $0x0  }
.Ltmp4:
0xc7: {  	s31 =	sadd.s32 $0x100, s30;
	[sflag:s28] =	ssyncadd.s32 $0xFFFFF800;
	(pc) =	sbr.rel .LBB2_9-.Ltmp4, $4  }
0xc8: {  	[hbm4b:s31+s1] =	stream.linear.scatter [tilespmem:s23], [sflag:$0x5], $0x800, $0x38;
	[tilespmem:$0x5800] =	vst v63  }
0xc9: {  	_ =	swait.ge [sflag:s17], $0x800  }
0xca: {  	s0 =	smov.u32 s12;
	[sflag:s17] =	ssyncset.done $0x0  }
0xcb: {  	s2 =	simm.s32 $0x2780;
	s6 =	simm.s32 $0xB80;
	[sflag:s17] =	ssyncadd.s32 $0xFFFFF800  }
.LBB2_2:
0xcc: {  	s2 =	rddreg [dreg:$0x2]  }
0xcd: {  	[tilespmem:s0], [sflag:$0x5] =	stream.linear.gather [hbm4b:s2+s0], $0x1C00, $0x38;
	[tilespmem:$0x5800] =	vst v63  }
0xce: {  	_ =	swait.ge [sflag:s17], $0x1C00  }
0xcf: {  	[sflag:s17] =	ssyncset.done $0x0  }
0xd0: {  	s8 =	rddreg [dreg:$0x3];
	[sflag:s17] =	ssyncadd.s32 $0xFFFFE400  }
0xd1: {  	[tilespmem:s18], [sflag:$0x5] =	stream.linear.gather [hbm4b:s8+s0], $0x1C00, $0x38;
	[tilespmem:$0x5800] =	vst v63  }
0xd2: {  	p2 =	por $0x0, $0x0;
	_ =	swait.ge [sflag:s17], $0x1C00  }
.Ltmp5:
0xd3: {  	[sflag:s17] =	ssyncset.done $0x0;
	(pc) =	sbr.rel @p2 .LBB2_5-.Ltmp5, $4  }
0xd4: {  	p1 =	por $0x0, $0x0;
	[sflag:s17] =	ssyncadd.s32 $0xFFFFE400  }
0xd5: {  	[tilespmem:s20], [sflag:$0x1] =	stream.indirect.gather [hbm4b:s3+s19], $0x10, s0, s19, $0xb8;
	[tilespmem:$0x5800] =	vst v63  }
0xd6: {  	s31 =	smov.u32 s13;
	s30 =	smov.u32 s14;
	s0 =	simm.s32 $0x0  }
0xd7: {  	[tilespmem:s21], [sflag:$0x3] =	stream.indirect.gather [hbm4b:s3+s19], $0x10, s18, s19, $0xb8;
	[tilespmem:$0x5800] =	vst v63  }
0xd8: {  	s0 =	simm.s32 $0x80  }
0xd9: {  	[tilespmem:s22], [sflag:$0x2] =	stream.indirect.gather [hbm4b:s3+s19], $0x10, s0, s19, $0xb8;
	[tilespmem:$0x5800] =	vst v63  }
0xda: {  	s8 =	simm.s32 $0x1C80  }
0xdb: {  	[tilespmem:s23], [sflag:$0x4] =	stream.indirect.gather [hbm4b:s3+s19], $0x10, s8, s19, $0xb8;
	[tilespmem:$0x5800] =	vst v63  }
0xdc: {  	_ =	swait.ge [sflag:s24], $0x800  }
0xdd: {  	[sflag:s24] =	ssyncset.done $0x0  }
0xde: {  	s2 =	sadd.s32 $0xFFFFFF00, s13;
	[sflag:s24] =	ssyncadd.s32 $0xFFFFF800  }
0xdf: {  	[hbm4b:s2+s1] =	stream.linear.scatter [tilespmem:s20], [sflag:$0x5], $0x800, $0x38;
	[tilespmem:$0x5800] =	vst v63  }
0xe0: {  	_ =	swait.ge [sflag:s17], $0x800  }
0xe1: {  	[sflag:s17] =	ssyncset.done $0x0  }
0xe2: {  	[sflag:s17] =	ssyncadd.s32 $0xFFFFF800  }
0xe3: {  	_ =	swait.ge [sflag:s25], $0x800  }
0xe4: {  	[sflag:s25] =	ssyncset.done $0x0  }
0xe5: {  	s6 =	sadd.s32 $0xFFFFFF00, s14;
	[sflag:s25] =	ssyncadd.s32 $0xFFFFF800  }
0xe6: {  	[hbm4b:s6+s1] =	stream.linear.scatter [tilespmem:s21], [sflag:$0x5], $0x800, $0x38;
	[tilespmem:$0x5800] =	vst v63  }
0xe7: {  	_ =	swait.ge [sflag:s17], $0x800  }
0xe8: {  	[sflag:s17] =	ssyncset.done $0x0  }
0xe9: {  	s7 =	simm.s32 $0x100;
	[sflag:s17] =	ssyncadd.s32 $0xFFFFF800  }
0xea: {  	[tilespmem:s20], [sflag:$0x1] =	stream.indirect.gather [hbm4b:s3+s19], $0x10, s7, s19, $0xb8;
	[tilespmem:$0x5800] =	vst v63  }
0xeb: {  	s8 =	simm.s32 $0x1D00  }
0xec: {  	[tilespmem:s21], [sflag:$0x3] =	stream.indirect.gather [hbm4b:s3+s19], $0x10, s8, s19, $0xb8;
	[tilespmem:$0x5800] =	vst v63  }
0xed: {  	_ =	swait.ge [sflag:s26], $0x800  }
0xee: {  	[sflag:s26] =	ssyncset.done $0x0  }
0xef: {  	[sflag:s26] =	ssyncadd.s32 $0xFFFFF800  }
0xf0: {  	[hbm4b:s13+s1] =	stream.linear.scatter [tilespmem:s22], [sflag:$0x5], $0x800, $0x38;
	[tilespmem:$0x5800] =	vst v63  }
0xf1: {  	_ =	swait.ge [sflag:s17], $0x800  }
0xf2: {  	[sflag:s17] =	ssyncset.done $0x0  }
0xf3: {  	[sflag:s17] =	ssyncadd.s32 $0xFFFFF800  }
0xf4: {  	p2 =	por $0x0, $0x0;
	_ =	swait.ge [sflag:s28], $0x800  }
.Ltmp6:
0xf5: {  	[sflag:s28] =	ssyncset.done $0x0;
	(pc) =	sbr.rel @p2 .LBB2_5-.Ltmp6, $4  }
0xf6: {  	s30 =	sadd.s32 $0x200, s14;
	[sflag:s28] =	ssyncadd.s32 $0xFFFFF800  }
0xf7: {  	[hbm4b:s14+s1] =	stream.linear.scatter [tilespmem:s23], [sflag:$0x5], $0x800, $0x38;
	[tilespmem:$0x5800] =	vst v63  }
0xf8: {  	s31 =	sadd.s32 $0x200, s13;
	p1 =	por $0x1, $0x1;
	_ =	swait.ge [sflag:s17], $0x800  }
0xf9: {  	s0 =	simm.s32 $0x100;
	s2 =	simm.s32 $0x800;
	[sflag:s17] =	ssyncset.done $0x0  }
.LBB2_4:
0xfa: {  	s8 =	sadd.s32 $0x80, s0  }
0xfb: {  	[sflag:s17] =	ssyncadd.s32 $0xFFFFF800;
	s6 =	smov.u32 s2;
	s7 =	sadd.s32 $0x400, s2  }
0xfc: {  	[tilespmem:s22], [sflag:$0x2] =	stream.indirect.gather [hbm4b:s3+s19], $0x10, s8, s19, $0xb8;
	[tilespmem:$0x5800] =	vst v63  }
0xfd: {  	p2 =	seq.s32 s2, $0x6800;
	s2 =	sadd.s32 $0x1C80, s0  }
0xfe: {  	[tilespmem:s23], [sflag:$0x4] =	stream.indirect.gather [hbm4b:s3+s19], $0x10, s2, s19, $0xb8;
	[tilespmem:$0x5800] =	vst v63  }
0xff: {  	_ =	swait.ge [sflag:s24], $0x800  }
0x100: {  	[sflag:s24] =	ssyncset.done $0x0  }
0x101: {  	s2 =	sadd.s32 $0xFFFFFF00, s31;
	[sflag:s24] =	ssyncadd.s32 $0xFFFFF800  }
0x102: {  	[hbm4b:s2+s1] =	stream.linear.scatter [tilespmem:s20], [sflag:$0x5], $0x800, $0x38;
	[tilespmem:$0x5800] =	vst v63  }
0x103: {  	_ =	swait.ge [sflag:s17], $0x800  }
0x104: {  	[sflag:s17] =	ssyncset.done $0x0  }
0x105: {  	[sflag:s17] =	ssyncadd.s32 $0xFFFFF800  }
0x106: {  	_ =	swait.ge [sflag:s25], $0x800  }
0x107: {  	[sflag:s25] =	ssyncset.done $0x0  }
0x108: {  	s2 =	sadd.s32 $0xFFFFFF00, s30;
	[sflag:s25] =	ssyncadd.s32 $0xFFFFF800  }
0x109: {  	[hbm4b:s2+s1] =	stream.linear.scatter [tilespmem:s21], [sflag:$0x5], $0x800, $0x38;
	[tilespmem:$0x5800] =	vst v63  }
0x10a: {  	_ =	swait.ge [sflag:s17], $0x800  }
0x10b: {  	[sflag:s17] =	ssyncset.done $0x0  }
0x10c: {  	s2 =	sadd.s32 $0x100, s0;
	[sflag:s17] =	ssyncadd.s32 $0xFFFFF800  }
0x10d: {  	[tilespmem:s20], [sflag:$0x1] =	stream.indirect.gather [hbm4b:s3+s19], $0x10, s2, s19, $0xb8;
	[tilespmem:$0x5800] =	vst v63  }
0x10e: {  	s0 =	sadd.s32 $0x1D00, s0  }
0x10f: {  	[tilespmem:s21], [sflag:$0x3] =	stream.indirect.gather [hbm4b:s3+s19], $0x10, s0, s19, $0xb8;
	[tilespmem:$0x5800] =	vst v63  }
0x110: {  	_ =	swait.ge [sflag:s26], $0x800  }
0x111: {  	[sflag:s26] =	ssyncset.done $0x0  }
0x112: {  	[sflag:s26] =	ssyncadd.s32 $0xFFFFF800  }
0x113: {  	[hbm4b:s31+s1] =	stream.linear.scatter [tilespmem:s22], [sflag:$0x5], $0x800, $0x38;
	[tilespmem:$0x5800] =	vst v63  }
0x114: {  	_ =	swait.ge [sflag:s17], $0x800  }
0x115: {  	[sflag:s17] =	ssyncset.done $0x0  }
0x116: {  	[sflag:s17] =	ssyncadd.s32 $0xFFFFF800  }
0x117: {  	_ =	swait.ge [sflag:s28], $0x800  }
.Ltmp7:
0x118: {  	[sflag:s28] =	ssyncset.done $0x0;
	(pc) =	sbr.rel @!p2 .LBB2_4-.Ltmp7, $4  }
0x119: {  	[sflag:s28] =	ssyncadd.s32 $0xFFFFF800  }
0x11a: {  	[hbm4b:s30+s1] =	stream.linear.scatter [tilespmem:s23], [sflag:$0x5], $0x800, $0x38;
	[tilespmem:$0x5800] =	vst v63  }
0x11b: {  	s2 =	smov.u32 s7;
	s30 =	sadd.s32 $0x200, s30;
	_ =	swait.ge [sflag:s17], $0x800  }
0x11c: {  	s0 =	sshra.s32 s6, $0x2;
	s31 =	sadd.s32 $0x200, s31;
	[sflag:s17] =	ssyncset.done $0x0  }
.Ltmp8:
0x11d: {  	_ = 	snop;
	(pc) =	sbr.rel .LBB2_5-.Ltmp8, $1  }
0x11e: {  	_ =	sdelay $0x3  }
.LBB2_10:
0x11f: {  	_ =	sfence.sel $0x180000  }
0x120: {  	[bflag:$0x0] =	sbarrier.arrive $0xFFFF  }
0x121: {  	_ =	strace $0x9000004A  }
0x122: {  	s0 =	stileid.u32;
	[bflag:$0x2] =	sbarrier.arrive $0xFFFF  }
0x123: {  	p0 =	sne.s32 s0, $0x0;
	s0 =	rddreg [dreg:$0x1]  }
0x124: {  	s0 =	sadd.s32 @!p0 $0x100000, s0  }
0x125: {  	[sflag:s0] =	ssyncadd.tile.s32 @!p0 $0x1;
	_ =	shalt  }
.Lfunc_end2:
_tile_overlayer_lowered:
.L_overlay_start_2:
0x126: {  	(tag) =	ssettag $0x2  }
0x127: {  	s0 =	rddreg [dreg:$0x0];
	s2 =	stileid.u32  }
0x128: {  	s1 =	rddreg [dreg:$0x1];
	p0 =	sne.s32 s2, $0x0  }
0x129: {  	s3 =	rddreg [dreg:$0x2];
	[bflag:$0x3] =	sbarrier.arrive $0xFFFF;
	s2 =	simm.s32 @!p0 $0x1C05  }
0x12a: {  	[timem:s3], [sflag:s2] =	dma.local @!p0 [hbm:s0], s1  }
0x12b: {  	s0 =	simm.s32 @!p0 $0x5  }
0x12c: {  	_ =	swait.ge @!p0 [sflag:s0], s1  }
0x12d: {  	s1 =	ssub.s32 @!p0 $0x0, s1;
	[sflag:s0] =	ssyncset.done @!p0 $0x0  }
0x12e: {  	[sflag:s0] =	ssyncadd.s32 @!p0 s1  }
0x12f: {  	[bflag:$0x3] =	sbarrier.arrive $0xFFFF  }
0x130: {  	_ =	shalt  }

// kernel: kernel.19.cloned.1.call-start
scs
__scs_entry_jumppad:
0x0: {  	(pc) =	sbr.rel $0x88, $3  }
0x1: {  	(tag) =	ssettag $0x0;
	lr =	simm.s32 $0x1  }
0x2: {  	[smem:$0x3F89] =	sst lr;
	_ =	strace $0xD0000000  }
0x3: {  	_ = 	snop  }
0x4: {  	_ = 	snop  }
0x5: {  	_ = 	snop  }
0x6: {  	_ = 	snop  }
0x7: {  	_ = 	snop  }
__scs_overlays_trampoline_lowered:
0x8: {  	[smem:$0x3F98] =	sst s0  }
0x9: {  	[smem:$0x3F99] =	sst s1  }
0xa: {  	[smem:$0x3F9A] =	sst s2  }
0xb: {  	[smem:$0x3F9B] =	sst s3  }
0xc: {  	[smem:$0x3F9C] =	sst s4  }
0xd: {  	[smem:$0x3F9D] =	sst s5  }
0xe: {  	[smem:$0x3F9E] =	sst s6  }
0xf: {  	[smem:$0x3F9F] =	sst s7  }
0x10: {  	[smem:$0x3FA0] =	sst s8  }
0x11: {  	[smem:$0x3FA1] =	sst s9;
	s0 =	simm.s32 @!p0 $0x0  }
0x12: {  	s1 =	sld [smem:$0x3F87];
	s0 =	simm.s32 @p0 $0x1  }
0x13: {  	[smem:$0x3FA2] =	sst s0;
	s0 =	simm.s32 @!p1 $0x0  }
0x14: {  	s2 =	sld [smem:$0x3F86];
	s0 =	simm.s32 @p1 $0x1  }
0x15: {  	[smem:$0x3FA3] =	sst s0;
	s0 =	simm.s32 @!p2 $0x0  }
0x16: {  	s3 =	sld [smem:$0x3FDB];
	s0 =	simm.s32 @p2 $0x1  }
0x17: {  	s4 =	simm.s32 $0x1BF5;
	[smem:$0x3FA5] =	sst s0  }
0x18: {  	s0 =	sld [smem:$0x3F88];
	_ =	swait.ge [sflag:s4], $0x0  }
0x19: {  	s7 =	sld [smem:$0x3F89]  }
0x1a: {  	s8 =	sadd.s32 $0xFFFFE003, lr  }
0x1b: {  	s9 =	sadd.s32 $0xFFFFFEF7, lr;
	s5 =	simm.s32 $0xFFFFFFFF;
	p2 =	slt.u32 s8, $0xFFFFF086  }
0x1c: {  	p1 =	slt.u32 s9, $0xF7A;
	s5 =	simm.s32 @!p2 $0x0  }
0x1d: {  	s5 =	simm.s32 @p1 $0x1;
	p0 =	seq.s32 s7, s2  }
0x1e: {  	s7 =	smul.u32 @!p0 $0xF7A, s2;
	p2 =	seq.s32 @!p0 s5, $0x0  }
0x1f: {  	s9 =	smul.u32 $0xF7A, s1;
	s8 =	simm.s32 @!p0 $0x1BF5;
	p2 =	por !p2, p0  }
0x20: {  	[sflag:s8] =	ssyncset.s32 @!p0 $0xFFFFF086;
	s6 =	sadd.s32 @!p0 s3, s7;
	s7 =	simm.s32 @!p0 $0x108  }
0x21: {  	s3 =	sadd.s32 s3, s9;
	s6 =	sadd.s32 @!p0 $0x88, s6;
	s7 =	simm.s32 @p2 $0x1082  }
0x22: {  	[simem:s7], [sflag:s8] =	dma.local @!p0 [hbm:s6], $0xF7A  }
0x23: {  	s9 =	sor.u32 $0xD0000000, s2;
	s6 =	simm.s32 $0x108;
	_ =	swait.ge @!p0 [sflag:s8], $0x0  }
0x24: {  	s3 =	sadd.s32 $0x88, s3;
	s6 =	simm.s32 @!p1 $0x1082;
	[sflag:s4] =	ssyncset.s32 $0xFFFFF086  }
0x25: {  	[simem:s6], [sflag:s4] =	dma.local [hbm:s3], $0xF7A  }
0x26: {  	[smem:$0x3F89] =	sst s1;
	(tag) =	ssettag s2;
	_ =	strace s9  }
0x27: {  	s1 =	sld [smem:$0x3F99]  }
0x28: {  	s2 =	sld [smem:$0x3F9A]  }
0x29: {  	s4 =	sld [smem:$0x3F9C]  }
0x2a: {  	p0 =	seq.s32 s5, $0x0;
	s5 =	sld [smem:$0x3F9D]  }
0x2b: {  	s6 =	sld [smem:$0x3F9E]  }
0x2c: {  	s7 =	sld [smem:$0x3F9F]  }
0x2d: {  	s3 =	simm.s32 $0x108;
	s8 =	sld [smem:$0x3FA0]  }
0x2e: {  	s3 =	simm.s32 @!p0 $0x1082;
	s9 =	sld [smem:$0x3FA1]  }
0x2f: {  	lr =	sadd.s32 s0, s3;
	s0 =	sld [smem:$0x3F98]  }
0x30: {  	s3 =	sld [smem:$0x3F9B]  }
0x31: {  	[smem:$0x3FA4] =	sst s10  }
0x32: {  	s10 =	sld [smem:$0x3FA2];
	_ =	sdelay $0x3  }
0x33: {  	p0 =	seq.s32 s10, $0x1;
	s10 =	sld [smem:$0x3FA4];
	_ =	sdelay $0x3  }
0x34: {  	[smem:$0x3FA4] =	sst s10  }
0x35: {  	s10 =	sld [smem:$0x3FA3];
	_ =	sdelay $0x3  }
0x36: {  	p1 =	seq.s32 s10, $0x1;
	s10 =	sld [smem:$0x3FA4];
	_ =	sdelay $0x3  }
0x37: {  	[smem:$0x3FA4] =	sst s10  }
0x38: {  	s10 =	sld [smem:$0x3FA5]  }
0x39: {  	_ = 	snop;
	(pc) =	sbr.ind lr, $3  }
0x3a: {  	_ = 	snop  }
0x3b: {  	_ = 	snop  }
0x3c: {  	p2 =	seq.s32 s10, $0x1;
	s10 =	sld [smem:$0x3FA4]  }
0x3d: {  	_ =	shalt  }
0x3e: {  	_ =	shalt  }
0x3f: {  	_ =	shalt  }
0x40: {  	_ =	shalt  }
0x41: {  	_ =	shalt  }
0x42: {  	_ =	shalt  }
0x43: {  	_ =	shalt  }
0x44: {  	_ =	shalt  }
0x45: {  	_ =	shalt  }
0x46: {  	_ =	shalt  }
0x47: {  	_ =	shalt  }
0x48: {  	_ =	shalt  }
0x49: {  	_ =	shalt  }
0x4a: {  	_ =	shalt  }
0x4b: {  	_ =	shalt  }
0x4c: {  	_ =	shalt  }
0x4d: {  	_ =	shalt  }
0x4e: {  	_ =	shalt  }
0x4f: {  	_ =	shalt  }
0x50: {  	_ =	shalt  }
0x51: {  	_ =	shalt  }
0x52: {  	_ =	shalt  }
0x53: {  	_ =	shalt  }
0x54: {  	_ =	shalt  }
0x55: {  	_ =	shalt  }
0x56: {  	_ =	shalt  }
0x57: {  	_ =	shalt  }
0x58: {  	_ =	shalt  }
0x59: {  	_ =	shalt  }
0x5a: {  	_ =	shalt  }
0x5b: {  	_ =	shalt  }
0x5c: {  	_ =	shalt  }
0x5d: {  	_ =	shalt  }
0x5e: {  	_ =	shalt  }
0x5f: {  	_ =	shalt  }
0x60: {  	_ =	shalt  }
0x61: {  	_ =	shalt  }
0x62: {  	_ =	shalt  }
0x63: {  	_ =	shalt  }
0x64: {  	_ =	shalt  }
0x65: {  	_ =	shalt  }
0x66: {  	_ =	shalt  }
0x67: {  	_ =	shalt  }
0x68: {  	_ =	shalt  }
0x69: {  	_ =	shalt  }
0x6a: {  	_ =	shalt  }
0x6b: {  	_ =	shalt  }
0x6c: {  	_ =	shalt  }
0x6d: {  	_ =	shalt  }
0x6e: {  	_ =	shalt  }
0x6f: {  	_ =	shalt  }
0x70: {  	_ =	shalt  }
0x71: {  	_ =	shalt  }
0x72: {  	_ =	shalt  }
0x73: {  	_ =	shalt  }
0x74: {  	_ =	shalt  }
0x75: {  	_ =	shalt  }
0x76: {  	_ =	shalt  }
0x77: {  	_ =	shalt  }
0x78: {  	_ =	shalt  }
0x79: {  	_ =	shalt  }
0x7a: {  	_ =	shalt  }
0x7b: {  	_ =	shalt  }
0x7c: {  	_ =	shalt  }
0x7d: {  	_ =	shalt  }
0x7e: {  	_ =	shalt  }
0x7f: {  	_ =	shalt  }
0x80: {  	_ =	shalt  }
0x81: {  	_ =	shalt  }
0x82: {  	_ =	shalt  }
0x83: {  	_ =	shalt  }
0x84: {  	_ =	shalt  }
0x85: {  	_ =	shalt  }
0x86: {  	_ =	shalt  }
0x87: {  	_ =	shalt  }
.Lfunc_end0:
.L_simem_size_0:
called_computation.2_lowered:
.L_overlay_start_0:
0x88: {  	s2 =	sld [smem:$0x3FD9]  }
0x89: {  	s3 =	sld [smem:$0x3FFE];
	_ =	sdelay $0x1  }
0x8a: {  	s1 =	srdreg.scid  }
0x8b: {  	s0 =	sand.u32 $0x1, s1  }
0x8c: {  	s16 =	sshll.u32 s0, $0xA;
	s2 =	sadd.s32 s3, s2  }
0x8d: {  	s2 =	sadd.s32 s2, s16  }
0x8e: {  	[smem:$0x3FB0] =	sst s2  }
0x8f: {  	_ = 	snop  }
0x90: {  	(tm) =	ssettm $0x1  }
0x91: {  	s17 =	sld [smem:$0x3FFB];
	_ =	sdelay $0x3  }
0x92: {  	_ =	strace s17  }
0x93: {  	s2 =	sld [smem:$0x3FFC];
	_ =	sdelay $0x3  }
0x94: {  	_ =	strace s2  }
0x95: {  	s2 =	sld [smem:$0x3FFD];
	_ =	sdelay $0x3  }
0x96: {  	_ =	strace s2  }
0x97: {  	_ =	strace $0x8FFFFFFF  }
0x98: {  	s18 =	sld [smem:$0x3FDB];
	_ =	sdelay $0x1  }
0x99: {  	s19 =	simm.s32 $_scs_section_size  }
0x9a: {  	s4 =	simm.s32 $_size__tile_overlayer_lowered;
	s5 =	simm.s32 $_tile_overlayer_lowered  }
0x9b: {  	s22 =	simm.s32 $0x1BFF;
	s21 =	sshll.u32 s5, $0x1;
	s2 =	sadd.s32 s19, s18  }
0x9c: {  	s6 =	simm.s32 $0x0;
	s20 =	sshll.u32 s4, $0x1;
	s4 =	sadd.s32 s21, s2  }
0x9d: {  	[timem:s6], [sflag:s22] =	dma.local [hbm:s4], s20  }
0x9e: {  	_ =	swait.ge [sflag:s22], s20  }
0x9f: {  	s3 =	ssub.s32 $0x0, s20;
	[sflag:s22] =	ssyncset.done $0x0  }
0xa0: {  	[sflag:s22] =	ssyncadd.s32 s3;
	_ =	sdelay $0x1  }
0xa1: {  	s23 =	simm.s32 $0x1B8B  }
0xa2: {  	_ =	swait.ge [sflag:s23], $0x1  }
0xa3: {  	[sflag:s23] =	ssyncset.done $0x0  }
0xa4: {  	s25 =	simm.s32 $0x1B8E;
	s24 =	sld [smem:$0x3FFE];
	[sflag:s23] =	ssyncadd.s32 $0xFFFFFFFF  }
0xa5: {  	s26 =	simm.s32 $execute0_lowered;
	[smem:$0x3FD2] =	sst s25  }
0xa6: {  	s4 =	sshll.u32 s26, $0x1;
	_ =	strace $0x8000004C;
	[dreg:$0x1] =	wrdreg $0xFFFFFFFF  }
0xa7: {  	s28 =	simm.s32 $_size_execute0_lowered;
	s2 =	sadd.s32 s2, s4;
	[dreg:$0x0] =	wrdreg $0x0  }
0xa8: {  	s4 =	sshll.u32 s28, $0x1;
	[dreg:$0x2] =	wrdreg s2  }
0xa9: {  	[dreg:$0x3] =	wrdreg s4  }
0xaa: {  	[dreg:$0x4] =	wrdreg $0xC0  }
0xab: {  	_ =	task [dreg:s6], $0x5FFFF  }
0xac: {  	[dreg:$0x1] =	wrdreg $0xFFFFFFFF  }
0xad: {  	[dreg:$0x0] =	wrdreg $0x60  }
0xae: {  	[dreg:$0x2] =	wrdreg s24  }
0xaf: {  	[dreg:$0x3] =	wrdreg $0x21000  }
0xb0: {  	[dreg:$0x4] =	wrdreg $0x9  }
0xb1: {  	_ =	task.clear_ibuf [dreg:s6], $0x5FFFF;
	_ =	strace $0x9000004C  }
0xb2: {  	s29 =	simm.s32 $0x9;
	_ =	strace $0x8000004E  }
0xb3: {  	_ =	swait.ge [sflag:s29], $0x1  }
0xb4: {  	[sflag:s29] =	ssyncadd.s32 $0xFFFFFFFF  }
0xb5: {  	_ =	strace $0x9000004E  }
0xb6: {  	_ =	sfence  }
0xb7: {  	s30 =	sld [smem:$0x0];
	_ =	sdelay $0x2  }
0xb8: {  	s31 =	sshll.u32 s1, $0xD;
	s1 =	sshrl.u32 s1, $0x2  }
0xb9: {  	s3 =	sand.u32 $0x4000, s31;
	s1 =	sadd.s32 s1, s30  }
0xba: {  	s0 =	sor.u32 s3, s0;
	s1 =	sshll.u32 s1, $0x11  }
0xbb: {  	s0 =	sor.u32 s1, s0  }
0xbc: {  	s0 =	sadd.s32 $0x8F2B, s0  }
0xbd: {  	[sflag:s0] =	ssyncadd.remote.s32 $0x1  }
0xbe: {  	_ =	sfence.sel $0xFFFF  }
0xbf: {  	[dreg:$0x0] =	wrdreg $0xFFFFFFFF;
	(pc) =	sbr.abs _section_cstart, $3  }
0xc0: {  	[dreg:$0x1] =	wrdreg $0xFFFFFFFF  }
0xc1: {  	_ =	task.clear_ibuf [dreg:s6], $0x2FFFF;
	_ =	strace $0x9FFFFFFF  }
0xc2: {  	(tm) =	ssettm $0x7FFFFFFF  }
0xc3: {  	_ =	shalt  }
tec
execute0_lowered:
.L_overlay_start_1:
0x0: {  	(tag) =	ssettag $0x1  }
0x1: {  	s4 =	rddreg [dreg:$0x0]  }
0x2: {  	s2 =	rddreg [dreg:$0x1]  }
0x3: {  	s0 =	rddreg [dreg:$0x2];
	s3 =	simm.s32 $0x0;
	s1 =	stileid.u32  }
0x4: {  	s6 =	srdreg.scid;
	s19 =	simm.s32 $0x1100;
	s20 =	simm.s32 $0x1  }
0x5: {  	[smem:$0x7FF] =	sst s3;
	s5 =	smul.u32 $0x4E20, s1;
	s13 =	sadd.s32 $0x91600, s4  }
0x6: {  	s14 =	sadd.s32 $0xF600, s4;
	s6 =	sand.u32 $0x1, s6;
	s21 =	smul.u32 $0x2800, s1  }
0x7: {  	s7 =	sshll.u32 s1, $0x1;
	s24 =	sshll.u32 s1, $0x6;
	s8 =	smul.u32 $0x9C40, s6  }
0x8: {  	_ =	strace $0x8000004D;
	s7 =	sor.u32 s6, s7;
	s16 =	smul.u32 $0x1400, s6  }
0x9: {  	s9 =	ssub.s32 $0x2, s6;
	s22 =	sshrl.u32 s5, $0x3;
	s12 =	smul.u32 $0x1400, s7  }
0xa: {  	s11 =	sshrl.u32 s9, $0x1;
	s7 =	smul.u32 $0x5000, s7;
	s15 =	sadd.s32 s5, s2  }
0xb: {  	s5 =	sor.u32 $0x1C03, s24;
	s10 =	sadd.s32 s22, s4;
	s8 =	sadd.s32 s8, s4  }
0xc: {  	s9 =	ssub.s32 s9, s11;
	s28 =	sadd.s32 s16, s21;
	s15 =	sshrl.u32 s15, $0x3  }
0xd: {  	s21 =	simm.s32 $0x2;
	s4 =	sadd.s32 $0x131600, s10;
	s25 =	sshrl.u32 s12, $0x3  }
0xe: {  	s7 =	sadd.s32 s13, s7;
	s23 =	sadd.s32 $0x13B400, s8;
	s26 =	sadd.s32 $0x1380, s12  }
0xf: {  	s8 =	smax.u32 s9, $0x1;
	s16 =	sor.u32 $0x80, s28;
	s12 =	sor.u32 $0x100, s28  }
0x10: {  	s6 =	sadd.s32 s14, s25;
	s29 =	sshrl.u32 s26, $0x3;
	s30 =	sshll.u32 s26, $0x2  }
0x11: {  	s31 =	sshll.u32 s16, $0x2;
	s16 =	sshrl.u32 s16, $0x3;
	s17 =	sshll.u32 s12, $0x2  }
0x12: {  	s18 =	sshrl.u32 s12, $0x3;
	s22 =	sadd.s32 s22, s23;
	s23 =	simm.s32 $0x0  }
0x13: {  	s9 =	sadd.s32 s14, s29;
	s10 =	sadd.s32 s13, s30;
	s11 =	sadd.s32 s31, s13  }
0x14: {  	s12 =	sadd.s32 s16, s14;
	s13 =	sadd.s32 s17, s13;
	s14 =	sadd.s32 s18, s14  }
0x15: {  	s16 =	simm.s32 $0x3;
	s17 =	simm.s32 $0x100;
	s18 =	simm.s32 $0x80  }
.LBB2_1:
0x16: {  	[spmem:s15], [sflag:s5] =	dma.local [hbm:s4], $0x9C4  }
0x17: {  	_ =	swait.ge [sflag:s16], $0x9C4  }
0x18: {  	[sflag:s16] =	ssyncset.done $0x0  }
0x19: {  	[sflag:s16] =	ssyncadd.s32 $0xFFFFF63C  }
0x1a: {  	[bflag:$0x0] =	sbarrier.arrive $0xFFFF  }
0x1b: {  	[tilespmem:s3], [sflag:$0x3] =	stream.linear.gather [hbm4b:s6+s3], $0x80, $0x38;
	[tilespmem:$0x6F20] =	vst v63  }
0x1c: {  	_ =	swait.ge [sflag:s16], $0x80  }
0x1d: {  	[sflag:s16] =	ssyncset.done $0x0  }
0x1e: {  	[sflag:s16] =	ssyncadd.s32 $0xFFFFFF80  }
0x1f: {  	[tilespmem:s17], [sflag:$0x1] =	stream.linear.gather [hbm4b:s7+s3], $0x1000, $0x38;
	[tilespmem:$0x6F20] =	vst v63  }
0x20: {  	s24 =	sadd.s32 $0x0, s12  }
0x21: {  	[tilespmem:s18], [sflag:$0x3] =	stream.linear.gather [hbm4b:s24+s3], $0x80, $0x38;
	[tilespmem:$0x6F20] =	vst v63  }
0x22: {  	_ =	swait.ge [sflag:s16], $0x80  }
0x23: {  	[sflag:s16] =	ssyncset.done $0x0  }
0x24: {  	[sflag:s16] =	ssyncadd.s32 $0xFFFFFF80  }
0x25: {  	[tilespmem:s19], [sflag:$0x2] =	stream.linear.gather [hbm4b:s11+s3], $0x1000, $0x38;
	[tilespmem:$0x6F20] =	vst v63  }
0x26: {  	_ =	swait.ge [sflag:s20], $0x1000  }
0x27: {  	[sflag:s20] =	ssyncset.done $0x0  }
0x28: {  	[sflag:s20] =	ssyncadd.s32 $0xFFFFF000  }
0x29: {  	[spmem:s2] =	stream.indirect.scatter.add.f32 [tilespmem:s17], [sflag:$0x3], $0x20, s3, s18, $0xb8;
	[tilespmem:$0x6F20] =	vst v63  }
0x2a: {  	_ =	swait.ge [sflag:s16], $0x1000  }
0x2b: {  	[sflag:s16] =	ssyncset.done $0x0  }
0x2c: {  	s31 =	sadd.s32 $0x0, s14;
	[sflag:s16] =	ssyncadd.s32 $0xFFFFF000  }
0x2d: {  	[tilespmem:s3], [sflag:$0x3] =	stream.linear.gather [hbm4b:s31+s3], $0x80, $0x38;
	[tilespmem:$0x6F20] =	vst v63  }
0x2e: {  	_ =	swait.ge [sflag:s16], $0x80  }
0x2f: {  	[sflag:s16] =	ssyncset.done $0x0  }
0x30: {  	[sflag:s16] =	ssyncadd.s32 $0xFFFFFF80  }
0x31: {  	[tilespmem:s17], [sflag:$0x1] =	stream.linear.gather [hbm4b:s13+s3], $0x1000, $0x38;
	[tilespmem:$0x6F20] =	vst v63  }
0x32: {  	_ =	swait.ge [sflag:s21], $0x1000  }
0x33: {  	[sflag:s21] =	ssyncset.done $0x0  }
0x34: {  	[sflag:s21] =	ssyncadd.s32 $0xFFFFF000  }
0x35: {  	[spmem:s2] =	stream.indirect.scatter.add.f32 [tilespmem:s19], [sflag:$0x3], $0x20, s18, s18, $0xb8;
	[tilespmem:$0x6F20] =	vst v63  }
0x36: {  	s25 =	simm.s32 $0x20;
	s28 =	simm.s32 $0x40;
	_ =	swait.ge [sflag:s16], $0x1000  }
0x37: {  	s26 =	sadd.s32 $0x400, s11;
	s24 =	sadd.s32 $0x400, s13;
	[sflag:s16] =	ssyncset.done $0x0  }
.LBB2_2:
0x38: {  	s29 =	sadd.s32 s25, s12  }
0x39: {  	[sflag:s16] =	ssyncadd.s32 $0xFFFFF000;
	s30 =	smov.u32 s28;
	s31 =	sadd.s32 $0x20, s28  }
0x3a: {  	[tilespmem:s18], [sflag:$0x3] =	stream.linear.gather [hbm4b:s29+s3], $0x80, $0x38;
	[tilespmem:$0x6F20] =	vst v63  }
0x3b: {  	p0 =	sne.s32 s28, $0x240;
	_ =	swait.ge [sflag:s16], $0x80  }
0x3c: {  	[sflag:s16] =	ssyncset.done $0x0  }
0x3d: {  	[sflag:s16] =	ssyncadd.s32 $0xFFFFFF80  }
0x3e: {  	[tilespmem:s19], [sflag:$0x2] =	stream.linear.gather [hbm4b:s26+s3], $0x1000, $0x38;
	[tilespmem:$0x6F20] =	vst v63  }
0x3f: {  	_ =	swait.ge [sflag:s20], $0x1000  }
0x40: {  	[sflag:s20] =	ssyncset.done $0x0  }
0x41: {  	[sflag:s20] =	ssyncadd.s32 $0xFFFFF000  }
0x42: {  	[spmem:s2] =	stream.indirect.scatter.add.f32 [tilespmem:s17], [sflag:$0x3], $0x20, s3, s18, $0xb8;
	[tilespmem:$0x6F20] =	vst v63  }
0x43: {  	_ =	swait.ge [sflag:s16], $0x1000  }
0x44: {  	[sflag:s16] =	ssyncset.done $0x0  }
0x45: {  	s28 =	sadd.s32 s25, s14;
	s25 =	smov.u32 s30;
	[sflag:s16] =	ssyncadd.s32 $0xFFFFF000  }
0x46: {  	[tilespmem:s3], [sflag:$0x3] =	stream.linear.gather [hbm4b:s28+s3], $0x80, $0x38;
	[tilespmem:$0x6F20] =	vst v63  }
0x47: {  	_ =	swait.ge [sflag:s16], $0x80  }
0x48: {  	[sflag:s16] =	ssyncset.done $0x0  }
0x49: {  	[sflag:s16] =	ssyncadd.s32 $0xFFFFFF80  }
0x4a: {  	[tilespmem:s17], [sflag:$0x1] =	stream.linear.gather [hbm4b:s24+s3], $0x1000, $0x38;
	[tilespmem:$0x6F20] =	vst v63  }
0x4b: {  	_ =	swait.ge [sflag:s21], $0x1000  }
.Ltmp0:
0x4c: {  	[sflag:s21] =	ssyncset.done $0x0;
	(pc) =	sbr.rel @p0 .LBB2_2-.Ltmp0, $4  }
0x4d: {  	[sflag:s21] =	ssyncadd.s32 $0xFFFFF000  }
0x4e: {  	[spmem:s2] =	stream.indirect.scatter.add.f32 [tilespmem:s19], [sflag:$0x3], $0x20, s18, s18, $0xb8;
	[tilespmem:$0x6F20] =	vst v63  }
0x4f: {  	s26 =	sadd.s32 $0x400, s26;
	_ =	swait.ge [sflag:s16], $0x1000  }
0x50: {  	s28 =	smov.u32 s31;
	s24 =	sadd.s32 $0x400, s24;
	[sflag:s16] =	ssyncset.done $0x0  }
0x51: {  	s28 =	sadd.s32 s25, s12;
	[sflag:s16] =	ssyncadd.s32 $0xFFFFF000  }
0x52: {  	[tilespmem:s18], [sflag:$0x3] =	stream.linear.gather [hbm4b:s28+s3], $0x80, $0x38;
	[tilespmem:$0x6F20] =	vst v63  }
0x53: {  	_ =	swait.ge [sflag:s16], $0x80  }
0x54: {  	[sflag:s16] =	ssyncset.done $0x0  }
0x55: {  	[sflag:s16] =	ssyncadd.s32 $0xFFFFFF80  }
0x56: {  	[tilespmem:s19], [sflag:$0x2] =	stream.linear.gather [hbm4b:s26+s3], $0x1000, $0x38;
	[tilespmem:$0x6F20] =	vst v63  }
0x57: {  	_ =	swait.ge [sflag:s20], $0x1000  }
0x58: {  	[sflag:s20] =	ssyncset.done $0x0  }
0x59: {  	[sflag:s20] =	ssyncadd.s32 $0xFFFFF000  }
0x5a: {  	[spmem:s2] =	stream.indirect.scatter.add.f32 [tilespmem:s17], [sflag:$0x3], $0x20, s3, s18, $0xb8;
	[tilespmem:$0x6F20] =	vst v63  }
0x5b: {  	_ =	swait.ge [sflag:s16], $0x1000  }
0x5c: {  	[sflag:s16] =	ssyncset.done $0x0  }
0x5d: {  	s31 =	sadd.s32 s25, s14;
	[sflag:s16] =	ssyncadd.s32 $0xFFFFF000  }
0x5e: {  	[tilespmem:s3], [sflag:$0x3] =	stream.linear.gather [hbm4b:s31+s3], $0x80, $0x38;
	[tilespmem:$0x6F20] =	vst v63  }
0x5f: {  	_ =	swait.ge [sflag:s16], $0x80  }
0x60: {  	[sflag:s16] =	ssyncset.done $0x0  }
0x61: {  	[sflag:s16] =	ssyncadd.s32 $0xFFFFFF80  }
0x62: {  	[tilespmem:s17], [sflag:$0x1] =	stream.linear.gather [hbm4b:s24+s3], $0x1000, $0x38;
	[tilespmem:$0x6F20] =	vst v63  }
0x63: {  	_ =	swait.ge [sflag:s21], $0x1000  }
0x64: {  	[sflag:s21] =	ssyncset.done $0x0  }
0x65: {  	[sflag:s21] =	ssyncadd.s32 $0xFFFFF000  }
0x66: {  	[spmem:s2] =	stream.indirect.scatter.add.f32 [tilespmem:s19], [sflag:$0x3], $0x20, s18, s18, $0xb8;
	[tilespmem:$0x6F20] =	vst v63  }
0x67: {  	_ =	swait.ge [sflag:s16], $0x1000  }
0x68: {  	[sflag:s16] =	ssyncset.done $0x0  }
0x69: {  	[sflag:s16] =	ssyncadd.s32 $0xFFFFF000  }
0x6a: {  	[tilespmem:s18], [sflag:$0x3] =	stream.linear.gather [hbm4b:s9+s3], $0x80, $0x38;
	[tilespmem:$0x6F20] =	vst v63  }
0x6b: {  	_ =	swait.ge [sflag:s16], $0x80  }
0x6c: {  	[sflag:s16] =	ssyncset.done $0x0  }
0x6d: {  	[sflag:s16] =	ssyncadd.s32 $0xFFFFFF80  }
0x6e: {  	[tilespmem:s19], [sflag:$0x2] =	stream.linear.gather [hbm4b:s10+s3], $0x1000, $0x38;
	[tilespmem:$0x6F20] =	vst v63  }
0x6f: {  	_ =	swait.ge [sflag:s20], $0x1000  }
0x70: {  	[sflag:s20] =	ssyncset.done $0x0  }
0x71: {  	[sflag:s20] =	ssyncadd.s32 $0xFFFFF000  }
0x72: {  	[spmem:s2] =	stream.indirect.scatter.add.f32 [tilespmem:s17], [sflag:$0x3], $0x20, s3, s18, $0xb8;
	[tilespmem:$0x6F20] =	vst v63  }
0x73: {  	_ =	swait.ge [sflag:s16], $0x1000  }
0x74: {  	[sflag:s16] =	ssyncset.done $0x0  }
0x75: {  	[sflag:s16] =	ssyncadd.s32 $0xFFFFF000  }
0x76: {  	_ =	swait.ge [sflag:s21], $0x1000  }
0x77: {  	[sflag:s21] =	ssyncset.done $0x0  }
0x78: {  	[sflag:s21] =	ssyncadd.s32 $0xFFFFF000  }
0x79: {  	[spmem:s2] =	stream.indirect.scatter.add.f32 [tilespmem:s19], [sflag:$0x3], $0x20, s18, s18, $0xb8;
	[tilespmem:$0x6F20] =	vst v63  }
0x7a: {  	_ =	swait.ge [sflag:s16], $0x1000  }
0x7b: {  	s23 =	sadd.s32 $0x1, s23;
	[sflag:s16] =	ssyncset.done $0x0  }
0x7c: {  	p0 =	sne.s32 s23, s8;
	[sflag:s16] =	ssyncadd.s32 $0xFFFFF000  }
.Ltmp1:
0x7d: {  	[bflag:$0x0] =	sbarrier.arrive $0xFFFF;
	(pc) =	sbr.rel @p0 .LBB2_1-.Ltmp1, $4  }
0x7e: {  	[hbm:s22], [sflag:s5] =	dma.local [spmem:s15], $0x9C4  }
0x7f: {  	_ =	swait.ge [sflag:s16], $0x9C4  }
0x80: {  	[sflag:s16] =	ssyncset.done $0x0  }
0x81: {  	[sflag:s16] =	ssyncadd.s32 $0xFFFFF63C  }
0x82: {  	_ =	sfence.sel $0x180000  }
0x83: {  	[bflag:$0x0] =	sbarrier.arrive $0xFFFF  }
0x84: {  	p0 =	sne.s32 s1, $0x0;
	_ =	strace $0x9000004D  }
0x85: {  	s0 =	sadd.s32 @!p0 $0x100000, s0;
	[bflag:$0x2] =	sbarrier.arrive $0xFFFF  }
0x86: {  	[sflag:s0] =	ssyncadd.tile.s32 @!p0 $0x1;
	_ =	shalt  }
.Lfunc_end2:
_tile_overlayer_lowered:
.L_overlay_start_2:
0x87: {  	(tag) =	ssettag $0x2  }
0x88: {  	s0 =	rddreg [dreg:$0x0];
	s2 =	stileid.u32  }
0x89: {  	s1 =	rddreg [dreg:$0x1];
	p0 =	sne.s32 s2, $0x0  }
0x8a: {  	s3 =	rddreg [dreg:$0x2];
	[bflag:$0x3] =	sbarrier.arrive $0xFFFF;
	s2 =	simm.s32 @!p0 $0x1C03  }
0x8b: {  	[timem:s3], [sflag:s2] =	dma.local @!p0 [hbm:s0], s1  }
0x8c: {  	s0 =	simm.s32 @!p0 $0x3  }
0x8d: {  	_ =	swait.ge @!p0 [sflag:s0], s1  }
0x8e: {  	s1 =	ssub.s32 @!p0 $0x0, s1;
	[sflag:s0] =	ssyncset.done @!p0 $0x0  }
0x8f: {  	[sflag:s0] =	ssyncadd.s32 @!p0 s1  }
0x90: {  	[bflag:$0x3] =	sbarrier.arrive $0xFFFF  }
0x91: {  	_ =	shalt  }

// kernel: kernel.22.cloned.1.call-start
scs
__scs_entry_jumppad:
0x0: {  	(pc) =	sbr.rel $0x88, $3  }
0x1: {  	(tag) =	ssettag $0x0;
	lr =	simm.s32 $0x1  }
0x2: {  	[smem:$0x3F89] =	sst lr;
	_ =	strace $0xD0000000  }
0x3: {  	_ = 	snop  }
0x4: {  	_ = 	snop  }
0x5: {  	_ = 	snop  }
0x6: {  	_ = 	snop  }
0x7: {  	_ = 	snop  }
__scs_overlays_trampoline_lowered:
0x8: {  	[smem:$0x3F98] =	sst s0  }
0x9: {  	[smem:$0x3F99] =	sst s1  }
0xa: {  	[smem:$0x3F9A] =	sst s2  }
0xb: {  	[smem:$0x3F9B] =	sst s3  }
0xc: {  	[smem:$0x3F9C] =	sst s4  }
0xd: {  	[smem:$0x3F9D] =	sst s5  }
0xe: {  	[smem:$0x3F9E] =	sst s6  }
0xf: {  	[smem:$0x3F9F] =	sst s7  }
0x10: {  	[smem:$0x3FA0] =	sst s8  }
0x11: {  	[smem:$0x3FA1] =	sst s9;
	s0 =	simm.s32 @!p0 $0x0  }
0x12: {  	s1 =	sld [smem:$0x3F87];
	s0 =	simm.s32 @p0 $0x1  }
0x13: {  	[smem:$0x3FA2] =	sst s0;
	s0 =	simm.s32 @!p1 $0x0  }
0x14: {  	s2 =	sld [smem:$0x3F86];
	s0 =	simm.s32 @p1 $0x1  }
0x15: {  	[smem:$0x3FA3] =	sst s0;
	s0 =	simm.s32 @!p2 $0x0  }
0x16: {  	s3 =	sld [smem:$0x3FDB];
	s0 =	simm.s32 @p2 $0x1  }
0x17: {  	s4 =	simm.s32 $0x1BF5;
	[smem:$0x3FA5] =	sst s0  }
0x18: {  	s0 =	sld [smem:$0x3F88];
	_ =	swait.ge [sflag:s4], $0x0  }
0x19: {  	s7 =	sld [smem:$0x3F89]  }
0x1a: {  	s8 =	sadd.s32 $0xFFFFE003, lr  }
0x1b: {  	s9 =	sadd.s32 $0xFFFFFEF7, lr;
	s5 =	simm.s32 $0xFFFFFFFF;
	p2 =	slt.u32 s8, $0xFFFFF086  }
0x1c: {  	p1 =	slt.u32 s9, $0xF7A;
	s5 =	simm.s32 @!p2 $0x0  }
0x1d: {  	s5 =	simm.s32 @p1 $0x1;
	p0 =	seq.s32 s7, s2  }
0x1e: {  	s7 =	smul.u32 @!p0 $0xF7A, s2;
	p2 =	seq.s32 @!p0 s5, $0x0  }
0x1f: {  	s9 =	smul.u32 $0xF7A, s1;
	s8 =	simm.s32 @!p0 $0x1BF5;
	p2 =	por !p2, p0  }
0x20: {  	[sflag:s8] =	ssyncset.s32 @!p0 $0xFFFFF086;
	s6 =	sadd.s32 @!p0 s3, s7;
	s7 =	simm.s32 @!p0 $0x108  }
0x21: {  	s3 =	sadd.s32 s3, s9;
	s6 =	sadd.s32 @!p0 $0x88, s6;
	s7 =	simm.s32 @p2 $0x1082  }
0x22: {  	[simem:s7], [sflag:s8] =	dma.local @!p0 [hbm:s6], $0xF7A  }
0x23: {  	s9 =	sor.u32 $0xD0000000, s2;
	s6 =	simm.s32 $0x108;
	_ =	swait.ge @!p0 [sflag:s8], $0x0  }
0x24: {  	s3 =	sadd.s32 $0x88, s3;
	s6 =	simm.s32 @!p1 $0x1082;
	[sflag:s4] =	ssyncset.s32 $0xFFFFF086  }
0x25: {  	[simem:s6], [sflag:s4] =	dma.local [hbm:s3], $0xF7A  }
0x26: {  	[smem:$0x3F89] =	sst s1;
	(tag) =	ssettag s2;
	_ =	strace s9  }
0x27: {  	s1 =	sld [smem:$0x3F99]  }
0x28: {  	s2 =	sld [smem:$0x3F9A]  }
0x29: {  	s4 =	sld [smem:$0x3F9C]  }
0x2a: {  	p0 =	seq.s32 s5, $0x0;
	s5 =	sld [smem:$0x3F9D]  }
0x2b: {  	s6 =	sld [smem:$0x3F9E]  }
0x2c: {  	s7 =	sld [smem:$0x3F9F]  }
0x2d: {  	s3 =	simm.s32 $0x108;
	s8 =	sld [smem:$0x3FA0]  }
0x2e: {  	s3 =	simm.s32 @!p0 $0x1082;
	s9 =	sld [smem:$0x3FA1]  }
0x2f: {  	lr =	sadd.s32 s0, s3;
	s0 =	sld [smem:$0x3F98]  }
0x30: {  	s3 =	sld [smem:$0x3F9B]  }
0x31: {  	[smem:$0x3FA4] =	sst s10  }
0x32: {  	s10 =	sld [smem:$0x3FA2];
	_ =	sdelay $0x3  }
0x33: {  	p0 =	seq.s32 s10, $0x1;
	s10 =	sld [smem:$0x3FA4];
	_ =	sdelay $0x3  }
0x34: {  	[smem:$0x3FA4] =	sst s10  }
0x35: {  	s10 =	sld [smem:$0x3FA3];
	_ =	sdelay $0x3  }
0x36: {  	p1 =	seq.s32 s10, $0x1;
	s10 =	sld [smem:$0x3FA4];
	_ =	sdelay $0x3  }
0x37: {  	[smem:$0x3FA4] =	sst s10  }
0x38: {  	s10 =	sld [smem:$0x3FA5]  }
0x39: {  	_ = 	snop;
	(pc) =	sbr.ind lr, $3  }
0x3a: {  	_ = 	snop  }
0x3b: {  	_ = 	snop  }
0x3c: {  	p2 =	seq.s32 s10, $0x1;
	s10 =	sld [smem:$0x3FA4]  }
0x3d: {  	_ =	shalt  }
0x3e: {  	_ =	shalt  }
0x3f: {  	_ =	shalt  }
0x40: {  	_ =	shalt  }
0x41: {  	_ =	shalt  }
0x42: {  	_ =	shalt  }
0x43: {  	_ =	shalt  }
0x44: {  	_ =	shalt  }
0x45: {  	_ =	shalt  }
0x46: {  	_ =	shalt  }
0x47: {  	_ =	shalt  }
0x48: {  	_ =	shalt  }
0x49: {  	_ =	shalt  }
0x4a: {  	_ =	shalt  }
0x4b: {  	_ =	shalt  }
0x4c: {  	_ =	shalt  }
0x4d: {  	_ =	shalt  }
0x4e: {  	_ =	shalt  }
0x4f: {  	_ =	shalt  }
0x50: {  	_ =	shalt  }
0x51: {  	_ =	shalt  }
0x52: {  	_ =	shalt  }
0x53: {  	_ =	shalt  }
0x54: {  	_ =	shalt  }
0x55: {  	_ =	shalt  }
0x56: {  	_ =	shalt  }
0x57: {  	_ =	shalt  }
0x58: {  	_ =	shalt  }
0x59: {  	_ =	shalt  }
0x5a: {  	_ =	shalt  }
0x5b: {  	_ =	shalt  }
0x5c: {  	_ =	shalt  }
0x5d: {  	_ =	shalt  }
0x5e: {  	_ =	shalt  }
0x5f: {  	_ =	shalt  }
0x60: {  	_ =	shalt  }
0x61: {  	_ =	shalt  }
0x62: {  	_ =	shalt  }
0x63: {  	_ =	shalt  }
0x64: {  	_ =	shalt  }
0x65: {  	_ =	shalt  }
0x66: {  	_ =	shalt  }
0x67: {  	_ =	shalt  }
0x68: {  	_ =	shalt  }
0x69: {  	_ =	shalt  }
0x6a: {  	_ =	shalt  }
0x6b: {  	_ =	shalt  }
0x6c: {  	_ =	shalt  }
0x6d: {  	_ =	shalt  }
0x6e: {  	_ =	shalt  }
0x6f: {  	_ =	shalt  }
0x70: {  	_ =	shalt  }
0x71: {  	_ =	shalt  }
0x72: {  	_ =	shalt  }
0x73: {  	_ =	shalt  }
0x74: {  	_ =	shalt  }
0x75: {  	_ =	shalt  }
0x76: {  	_ =	shalt  }
0x77: {  	_ =	shalt  }
0x78: {  	_ =	shalt  }
0x79: {  	_ =	shalt  }
0x7a: {  	_ =	shalt  }
0x7b: {  	_ =	shalt  }
0x7c: {  	_ =	shalt  }
0x7d: {  	_ =	shalt  }
0x7e: {  	_ =	shalt  }
0x7f: {  	_ =	shalt  }
0x80: {  	_ =	shalt  }
0x81: {  	_ =	shalt  }
0x82: {  	_ =	shalt  }
0x83: {  	_ =	shalt  }
0x84: {  	_ =	shalt  }
0x85: {  	_ =	shalt  }
0x86: {  	_ =	shalt  }
0x87: {  	_ =	shalt  }
.Lfunc_end0:
.L_simem_size_0:
called_computation.3_lowered:
.L_overlay_start_0:
0x88: {  	s2 =	sld [smem:$0x3FD9]  }
0x89: {  	s3 =	sld [smem:$0x3FFE];
	_ =	sdelay $0x1  }
0x8a: {  	s1 =	srdreg.scid  }
0x8b: {  	s0 =	sand.u32 $0x1, s1  }
0x8c: {  	s16 =	sshll.u32 s0, $0xA;
	s2 =	sadd.s32 s3, s2  }
0x8d: {  	s2 =	sadd.s32 s2, s16  }
0x8e: {  	[smem:$0x3FB0] =	sst s2  }
0x8f: {  	_ = 	snop  }
0x90: {  	(tm) =	ssettm $0x1  }
0x91: {  	s17 =	sld [smem:$0x3FFB];
	_ =	sdelay $0x3  }
0x92: {  	_ =	strace s17  }
0x93: {  	s2 =	sld [smem:$0x3FFC];
	_ =	sdelay $0x3  }
0x94: {  	_ =	strace s2  }
0x95: {  	s2 =	sld [smem:$0x3FFD];
	_ =	sdelay $0x3  }
0x96: {  	_ =	strace s2  }
0x97: {  	_ =	strace $0x8FFFFFFF  }
0x98: {  	s18 =	sld [smem:$0x3FDB];
	_ =	sdelay $0x1  }
0x99: {  	s19 =	simm.s32 $_scs_section_size  }
0x9a: {  	s4 =	simm.s32 $_size__tile_overlayer_lowered;
	s5 =	simm.s32 $_tile_overlayer_lowered  }
0x9b: {  	s22 =	simm.s32 $0x1BFF;
	s21 =	sshll.u32 s5, $0x1;
	s2 =	sadd.s32 s19, s18  }
0x9c: {  	s6 =	simm.s32 $0x0;
	s20 =	sshll.u32 s4, $0x1;
	s4 =	sadd.s32 s21, s2  }
0x9d: {  	[timem:s6], [sflag:s22] =	dma.local [hbm:s4], s20  }
0x9e: {  	_ =	swait.ge [sflag:s22], s20  }
0x9f: {  	s3 =	ssub.s32 $0x0, s20;
	[sflag:s22] =	ssyncset.done $0x0  }
0xa0: {  	[sflag:s22] =	ssyncadd.s32 s3;
	_ =	sdelay $0x1  }
0xa1: {  	s23 =	simm.s32 $0x1B8B  }
0xa2: {  	_ =	swait.ge [sflag:s23], $0x1  }
0xa3: {  	[sflag:s23] =	ssyncset.done $0x0  }
0xa4: {  	s25 =	simm.s32 $0x1B8E;
	s24 =	sld [smem:$0x3FFE];
	[sflag:s23] =	ssyncadd.s32 $0xFFFFFFFF  }
0xa5: {  	s26 =	simm.s32 $execute0_lowered;
	[smem:$0x3FD2] =	sst s25  }
0xa6: {  	s4 =	sshll.u32 s26, $0x1;
	_ =	strace $0x8000004F;
	[dreg:$0x1] =	wrdreg $0xFFFFFFFF  }
0xa7: {  	s28 =	simm.s32 $_size_execute0_lowered;
	s2 =	sadd.s32 s2, s4;
	[dreg:$0x0] =	wrdreg $0x0  }
0xa8: {  	s4 =	sshll.u32 s28, $0x1;
	[dreg:$0x2] =	wrdreg s2  }
0xa9: {  	[dreg:$0x3] =	wrdreg s4  }
0xaa: {  	[dreg:$0x4] =	wrdreg $0xC0  }
0xab: {  	_ =	task [dreg:s6], $0x5FFFF  }
0xac: {  	[dreg:$0x1] =	wrdreg $0xFFFFFFFF  }
0xad: {  	[dreg:$0x0] =	wrdreg $0x60  }
0xae: {  	[dreg:$0x2] =	wrdreg s24  }
0xaf: {  	[dreg:$0x3] =	wrdreg $0x9  }
0xb0: {  	_ =	task.clear_ibuf [dreg:s6], $0x4FFFF;
	_ =	strace $0x9000004F  }
0xb1: {  	s29 =	simm.s32 $0x9;
	_ =	strace $0x80000051  }
0xb2: {  	_ =	swait.ge [sflag:s29], $0x1  }
0xb3: {  	[sflag:s29] =	ssyncadd.s32 $0xFFFFFFFF  }
0xb4: {  	_ =	strace $0x90000051  }
0xb5: {  	_ =	sfence  }
0xb6: {  	s30 =	sld [smem:$0x0];
	_ =	sdelay $0x2  }
0xb7: {  	s31 =	sshll.u32 s1, $0xD;
	s1 =	sshrl.u32 s1, $0x2  }
0xb8: {  	s3 =	sand.u32 $0x4000, s31;
	s1 =	sadd.s32 s1, s30  }
0xb9: {  	s0 =	sor.u32 s3, s0;
	s1 =	sshll.u32 s1, $0x11  }
0xba: {  	s0 =	sor.u32 s1, s0  }
0xbb: {  	s0 =	sadd.s32 $0x8F2B, s0  }
0xbc: {  	[sflag:s0] =	ssyncadd.remote.s32 $0x1  }
0xbd: {  	_ =	sfence.sel $0xFFFF  }
0xbe: {  	[dreg:$0x0] =	wrdreg $0xFFFFFFFF;
	(pc) =	sbr.abs _section_cstart, $3  }
0xbf: {  	[dreg:$0x1] =	wrdreg $0xFFFFFFFF  }
0xc0: {  	_ =	task.clear_ibuf [dreg:s6], $0x2FFFF;
	_ =	strace $0x9FFFFFFF  }
0xc1: {  	(tm) =	ssettm $0x7FFFFFFF  }
tec
execute0_lowered:
.L_overlay_start_1:
0x0: {  	(tag) =	ssettag $0x1  }
0x1: {  	s0 =	rddreg [dreg:$0x0]  }
0x2: {  	s1 =	simm.s32 $0x0;
	s5 =	srdreg.scid;
	s10 =	stileid.u32  }
0x3: {  	s18 =	simm.s32 $0x5;
	s19 =	simm.s32 $0x1C00;
	s28 =	simm.s32 $0x2  }
0x4: {  	s29 =	simm.s32 $0x4;
	s30 =	simm.s32 $0x0;
	s12 =	smul.u32 $0x1C00, s10  }
0x5: {  	[smem:$0x7FF] =	sst s1;
	s2 =	sadd.s32 $0xA600, s0;
	s13 =	smul.u32 $0xC00, s10  }
0x6: {  	s4 =	sadd.s32 $0x13B400, s0;
	s3 =	sadd.s32 $0xF600, s0;
	s14 =	smul.u32 $0x7000, s10  }
0x7: {  	s7 =	sadd.s32 $0x14600, s0;
	s8 =	sand.u32 $0x1, s5;
	s15 =	smul.u32 $0x3800, s10  }
0x8: {  	s5 =	sadd.s32 $0x91600, s0;
	s6 =	sadd.s32 $0x162600, s0;
	s26 =	smul.u32 $0x1800, s10  }
0x9: {  	s31 =	smul.u32 $0x3000, s10;
	_ =	strace $0x80000050;
	s9 =	ssub.s32 $0x2, s8  }
0xa: {  	p0 =	seq.s32 s8, $0x1;
	s20 =	sshrl.u32 s9, $0x1;
	s21 =	sshrl.u32 s12, $0x3  }
0xb: {  	s23 =	sshrl.u32 s13, $0x3;
	s12 =	sadd.s32 $0x1B00, s12;
	s13 =	sadd.s32 $0x1CB00, s13  }
0xc: {  	s14 =	sadd.s32 s14, s6;
	s16 =	sadd.s32 s31, s6;
	s0 =	ssub.s32 s9, s20  }
0xd: {  	s22 =	sadd.s32 s3, s21;
	s8 =	sadd.s32 s7, s21;
	s24 =	sadd.s32 $0x3800, s23  }
0xe: {  	s20 =	simm.s32 $0x80;
	s21 =	simm.s32 $0x3800;
	[dreg:$0x2] =	wrdreg s22  }
.Ltmp0:
0xf: {  	s23 =	simm.s32 $0x4000;
	[dreg:$0x3] =	wrdreg s8;
	(pc) =	sbr.rel .LBB2_1-.Ltmp0, $4  }
0x10: {  	s3 =	sadd.s32 s3, s24;
	s25 =	sadd.s32 s7, s24;
	s11 =	smax.u32 s0, $0x1  }
0x11: {  	s0 =	sadd.s32 s15, s5;
	s22 =	simm.s32 $0x4800;
	[dreg:$0x4] =	wrdreg s3  }
0x12: {  	s24 =	simm.s32 $0x5800;
	[dreg:$0x5] =	wrdreg s25;
	s3 =	sadd.s32 s26, s5  }
0x13: {  	s25 =	simm.s32 $0x1;
	s26 =	simm.s32 $0x3;
	s17 =	sadd.s32 $0x38000, s3  }
.LBB2_4:
0x14: {  	s7 =	simm.s32 $0x400  }
.LBB2_7:
0x15: {  	s8 =	sadd.s32 $0x80, s3;
	[sflag:s18] =	ssyncadd.s32 @p1 $0xFFFFF000  }
0x16: {  	[tilespmem:s23], [sflag:$0x2] =	stream.indirect.gather [hbm4b:s2+s20], $0x10, s8, s20, $0xb8;
	[tilespmem:$0x6800] =	vst v63  }
0x17: {  	s31 =	sadd.s32 $0x1C80, s3  }
0x18: {  	[tilespmem:s24], [sflag:$0x4] =	stream.indirect.gather [hbm4b:s4+s20], $0x20, s31, s20, $0xb8;
	[tilespmem:$0x6800] =	vst v63  }
0x19: {  	_ =	swait.ge [sflag:s25], $0x800  }
0x1a: {  	[sflag:s25] =	ssyncset.done $0x0  }
0x1b: {  	[sflag:s25] =	ssyncadd.s32 $0xFFFFF800  }
0x1c: {  	[hbm4b:s15+s1] =	stream.linear.scatter [tilespmem:s21], [sflag:$0x5], $0x800, $0x38;
	[tilespmem:$0x6800] =	vst v63  }
0x1d: {  	_ =	swait.ge [sflag:s18], $0x800  }
0x1e: {  	[sflag:s18] =	ssyncset.done $0x0  }
0x1f: {  	[sflag:s18] =	ssyncadd.s32 $0xFFFFF800  }
0x20: {  	_ =	swait.ge [sflag:s26], $0x1000  }
0x21: {  	[sflag:s26] =	ssyncset.done $0x0  }
0x22: {  	s7 =	sadd.s32 s7, s14;
	[sflag:s26] =	ssyncadd.s32 $0xFFFFF000  }
0x23: {  	[hbm4b:s7+s1] =	stream.linear.scatter [tilespmem:s22], [sflag:$0x5], $0x1000, $0x38;
	[tilespmem:$0x6800] =	vst v63  }
0x24: {  	_ =	swait.ge [sflag:s18], $0x1000  }
0x25: {  	[sflag:s18] =	ssyncset.done $0x0  }
0x26: {  	s9 =	sadd.s32 $0x100, s3;
	[sflag:s18] =	ssyncadd.s32 $0xFFFFF000  }
0x27: {  	[tilespmem:s21], [sflag:$0x1] =	stream.indirect.gather [hbm4b:s2+s20], $0x10, s9, s20, $0xb8;
	[tilespmem:$0x6800] =	vst v63  }
0x28: {  	s10 =	sadd.s32 $0x1D00, s3  }
0x29: {  	[tilespmem:s22], [sflag:$0x3] =	stream.indirect.gather [hbm4b:s4+s20], $0x20, s10, s20, $0xb8;
	[tilespmem:$0x6800] =	vst v63  }
0x2a: {  	_ =	swait.ge [sflag:s28], $0x800  }
0x2b: {  	[sflag:s28] =	ssyncset.done $0x0  }
0x2c: {  	s15 =	sadd.s32 $0x100, s15;
	[sflag:s28] =	ssyncadd.s32 $0xFFFFF800  }
0x2d: {  	[hbm4b:s15+s1] =	stream.linear.scatter [tilespmem:s23], [sflag:$0x5], $0x800, $0x38;
	[tilespmem:$0x6800] =	vst v63  }
0x2e: {  	_ =	swait.ge [sflag:s18], $0x800  }
0x2f: {  	[sflag:s18] =	ssyncset.done $0x0  }
0x30: {  	[sflag:s18] =	ssyncadd.s32 $0xFFFFF800  }
0x31: {  	_ =	swait.ge [sflag:s29], $0x1000  }
0x32: {  	[sflag:s29] =	ssyncset.done $0x0  }
0x33: {  	s31 =	sadd.s32 $0x200, s7;
	[sflag:s29] =	ssyncadd.s32 $0xFFFFF000  }
0x34: {  	[hbm4b:s31+s1] =	stream.linear.scatter [tilespmem:s24], [sflag:$0x5], $0x1000, $0x38;
	[tilespmem:$0x6800] =	vst v63  }
0x35: {  	_ =	swait.ge [sflag:s18], $0x1000  }
0x36: {  	s3 =	smov.u32 s12;
	[sflag:s18] =	ssyncset.done $0x0  }
0x37: {  	s8 =	simm.s32 $0x1B80;
	s7 =	simm.s32 $0x3780;
	[sflag:s18] =	ssyncadd.s32 $0xFFFFF000  }
.LBB2_11:
0x38: {  	[tilespmem:s23], [sflag:$0x2] =	stream.indirect.gather [hbm4b:s2+s20], $0x10, s8, s20, $0xb8;
	[tilespmem:$0x6800] =	vst v63  }
0x39: {  	_ = 	snop  }
0x3a: {  	[tilespmem:s24], [sflag:$0x4] =	stream.indirect.gather [hbm4b:s4+s20], $0x20, s7, s20, $0xb8;
	[tilespmem:$0x6800] =	vst v63  }
0x3b: {  	_ =	swait.ge [sflag:s25], $0x800  }
0x3c: {  	s9 =	sshll.u32 s3, $0x1;
	[sflag:s25] =	ssyncset.done $0x0  }
0x3d: {  	s7 =	sadd.s32 s5, s9;
	[sflag:s25] =	ssyncadd.s32 $0xFFFFF800  }
0x3e: {  	[hbm4b:s7+s1] =	stream.linear.scatter [tilespmem:s21], [sflag:$0x5], $0x800, $0x38;
	[tilespmem:$0x6800] =	vst v63  }
0x3f: {  	_ =	swait.ge [sflag:s18], $0x800  }
0x40: {  	[sflag:s18] =	ssyncset.done $0x0  }
0x41: {  	[sflag:s18] =	ssyncadd.s32 $0xFFFFF800  }
0x42: {  	_ =	swait.ge [sflag:s26], $0x1000  }
0x43: {  	s10 =	sshll.u32 s3, $0x2;
	[sflag:s26] =	ssyncset.done $0x0  }
0x44: {  	s7 =	sadd.s32 s6, s10;
	[sflag:s26] =	ssyncadd.s32 $0xFFFFF000  }
0x45: {  	[hbm4b:s7+s1] =	stream.linear.scatter [tilespmem:s22], [sflag:$0x5], $0x1000, $0x38;
	[tilespmem:$0x6800] =	vst v63  }
0x46: {  	_ =	swait.ge [sflag:s18], $0x1000  }
0x47: {  	[sflag:s18] =	ssyncset.done $0x0  }
0x48: {  	[sflag:s18] =	ssyncadd.s32 $0xFFFFF000  }
0x49: {  	s15 =	sor.u32 $0x80, s3;
	_ =	swait.ge [sflag:s28], $0x800  }
0x4a: {  	s31 =	sshll.u32 s15, $0x1;
	[sflag:s28] =	ssyncset.done $0x0  }
0x4b: {  	s7 =	sadd.s32 s5, s31;
	[sflag:s28] =	ssyncadd.s32 $0xFFFFF800  }
0x4c: {  	[hbm4b:s7+s1] =	stream.linear.scatter [tilespmem:s23], [sflag:$0x5], $0x800, $0x38;
	[tilespmem:$0x6800] =	vst v63  }
0x4d: {  	_ =	swait.ge [sflag:s18], $0x800  }
0x4e: {  	[sflag:s18] =	ssyncset.done $0x0  }
0x4f: {  	[sflag:s18] =	ssyncadd.s32 $0xFFFFF800  }
0x50: {  	s30 =	sadd.s32 $0x1, s30;
	_ =	swait.ge [sflag:s29], $0x1000  }
0x51: {  	s3 =	sshll.u32 s15, $0x2;
	p1 =	sne.s32 s30, s11;
	[sflag:s29] =	ssyncset.done $0x0  }
.Ltmp1:
0x52: {  	s3 =	sadd.s32 s6, s3;
	[sflag:s29] =	ssyncadd.s32 $0xFFFFF000;
	(pc) =	sbr.rel @!p1 .LBB2_12-.Ltmp1, $4  }
0x53: {  	[hbm4b:s3+s1] =	stream.linear.scatter [tilespmem:s24], [sflag:$0x5], $0x1000, $0x38;
	[tilespmem:$0x6800] =	vst v63  }
0x54: {  	_ =	swait.ge [sflag:s18], $0x1000  }
0x55: {  	[sflag:s18] =	ssyncset.done $0x0  }
0x56: {  	[sflag:s18] =	ssyncadd.s32 $0xFFFFF000  }
.LBB2_1:
.Ltmp2:
0x57: {  	(pc) =	sbr.rel @!p0 .LBB2_2-.Ltmp2, $1  }
0x58: {  	_ =	sdelay $0x3  }
0x59: {  	s3 =	simm.s32 $0x0;
	s7 =	rddreg [dreg:$0x4]  }
0x5a: {  	[tilespmem:s3], [sflag:$0x5] =	stream.linear.gather [hbm4b:s7+s3], $0xC00, $0x38;
	[tilespmem:$0x6800] =	vst v63  }
0x5b: {  	_ =	swait.ge [sflag:s18], $0xC00  }
0x5c: {  	[sflag:s18] =	ssyncset.done $0x0  }
0x5d: {  	s10 =	rddreg [dreg:$0x5];
	[sflag:s18] =	ssyncadd.s32 $0xFFFFF400  }
0x5e: {  	[tilespmem:s19], [sflag:$0x5] =	stream.linear.gather [hbm4b:s10+s3], $0xC00, $0x38;
	[tilespmem:$0x6800] =	vst v63  }
0x5f: {  	_ =	swait.ge [sflag:s18], $0xC00  }
0x60: {  	[sflag:s18] =	ssyncset.done $0x0  }
0x61: {  	[sflag:s18] =	ssyncadd.s32 $0xFFFFF400  }
0x62: {  	[tilespmem:s21], [sflag:$0x1] =	stream.indirect.gather [hbm4b:s2+s20], $0x10, s3, s20, $0xb8;
	[tilespmem:$0x6800] =	vst v63  }
0x63: {  	_ = 	snop  }
0x64: {  	[tilespmem:s22], [sflag:$0x3] =	stream.indirect.gather [hbm4b:s4+s20], $0x20, s19, s20, $0xb8;
	[tilespmem:$0x6800] =	vst v63  }
0x65: {  	s15 =	simm.s32 $0x80  }
0x66: {  	[tilespmem:s23], [sflag:$0x2] =	stream.indirect.gather [hbm4b:s2+s20], $0x10, s15, s20, $0xb8;
	[tilespmem:$0x6800] =	vst v63  }
0x67: {  	s7 =	simm.s32 $0x1C80  }
0x68: {  	[tilespmem:s24], [sflag:$0x4] =	stream.indirect.gather [hbm4b:s4+s20], $0x20, s7, s20, $0xb8;
	[tilespmem:$0x6800] =	vst v63  }
0x69: {  	_ =	swait.ge [sflag:s25], $0x800  }
0x6a: {  	[sflag:s25] =	ssyncset.done $0x0  }
0x6b: {  	[sflag:s25] =	ssyncadd.s32 $0xFFFFF800  }
0x6c: {  	[hbm4b:s17+s1] =	stream.linear.scatter [tilespmem:s21], [sflag:$0x5], $0x800, $0x38;
	[tilespmem:$0x6800] =	vst v63  }
0x6d: {  	_ =	swait.ge [sflag:s18], $0x800  }
0x6e: {  	[sflag:s18] =	ssyncset.done $0x0  }
0x6f: {  	[sflag:s18] =	ssyncadd.s32 $0xFFFFF800  }
0x70: {  	_ =	swait.ge [sflag:s26], $0x1000  }
0x71: {  	s3 =	sadd.s32 $0x0, s16;
	[sflag:s26] =	ssyncset.done $0x0  }
0x72: {  	s8 =	sadd.s32 $0x70000, s3;
	[sflag:s26] =	ssyncadd.s32 $0xFFFFF000  }
0x73: {  	[hbm4b:s8+s1] =	stream.linear.scatter [tilespmem:s22], [sflag:$0x5], $0x1000, $0x38;
	[tilespmem:$0x6800] =	vst v63  }
0x74: {  	_ =	swait.ge [sflag:s18], $0x1000  }
0x75: {  	[sflag:s18] =	ssyncset.done $0x0  }
0x76: {  	s9 =	simm.s32 $0x100;
	[sflag:s18] =	ssyncadd.s32 $0xFFFFF000  }
0x77: {  	[tilespmem:s21], [sflag:$0x1] =	stream.indirect.gather [hbm4b:s2+s20], $0x10, s9, s20, $0xb8;
	[tilespmem:$0x6800] =	vst v63  }
0x78: {  	s10 =	simm.s32 $0x1D00  }
0x79: {  	[tilespmem:s22], [sflag:$0x3] =	stream.indirect.gather [hbm4b:s4+s20], $0x20, s10, s20, $0xb8;
	[tilespmem:$0x6800] =	vst v63  }
0x7a: {  	_ =	swait.ge [sflag:s28], $0x800  }
0x7b: {  	[sflag:s28] =	ssyncset.done $0x0  }
0x7c: {  	s15 =	sadd.s32 $0x100, s17;
	[sflag:s28] =	ssyncadd.s32 $0xFFFFF800  }
0x7d: {  	[hbm4b:s15+s1] =	stream.linear.scatter [tilespmem:s23], [sflag:$0x5], $0x800, $0x38;
	[tilespmem:$0x6800] =	vst v63  }
0x7e: {  	_ =	swait.ge [sflag:s18], $0x800  }
0x7f: {  	[sflag:s18] =	ssyncset.done $0x0  }
0x80: {  	[sflag:s18] =	ssyncadd.s32 $0xFFFFF800  }
0x81: {  	_ =	swait.ge [sflag:s29], $0x1000  }
0x82: {  	[sflag:s29] =	ssyncset.done $0x0  }
0x83: {  	s3 =	sadd.s32 $0x70200, s3;
	[sflag:s29] =	ssyncadd.s32 $0xFFFFF000  }
0x84: {  	[hbm4b:s3+s1] =	stream.linear.scatter [tilespmem:s24], [sflag:$0x5], $0x1000, $0x38;
	[tilespmem:$0x6800] =	vst v63  }
0x85: {  	s31 =	simm.s32 $0x400;
	s8 =	simm.s32 $0x800;
	_ =	swait.ge [sflag:s18], $0x1000  }
0x86: {  	s15 =	sadd.s32 $0x200, s17;
	s3 =	simm.s32 $0x100;
	[sflag:s18] =	ssyncset.done $0x0  }
.LBB2_9:
0x87: {  	s9 =	sadd.s32 $0x80, s3  }
0x88: {  	[sflag:s18] =	ssyncadd.s32 $0xFFFFF000;
	s10 =	smov.u32 s8;
	s7 =	sadd.s32 $0x400, s8  }
0x89: {  	[tilespmem:s23], [sflag:$0x2] =	stream.indirect.gather [hbm4b:s2+s20], $0x10, s9, s20, $0xb8;
	[tilespmem:$0x6800] =	vst v63  }
0x8a: {  	p1 =	sne.s32 s8, $0x2800;
	s8 =	sadd.s32 $0x1C80, s3  }
0x8b: {  	[tilespmem:s24], [sflag:$0x4] =	stream.indirect.gather [hbm4b:s4+s20], $0x20, s8, s20, $0xb8;
	[tilespmem:$0x6800] =	vst v63  }
0x8c: {  	_ =	swait.ge [sflag:s25], $0x800  }
0x8d: {  	[sflag:s25] =	ssyncset.done $0x0  }
0x8e: {  	[sflag:s25] =	ssyncadd.s32 $0xFFFFF800  }
0x8f: {  	[hbm4b:s15+s1] =	stream.linear.scatter [tilespmem:s21], [sflag:$0x5], $0x800, $0x38;
	[tilespmem:$0x6800] =	vst v63  }
0x90: {  	_ =	swait.ge [sflag:s18], $0x800  }
0x91: {  	[sflag:s18] =	ssyncset.done $0x0  }
0x92: {  	[sflag:s18] =	ssyncadd.s32 $0xFFFFF800  }
0x93: {  	_ =	swait.ge [sflag:s26], $0x1000  }
0x94: {  	s8 =	sadd.s32 s31, s16;
	s31 =	smov.u32 s10;
	[sflag:s26] =	ssyncset.done $0x0  }
0x95: {  	s9 =	sadd.s32 $0x70000, s8;
	[sflag:s26] =	ssyncadd.s32 $0xFFFFF000  }
0x96: {  	[hbm4b:s9+s1] =	stream.linear.scatter [tilespmem:s22], [sflag:$0x5], $0x1000, $0x38;
	[tilespmem:$0x6800] =	vst v63  }
0x97: {  	_ =	swait.ge [sflag:s18], $0x1000  }
0x98: {  	[sflag:s18] =	ssyncset.done $0x0  }
0x99: {  	s9 =	sadd.s32 $0x100, s3;
	[sflag:s18] =	ssyncadd.s32 $0xFFFFF000  }
0x9a: {  	[tilespmem:s21], [sflag:$0x1] =	stream.indirect.gather [hbm4b:s2+s20], $0x10, s9, s20, $0xb8;
	[tilespmem:$0x6800] =	vst v63  }
0x9b: {  	s3 =	sadd.s32 $0x1D00, s3  }
0x9c: {  	[tilespmem:s22], [sflag:$0x3] =	stream.indirect.gather [hbm4b:s4+s20], $0x20, s3, s20, $0xb8;
	[tilespmem:$0x6800] =	vst v63  }
0x9d: {  	_ =	swait.ge [sflag:s28], $0x800  }
0x9e: {  	[sflag:s28] =	ssyncset.done $0x0  }
0x9f: {  	s3 =	sadd.s32 $0x100, s15;
	[sflag:s28] =	ssyncadd.s32 $0xFFFFF800  }
0xa0: {  	[hbm4b:s3+s1] =	stream.linear.scatter [tilespmem:s23], [sflag:$0x5], $0x800, $0x38;
	[tilespmem:$0x6800] =	vst v63  }
0xa1: {  	_ =	swait.ge [sflag:s18], $0x800  }
0xa2: {  	[sflag:s18] =	ssyncset.done $0x0  }
0xa3: {  	[sflag:s18] =	ssyncadd.s32 $0xFFFFF800  }
0xa4: {  	_ =	swait.ge [sflag:s29], $0x1000  }
.Ltmp3:
0xa5: {  	[sflag:s29] =	ssyncset.done $0x0;
	(pc) =	sbr.rel @p1 .LBB2_9-.Ltmp3, $4  }
0xa6: {  	s3 =	sadd.s32 $0x70200, s8;
	[sflag:s29] =	ssyncadd.s32 $0xFFFFF000  }
0xa7: {  	[hbm4b:s3+s1] =	stream.linear.scatter [tilespmem:s24], [sflag:$0x5], $0x1000, $0x38;
	[tilespmem:$0x6800] =	vst v63  }
0xa8: {  	s15 =	sadd.s32 $0x200, s15;
	_ =	swait.ge [sflag:s18], $0x1000  }
0xa9: {  	s8 =	smov.u32 s7;
	s3 =	sshra.s32 s31, $0x2;
	[sflag:s18] =	ssyncset.done $0x0  }
0xaa: {  	s7 =	sadd.s32 $0x80, s3;
	[sflag:s18] =	ssyncadd.s32 $0xFFFFF000  }
0xab: {  	[tilespmem:s23], [sflag:$0x2] =	stream.indirect.gather [hbm4b:s2+s20], $0x10, s7, s20, $0xb8;
	[tilespmem:$0x6800] =	vst v63  }
0xac: {  	s10 =	sadd.s32 $0x1C80, s3  }
0xad: {  	[tilespmem:s24], [sflag:$0x4] =	stream.indirect.gather [hbm4b:s4+s20], $0x20, s10, s20, $0xb8;
	[tilespmem:$0x6800] =	vst v63  }
0xae: {  	_ =	swait.ge [sflag:s25], $0x800  }
0xaf: {  	[sflag:s25] =	ssyncset.done $0x0  }
0xb0: {  	[sflag:s25] =	ssyncadd.s32 $0xFFFFF800  }
0xb1: {  	[hbm4b:s15+s1] =	stream.linear.scatter [tilespmem:s21], [sflag:$0x5], $0x800, $0x38;
	[tilespmem:$0x6800] =	vst v63  }
0xb2: {  	_ =	swait.ge [sflag:s18], $0x800  }
0xb3: {  	[sflag:s18] =	ssyncset.done $0x0  }
0xb4: {  	[sflag:s18] =	ssyncadd.s32 $0xFFFFF800  }
0xb5: {  	_ =	swait.ge [sflag:s26], $0x1000  }
0xb6: {  	s31 =	sadd.s32 s31, s16;
	[sflag:s26] =	ssyncset.done $0x0  }
0xb7: {  	s8 =	sadd.s32 $0x70000, s31;
	[sflag:s26] =	ssyncadd.s32 $0xFFFFF000  }
0xb8: {  	[hbm4b:s8+s1] =	stream.linear.scatter [tilespmem:s22], [sflag:$0x5], $0x1000, $0x38;
	[tilespmem:$0x6800] =	vst v63  }
0xb9: {  	_ =	swait.ge [sflag:s18], $0x1000  }
0xba: {  	[sflag:s18] =	ssyncset.done $0x0  }
0xbb: {  	s9 =	sadd.s32 $0x100, s3;
	[sflag:s18] =	ssyncadd.s32 $0xFFFFF000  }
0xbc: {  	[tilespmem:s21], [sflag:$0x1] =	stream.indirect.gather [hbm4b:s2+s20], $0x10, s9, s20, $0xb8;
	[tilespmem:$0x6800] =	vst v63  }
0xbd: {  	s10 =	sadd.s32 $0x1D00, s3  }
0xbe: {  	[tilespmem:s22], [sflag:$0x3] =	stream.indirect.gather [hbm4b:s4+s20], $0x20, s10, s20, $0xb8;
	[tilespmem:$0x6800] =	vst v63  }
0xbf: {  	_ =	swait.ge [sflag:s28], $0x800  }
0xc0: {  	[sflag:s28] =	ssyncset.done $0x0  }
0xc1: {  	s15 =	sadd.s32 $0x100, s15;
	[sflag:s28] =	ssyncadd.s32 $0xFFFFF800  }
0xc2: {  	[hbm4b:s15+s1] =	stream.linear.scatter [tilespmem:s23], [sflag:$0x5], $0x800, $0x38;
	[tilespmem:$0x6800] =	vst v63  }
0xc3: {  	_ =	swait.ge [sflag:s18], $0x800  }
0xc4: {  	[sflag:s18] =	ssyncset.done $0x0  }
0xc5: {  	[sflag:s18] =	ssyncadd.s32 $0xFFFFF800  }
0xc6: {  	_ =	swait.ge [sflag:s29], $0x1000  }
0xc7: {  	[sflag:s29] =	ssyncset.done $0x0  }
.Ltmp4:
0xc8: {  	s31 =	sadd.s32 $0x70200, s31;
	[sflag:s29] =	ssyncadd.s32 $0xFFFFF000;
	(pc) =	sbr.rel .LBB2_11-.Ltmp4, $4  }
0xc9: {  	[hbm4b:s31+s1] =	stream.linear.scatter [tilespmem:s24], [sflag:$0x5], $0x1000, $0x38;
	[tilespmem:$0x6800] =	vst v63  }
0xca: {  	_ =	swait.ge [sflag:s18], $0x1000  }
0xcb: {  	s7 =	simm.s32 $0x2780;
	[sflag:s18] =	ssyncset.done $0x0  }
0xcc: {  	s3 =	smov.u32 s13;
	s8 =	simm.s32 $0xB80;
	[sflag:s18] =	ssyncadd.s32 $0xFFFFF000  }
.LBB2_2:
0xcd: {  	s7 =	simm.s32 $0x0;
	s3 =	rddreg [dreg:$0x2]  }
0xce: {  	[tilespmem:s7], [sflag:$0x5] =	stream.linear.gather [hbm4b:s3+s7], $0x1C00, $0x38;
	[tilespmem:$0x6800] =	vst v63  }
0xcf: {  	_ =	swait.ge [sflag:s18], $0x1C00  }
0xd0: {  	[sflag:s18] =	ssyncset.done $0x0  }
0xd1: {  	s15 =	rddreg [dreg:$0x3];
	[sflag:s18] =	ssyncadd.s32 $0xFFFFE400  }
0xd2: {  	[tilespmem:s19], [sflag:$0x5] =	stream.linear.gather [hbm4b:s15+s7], $0x1C00, $0x38;
	[tilespmem:$0x6800] =	vst v63  }
0xd3: {  	p2 =	por $0x0, $0x0;
	_ =	swait.ge [sflag:s18], $0x1C00  }
.Ltmp5:
0xd4: {  	[sflag:s18] =	ssyncset.done $0x0;
	(pc) =	sbr.rel @p2 .LBB2_7-.Ltmp5, $4  }
0xd5: {  	s31 =	simm.s32 $0x400;
	[sflag:s18] =	ssyncadd.s32 $0xFFFFE400  }
0xd6: {  	[tilespmem:s21], [sflag:$0x1] =	stream.indirect.gather [hbm4b:s2+s20], $0x10, s7, s20, $0xb8;
	[tilespmem:$0x6800] =	vst v63  }
0xd7: {  	p1 =	por $0x0, $0x0;
	s3 =	simm.s32 $0x0;
	s15 =	smov.u32 s0  }
0xd8: {  	[tilespmem:s22], [sflag:$0x3] =	stream.indirect.gather [hbm4b:s4+s20], $0x20, s19, s20, $0xb8;
	[tilespmem:$0x6800] =	vst v63  }
0xd9: {  	s3 =	simm.s32 $0x80  }
0xda: {  	[tilespmem:s23], [sflag:$0x2] =	stream.indirect.gather [hbm4b:s2+s20], $0x10, s3, s20, $0xb8;
	[tilespmem:$0x6800] =	vst v63  }
0xdb: {  	s8 =	simm.s32 $0x1C80  }
0xdc: {  	[tilespmem:s24], [sflag:$0x4] =	stream.indirect.gather [hbm4b:s4+s20], $0x20, s8, s20, $0xb8;
	[tilespmem:$0x6800] =	vst v63  }
0xdd: {  	_ =	swait.ge [sflag:s25], $0x800  }
0xde: {  	[sflag:s25] =	ssyncset.done $0x0  }
0xdf: {  	[sflag:s25] =	ssyncadd.s32 $0xFFFFF800  }
0xe0: {  	[hbm4b:s0+s1] =	stream.linear.scatter [tilespmem:s21], [sflag:$0x5], $0x800, $0x38;
	[tilespmem:$0x6800] =	vst v63  }
0xe1: {  	_ =	swait.ge [sflag:s18], $0x800  }
0xe2: {  	[sflag:s18] =	ssyncset.done $0x0  }
0xe3: {  	[sflag:s18] =	ssyncadd.s32 $0xFFFFF800  }
0xe4: {  	_ =	swait.ge [sflag:s26], $0x1000  }
0xe5: {  	[sflag:s26] =	ssyncset.done $0x0  }
0xe6: {  	s9 =	sadd.s32 $0x0, s14;
	[sflag:s26] =	ssyncadd.s32 $0xFFFFF000  }
0xe7: {  	[hbm4b:s9+s1] =	stream.linear.scatter [tilespmem:s22], [sflag:$0x5], $0x1000, $0x38;
	[tilespmem:$0x6800] =	vst v63  }
0xe8: {  	_ =	swait.ge [sflag:s18], $0x1000  }
0xe9: {  	[sflag:s18] =	ssyncset.done $0x0  }
0xea: {  	s7 =	simm.s32 $0x100;
	[sflag:s18] =	ssyncadd.s32 $0xFFFFF000  }
0xeb: {  	[tilespmem:s21], [sflag:$0x1] =	stream.indirect.gather [hbm4b:s2+s20], $0x10, s7, s20, $0xb8;
	[tilespmem:$0x6800] =	vst v63  }
0xec: {  	s10 =	simm.s32 $0x1D00  }
0xed: {  	[tilespmem:s22], [sflag:$0x3] =	stream.indirect.gather [hbm4b:s4+s20], $0x20, s10, s20, $0xb8;
	[tilespmem:$0x6800] =	vst v63  }
0xee: {  	_ =	swait.ge [sflag:s28], $0x800  }
0xef: {  	[sflag:s28] =	ssyncset.done $0x0  }
0xf0: {  	s15 =	sadd.s32 $0x100, s0;
	[sflag:s28] =	ssyncadd.s32 $0xFFFFF800  }
0xf1: {  	[hbm4b:s15+s1] =	stream.linear.scatter [tilespmem:s23], [sflag:$0x5], $0x800, $0x38;
	[tilespmem:$0x6800] =	vst v63  }
0xf2: {  	_ =	swait.ge [sflag:s18], $0x800  }
0xf3: {  	[sflag:s18] =	ssyncset.done $0x0  }
0xf4: {  	[sflag:s18] =	ssyncadd.s32 $0xFFFFF800  }
0xf5: {  	p2 =	por $0x0, $0x0;
	_ =	swait.ge [sflag:s29], $0x1000  }
.Ltmp6:
0xf6: {  	[sflag:s29] =	ssyncset.done $0x0;
	(pc) =	sbr.rel @p2 .LBB2_4-.Ltmp6, $4  }
0xf7: {  	s3 =	sadd.s32 $0x200, s9;
	[sflag:s29] =	ssyncadd.s32 $0xFFFFF000  }
0xf8: {  	[hbm4b:s3+s1] =	stream.linear.scatter [tilespmem:s24], [sflag:$0x5], $0x1000, $0x38;
	[tilespmem:$0x6800] =	vst v63  }
0xf9: {  	p1 =	por $0x1, $0x1;
	s7 =	simm.s32 $0x800;
	_ =	swait.ge [sflag:s18], $0x1000  }
0xfa: {  	s15 =	sadd.s32 $0x200, s0;
	s3 =	simm.s32 $0x100;
	[sflag:s18] =	ssyncset.done $0x0  }
.LBB2_5:
0xfb: {  	s9 =	sadd.s32 $0x80, s3  }
0xfc: {  	[sflag:s18] =	ssyncadd.s32 $0xFFFFF000;
	s10 =	smov.u32 s7;
	s8 =	sadd.s32 $0x400, s7  }
0xfd: {  	[tilespmem:s23], [sflag:$0x2] =	stream.indirect.gather [hbm4b:s2+s20], $0x10, s9, s20, $0xb8;
	[tilespmem:$0x6800] =	vst v63  }
0xfe: {  	p2 =	seq.s32 s7, $0x6800;
	s7 =	sadd.s32 $0x1C80, s3  }
0xff: {  	[tilespmem:s24], [sflag:$0x4] =	stream.indirect.gather [hbm4b:s4+s20], $0x20, s7, s20, $0xb8;
	[tilespmem:$0x6800] =	vst v63  }
0x100: {  	_ =	swait.ge [sflag:s25], $0x800  }
0x101: {  	[sflag:s25] =	ssyncset.done $0x0  }
0x102: {  	[sflag:s25] =	ssyncadd.s32 $0xFFFFF800  }
0x103: {  	[hbm4b:s15+s1] =	stream.linear.scatter [tilespmem:s21], [sflag:$0x5], $0x800, $0x38;
	[tilespmem:$0x6800] =	vst v63  }
0x104: {  	_ =	swait.ge [sflag:s18], $0x800  }
0x105: {  	[sflag:s18] =	ssyncset.done $0x0  }
0x106: {  	[sflag:s18] =	ssyncadd.s32 $0xFFFFF800  }
0x107: {  	_ =	swait.ge [sflag:s26], $0x1000  }
0x108: {  	[sflag:s26] =	ssyncset.done $0x0  }
0x109: {  	s7 =	sadd.s32 s31, s14;
	s31 =	smov.u32 s10;
	[sflag:s26] =	ssyncadd.s32 $0xFFFFF000  }
0x10a: {  	[hbm4b:s7+s1] =	stream.linear.scatter [tilespmem:s22], [sflag:$0x5], $0x1000, $0x38;
	[tilespmem:$0x6800] =	vst v63  }
0x10b: {  	_ =	swait.ge [sflag:s18], $0x1000  }
0x10c: {  	[sflag:s18] =	ssyncset.done $0x0  }
0x10d: {  	s9 =	sadd.s32 $0x100, s3;
	[sflag:s18] =	ssyncadd.s32 $0xFFFFF000  }
0x10e: {  	[tilespmem:s21], [sflag:$0x1] =	stream.indirect.gather [hbm4b:s2+s20], $0x10, s9, s20, $0xb8;
	[tilespmem:$0x6800] =	vst v63  }
0x10f: {  	s3 =	sadd.s32 $0x1D00, s3  }
0x110: {  	[tilespmem:s22], [sflag:$0x3] =	stream.indirect.gather [hbm4b:s4+s20], $0x20, s3, s20, $0xb8;
	[tilespmem:$0x6800] =	vst v63  }
0x111: {  	_ =	swait.ge [sflag:s28], $0x800  }
0x112: {  	[sflag:s28] =	ssyncset.done $0x0  }
0x113: {  	s3 =	sadd.s32 $0x100, s15;
	[sflag:s28] =	ssyncadd.s32 $0xFFFFF800  }
0x114: {  	[hbm4b:s3+s1] =	stream.linear.scatter [tilespmem:s23], [sflag:$0x5], $0x800, $0x38;
	[tilespmem:$0x6800] =	vst v63  }
0x115: {  	_ =	swait.ge [sflag:s18], $0x800  }
0x116: {  	[sflag:s18] =	ssyncset.done $0x0  }
0x117: {  	[sflag:s18] =	ssyncadd.s32 $0xFFFFF800  }
0x118: {  	_ =	swait.ge [sflag:s29], $0x1000  }
.Ltmp7:
0x119: {  	[sflag:s29] =	ssyncset.done $0x0;
	(pc) =	sbr.rel @!p2 .LBB2_5-.Ltmp7, $4  }
0x11a: {  	s3 =	sadd.s32 $0x200, s7;
	[sflag:s29] =	ssyncadd.s32 $0xFFFFF000  }
0x11b: {  	[hbm4b:s3+s1] =	stream.linear.scatter [tilespmem:s24], [sflag:$0x5], $0x1000, $0x38;
	[tilespmem:$0x6800] =	vst v63  }
0x11c: {  	s15 =	sadd.s32 $0x200, s15;
	_ =	swait.ge [sflag:s18], $0x1000  }
0x11d: {  	s7 =	smov.u32 s8;
	s3 =	sshra.s32 s31, $0x2;
	[sflag:s18] =	ssyncset.done $0x0  }
.Ltmp8:
0x11e: {  	(pc) =	sbr.rel .LBB2_7-.Ltmp8, $2  }
0x11f: {  	_ =	sdelay $0x2  }
0x120: {  	s7 =	smov.u32 s31  }
.LBB2_12:
0x121: {  	_ =	sfence.sel $0x180000  }
0x122: {  	[bflag:$0x0] =	sbarrier.arrive $0xFFFF  }
0x123: {  	_ =	strace $0x90000050  }
0x124: {  	s0 =	stileid.u32;
	[bflag:$0x2] =	sbarrier.arrive $0xFFFF  }
0x125: {  	p0 =	sne.s32 s0, $0x0;
	s0 =	rddreg [dreg:$0x1]  }
0x126: {  	s0 =	sadd.s32 @!p0 $0x100000, s0  }
0x127: {  	[sflag:s0] =	ssyncadd.tile.s32 @!p0 $0x1;
	_ =	shalt  }
.Lfunc_end2:
_tile_overlayer_lowered:
.L_overlay_start_2:
0x128: {  	(tag) =	ssettag $0x2  }
0x129: {  	s0 =	rddreg [dreg:$0x0];
	s2 =	stileid.u32  }
0x12a: {  	s1 =	rddreg [dreg:$0x1];
	p0 =	sne.s32 s2, $0x0  }
0x12b: {  	s3 =	rddreg [dreg:$0x2];
	[bflag:$0x3] =	sbarrier.arrive $0xFFFF;
	s2 =	simm.s32 @!p0 $0x1C05  }
0x12c: {  	[timem:s3], [sflag:s2] =	dma.local @!p0 [hbm:s0], s1  }
0x12d: {  	s0 =	simm.s32 @!p0 $0x5  }
0x12e: {  	_ =	swait.ge @!p0 [sflag:s0], s1  }
0x12f: {  	s1 =	ssub.s32 @!p0 $0x0, s1;
	[sflag:s0] =	ssyncset.done @!p0 $0x0  }
0x130: {  	[sflag:s0] =	ssyncadd.s32 @!p0 s1  }
0x131: {  	[bflag:$0x3] =	sbarrier.arrive $0xFFFF  }
0x132: {  	_ =	shalt  }

// kernel: kernel.25.cloned.1.call-start
scs
__scs_entry_jumppad:
0x0: {  	(pc) =	sbr.rel $0x88, $3  }
0x1: {  	(tag) =	ssettag $0x0;
	lr =	simm.s32 $0x1  }
0x2: {  	[smem:$0x3F89] =	sst lr;
	_ =	strace $0xD0000000  }
0x3: {  	_ = 	snop  }
0x4: {  	_ = 	snop  }
0x5: {  	_ = 	snop  }
0x6: {  	_ = 	snop  }
0x7: {  	_ = 	snop  }
__scs_overlays_trampoline_lowered:
0x8: {  	[smem:$0x3F98] =	sst s0  }
0x9: {  	[smem:$0x3F99] =	sst s1  }
0xa: {  	[smem:$0x3F9A] =	sst s2  }
0xb: {  	[smem:$0x3F9B] =	sst s3  }
0xc: {  	[smem:$0x3F9C] =	sst s4  }
0xd: {  	[smem:$0x3F9D] =	sst s5  }
0xe: {  	[smem:$0x3F9E] =	sst s6  }
0xf: {  	[smem:$0x3F9F] =	sst s7  }
0x10: {  	[smem:$0x3FA0] =	sst s8  }
0x11: {  	[smem:$0x3FA1] =	sst s9;
	s0 =	simm.s32 @!p0 $0x0  }
0x12: {  	s1 =	sld [smem:$0x3F87];
	s0 =	simm.s32 @p0 $0x1  }
0x13: {  	[smem:$0x3FA2] =	sst s0;
	s0 =	simm.s32 @!p1 $0x0  }
0x14: {  	s2 =	sld [smem:$0x3F86];
	s0 =	simm.s32 @p1 $0x1  }
0x15: {  	[smem:$0x3FA3] =	sst s0;
	s0 =	simm.s32 @!p2 $0x0  }
0x16: {  	s3 =	sld [smem:$0x3FDB];
	s0 =	simm.s32 @p2 $0x1  }
0x17: {  	s4 =	simm.s32 $0x1BF5;
	[smem:$0x3FA5] =	sst s0  }
0x18: {  	s0 =	sld [smem:$0x3F88];
	_ =	swait.ge [sflag:s4], $0x0  }
0x19: {  	s7 =	sld [smem:$0x3F89]  }
0x1a: {  	s8 =	sadd.s32 $0xFFFFE003, lr  }
0x1b: {  	s9 =	sadd.s32 $0xFFFFFEF7, lr;
	s5 =	simm.s32 $0xFFFFFFFF;
	p2 =	slt.u32 s8, $0xFFFFF086  }
0x1c: {  	p1 =	slt.u32 s9, $0xF7A;
	s5 =	simm.s32 @!p2 $0x0  }
0x1d: {  	s5 =	simm.s32 @p1 $0x1;
	p0 =	seq.s32 s7, s2  }
0x1e: {  	s7 =	smul.u32 @!p0 $0xF7A, s2;
	p2 =	seq.s32 @!p0 s5, $0x0  }
0x1f: {  	s9 =	smul.u32 $0xF7A, s1;
	s8 =	simm.s32 @!p0 $0x1BF5;
	p2 =	por !p2, p0  }
0x20: {  	[sflag:s8] =	ssyncset.s32 @!p0 $0xFFFFF086;
	s6 =	sadd.s32 @!p0 s3, s7;
	s7 =	simm.s32 @!p0 $0x108  }
0x21: {  	s3 =	sadd.s32 s3, s9;
	s6 =	sadd.s32 @!p0 $0x88, s6;
	s7 =	simm.s32 @p2 $0x1082  }
0x22: {  	[simem:s7], [sflag:s8] =	dma.local @!p0 [hbm:s6], $0xF7A  }
0x23: {  	s9 =	sor.u32 $0xD0000000, s2;
	s6 =	simm.s32 $0x108;
	_ =	swait.ge @!p0 [sflag:s8], $0x0  }
0x24: {  	s3 =	sadd.s32 $0x88, s3;
	s6 =	simm.s32 @!p1 $0x1082;
	[sflag:s4] =	ssyncset.s32 $0xFFFFF086  }
0x25: {  	[simem:s6], [sflag:s4] =	dma.local [hbm:s3], $0xF7A  }
0x26: {  	[smem:$0x3F89] =	sst s1;
	(tag) =	ssettag s2;
	_ =	strace s9  }
0x27: {  	s1 =	sld [smem:$0x3F99]  }
0x28: {  	s2 =	sld [smem:$0x3F9A]  }
0x29: {  	s4 =	sld [smem:$0x3F9C]  }
0x2a: {  	p0 =	seq.s32 s5, $0x0;
	s5 =	sld [smem:$0x3F9D]  }
0x2b: {  	s6 =	sld [smem:$0x3F9E]  }
0x2c: {  	s7 =	sld [smem:$0x3F9F]  }
0x2d: {  	s3 =	simm.s32 $0x108;
	s8 =	sld [smem:$0x3FA0]  }
0x2e: {  	s3 =	simm.s32 @!p0 $0x1082;
	s9 =	sld [smem:$0x3FA1]  }
0x2f: {  	lr =	sadd.s32 s0, s3;
	s0 =	sld [smem:$0x3F98]  }
0x30: {  	s3 =	sld [smem:$0x3F9B]  }
0x31: {  	[smem:$0x3FA4] =	sst s10  }
0x32: {  	s10 =	sld [smem:$0x3FA2];
	_ =	sdelay $0x3  }
0x33: {  	p0 =	seq.s32 s10, $0x1;
	s10 =	sld [smem:$0x3FA4];
	_ =	sdelay $0x3  }
0x34: {  	[smem:$0x3FA4] =	sst s10  }
0x35: {  	s10 =	sld [smem:$0x3FA3];
	_ =	sdelay $0x3  }
0x36: {  	p1 =	seq.s32 s10, $0x1;
	s10 =	sld [smem:$0x3FA4];
	_ =	sdelay $0x3  }
0x37: {  	[smem:$0x3FA4] =	sst s10  }
0x38: {  	s10 =	sld [smem:$0x3FA5]  }
0x39: {  	_ = 	snop;
	(pc) =	sbr.ind lr, $3  }
0x3a: {  	_ = 	snop  }
0x3b: {  	_ = 	snop  }
0x3c: {  	p2 =	seq.s32 s10, $0x1;
	s10 =	sld [smem:$0x3FA4]  }
0x3d: {  	_ =	shalt  }
0x3e: {  	_ =	shalt  }
0x3f: {  	_ =	shalt  }
0x40: {  	_ =	shalt  }
0x41: {  	_ =	shalt  }
0x42: {  	_ =	shalt  }
0x43: {  	_ =	shalt  }
0x44: {  	_ =	shalt  }
0x45: {  	_ =	shalt  }
0x46: {  	_ =	shalt  }
0x47: {  	_ =	shalt  }
0x48: {  	_ =	shalt  }
0x49: {  	_ =	shalt  }
0x4a: {  	_ =	shalt  }
0x4b: {  	_ =	shalt  }
0x4c: {  	_ =	shalt  }
0x4d: {  	_ =	shalt  }
0x4e: {  	_ =	shalt  }
0x4f: {  	_ =	shalt  }
0x50: {  	_ =	shalt  }
0x51: {  	_ =	shalt  }
0x52: {  	_ =	shalt  }
0x53: {  	_ =	shalt  }
0x54: {  	_ =	shalt  }
0x55: {  	_ =	shalt  }
0x56: {  	_ =	shalt  }
0x57: {  	_ =	shalt  }
0x58: {  	_ =	shalt  }
0x59: {  	_ =	shalt  }
0x5a: {  	_ =	shalt  }
0x5b: {  	_ =	shalt  }
0x5c: {  	_ =	shalt  }
0x5d: {  	_ =	shalt  }
0x5e: {  	_ =	shalt  }
0x5f: {  	_ =	shalt  }
0x60: {  	_ =	shalt  }
0x61: {  	_ =	shalt  }
0x62: {  	_ =	shalt  }
0x63: {  	_ =	shalt  }
0x64: {  	_ =	shalt  }
0x65: {  	_ =	shalt  }
0x66: {  	_ =	shalt  }
0x67: {  	_ =	shalt  }
0x68: {  	_ =	shalt  }
0x69: {  	_ =	shalt  }
0x6a: {  	_ =	shalt  }
0x6b: {  	_ =	shalt  }
0x6c: {  	_ =	shalt  }
0x6d: {  	_ =	shalt  }
0x6e: {  	_ =	shalt  }
0x6f: {  	_ =	shalt  }
0x70: {  	_ =	shalt  }
0x71: {  	_ =	shalt  }
0x72: {  	_ =	shalt  }
0x73: {  	_ =	shalt  }
0x74: {  	_ =	shalt  }
0x75: {  	_ =	shalt  }
0x76: {  	_ =	shalt  }
0x77: {  	_ =	shalt  }
0x78: {  	_ =	shalt  }
0x79: {  	_ =	shalt  }
0x7a: {  	_ =	shalt  }
0x7b: {  	_ =	shalt  }
0x7c: {  	_ =	shalt  }
0x7d: {  	_ =	shalt  }
0x7e: {  	_ =	shalt  }
0x7f: {  	_ =	shalt  }
0x80: {  	_ =	shalt  }
0x81: {  	_ =	shalt  }
0x82: {  	_ =	shalt  }
0x83: {  	_ =	shalt  }
0x84: {  	_ =	shalt  }
0x85: {  	_ =	shalt  }
0x86: {  	_ =	shalt  }
0x87: {  	_ =	shalt  }
.Lfunc_end0:
.L_simem_size_0:
called_computation.4_lowered:
.L_overlay_start_0:
0x88: {  	s2 =	sld [smem:$0x3FD9]  }
0x89: {  	s3 =	sld [smem:$0x3FFE];
	_ =	sdelay $0x1  }
0x8a: {  	s1 =	srdreg.scid  }
0x8b: {  	s0 =	sand.u32 $0x1, s1  }
0x8c: {  	s16 =	sshll.u32 s0, $0xA;
	s2 =	sadd.s32 s3, s2  }
0x8d: {  	s2 =	sadd.s32 s2, s16  }
0x8e: {  	[smem:$0x3FB0] =	sst s2  }
0x8f: {  	_ = 	snop  }
0x90: {  	(tm) =	ssettm $0x1  }
0x91: {  	s17 =	sld [smem:$0x3FFB];
	_ =	sdelay $0x3  }
0x92: {  	_ =	strace s17  }
0x93: {  	s2 =	sld [smem:$0x3FFC];
	_ =	sdelay $0x3  }
0x94: {  	_ =	strace s2  }
0x95: {  	s2 =	sld [smem:$0x3FFD];
	_ =	sdelay $0x3  }
0x96: {  	_ =	strace s2  }
0x97: {  	_ =	strace $0x8FFFFFFF  }
0x98: {  	s18 =	sld [smem:$0x3FDB];
	_ =	sdelay $0x1  }
0x99: {  	s19 =	simm.s32 $_scs_section_size  }
0x9a: {  	s4 =	simm.s32 $_size__tile_overlayer_lowered;
	s5 =	simm.s32 $_tile_overlayer_lowered  }
0x9b: {  	s22 =	simm.s32 $0x1BFF;
	s21 =	sshll.u32 s5, $0x1;
	s2 =	sadd.s32 s19, s18  }
0x9c: {  	s6 =	simm.s32 $0x0;
	s20 =	sshll.u32 s4, $0x1;
	s4 =	sadd.s32 s21, s2  }
0x9d: {  	[timem:s6], [sflag:s22] =	dma.local [hbm:s4], s20  }
0x9e: {  	_ =	swait.ge [sflag:s22], s20  }
0x9f: {  	s3 =	ssub.s32 $0x0, s20;
	[sflag:s22] =	ssyncset.done $0x0  }
0xa0: {  	[sflag:s22] =	ssyncadd.s32 s3;
	_ =	sdelay $0x1  }
0xa1: {  	s23 =	simm.s32 $0x1B8B  }
0xa2: {  	_ =	swait.ge [sflag:s23], $0x1  }
0xa3: {  	[sflag:s23] =	ssyncset.done $0x0  }
0xa4: {  	s25 =	simm.s32 $0x1B8E;
	s24 =	sld [smem:$0x3FFE];
	[sflag:s23] =	ssyncadd.s32 $0xFFFFFFFF  }
0xa5: {  	s26 =	simm.s32 $execute0_lowered;
	[smem:$0x3FD2] =	sst s25  }
0xa6: {  	s4 =	sshll.u32 s26, $0x1;
	_ =	strace $0x80000052;
	[dreg:$0x1] =	wrdreg $0xFFFFFFFF  }
0xa7: {  	s28 =	simm.s32 $_size_execute0_lowered;
	s2 =	sadd.s32 s2, s4;
	[dreg:$0x0] =	wrdreg $0x0  }
0xa8: {  	s4 =	sshll.u32 s28, $0x1;
	[dreg:$0x2] =	wrdreg s2  }
0xa9: {  	[dreg:$0x3] =	wrdreg s4  }
0xaa: {  	[dreg:$0x4] =	wrdreg $0xC0  }
0xab: {  	_ =	task [dreg:s6], $0x5FFFF  }
0xac: {  	[dreg:$0x1] =	wrdreg $0xFFFFFFFF  }
0xad: {  	[dreg:$0x0] =	wrdreg $0x60  }
0xae: {  	[dreg:$0x2] =	wrdreg s24  }
0xaf: {  	[dreg:$0x3] =	wrdreg $0x21000  }
0xb0: {  	[dreg:$0x4] =	wrdreg $0x9  }
0xb1: {  	_ =	task.clear_ibuf [dreg:s6], $0x5FFFF;
	_ =	strace $0x90000052  }
0xb2: {  	s29 =	simm.s32 $0x9;
	_ =	strace $0x80000054  }
0xb3: {  	_ =	swait.ge [sflag:s29], $0x1  }
0xb4: {  	[sflag:s29] =	ssyncadd.s32 $0xFFFFFFFF  }
0xb5: {  	_ =	strace $0x90000054  }
0xb6: {  	_ =	sfence  }
0xb7: {  	s30 =	sld [smem:$0x0];
	_ =	sdelay $0x2  }
0xb8: {  	s31 =	sshll.u32 s1, $0xD;
	s1 =	sshrl.u32 s1, $0x2  }
0xb9: {  	s3 =	sand.u32 $0x4000, s31;
	s1 =	sadd.s32 s1, s30  }
0xba: {  	s0 =	sor.u32 s3, s0;
	s1 =	sshll.u32 s1, $0x11  }
0xbb: {  	s0 =	sor.u32 s1, s0  }
0xbc: {  	s0 =	sadd.s32 $0x8F2B, s0  }
0xbd: {  	[sflag:s0] =	ssyncadd.remote.s32 $0x1  }
0xbe: {  	_ =	sfence.sel $0xFFFF  }
0xbf: {  	[dreg:$0x0] =	wrdreg $0xFFFFFFFF;
	(pc) =	sbr.abs _section_cstart, $3  }
0xc0: {  	[dreg:$0x1] =	wrdreg $0xFFFFFFFF  }
0xc1: {  	_ =	task.clear_ibuf [dreg:s6], $0x2FFFF;
	_ =	strace $0x9FFFFFFF  }
0xc2: {  	(tm) =	ssettm $0x7FFFFFFF  }
0xc3: {  	_ =	shalt  }
tec
execute0_lowered:
.L_overlay_start_1:
0x0: {  	(tag) =	ssettag $0x1  }
0x1: {  	s4 =	rddreg [dreg:$0x0]  }
0x2: {  	s2 =	rddreg [dreg:$0x1]  }
0x3: {  	s0 =	rddreg [dreg:$0x2];
	s3 =	simm.s32 $0x0;
	s1 =	stileid.u32  }
0x4: {  	s6 =	srdreg.scid;
	s19 =	simm.s32 $0x1100;
	s20 =	simm.s32 $0x1  }
0x5: {  	[smem:$0x7FF] =	sst s3;
	s5 =	smul.u32 $0x4E20, s1;
	s13 =	sadd.s32 $0x14600, s4  }
0x6: {  	s14 =	sadd.s32 $0xF600, s4;
	s6 =	sand.u32 $0x1, s6;
	s21 =	smul.u32 $0x2800, s1  }
0x7: {  	s7 =	sshll.u32 s1, $0x1;
	s24 =	sshll.u32 s1, $0x6;
	s8 =	smul.u32 $0x9C40, s6  }
0x8: {  	_ =	strace $0x80000053;
	s7 =	sor.u32 s6, s7;
	s16 =	smul.u32 $0x1400, s6  }
0x9: {  	s9 =	ssub.s32 $0x2, s6;
	s22 =	sshrl.u32 s5, $0x3;
	s12 =	smul.u32 $0x1400, s7  }
0xa: {  	s11 =	sshrl.u32 s9, $0x1;
	s7 =	smul.u32 $0x5000, s7;
	s15 =	sadd.s32 s5, s2  }
0xb: {  	s5 =	sor.u32 $0x1C03, s24;
	s10 =	sadd.s32 s22, s4;
	s8 =	sadd.s32 s8, s4  }
0xc: {  	s9 =	ssub.s32 s9, s11;
	s28 =	sadd.s32 s16, s21;
	s15 =	sshrl.u32 s15, $0x3  }
0xd: {  	s21 =	simm.s32 $0x2;
	s4 =	sadd.s32 $0x131600, s10;
	s25 =	sshrl.u32 s12, $0x3  }
0xe: {  	s7 =	sadd.s32 s13, s7;
	s23 =	sadd.s32 $0xB4600, s8;
	s26 =	sadd.s32 $0x1380, s12  }
0xf: {  	s8 =	smax.u32 s9, $0x1;
	s16 =	sor.u32 $0x80, s28;
	s12 =	sor.u32 $0x100, s28  }
0x10: {  	s6 =	sadd.s32 s14, s25;
	s29 =	sshrl.u32 s26, $0x3;
	s30 =	sshll.u32 s26, $0x2  }
0x11: {  	s31 =	sshll.u32 s16, $0x2;
	s16 =	sshrl.u32 s16, $0x3;
	s17 =	sshll.u32 s12, $0x2  }
0x12: {  	s18 =	sshrl.u32 s12, $0x3;
	s22 =	sadd.s32 s22, s23;
	s23 =	simm.s32 $0x0  }
0x13: {  	s9 =	sadd.s32 s14, s29;
	s10 =	sadd.s32 s13, s30;
	s11 =	sadd.s32 s31, s13  }
0x14: {  	s12 =	sadd.s32 s16, s14;
	s13 =	sadd.s32 s17, s13;
	s14 =	sadd.s32 s18, s14  }
0x15: {  	s16 =	simm.s32 $0x3;
	s17 =	simm.s32 $0x100;
	s18 =	simm.s32 $0x80  }
.LBB2_1:
0x16: {  	[spmem:s15], [sflag:s5] =	dma.local [hbm:s4], $0x9C4  }
0x17: {  	_ =	swait.ge [sflag:s16], $0x9C4  }
0x18: {  	[sflag:s16] =	ssyncset.done $0x0  }
0x19: {  	[sflag:s16] =	ssyncadd.s32 $0xFFFFF63C  }
0x1a: {  	[bflag:$0x0] =	sbarrier.arrive $0xFFFF  }
0x1b: {  	[tilespmem:s3], [sflag:$0x3] =	stream.linear.gather [hbm4b:s6+s3], $0x80, $0x38;
	[tilespmem:$0x6F20] =	vst v63  }
0x1c: {  	_ =	swait.ge [sflag:s16], $0x80  }
0x1d: {  	[sflag:s16] =	ssyncset.done $0x0  }
0x1e: {  	[sflag:s16] =	ssyncadd.s32 $0xFFFFFF80  }
0x1f: {  	[tilespmem:s17], [sflag:$0x1] =	stream.linear.gather [hbm4b:s7+s3], $0x1000, $0x38;
	[tilespmem:$0x6F20] =	vst v63  }
0x20: {  	s24 =	sadd.s32 $0x0, s12  }
0x21: {  	[tilespmem:s18], [sflag:$0x3] =	stream.linear.gather [hbm4b:s24+s3], $0x80, $0x38;
	[tilespmem:$0x6F20] =	vst v63  }
0x22: {  	_ =	swait.ge [sflag:s16], $0x80  }
0x23: {  	[sflag:s16] =	ssyncset.done $0x0  }
0x24: {  	[sflag:s16] =	ssyncadd.s32 $0xFFFFFF80  }
0x25: {  	[tilespmem:s19], [sflag:$0x2] =	stream.linear.gather [hbm4b:s11+s3], $0x1000, $0x38;
	[tilespmem:$0x6F20] =	vst v63  }
0x26: {  	_ =	swait.ge [sflag:s20], $0x1000  }
0x27: {  	[sflag:s20] =	ssyncset.done $0x0  }
0x28: {  	[sflag:s20] =	ssyncadd.s32 $0xFFFFF000  }
0x29: {  	[spmem:s2] =	stream.indirect.scatter.add.f32 [tilespmem:s17], [sflag:$0x3], $0x20, s3, s18, $0xb8;
	[tilespmem:$0x6F20] =	vst v63  }
0x2a: {  	_ =	swait.ge [sflag:s16], $0x1000  }
0x2b: {  	[sflag:s16] =	ssyncset.done $0x0  }
0x2c: {  	s31 =	sadd.s32 $0x0, s14;
	[sflag:s16] =	ssyncadd.s32 $0xFFFFF000  }
0x2d: {  	[tilespmem:s3], [sflag:$0x3] =	stream.linear.gather [hbm4b:s31+s3], $0x80, $0x38;
	[tilespmem:$0x6F20] =	vst v63  }
0x2e: {  	_ =	swait.ge [sflag:s16], $0x80  }
0x2f: {  	[sflag:s16] =	ssyncset.done $0x0  }
0x30: {  	[sflag:s16] =	ssyncadd.s32 $0xFFFFFF80  }
0x31: {  	[tilespmem:s17], [sflag:$0x1] =	stream.linear.gather [hbm4b:s13+s3], $0x1000, $0x38;
	[tilespmem:$0x6F20] =	vst v63  }
0x32: {  	_ =	swait.ge [sflag:s21], $0x1000  }
0x33: {  	[sflag:s21] =	ssyncset.done $0x0  }
0x34: {  	[sflag:s21] =	ssyncadd.s32 $0xFFFFF000  }
0x35: {  	[spmem:s2] =	stream.indirect.scatter.add.f32 [tilespmem:s19], [sflag:$0x3], $0x20, s18, s18, $0xb8;
	[tilespmem:$0x6F20] =	vst v63  }
0x36: {  	s25 =	simm.s32 $0x20;
	s28 =	simm.s32 $0x40;
	_ =	swait.ge [sflag:s16], $0x1000  }
0x37: {  	s26 =	sadd.s32 $0x400, s11;
	s24 =	sadd.s32 $0x400, s13;
	[sflag:s16] =	ssyncset.done $0x0  }
.LBB2_2:
0x38: {  	s29 =	sadd.s32 s25, s12  }
0x39: {  	[sflag:s16] =	ssyncadd.s32 $0xFFFFF000;
	s30 =	smov.u32 s28;
	s31 =	sadd.s32 $0x20, s28  }
0x3a: {  	[tilespmem:s18], [sflag:$0x3] =	stream.linear.gather [hbm4b:s29+s3], $0x80, $0x38;
	[tilespmem:$0x6F20] =	vst v63  }
0x3b: {  	p0 =	sne.s32 s28, $0x240;
	_ =	swait.ge [sflag:s16], $0x80  }
0x3c: {  	[sflag:s16] =	ssyncset.done $0x0  }
0x3d: {  	[sflag:s16] =	ssyncadd.s32 $0xFFFFFF80  }
0x3e: {  	[tilespmem:s19], [sflag:$0x2] =	stream.linear.gather [hbm4b:s26+s3], $0x1000, $0x38;
	[tilespmem:$0x6F20] =	vst v63  }
0x3f: {  	_ =	swait.ge [sflag:s20], $0x1000  }
0x40: {  	[sflag:s20] =	ssyncset.done $0x0  }
0x41: {  	[sflag:s20] =	ssyncadd.s32 $0xFFFFF000  }
0x42: {  	[spmem:s2] =	stream.indirect.scatter.add.f32 [tilespmem:s17], [sflag:$0x3], $0x20, s3, s18, $0xb8;
	[tilespmem:$0x6F20] =	vst v63  }
0x43: {  	_ =	swait.ge [sflag:s16], $0x1000  }
0x44: {  	[sflag:s16] =	ssyncset.done $0x0  }
0x45: {  	s28 =	sadd.s32 s25, s14;
	s25 =	smov.u32 s30;
	[sflag:s16] =	ssyncadd.s32 $0xFFFFF000  }
0x46: {  	[tilespmem:s3], [sflag:$0x3] =	stream.linear.gather [hbm4b:s28+s3], $0x80, $0x38;
	[tilespmem:$0x6F20] =	vst v63  }
0x47: {  	_ =	swait.ge [sflag:s16], $0x80  }
0x48: {  	[sflag:s16] =	ssyncset.done $0x0  }
0x49: {  	[sflag:s16] =	ssyncadd.s32 $0xFFFFFF80  }
0x4a: {  	[tilespmem:s17], [sflag:$0x1] =	stream.linear.gather [hbm4b:s24+s3], $0x1000, $0x38;
	[tilespmem:$0x6F20] =	vst v63  }
0x4b: {  	_ =	swait.ge [sflag:s21], $0x1000  }
.Ltmp0:
0x4c: {  	[sflag:s21] =	ssyncset.done $0x0;
	(pc) =	sbr.rel @p0 .LBB2_2-.Ltmp0, $4  }
0x4d: {  	[sflag:s21] =	ssyncadd.s32 $0xFFFFF000  }
0x4e: {  	[spmem:s2] =	stream.indirect.scatter.add.f32 [tilespmem:s19], [sflag:$0x3], $0x20, s18, s18, $0xb8;
	[tilespmem:$0x6F20] =	vst v63  }
0x4f: {  	s26 =	sadd.s32 $0x400, s26;
	_ =	swait.ge [sflag:s16], $0x1000  }
0x50: {  	s28 =	smov.u32 s31;
	s24 =	sadd.s32 $0x400, s24;
	[sflag:s16] =	ssyncset.done $0x0  }
0x51: {  	s28 =	sadd.s32 s25, s12;
	[sflag:s16] =	ssyncadd.s32 $0xFFFFF000  }
0x52: {  	[tilespmem:s18], [sflag:$0x3] =	stream.linear.gather [hbm4b:s28+s3], $0x80, $0x38;
	[tilespmem:$0x6F20] =	vst v63  }
0x53: {  	_ =	swait.ge [sflag:s16], $0x80  }
0x54: {  	[sflag:s16] =	ssyncset.done $0x0  }
0x55: {  	[sflag:s16] =	ssyncadd.s32 $0xFFFFFF80  }
0x56: {  	[tilespmem:s19], [sflag:$0x2] =	stream.linear.gather [hbm4b:s26+s3], $0x1000, $0x38;
	[tilespmem:$0x6F20] =	vst v63  }
0x57: {  	_ =	swait.ge [sflag:s20], $0x1000  }
0x58: {  	[sflag:s20] =	ssyncset.done $0x0  }
0x59: {  	[sflag:s20] =	ssyncadd.s32 $0xFFFFF000  }
0x5a: {  	[spmem:s2] =	stream.indirect.scatter.add.f32 [tilespmem:s17], [sflag:$0x3], $0x20, s3, s18, $0xb8;
	[tilespmem:$0x6F20] =	vst v63  }
0x5b: {  	_ =	swait.ge [sflag:s16], $0x1000  }
0x5c: {  	[sflag:s16] =	ssyncset.done $0x0  }
0x5d: {  	s31 =	sadd.s32 s25, s14;
	[sflag:s16] =	ssyncadd.s32 $0xFFFFF000  }
0x5e: {  	[tilespmem:s3], [sflag:$0x3] =	stream.linear.gather [hbm4b:s31+s3], $0x80, $0x38;
	[tilespmem:$0x6F20] =	vst v63  }
0x5f: {  	_ =	swait.ge [sflag:s16], $0x80  }
0x60: {  	[sflag:s16] =	ssyncset.done $0x0  }
0x61: {  	[sflag:s16] =	ssyncadd.s32 $0xFFFFFF80  }
0x62: {  	[tilespmem:s17], [sflag:$0x1] =	stream.linear.gather [hbm4b:s24+s3], $0x1000, $0x38;
	[tilespmem:$0x6F20] =	vst v63  }
0x63: {  	_ =	swait.ge [sflag:s21], $0x1000  }
0x64: {  	[sflag:s21] =	ssyncset.done $0x0  }
0x65: {  	[sflag:s21] =	ssyncadd.s32 $0xFFFFF000  }
0x66: {  	[spmem:s2] =	stream.indirect.scatter.add.f32 [tilespmem:s19], [sflag:$0x3], $0x20, s18, s18, $0xb8;
	[tilespmem:$0x6F20] =	vst v63  }
0x67: {  	_ =	swait.ge [sflag:s16], $0x1000  }
0x68: {  	[sflag:s16] =	ssyncset.done $0x0  }
0x69: {  	[sflag:s16] =	ssyncadd.s32 $0xFFFFF000  }
0x6a: {  	[tilespmem:s18], [sflag:$0x3] =	stream.linear.gather [hbm4b:s9+s3], $0x80, $0x38;
	[tilespmem:$0x6F20] =	vst v63  }
0x6b: {  	_ =	swait.ge [sflag:s16], $0x80  }
0x6c: {  	[sflag:s16] =	ssyncset.done $0x0  }
0x6d: {  	[sflag:s16] =	ssyncadd.s32 $0xFFFFFF80  }
0x6e: {  	[tilespmem:s19], [sflag:$0x2] =	stream.linear.gather [hbm4b:s10+s3], $0x1000, $0x38;
	[tilespmem:$0x6F20] =	vst v63  }
0x6f: {  	_ =	swait.ge [sflag:s20], $0x1000  }
0x70: {  	[sflag:s20] =	ssyncset.done $0x0  }
0x71: {  	[sflag:s20] =	ssyncadd.s32 $0xFFFFF000  }
0x72: {  	[spmem:s2] =	stream.indirect.scatter.add.f32 [tilespmem:s17], [sflag:$0x3], $0x20, s3, s18, $0xb8;
	[tilespmem:$0x6F20] =	vst v63  }
0x73: {  	_ =	swait.ge [sflag:s16], $0x1000  }
0x74: {  	[sflag:s16] =	ssyncset.done $0x0  }
0x75: {  	[sflag:s16] =	ssyncadd.s32 $0xFFFFF000  }
0x76: {  	_ =	swait.ge [sflag:s21], $0x1000  }
0x77: {  	[sflag:s21] =	ssyncset.done $0x0  }
0x78: {  	[sflag:s21] =	ssyncadd.s32 $0xFFFFF000  }
0x79: {  	[spmem:s2] =	stream.indirect.scatter.add.f32 [tilespmem:s19], [sflag:$0x3], $0x20, s18, s18, $0xb8;
	[tilespmem:$0x6F20] =	vst v63  }
0x7a: {  	_ =	swait.ge [sflag:s16], $0x1000  }
0x7b: {  	s23 =	sadd.s32 $0x1, s23;
	[sflag:s16] =	ssyncset.done $0x0  }
0x7c: {  	p0 =	sne.s32 s23, s8;
	[sflag:s16] =	ssyncadd.s32 $0xFFFFF000  }
.Ltmp1:
0x7d: {  	[bflag:$0x0] =	sbarrier.arrive $0xFFFF;
	(pc) =	sbr.rel @p0 .LBB2_1-.Ltmp1, $4  }
0x7e: {  	[hbm:s22], [sflag:s5] =	dma.local [spmem:s15], $0x9C4  }
0x7f: {  	_ =	swait.ge [sflag:s16], $0x9C4  }
0x80: {  	[sflag:s16] =	ssyncset.done $0x0  }
0x81: {  	[sflag:s16] =	ssyncadd.s32 $0xFFFFF63C  }
0x82: {  	_ =	sfence.sel $0x180000  }
0x83: {  	[bflag:$0x0] =	sbarrier.arrive $0xFFFF  }
0x84: {  	p0 =	sne.s32 s1, $0x0;
	_ =	strace $0x90000053  }
0x85: {  	s0 =	sadd.s32 @!p0 $0x100000, s0;
	[bflag:$0x2] =	sbarrier.arrive $0xFFFF  }
0x86: {  	[sflag:s0] =	ssyncadd.tile.s32 @!p0 $0x1;
	_ =	shalt  }
.Lfunc_end2:
_tile_overlayer_lowered:
.L_overlay_start_2:
0x87: {  	(tag) =	ssettag $0x2  }
0x88: {  	s0 =	rddreg [dreg:$0x0];
	s2 =	stileid.u32  }
0x89: {  	s1 =	rddreg [dreg:$0x1];
	p0 =	sne.s32 s2, $0x0  }
0x8a: {  	s3 =	rddreg [dreg:$0x2];
	[bflag:$0x3] =	sbarrier.arrive $0xFFFF;
	s2 =	simm.s32 @!p0 $0x1C03  }
0x8b: {  	[timem:s3], [sflag:s2] =	dma.local @!p0 [hbm:s0], s1  }
0x8c: {  	s0 =	simm.s32 @!p0 $0x3  }
0x8d: {  	_ =	swait.ge @!p0 [sflag:s0], s1  }
0x8e: {  	s1 =	ssub.s32 @!p0 $0x0, s1;
	[sflag:s0] =	ssyncset.done @!p0 $0x0  }
0x8f: {  	[sflag:s0] =	ssyncadd.s32 @!p0 s1  }
0x90: {  	[bflag:$0x3] =	sbarrier.arrive $0xFFFF  }
0x91: {  	_ =	shalt  }

</sc_bundles>
